<compile_context>
chip_gen: v7x
topology: tpu7x:2x2x1
jax: 0.10.2.dev20260603
libtpu: 0.0.44.dev20260713+nightly
codegen_flags: <defaults>
</compile_context>

<pallas_src>
import jax
import jax.numpy as jnp
from jax import lax
from jax.experimental import pallas as pl
from jax.experimental.pallas import tpu as pltpu

_CONF = 0.25
_IOU_T = 0.45
_MAX_DET = 300
_IMG_W = 640.0
_IMG_H = 640.0
_MAX_NMS = 5000
_MAX_WH = 7680.0
_NA = 8400
_NAP = 8448
_NS = 5120
_BLK = 8
_CHUNK = 128
_NCHUNK = _NS // _CHUNK
_NDET = 304
_OMH = 160
_OMW = 160


def _decode_kernel(pred_ref, out_ref):
    cls = pred_ref[4:84, :]
    conf = jnp.max(cls, axis=0, keepdims=True)
    ridx = lax.broadcasted_iota(jnp.int32, (80, _NAP), 0).astype(jnp.float32)
    jf = jnp.min(jnp.where(cls == conf, ridx, 1e9), axis=0, keepdims=True)
    x = pred_ref[0:1, :]
    y = pred_ref[1:2, :]
    w = pred_ref[2:3, :]
    h = pred_ref[3:4, :]
    x1 = x - w * 0.5
    y1 = y - h * 0.5
    x2 = x + w * 0.5
    y2 = y + h * 0.5
    out_ref[0:1, :] = x1
    out_ref[1:2, :] = y1
    out_ref[2:3, :] = x2
    out_ref[3:4, :] = y2
    valid = conf > _CONF
    out_ref[4:5, :] = jnp.where(valid, conf, -jnp.inf)
    out_ref[5:6, :] = jf
    out_ref[6:7, :] = conf
    out_ref[7:8, :] = (x2 - x1) * (y2 - y1)


def _nms_kernel(rows_ref, sb_ref, kept_ref, al_ref):
    c = pl.program_id(0)

    @pl.when(c == 0)
    def _init():
        al_ref[...] = rows_ref[5:6, :]

    cs = c * _CHUNK
    ch_alive0 = al_ref[:, pl.ds(cs, _CHUNK)]

    @pl.when(jnp.sum(ch_alive0) > 0.0)
    def _process():
        sbc = sb_ref[0]
        cx1 = rows_ref[0:1, pl.ds(cs, _CHUNK)]
        cy1 = rows_ref[1:2, pl.ds(cs, _CHUNK)]
        cx2 = rows_ref[2:3, pl.ds(cs, _CHUNK)]
        cy2 = rows_ref[3:4, pl.ds(cs, _CHUNK)]
        carea = rows_ref[4:5, pl.ds(cs, _CHUNK)]
        x1 = rows_ref[0:1, :]
        y1 = rows_ref[1:2, :]
        x2 = rows_ref[2:3, :]
        y2 = rows_ref[3:4, :]
        area = rows_ref[4:5, :]
        lane8 = lax.broadcasted_iota(jnp.int32, (1, _BLK), 1)
        lane = lax.broadcasted_iota(jnp.int32, (1, _NS), 1)
        ei = lax.broadcasted_iota(jnp.int32, (_BLK, _BLK), 0)
        ej = lax.broadcasted_iota(jnp.int32, (_BLK, _BLK), 1)
        eye = (ei == ej).astype(jnp.float32)

        for j in range(_CHUNK // _BLK):
            lo = j * _BLK
            arow0 = al_ref[:, pl.ds(cs, _CHUNK)][:, lo:lo + _BLK]

            def _sub(arow0=arow0, lo=lo, j=j):
                bx1 = sbc[:, 5 * j + 0:5 * j + 1]
                by1 = sbc[:, 5 * j + 1:5 * j + 2]
                bx2 = sbc[:, 5 * j + 2:5 * j + 3]
                by2 = sbc[:, 5 * j + 3:5 * j + 4]
                barea = sbc[:, 5 * j + 4:5 * j + 5]

                rx1 = cx1[:, lo:lo + _BLK]
                ry1 = cy1[:, lo:lo + _BLK]
                rx2 = cx2[:, lo:lo + _BLK]
                ry2 = cy2[:, lo:lo + _BLK]
                rarea = carea[:, lo:lo + _BLK]
                iw8 = jnp.maximum(jnp.minimum(bx2, rx2) - jnp.maximum(bx1, rx1), 0.0)
                ih8 = jnp.maximum(jnp.minimum(by2, ry2) - jnp.maximum(by1, ry1), 0.0)
                inter8 = iw8 * ih8
                iou8 = inter8 / (barea + rarea - inter8 + 1e-7)
                pair8 = (iou8 > _IOU_T).astype(jnp.float32)
                arow = arow0
                for k in range(_BLK):
                    ak = arow[:, k:k + 1]
                    rowk = pair8[k:k + 1, :]
                    supk = rowk * ak * (lane8 > k).astype(jnp.float32)
                    arow = arow * (1.0 - supk)

                acol = jnp.sum(jnp.broadcast_to(arow, (_BLK, _BLK)) * eye,
                               axis=1, keepdims=True)
                dx1 = bx1 + (1.0 - acol) * 1e9

                iw = jnp.maximum(jnp.minimum(bx2, x2) - jnp.maximum(dx1, x1), 0.0)
                ih = jnp.maximum(jnp.minimum(by2, y2) - jnp.maximum(by1, y1), 0.0)
                inter = iw * ih
                iou = inter / (barea + area - inter + 1e-7)
                sup = jnp.max(iou, axis=0, keepdims=True) > _IOU_T
                after = lane >= cs + lo + _BLK
                al_ref[...] = al_ref[...] * (1.0 - (sup & after).astype(jnp.float32))

                cur = al_ref[:, pl.ds(cs, _CHUNK)]
                lane128 = lax.broadcasted_iota(jnp.int32, (1, _CHUNK), 1)
                own = (lane128 >= lo) & (lane128 < lo + _BLK)
                arow_full = jnp.pad(arow, ((0, 0), (lo, _CHUNK - _BLK - lo)))
                al_ref[:, pl.ds(cs, _CHUNK)] = jnp.where(own, arow_full, cur)

            _sub()

    @pl.when(c == _NCHUNK - 1)
    def _fin():
        kept_ref[...] = al_ref[...]


def _mask_kernel(det_ref, coef_ref, proto_ref, mask_ref, box_ref):
    det = det_ref[...]
    x1 = jnp.clip(det[:, 0:1], 0.0, _IMG_W)
    y1 = jnp.clip(det[:, 1:2], 0.0, _IMG_H)
    x2 = jnp.clip(det[:, 2:3], 0.0, _IMG_W)
    y2 = jnp.clip(det[:, 3:4], 0.0, _IMG_H)
    sv = det[:, 6:7] > 0.0
    zero = jnp.zeros((_BLK, 1), jnp.float32)
    box_ref[:, 0:1] = jnp.where(sv, x1, 0.0)
    box_ref[:, 1:2] = jnp.where(sv, y1, 0.0)
    box_ref[:, 2:3] = jnp.where(sv, x2, 0.0)
    box_ref[:, 3:4] = jnp.where(sv, y2, 0.0)
    box_ref[:, 4:5] = jnp.where(sv, det[:, 4:5], 0.0)
    box_ref[:, 5:6] = jnp.where(sv, det[:, 5:6], 0.0)
    box_ref[:, 6:7] = zero
    box_ref[:, 7:8] = zero

    logits = jnp.dot(coef_ref[...], proto_ref[...],
                     preferred_element_type=jnp.float32,
                     precision=lax.Precision.HIGHEST)
    pos = lax.broadcasted_iota(jnp.int32, (_BLK, _OMH * _OMW), 1)
    wc = (pos % _OMW).astype(jnp.float32)
    hr = (pos // _OMW).astype(jnp.float32)
    sx = _OMW / _IMG_W
    sy = _OMH / _IMG_H
    inside = ((wc >= x1 * sx) & (wc < x2 * sx)
              & (hr >= y1 * sy) & (hr < y2 * sy))
    keep = (logits > 0.0) & inside & sv
    mask_ref[...] = keep.astype(jnp.uint8)


def kernel(prediction, proto):
    pred = jnp.asarray(prediction, dtype=jnp.float32)[0]
    prot = jnp.asarray(proto, dtype=jnp.float32)[0]

    pred_pad = jnp.pad(pred, ((0, 0), (0, _NAP - _NA)))
    dec = pl.pallas_call(
        _decode_kernel,
        out_shape=jax.ShapeDtypeStruct((8, _NAP), jnp.float32),
    )(pred_pad)

    vals, order = lax.top_k(dec[4], _MAX_NMS)
    bsel = dec[0:4, :][:, order]
    jf_s = dec[5][order]
    offs = jf_s * _MAX_WH
    ob = bsel + offs[None, :]
    area_s = (ob[2] - ob[0]) * (ob[3] - ob[1])
    valid_s = (vals > _CONF).astype(jnp.float32)
    rows_in = (jnp.zeros((8, _NS), jnp.float32)
               .at[0:4, :_MAX_NMS].set(ob)
               .at[4, :_MAX_NMS].set(area_s)
               .at[5, :_MAX_NMS].set(valid_s))
    sb_in = jnp.pad(
        rows_in[0:5]
        .reshape(5, _NCHUNK, _CHUNK // _BLK, _BLK)
        .transpose(1, 3, 2, 0)
        .reshape(_NCHUNK, _BLK, 80),
        ((0, 0), (0, 0), (0, 48)))

    kept = pl.pallas_call(
        _nms_kernel,
        grid=(_NCHUNK,),
        in_specs=[pl.BlockSpec((8, _NS), lambda b: (0, 0)),
                  pl.BlockSpec((1, _BLK, 128), lambda b: (b, 0, 0))],
        out_specs=pl.BlockSpec((1, _NS), lambda b: (0, 0)),
        out_shape=jax.ShapeDtypeStruct((1, _NS), jnp.float32),
        scratch_shapes=[pltpu.VMEM((1, _NS), jnp.float32)],
    )(rows_in, sb_in)[0, :_MAX_NMS]

    keptb = kept > 0.0
    ki = keptb.astype(jnp.int32)
    rank = jnp.cumsum(ki) - 1
    n = jnp.minimum(jnp.sum(ki), _MAX_DET)
    slot_ok = keptb & (rank < _MAX_DET)
    scatter_idx = jnp.where(slot_ok, rank, _MAX_DET)
    keep_idx = jnp.zeros(_MAX_DET, jnp.int32).at[scatter_idx].set(
        jnp.arange(_MAX_NMS, dtype=jnp.int32), mode="drop")
    slot_valid = (jnp.arange(_MAX_DET) < n).astype(jnp.float32)

    final_idx = order[keep_idx]
    det = (jnp.zeros((_NDET, 8), jnp.float32)
           .at[:_MAX_DET, 0:4].set(dec[0:4, :][:, final_idx].T)
           .at[:_MAX_DET, 4].set(dec[6][final_idx])
           .at[:_MAX_DET, 5].set(dec[5][final_idx])
           .at[:_MAX_DET, 6].set(slot_valid))
    coef = (jnp.zeros((_NDET, 32), jnp.float32)
            .at[:_MAX_DET].set(pred[84:116, :][:, final_idx].T))
    proto_flat = prot.reshape(32, _OMH * _OMW)

    masks, boxout = pl.pallas_call(
        _mask_kernel,
        grid=(_NDET // _BLK,),
        in_specs=[
            pl.BlockSpec((_BLK, 8), lambda i: (i, 0)),
            pl.BlockSpec((_BLK, 32), lambda i: (i, 0)),
            pl.BlockSpec((32, _OMH * _OMW), lambda i: (0, 0)),
        ],
        out_specs=[
            pl.BlockSpec((_BLK, _OMH * _OMW), lambda i: (i, 0)),
            pl.BlockSpec((_BLK, 8), lambda i: (i, 0)),
        ],
        out_shape=[
            jax.ShapeDtypeStruct((_NDET, _OMH * _OMW), jnp.uint8),
            jax.ShapeDtypeStruct((_NDET, 8), jnp.float32),
        ],
    )(det, coef, proto_flat)

    boxes_out = boxout[:_MAX_DET, 0:4][None]
    scores_out = boxout[:_MAX_DET, 4:5][None]
    label_out = boxout[:_MAX_DET, 5:6][None]
    masks_out = masks[:_MAX_DET].reshape(1, _MAX_DET, _OMH, _OMW)
    return (boxes_out, scores_out, label_out, masks_out)

# --- scband reference (transcript-rebuilt; emitter-appended) ---
"""Pipeline reference for scband-postprocessing-yolo-v8-mask-69784628625814 (READ-ONLY COPY).

The authoritative reference and input builder live on the scoring server;
editing this copy changes nothing except your own understanding.
"""

import jax, jax.numpy as jnp
import numpy as np
from jax import lax

CONF = 0.25
IOU_T = 0.45
MAX_DET = 300
IMG_H = 640
IMG_W = 640
NC = 80
OMH = 160
OMW = 160
MAX_NMS = 5000
MAX_WH = 7680
FILTRED = np.arange(80)


def setup_inputs(seed: int = 0) -> dict:
    key = jax.random.key(seed)
    k1, k2 = jax.random.split(key)
    prediction = jax.random.uniform(k1, (1, 116, 8400), dtype=jnp.float32)
    proto = jax.random.normal(k2, (1, 32, 160, 160), dtype=jnp.float32)
    return {"prediction": prediction, "proto": proto}


def _xywh2xyxy(x):
    return jnp.stack([
        x[..., 0] - x[..., 2] / 2,
        x[..., 1] - x[..., 3] / 2,
        x[..., 0] + x[..., 2] / 2,
        x[..., 1] + x[..., 3] / 2,
    ], axis=-1)


def _clip_boxes(b):
    return jnp.stack([
        jnp.clip(b[..., 0], 0, IMG_W),
        jnp.clip(b[..., 1], 0, IMG_H),
        jnp.clip(b[..., 2], 0, IMG_W),
        jnp.clip(b[..., 3], 0, IMG_H),
    ], axis=-1)


def _greedy_nms_mask(boxes, valid, thr):
    n = boxes.shape[0]
    x1, y1, x2, y2 = boxes[:, 0], boxes[:, 1], boxes[:, 2], boxes[:, 3]
    areas = (x2 - x1) * (y2 - y1)
    idx = jnp.arange(n)

    def body(i, suppressed):
        keep_i = jnp.logical_not(suppressed[i])
        xx1 = jnp.maximum(x1[i], x1)
        yy1 = jnp.maximum(y1[i], y1)
        xx2 = jnp.minimum(x2[i], x2)
        yy2 = jnp.minimum(y2[i], y2)
        inter = jnp.clip(xx2 - xx1, 0, None) * jnp.clip(yy2 - yy1, 0, None)
        iou = inter / (areas[i] + areas - inter + 1e-7)
        sup = (iou > thr) & (idx > i) & keep_i
        return suppressed | sup

    suppressed = lax.fori_loop(0, n, body, jnp.logical_not(valid))
    return jnp.logical_not(suppressed)


def _crop_mask(masks, boxes):
    n, h, w = masks.shape
    x1 = boxes[:, 0][:, None, None]
    y1 = boxes[:, 1][:, None, None]
    x2 = boxes[:, 2][:, None, None]
    y2 = boxes[:, 3][:, None, None]
    r = jnp.arange(w, dtype=jnp.float32)[None, None, :]
    c = jnp.arange(h, dtype=jnp.float32)[None, :, None]
    return masks * ((r >= x1) * (r < x2) * (c >= y1) * (c < y2))


def reference(prediction, proto):
    pred = jnp.asarray(prediction, dtype=jnp.float32)
    prot = jnp.asarray(proto, dtype=jnp.float32)
    bs = pred.shape[0]
    mi = 4 + NC
    boxes_list, scores_list, label_list, masks_list = [], [], [], []
    filtred = jnp.asarray(FILTRED)
    for xi in range(bs):
        x = pred[xi].T
        cls_all = x[:, 4:mi]
        conf_all = cls_all.max(1)
        j_all = cls_all.argmax(1)
        valid = (conf_all > CONF) & jnp.isin(j_all, filtred)
        box_all = _xywh2xyxy(x[:, :4])
        msk_all = x[:, mi:]
        sort_key = jnp.where(valid, conf_all, -jnp.inf)
        order = jnp.argsort(-sort_key)[:MAX_NMS]
        box = box_all[order]
        conf = conf_all[order]
        j = j_all[order]
        msk = msk_all[order]
        v = valid[order]
        offs = j.astype(jnp.float32)[:, None] * MAX_WH
        kept = _greedy_nms_mask(box + offs, v, IOU_T)
        rank = jnp.cumsum(kept.astype(jnp.int32)) - 1
        slot_ok = kept & (rank < MAX_DET)
        n = jnp.minimum(jnp.sum(kept.astype(jnp.int32)), MAX_DET)
        scatter_idx = jnp.where(slot_ok, rank, MAX_DET)
        keep_idx = jnp.zeros(MAX_DET, dtype=jnp.int32).at[scatter_idx].set(
            jnp.arange(MAX_NMS, dtype=jnp.int32), mode="drop")
        slot_valid = jnp.arange(MAX_DET) < n
        fbox = _clip_boxes(box[keep_idx])
        fconf = conf[keep_idx]
        fj = j[keep_idx].astype(jnp.float32)
        fmask = msk[keep_idx]
        c_, mh, mw = prot[xi].shape
        logits = jnp.matmul(fmask, prot[xi].reshape(c_, -1),
                            precision=lax.Precision.HIGHEST)
        masks = 1.0 / (1.0 + jnp.exp(-logits))
        masks = masks.reshape(-1, mh, mw)
        scale = jnp.asarray([mw / IMG_W, mh / IMG_H, mw / IMG_W, mh / IMG_H],
                            dtype=jnp.float32)
        db = fbox * scale
        masks = _crop_mask(masks, db)
        masks_bin = (masks > 0.5).astype(jnp.uint8)
        fbox = jnp.where(slot_valid[:, None], fbox, 0.0)
        fconf = jnp.where(slot_valid, fconf, 0.0)
        fj = jnp.where(slot_valid, fj, 0.0)
        masks_bin = masks_bin * slot_valid.astype(jnp.uint8)[:, None, None]
        boxes_list.append(fbox)
        scores_list.append(fconf[:, None])
        label_list.append(fj[:, None])
        masks_list.append(masks_bin)
    boxes_out = jnp.stack(boxes_list, axis=0)
    scores_out = jnp.stack(scores_list, axis=0)
    label_out = jnp.stack(label_list, axis=0)
    masks_out = jnp.stack(masks_list, axis=0)
    return (boxes_out, scores_out, label_out, masks_out)

if __name__ == "__main__":
    import jax
    _d = setup_inputs()
    print(jax.jit(kernel)(*tuple(_d.values())))

</pallas_src>

<mosaic_0001>
module attributes {stable_mosaic.version = 14 : i64} {
  func.func @_decode_kernel(%arg0: memref<116x8448xf32, #tpu.memory_space<vmem>>, %arg1: memref<8x8448xf32, #tpu.memory_space<vmem>>) attributes {dimension_semantics = [], scalar_prefetch = 0 : i64, scratch_operands = 0 : i64, tpu.core_type = #tpu.core_type<tc>} {
    %get3A = arith.constant 4 : index
    %get3A_0 = arith.constant 0 : index
    %get3A_1 = vector.load %arg0[%get3A, %get3A_0] : memref<116x8448xf32, #tpu.memory_space<vmem>>, vector<80x8448xf32>
    %reduce_max3A = arith.constant dense<0xFF800000> : vector<8448xf32>
    %reduce_max3A_2 = vector.multi_reduction <maximumf>, %get3A_1, %reduce_max3A [0] : vector<80x8448xf32> to vector<8448xf32>
    %broadcast_in_dim3A = vector.shape_cast %reduce_max3A_2 : vector<8448xf32> to vector<1x8448xf32>
    %iota3A = tpu.iota {dimensions = array<i32: 0>} : vector<80x8448xi32>
    %convert_element_type3A = arith.sitofp %iota3A : vector<80x8448xi32> to vector<80x8448xf32>
    %eq3A = vector.broadcast %broadcast_in_dim3A : vector<1x8448xf32> to vector<80x8448xf32>
    %eq3A_3 = arith.cmpf oeq, %get3A_1, %eq3A : vector<80x8448xf32>
    %jit3A = arith.constant 1.000000e+09 : f32
    %broadcast_in_dim3A_4 = vector.broadcast %jit3A : f32 to vector<80x8448xf32>
    %select_n3A = arith.select %eq3A_3, %convert_element_type3A, %broadcast_in_dim3A_4 : vector<80x8448xi1>, vector<80x8448xf32>
    %reduce_min3A = arith.constant dense<0x7F800000> : vector<8448xf32>
    %reduce_min3A_5 = vector.multi_reduction <minimumf>, %select_n3A, %reduce_min3A [0] : vector<80x8448xf32> to vector<8448xf32>
    %broadcast_in_dim3A_6 = vector.shape_cast %reduce_min3A_5 : vector<8448xf32> to vector<1x8448xf32>
    %get3A_7 = arith.constant 0 : index
    %get3A_8 = arith.constant 0 : index
    %get3A_9 = vector.load %arg0[%get3A_7, %get3A_8] : memref<116x8448xf32, #tpu.memory_space<vmem>>, vector<1x8448xf32>
    %get3A_10 = arith.constant 1 : index
    %get3A_11 = arith.constant 0 : index
    %get3A_12 = vector.load %arg0[%get3A_10, %get3A_11] : memref<116x8448xf32, #tpu.memory_space<vmem>>, vector<1x8448xf32>
    %get3A_13 = arith.constant 2 : index
    %get3A_14 = arith.constant 0 : index
    %get3A_15 = vector.load %arg0[%get3A_13, %get3A_14] : memref<116x8448xf32, #tpu.memory_space<vmem>>, vector<1x8448xf32>
    %get3A_16 = arith.constant 3 : index
    %get3A_17 = arith.constant 0 : index
    %get3A_18 = vector.load %arg0[%get3A_16, %get3A_17] : memref<116x8448xf32, #tpu.memory_space<vmem>>, vector<1x8448xf32>
    %mul3A = arith.constant 5.000000e-01 : f32
    %mul3A_19 = vector.broadcast %mul3A : f32 to vector<1x8448xf32>
    %mul3A_20 = arith.mulf %get3A_15, %mul3A_19 : vector<1x8448xf32>
    %sub3A = arith.subf %get3A_9, %mul3A_20 : vector<1x8448xf32>
    %mul3A_21 = arith.constant 5.000000e-01 : f32
    %mul3A_22 = vector.broadcast %mul3A_21 : f32 to vector<1x8448xf32>
    %mul3A_23 = arith.mulf %get3A_18, %mul3A_22 : vector<1x8448xf32>
    %sub3A_24 = arith.subf %get3A_12, %mul3A_23 : vector<1x8448xf32>
    %mul3A_25 = arith.constant 5.000000e-01 : f32
    %mul3A_26 = vector.broadcast %mul3A_25 : f32 to vector<1x8448xf32>
    %mul3A_27 = arith.mulf %get3A_15, %mul3A_26 : vector<1x8448xf32>
    %add3A = arith.addf %get3A_9, %mul3A_27 : vector<1x8448xf32>
    %mul3A_28 = arith.constant 5.000000e-01 : f32
    %mul3A_29 = vector.broadcast %mul3A_28 : f32 to vector<1x8448xf32>
    %mul3A_30 = arith.mulf %get3A_18, %mul3A_29 : vector<1x8448xf32>
    %add3A_31 = arith.addf %get3A_12, %mul3A_30 : vector<1x8448xf32>
    %swap3A = arith.constant 0 : index
    %swap3A_32 = arith.constant 0 : index
    %swap3A_33 = vector.load %arg1[%swap3A, %swap3A_32] : memref<8x8448xf32, #tpu.memory_space<vmem>>, vector<1x8448xf32>
    tpu.vector_store %arg1[%swap3A, %swap3A_32], %sub3A {strides = array<i32>} : memref<8x8448xf32, #tpu.memory_space<vmem>>, vector<1x8448xf32>,
    %swap3A_34 = arith.constant 1 : index
    %swap3A_35 = arith.constant 0 : index
    %swap3A_36 = vector.load %arg1[%swap3A_34, %swap3A_35] : memref<8x8448xf32, #tpu.memory_space<vmem>>, vector<1x8448xf32>
    tpu.vector_store %arg1[%swap3A_34, %swap3A_35], %sub3A_24 {strides = array<i32>} : memref<8x8448xf32, #tpu.memory_space<vmem>>, vector<1x8448xf32>,
    %swap3A_37 = arith.constant 2 : index
    %swap3A_38 = arith.constant 0 : index
    %swap3A_39 = vector.load %arg1[%swap3A_37, %swap3A_38] : memref<8x8448xf32, #tpu.memory_space<vmem>>, vector<1x8448xf32>
    tpu.vector_store %arg1[%swap3A_37, %swap3A_38], %add3A {strides = array<i32>} : memref<8x8448xf32, #tpu.memory_space<vmem>>, vector<1x8448xf32>,
    %swap3A_40 = arith.constant 3 : index
    %swap3A_41 = arith.constant 0 : index
    %swap3A_42 = vector.load %arg1[%swap3A_40, %swap3A_41] : memref<8x8448xf32, #tpu.memory_space<vmem>>, vector<1x8448xf32>
    tpu.vector_store %arg1[%swap3A_40, %swap3A_41], %add3A_31 {strides = array<i32>} : memref<8x8448xf32, #tpu.memory_space<vmem>>, vector<1x8448xf32>,
    %gt3A = arith.constant 2.500000e-01 : f32
    %gt3A_43 = vector.broadcast %gt3A : f32 to vector<1x8448xf32>
    %gt3A_44 = arith.cmpf ogt, %broadcast_in_dim3A, %gt3A_43 : vector<1x8448xf32>
    %jit3A_45 = arith.constant 0xFF800000 : f32
    %broadcast_in_dim3A_46 = vector.broadcast %jit3A_45 : f32 to vector<1x8448xf32>
    %select_n3A_47 = arith.select %gt3A_44, %broadcast_in_dim3A, %broadcast_in_dim3A_46 : vector<1x8448xi1>, vector<1x8448xf32>
    %swap3A_48 = arith.constant 4 : index
    %swap3A_49 = arith.constant 0 : index
    %swap3A_50 = vector.load %arg1[%swap3A_48, %swap3A_49] : memref<8x8448xf32, #tpu.memory_space<vmem>>, vector<1x8448xf32>
    tpu.vector_store %arg1[%swap3A_48, %swap3A_49], %select_n3A_47 {strides = array<i32>} : memref<8x8448xf32, #tpu.memory_space<vmem>>, vector<1x8448xf32>,
    %swap3A_51 = arith.constant 5 : index
    %swap3A_52 = arith.constant 0 : index
    %swap3A_53 = vector.load %arg1[%swap3A_51, %swap3A_52] : memref<8x8448xf32, #tpu.memory_space<vmem>>, vector<1x8448xf32>
    tpu.vector_store %arg1[%swap3A_51, %swap3A_52], %broadcast_in_dim3A_6 {strides = array<i32>} : memref<8x8448xf32, #tpu.memory_space<vmem>>, vector<1x8448xf32>,
    %swap3A_54 = arith.constant 6 : index
    %swap3A_55 = arith.constant 0 : index
    %swap3A_56 = vector.load %arg1[%swap3A_54, %swap3A_55] : memref<8x8448xf32, #tpu.memory_space<vmem>>, vector<1x8448xf32>
    tpu.vector_store %arg1[%swap3A_54, %swap3A_55], %broadcast_in_dim3A {strides = array<i32>} : memref<8x8448xf32, #tpu.memory_space<vmem>>, vector<1x8448xf32>,
    %sub3A_57 = arith.subf %add3A, %sub3A : vector<1x8448xf32>
    %sub3A_58 = arith.subf %add3A_31, %sub3A_24 : vector<1x8448xf32>
    %mul3A_59 = arith.mulf %sub3A_57, %sub3A_58 : vector<1x8448xf32>
    %swap3A_60 = arith.constant 7 : index
    %swap3A_61 = arith.constant 0 : index
    %swap3A_62 = vector.load %arg1[%swap3A_60, %swap3A_61] : memref<8x8448xf32, #tpu.memory_space<vmem>>, vector<1x8448xf32>
    tpu.vector_store %arg1[%swap3A_60, %swap3A_61], %mul3A_59 {strides = array<i32>} : memref<8x8448xf32, #tpu.memory_space<vmem>>, vector<1x8448xf32>,
    return
  }
}

module attributes {stable_mosaic.version = 14 : i64} {
  func.func @_nms_kernel(%arg0: i32, %arg1: memref<8x5120xf32, #tpu.memory_space<vmem>>, %arg2: memref<1x8x128xf32, #tpu.memory_space<vmem>>, %arg3: memref<1x5120xf32, #tpu.memory_space<vmem>>, %arg4: memref<1x5120xf32, #tpu.memory_space<vmem>>) attributes {dimension_semantics = [#tpu.dimension_semantics<arbitrary>], iteration_bounds = array<i64: 40>, scalar_prefetch = 0 : i64, scratch_operands = 1 : i64, tpu.core_type = #tpu.core_type<tc>, window_params = [{pipeline_mode = #tpu.pipeline_mode<synchronous>, transform_indices = @transform_0, window_bounds = array<i64: 8, 5120>}, {transform_indices = @transform_1, window_bounds = array<i64: 1, 8, 128>}, {pipeline_mode = #tpu.pipeline_mode<synchronous>, transform_indices = @transform_2, window_bounds = array<i64: 1, 5120>}]} {
    %eq3A = arith.constant 0 : i32
    %eq3A_0 = arith.cmpi eq, %arg0, %eq3A : i32
    %convert_element_type3A = arith.extui %eq3A_0 : i1 to i32
    %cond3A = arith.constant 0 : i32
    %cond3A_1 = arith.cmpi ne, %convert_element_type3A, %cond3A : i32
    scf.if %cond3A_1 {
      %get3A_18 = arith.constant 5 : index
      %get3A_19 = arith.constant 0 : index
      %get3A_20 = vector.load %arg1[%get3A_18, %get3A_19] : memref<8x5120xf32, #tpu.memory_space<vmem>>, vector<1x5120xf32>
      %swap3A = arith.constant 0 : index
      %swap3A_21 = arith.constant 0 : index
      %swap3A_22 = vector.load %arg4[%swap3A, %swap3A_21] : memref<1x5120xf32, #tpu.memory_space<vmem>>, vector<1x5120xf32>
      tpu.vector_store %arg4[%swap3A, %swap3A_21], %get3A_20 {strides = array<i32>} : memref<1x5120xf32, #tpu.memory_space<vmem>>, vector<1x5120xf32>,
    } else {
    }
    %mul3A = arith.constant 128 : i32
    %mul3A_2 = arith.muli %arg0, %mul3A : i32
    %get3A = arith.constant 0 : index
    %get3A_3 = arith.index_cast %mul3A_2 : i32 to index
    %get3A_4 = vector.load %arg4[%get3A, %get3A_3] : memref<1x5120xf32, #tpu.memory_space<vmem>>, vector<1x128xf32>
    %reduce_sum3A = vector.shape_cast %get3A_4 : vector<1x128xf32> to vector<1x1x128xf32>
    %reduce_sum3A_5 = arith.constant dense<0.000000e+00> : vector<1xf32>
    %reduce_sum3A_6 = vector.multi_reduction <add>, %reduce_sum3A, %reduce_sum3A_5 [1, 2] : vector<1x1x128xf32> to vector<1xf32>
    %reduce_sum3A_7 = vector.shape_cast %reduce_sum3A_6 : vector<1xf32> to vector<1x1x1xf32>
    %reduce_sum3A_8 = vector.extract %reduce_sum3A_7[0, 0, 0] : f32 from vector<1x1x1xf32>
    %gt3A = arith.constant 0.000000e+00 : f32
    %gt3A_9 = arith.cmpf ogt, %reduce_sum3A_8, %gt3A : f32
    %convert_element_type3A_10 = arith.extui %gt3A_9 : i1 to i32
    %cond3A_11 = arith.constant 0 : i32
    %cond3A_12 = arith.cmpi ne, %convert_element_type3A_10, %cond3A_11 : i32
    scf.if %cond3A_12 {
      %get3A_18 = arith.constant 0 : index
      %get3A_19 = arith.constant 0 : index
      %get3A_20 = arith.constant 0 : index
      %get3A_21 = vector.load %arg2[%get3A_18, %get3A_19, %get3A_20] : memref<1x8x128xf32, #tpu.memory_space<vmem>>, vector<1x8x128xf32>
      %get3A_22 = vector.shape_cast %get3A_21 : vector<1x8x128xf32> to vector<8x128xf32>
      %get3A_23 = arith.constant 0 : index
      %get3A_24 = arith.index_cast %mul3A_2 : i32 to index
      %get3A_25 = vector.load %arg1[%get3A_23, %get3A_24] : memref<8x5120xf32, #tpu.memory_space<vmem>>, vector<1x128xf32>
      %get3A_26 = arith.constant 1 : index
      %get3A_27 = arith.index_cast %mul3A_2 : i32 to index
      %get3A_28 = vector.load %arg1[%get3A_26, %get3A_27] : memref<8x5120xf32, #tpu.memory_space<vmem>>, vector<1x128xf32>
      %get3A_29 = arith.constant 2 : index
      %get3A_30 = arith.index_cast %mul3A_2 : i32 to index
      %get3A_31 = vector.load %arg1[%get3A_29, %get3A_30] : memref<8x5120xf32, #tpu.memory_space<vmem>>, vector<1x128xf32>
      %get3A_32 = arith.constant 3 : index
      %get3A_33 = arith.index_cast %mul3A_2 : i32 to index
      %get3A_34 = vector.load %arg1[%get3A_32, %get3A_33] : memref<8x5120xf32, #tpu.memory_space<vmem>>, vector<1x128xf32>
      %get3A_35 = arith.constant 4 : index
      %get3A_36 = arith.index_cast %mul3A_2 : i32 to index
      %get3A_37 = vector.load %arg1[%get3A_35, %get3A_36] : memref<8x5120xf32, #tpu.memory_space<vmem>>, vector<1x128xf32>
      %get3A_38 = arith.constant 0 : index
      %get3A_39 = arith.constant 0 : index
      %get3A_40 = vector.load %arg1[%get3A_38, %get3A_39] : memref<8x5120xf32, #tpu.memory_space<vmem>>, vector<1x5120xf32>
      %get3A_41 = arith.constant 1 : index
      %get3A_42 = arith.constant 0 : index
      %get3A_43 = vector.load %arg1[%get3A_41, %get3A_42] : memref<8x5120xf32, #tpu.memory_space<vmem>>, vector<1x5120xf32>
      %get3A_44 = arith.constant 2 : index
      %get3A_45 = arith.constant 0 : index
      %get3A_46 = vector.load %arg1[%get3A_44, %get3A_45] : memref<8x5120xf32, #tpu.memory_space<vmem>>, vector<1x5120xf32>
      %get3A_47 = arith.constant 3 : index
      %get3A_48 = arith.constant 0 : index
      %get3A_49 = vector.load %arg1[%get3A_47, %get3A_48] : memref<8x5120xf32, #tpu.memory_space<vmem>>, vector<1x5120xf32>
      %get3A_50 = arith.constant 4 : index
      %get3A_51 = arith.constant 0 : index
      %get3A_52 = vector.load %arg1[%get3A_50, %get3A_51] : memref<8x5120xf32, #tpu.memory_space<vmem>>, vector<1x5120xf32>
      %iota3A = tpu.iota {dimensions = array<i32: 1>} : vector<1x8xi32>
      %iota3A_53 = tpu.iota {dimensions = array<i32: 1>} : vector<1x5120xi32>
      %iota3A_54 = tpu.iota {dimensions = array<i32: 0>} : vector<8x8xi32>
      %iota3A_55 = tpu.iota {dimensions = array<i32: 1>} : vector<8x8xi32>
      %eq3A_56 = arith.cmpi eq, %iota3A_54, %iota3A_55 : vector<8x8xi32>
      %convert_element_type3A_57 = arith.extui %eq3A_56 : vector<8x8xi1> to vector<8x8xi32>
      %convert_element_type3A_58 = arith.sitofp %convert_element_type3A_57 : vector<8x8xi32> to vector<8x8xf32>
      %get3A_59 = arith.constant 0 : index
      %get3A_60 = arith.index_cast %mul3A_2 : i32 to index
      %get3A_61 = vector.load %arg4[%get3A_59, %get3A_60] : memref<1x5120xf32, #tpu.memory_space<vmem>>, vector<1x128xf32>
      %slice3A = vector.extract_strided_slice %get3A_61 {offsets = [0, 0], sizes = [1, 8], strides = [1, 1]} : vector<1x128xf32> to vector<1x8xf32>
      %slice3A_62 = vector.extract_strided_slice %get3A_22 {offsets = [0, 0], sizes = [8, 1], strides = [1, 1]} : vector<8x128xf32> to vector<8x1xf32>
      %slice3A_63 = vector.extract_strided_slice %get3A_22 {offsets = [0, 1], sizes = [8, 1], strides = [1, 1]} : vector<8x128xf32> to vector<8x1xf32>
      %slice3A_64 = vector.extract_strided_slice %get3A_22 {offsets = [0, 2], sizes = [8, 1], strides = [1, 1]} : vector<8x128xf32> to vector<8x1xf32>
      %slice3A_65 = vector.extract_strided_slice %get3A_22 {offsets = [0, 3], sizes = [8, 1], strides = [1, 1]} : vector<8x128xf32> to vector<8x1xf32>
      %slice3A_66 = vector.extract_strided_slice %get3A_22 {offsets = [0, 4], sizes = [8, 1], strides = [1, 1]} : vector<8x128xf32> to vector<8x1xf32>
      %slice3A_67 = vector.extract_strided_slice %get3A_25 {offsets = [0, 0], sizes = [1, 8], strides = [1, 1]} : vector<1x128xf32> to vector<1x8xf32>
      %slice3A_68 = vector.extract_strided_slice %get3A_28 {offsets = [0, 0], sizes = [1, 8], strides = [1, 1]} : vector<1x128xf32> to vector<1x8xf32>
      %slice3A_69 = vector.extract_strided_slice %get3A_31 {offsets = [0, 0], sizes = [1, 8], strides = [1, 1]} : vector<1x128xf32> to vector<1x8xf32>
      %slice3A_70 = vector.extract_strided_slice %get3A_34 {offsets = [0, 0], sizes = [1, 8], strides = [1, 1]} : vector<1x128xf32> to vector<1x8xf32>
      %slice3A_71 = vector.extract_strided_slice %get3A_37 {offsets = [0, 0], sizes = [1, 8], strides = [1, 1]} : vector<1x128xf32> to vector<1x8xf32>
      %min3A = vector.broadcast %slice3A_64 : vector<8x1xf32> to vector<8x8xf32>
      %min3A_72 = vector.broadcast %slice3A_69 : vector<1x8xf32> to vector<8x8xf32>
      %min3A_73 = arith.minimumf %min3A, %min3A_72 : vector<8x8xf32>
      %max3A = vector.broadcast %slice3A_62 : vector<8x1xf32> to vector<8x8xf32>
      %max3A_74 = vector.broadcast %slice3A_67 : vector<1x8xf32> to vector<8x8xf32>
      %max3A_75 = arith.maximumf %max3A, %max3A_74 : vector<8x8xf32>
      %sub3A = arith.subf %min3A_73, %max3A_75 : vector<8x8xf32>
      %max3A_76 = arith.constant 0.000000e+00 : f32
      %max3A_77 = vector.broadcast %max3A_76 : f32 to vector<8x8xf32>
      %max3A_78 = arith.maximumf %sub3A, %max3A_77 : vector<8x8xf32>
      %min3A_79 = vector.broadcast %slice3A_65 : vector<8x1xf32> to vector<8x8xf32>
      %min3A_80 = vector.broadcast %slice3A_70 : vector<1x8xf32> to vector<8x8xf32>
      %min3A_81 = arith.minimumf %min3A_79, %min3A_80 : vector<8x8xf32>
      %max3A_82 = vector.broadcast %slice3A_63 : vector<8x1xf32> to vector<8x8xf32>
      %max3A_83 = vector.broadcast %slice3A_68 : vector<1x8xf32> to vector<8x8xf32>
      %max3A_84 = arith.maximumf %max3A_82, %max3A_83 : vector<8x8xf32>
      %sub3A_85 = arith.subf %min3A_81, %max3A_84 : vector<8x8xf32>
      %max3A_86 = arith.constant 0.000000e+00 : f32
      %max3A_87 = vector.broadcast %max3A_86 : f32 to vector<8x8xf32>
      %max3A_88 = arith.maximumf %sub3A_85, %max3A_87 : vector<8x8xf32>
      %mul3A_89 = arith.mulf %max3A_78, %max3A_88 : vector<8x8xf32>
      %add3A = vector.broadcast %slice3A_66 : vector<8x1xf32> to vector<8x8xf32>
      %add3A_90 = vector.broadcast %slice3A_71 : vector<1x8xf32> to vector<8x8xf32>
      %add3A_91 = arith.addf %add3A, %add3A_90 : vector<8x8xf32>
      %sub3A_92 = arith.subf %add3A_91, %mul3A_89 : vector<8x8xf32>
      %add3A_93 = arith.constant 1.000000e-07 : f32
      %add3A_94 = vector.broadcast %add3A_93 : f32 to vector<8x8xf32>
      %add3A_95 = arith.addf %sub3A_92, %add3A_94 : vector<8x8xf32>
      %div3A = arith.divf %mul3A_89, %add3A_95 : vector<8x8xf32>
      %gt3A_96 = arith.constant 4.500000e-01 : f32
      %gt3A_97 = vector.broadcast %gt3A_96 : f32 to vector<8x8xf32>
      %gt3A_98 = arith.cmpf ogt, %div3A, %gt3A_97 : vector<8x8xf32>
      %convert_element_type3A_99 = arith.extui %gt3A_98 : vector<8x8xi1> to vector<8x8xi32>
      %convert_element_type3A_100 = arith.sitofp %convert_element_type3A_99 : vector<8x8xi32> to vector<8x8xf32>
      %slice3A_101 = vector.extract_strided_slice %slice3A {offsets = [0, 0], sizes = [1, 1], strides = [1, 1]} : vector<1x8xf32> to vector<1x1xf32>
      %slice3A_102 = vector.extract_strided_slice %convert_element_type3A_100 {offsets = [0, 0], sizes = [1, 8], strides = [1, 1]} : vector<8x8xf32> to vector<1x8xf32>
      %mul3A_103 = vector.broadcast %slice3A_101 : vector<1x1xf32> to vector<1x8xf32>
      %mul3A_104 = arith.mulf %slice3A_102, %mul3A_103 : vector<1x8xf32>
      %gt3A_105 = arith.constant 0 : i32
      %gt3A_106 = vector.broadcast %gt3A_105 : i32 to vector<1x8xi32>
      %gt3A_107 = arith.cmpi sgt, %iota3A, %gt3A_106 : vector<1x8xi32>
      %convert_element_type3A_108 = arith.extui %gt3A_107 : vector<1x8xi1> to vector<1x8xi32>
      %convert_element_type3A_109 = arith.sitofp %convert_element_type3A_108 : vector<1x8xi32> to vector<1x8xf32>
      %mul3A_110 = arith.mulf %mul3A_104, %convert_element_type3A_109 : vector<1x8xf32>
      %sub3A_111 = arith.constant 1.000000e+00 : f32
      %sub3A_112 = vector.broadcast %sub3A_111 : f32 to vector<1x8xf32>
      %sub3A_113 = arith.subf %sub3A_112, %mul3A_110 : vector<1x8xf32>
      %mul3A_114 = arith.mulf %slice3A, %sub3A_113 : vector<1x8xf32>
      %slice3A_115 = vector.extract_strided_slice %mul3A_114 {offsets = [0, 1], sizes = [1, 1], strides = [1, 1]} : vector<1x8xf32> to vector<1x1xf32>
      %slice3A_116 = vector.extract_strided_slice %convert_element_type3A_100 {offsets = [1, 0], sizes = [1, 8], strides = [1, 1]} : vector<8x8xf32> to vector<1x8xf32>
      %mul3A_117 = vector.broadcast %slice3A_115 : vector<1x1xf32> to vector<1x8xf32>
      %mul3A_118 = arith.mulf %slice3A_116, %mul3A_117 : vector<1x8xf32>
      %gt3A_119 = arith.constant 1 : i32
      %gt3A_120 = vector.broadcast %gt3A_119 : i32 to vector<1x8xi32>
      %gt3A_121 = arith.cmpi sgt, %iota3A, %gt3A_120 : vector<1x8xi32>
      %convert_element_type3A_122 = arith.extui %gt3A_121 : vector<1x8xi1> to vector<1x8xi32>
      %convert_element_type3A_123 = arith.sitofp %convert_element_type3A_122 : vector<1x8xi32> to vector<1x8xf32>
      %mul3A_124 = arith.mulf %mul3A_118, %convert_element_type3A_123 : vector<1x8xf32>
      %sub3A_125 = arith.constant 1.000000e+00 : f32
      %sub3A_126 = vector.broadcast %sub3A_125 : f32 to vector<1x8xf32>
      %sub3A_127 = arith.subf %sub3A_126, %mul3A_124 : vector<1x8xf32>
      %mul3A_128 = arith.mulf %mul3A_114, %sub3A_127 : vector<1x8xf32>
      %slice3A_129 = vector.extract_strided_slice %mul3A_128 {offsets = [0, 2], sizes = [1, 1], strides = [1, 1]} : vector<1x8xf32> to vector<1x1xf32>
      %slice3A_130 = vector.extract_strided_slice %convert_element_type3A_100 {offsets = [2, 0], sizes = [1, 8], strides = [1, 1]} : vector<8x8xf32> to vector<1x8xf32>
      %mul3A_131 = vector.broadcast %slice3A_129 : vector<1x1xf32> to vector<1x8xf32>
      %mul3A_132 = arith.mulf %slice3A_130, %mul3A_131 : vector<1x8xf32>
      %gt3A_133 = arith.constant 2 : i32
      %gt3A_134 = vector.broadcast %gt3A_133 : i32 to vector<1x8xi32>
      %gt3A_135 = arith.cmpi sgt, %iota3A, %gt3A_134 : vector<1x8xi32>
      %convert_element_type3A_136 = arith.extui %gt3A_135 : vector<1x8xi1> to vector<1x8xi32>
      %convert_element_type3A_137 = arith.sitofp %convert_element_type3A_136 : vector<1x8xi32> to vector<1x8xf32>
      %mul3A_138 = arith.mulf %mul3A_132, %convert_element_type3A_137 : vector<1x8xf32>
      %sub3A_139 = arith.constant 1.000000e+00 : f32
      %sub3A_140 = vector.broadcast %sub3A_139 : f32 to vector<1x8xf32>
      %sub3A_141 = arith.subf %sub3A_140, %mul3A_138 : vector<1x8xf32>
      %mul3A_142 = arith.mulf %mul3A_128, %sub3A_141 : vector<1x8xf32>
      %slice3A_143 = vector.extract_strided_slice %mul3A_142 {offsets = [0, 3], sizes = [1, 1], strides = [1, 1]} : vector<1x8xf32> to vector<1x1xf32>
      %slice3A_144 = vector.extract_strided_slice %convert_element_type3A_100 {offsets = [3, 0], sizes = [1, 8], strides = [1, 1]} : vector<8x8xf32> to vector<1x8xf32>
      %mul3A_145 = vector.broadcast %slice3A_143 : vector<1x1xf32> to vector<1x8xf32>
      %mul3A_146 = arith.mulf %slice3A_144, %mul3A_145 : vector<1x8xf32>
      %gt3A_147 = arith.constant 3 : i32
      %gt3A_148 = vector.broadcast %gt3A_147 : i32 to vector<1x8xi32>
      %gt3A_149 = arith.cmpi sgt, %iota3A, %gt3A_148 : vector<1x8xi32>
      %convert_element_type3A_150 = arith.extui %gt3A_149 : vector<1x8xi1> to vector<1x8xi32>
      %convert_element_type3A_151 = arith.sitofp %convert_element_type3A_150 : vector<1x8xi32> to vector<1x8xf32>
      %mul3A_152 = arith.mulf %mul3A_146, %convert_element_type3A_151 : vector<1x8xf32>
      %sub3A_153 = arith.constant 1.000000e+00 : f32
      %sub3A_154 = vector.broadcast %sub3A_153 : f32 to vector<1x8xf32>
      %sub3A_155 = arith.subf %sub3A_154, %mul3A_152 : vector<1x8xf32>
      %mul3A_156 = arith.mulf %mul3A_142, %sub3A_155 : vector<1x8xf32>
      %slice3A_157 = vector.extract_strided_slice %mul3A_156 {offsets = [0, 4], sizes = [1, 1], strides = [1, 1]} : vector<1x8xf32> to vector<1x1xf32>
      %slice3A_158 = vector.extract_strided_slice %convert_element_type3A_100 {offsets = [4, 0], sizes = [1, 8], strides = [1, 1]} : vector<8x8xf32> to vector<1x8xf32>
      %mul3A_159 = vector.broadcast %slice3A_157 : vector<1x1xf32> to vector<1x8xf32>
      %mul3A_160 = arith.mulf %slice3A_158, %mul3A_159 : vector<1x8xf32>
      %gt3A_161 = arith.constant 4 : i32
      %gt3A_162 = vector.broadcast %gt3A_161 : i32 to vector<1x8xi32>
      %gt3A_163 = arith.cmpi sgt, %iota3A, %gt3A_162 : vector<1x8xi32>
      %convert_element_type3A_164 = arith.extui %gt3A_163 : vector<1x8xi1> to vector<1x8xi32>
      %convert_element_type3A_165 = arith.sitofp %convert_element_type3A_164 : vector<1x8xi32> to vector<1x8xf32>
      %mul3A_166 = arith.mulf %mul3A_160, %convert_element_type3A_165 : vector<1x8xf32>
      %sub3A_167 = arith.constant 1.000000e+00 : f32
      %sub3A_168 = vector.broadcast %sub3A_167 : f32 to vector<1x8xf32>
      %sub3A_169 = arith.subf %sub3A_168, %mul3A_166 : vector<1x8xf32>
      %mul3A_170 = arith.mulf %mul3A_156, %sub3A_169 : vector<1x8xf32>
      %slice3A_171 = vector.extract_strided_slice %mul3A_170 {offsets = [0, 5], sizes = [1, 1], strides = [1, 1]} : vector<1x8xf32> to vector<1x1xf32>
      %slice3A_172 = vector.extract_strided_slice %convert_element_type3A_100 {offsets = [5, 0], sizes = [1, 8], strides = [1, 1]} : vector<8x8xf32> to vector<1x8xf32>
      %mul3A_173 = vector.broadcast %slice3A_171 : vector<1x1xf32> to vector<1x8xf32>
      %mul3A_174 = arith.mulf %slice3A_172, %mul3A_173 : vector<1x8xf32>
      %gt3A_175 = arith.constant 5 : i32
      %gt3A_176 = vector.broadcast %gt3A_175 : i32 to vector<1x8xi32>
      %gt3A_177 = arith.cmpi sgt, %iota3A, %gt3A_176 : vector<1x8xi32>
      %convert_element_type3A_178 = arith.extui %gt3A_177 : vector<1x8xi1> to vector<1x8xi32>
      %convert_element_type3A_179 = arith.sitofp %convert_element_type3A_178 : vector<1x8xi32> to vector<1x8xf32>
      %mul3A_180 = arith.mulf %mul3A_174, %convert_element_type3A_179 : vector<1x8xf32>
      %sub3A_181 = arith.constant 1.000000e+00 : f32
      %sub3A_182 = vector.broadcast %sub3A_181 : f32 to vector<1x8xf32>
      %sub3A_183 = arith.subf %sub3A_182, %mul3A_180 : vector<1x8xf32>
      %mul3A_184 = arith.mulf %mul3A_170, %sub3A_183 : vector<1x8xf32>
      %slice3A_185 = vector.extract_strided_slice %mul3A_184 {offsets = [0, 6], sizes = [1, 1], strides = [1, 1]} : vector<1x8xf32> to vector<1x1xf32>
      %slice3A_186 = vector.extract_strided_slice %convert_element_type3A_100 {offsets = [6, 0], sizes = [1, 8], strides = [1, 1]} : vector<8x8xf32> to vector<1x8xf32>
      %mul3A_187 = vector.broadcast %slice3A_185 : vector<1x1xf32> to vector<1x8xf32>
      %mul3A_188 = arith.mulf %slice3A_186, %mul3A_187 : vector<1x8xf32>
      %gt3A_189 = arith.constant 6 : i32
      %gt3A_190 = vector.broadcast %gt3A_189 : i32 to vector<1x8xi32>
      %gt3A_191 = arith.cmpi sgt, %iota3A, %gt3A_190 : vector<1x8xi32>
      %convert_element_type3A_192 = arith.extui %gt3A_191 : vector<1x8xi1> to vector<1x8xi32>
      %convert_element_type3A_193 = arith.sitofp %convert_element_type3A_192 : vector<1x8xi32> to vector<1x8xf32>
      %mul3A_194 = arith.mulf %mul3A_188, %convert_element_type3A_193 : vector<1x8xf32>
      %sub3A_195 = arith.constant 1.000000e+00 : f32
      %sub3A_196 = vector.broadcast %sub3A_195 : f32 to vector<1x8xf32>
      %sub3A_197 = arith.subf %sub3A_196, %mul3A_194 : vector<1x8xf32>
      %mul3A_198 = arith.mulf %mul3A_184, %sub3A_197 : vector<1x8xf32>
      %slice3A_199 = vector.extract_strided_slice %mul3A_198 {offsets = [0, 7], sizes = [1, 1], strides = [1, 1]} : vector<1x8xf32> to vector<1x1xf32>
      %slice3A_200 = vector.extract_strided_slice %convert_element_type3A_100 {offsets = [7, 0], sizes = [1, 8], strides = [1, 1]} : vector<8x8xf32> to vector<1x8xf32>
      %mul3A_201 = vector.broadcast %slice3A_199 : vector<1x1xf32> to vector<1x8xf32>
      %mul3A_202 = arith.mulf %slice3A_200, %mul3A_201 : vector<1x8xf32>
      %gt3A_203 = arith.constant 7 : i32
      %gt3A_204 = vector.broadcast %gt3A_203 : i32 to vector<1x8xi32>
      %gt3A_205 = arith.cmpi sgt, %iota3A, %gt3A_204 : vector<1x8xi32>
      %convert_element_type3A_206 = arith.extui %gt3A_205 : vector<1x8xi1> to vector<1x8xi32>
      %convert_element_type3A_207 = arith.sitofp %convert_element_type3A_206 : vector<1x8xi32> to vector<1x8xf32>
      %mul3A_208 = arith.mulf %mul3A_202, %convert_element_type3A_207 : vector<1x8xf32>
      %sub3A_209 = arith.constant 1.000000e+00 : f32
      %sub3A_210 = vector.broadcast %sub3A_209 : f32 to vector<1x8xf32>
      %sub3A_211 = arith.subf %sub3A_210, %mul3A_208 : vector<1x8xf32>
      %mul3A_212 = arith.mulf %mul3A_198, %sub3A_211 : vector<1x8xf32>
      %broadcast_in_dim3A = vector.shape_cast %mul3A_212 : vector<1x8xf32> to vector<1x8xf32>
      %broadcast_in_dim3A_213 = vector.broadcast %broadcast_in_dim3A : vector<1x8xf32> to vector<8x8xf32>
      %mul3A_214 = arith.mulf %broadcast_in_dim3A_213, %convert_element_type3A_58 : vector<8x8xf32>
      %reduce_sum3A_215 = arith.constant dense<0.000000e+00> : vector<8xf32>
      %reduce_sum3A_216 = vector.multi_reduction <add>, %mul3A_214, %reduce_sum3A_215 [1] : vector<8x8xf32> to vector<8xf32>
      %broadcast_in_dim3A_217 = vector.shape_cast %reduce_sum3A_216 : vector<8xf32> to vector<8x1xf32>
      %sub3A_218 = arith.constant 1.000000e+00 : f32
      %sub3A_219 = vector.broadcast %sub3A_218 : f32 to vector<8x1xf32>
      %sub3A_220 = arith.subf %sub3A_219, %broadcast_in_dim3A_217 : vector<8x1xf32>
      %mul3A_221 = arith.constant 1.000000e+09 : f32
      %mul3A_222 = vector.broadcast %mul3A_221 : f32 to vector<8x1xf32>
      %mul3A_223 = arith.mulf %sub3A_220, %mul3A_222 : vector<8x1xf32>
      %add3A_224 = arith.addf %slice3A_62, %mul3A_223 : vector<8x1xf32>
      %min3A_225 = vector.broadcast %slice3A_64 : vector<8x1xf32> to vector<8x5120xf32>
      %min3A_226 = vector.broadcast %get3A_46 : vector<1x5120xf32> to vector<8x5120xf32>
      %min3A_227 = arith.minimumf %min3A_225, %min3A_226 : vector<8x5120xf32>
      %max3A_228 = vector.broadcast %add3A_224 : vector<8x1xf32> to vector<8x5120xf32>
      %max3A_229 = vector.broadcast %get3A_40 : vector<1x5120xf32> to vector<8x5120xf32>
      %max3A_230 = arith.maximumf %max3A_228, %max3A_229 : vector<8x5120xf32>
      %sub3A_231 = arith.subf %min3A_227, %max3A_230 : vector<8x5120xf32>
      %max3A_232 = arith.constant 0.000000e+00 : f32
      %max3A_233 = vector.broadcast %max3A_232 : f32 to vector<8x5120xf32>
      %max3A_234 = arith.maximumf %sub3A_231, %max3A_233 : vector<8x5120xf32>
      %min3A_235 = vector.broadcast %slice3A_65 : vector<8x1xf32> to vector<8x5120xf32>
      %min3A_236 = vector.broadcast %get3A_49 : vector<1x5120xf32> to vector<8x5120xf32>
      %min3A_237 = arith.minimumf %min3A_235, %min3A_236 : vector<8x5120xf32>
      %max3A_238 = vector.broadcast %slice3A_63 : vector<8x1xf32> to vector<8x5120xf32>
      %max3A_239 = vector.broadcast %get3A_43 : vector<1x5120xf32> to vector<8x5120xf32>
      %max3A_240 = arith.maximumf %max3A_238, %max3A_239 : vector<8x5120xf32>
      %sub3A_241 = arith.subf %min3A_237, %max3A_240 : vector<8x5120xf32>
      %max3A_242 = arith.constant 0.000000e+00 : f32
      %max3A_243 = vector.broadcast %max3A_242 : f32 to vector<8x5120xf32>
      %max3A_244 = arith.maximumf %sub3A_241, %max3A_243 : vector<8x5120xf32>
      %mul3A_245 = arith.mulf %max3A_234, %max3A_244 : vector<8x5120xf32>
      %add3A_246 = vector.broadcast %slice3A_66 : vector<8x1xf32> to vector<8x5120xf32>
      %add3A_247 = vector.broadcast %get3A_52 : vector<1x5120xf32> to vector<8x5120xf32>
      %add3A_248 = arith.addf %add3A_246, %add3A_247 : vector<8x5120xf32>
      %sub3A_249 = arith.subf %add3A_248, %mul3A_245 : vector<8x5120xf32>
      %add3A_250 = arith.constant 1.000000e-07 : f32
      %add3A_251 = vector.broadcast %add3A_250 : f32 to vector<8x5120xf32>
      %add3A_252 = arith.addf %sub3A_249, %add3A_251 : vector<8x5120xf32>
      %div3A_253 = arith.divf %mul3A_245, %add3A_252 : vector<8x5120xf32>
      %reduce_max3A = arith.constant dense<0xFF800000> : vector<5120xf32>
      %reduce_max3A_254 = vector.multi_reduction <maximumf>, %div3A_253, %reduce_max3A [0] : vector<8x5120xf32> to vector<5120xf32>
      %broadcast_in_dim3A_255 = vector.shape_cast %reduce_max3A_254 : vector<5120xf32> to vector<1x5120xf32>
      %gt3A_256 = arith.constant 4.500000e-01 : f32
      %gt3A_257 = vector.broadcast %gt3A_256 : f32 to vector<1x5120xf32>
      %gt3A_258 = arith.cmpf ogt, %broadcast_in_dim3A_255, %gt3A_257 : vector<1x5120xf32>
      %add3A_259 = arith.constant 0 : i32
      %add3A_260 = arith.addi %mul3A_2, %add3A_259 : i32
      %add3A_261 = arith.constant 8 : i32
      %add3A_262 = arith.addi %add3A_260, %add3A_261 : i32
      %ge3A = vector.broadcast %add3A_262 : i32 to vector<1x5120xi32>
      %ge3A_263 = arith.cmpi sge, %iota3A_53, %ge3A : vector<1x5120xi32>
      %get3A_264 = arith.constant 0 : index
      %get3A_265 = arith.constant 0 : index
      %get3A_266 = vector.load %arg4[%get3A_264, %get3A_265] : memref<1x5120xf32, #tpu.memory_space<vmem>>, vector<1x5120xf32>
      %and3A = arith.andi %gt3A_258, %ge3A_263 : vector<1x5120xi1>
      %convert_element_type3A_267 = arith.extui %and3A : vector<1x5120xi1> to vector<1x5120xi32>
      %convert_element_type3A_268 = arith.sitofp %convert_element_type3A_267 : vector<1x5120xi32> to vector<1x5120xf32>
      %sub3A_269 = arith.constant 1.000000e+00 : f32
      %sub3A_270 = vector.broadcast %sub3A_269 : f32 to vector<1x5120xf32>
      %sub3A_271 = arith.subf %sub3A_270, %convert_element_type3A_268 : vector<1x5120xf32>
      %mul3A_272 = arith.mulf %get3A_266, %sub3A_271 : vector<1x5120xf32>
      %swap3A = arith.constant 0 : index
      %swap3A_273 = arith.constant 0 : index
      %swap3A_274 = vector.load %arg4[%swap3A, %swap3A_273] : memref<1x5120xf32, #tpu.memory_space<vmem>>, vector<1x5120xf32>
      tpu.vector_store %arg4[%swap3A, %swap3A_273], %mul3A_272 {strides = array<i32>} : memref<1x5120xf32, #tpu.memory_space<vmem>>, vector<1x5120xf32>,
      %get3A_275 = arith.constant 0 : index
      %get3A_276 = arith.index_cast %mul3A_2 : i32 to index
      %get3A_277 = vector.load %arg4[%get3A_275, %get3A_276] : memref<1x5120xf32, #tpu.memory_space<vmem>>, vector<1x128xf32>
      %iota3A_278 = tpu.iota {dimensions = array<i32: 1>} : vector<1x128xi32>
      %ge3A_279 = arith.constant 0 : i32
      %ge3A_280 = vector.broadcast %ge3A_279 : i32 to vector<1x128xi32>
      %ge3A_281 = arith.cmpi sge, %iota3A_278, %ge3A_280 : vector<1x128xi32>
      %lt3A = arith.constant 8 : i32
      %lt3A_282 = vector.broadcast %lt3A : i32 to vector<1x128xi32>
      %lt3A_283 = arith.cmpi slt, %iota3A_278, %lt3A_282 : vector<1x128xi32>
      %and3A_284 = arith.andi %ge3A_281, %lt3A_283 : vector<1x128xi1>
      %jit3A = arith.constant 0 : i32
      %convert_element_type3A_285 = arith.sitofp %jit3A : i32 to f32
      %pad3A = vector.broadcast %convert_element_type3A_285 : f32 to vector<1x120xf32>
      %pad3A_286 = tpu.concatenate %mul3A_212, %pad3A in 1 : vector<1x8xf32>, vector<1x120xf32> -> vector<1x128xf32>
      %select_n3A = arith.select %and3A_284, %pad3A_286, %get3A_277 : vector<1x128xi1>, vector<1x128xf32>
      %swap3A_287 = arith.constant 0 : index
      %swap3A_288 = arith.index_cast %mul3A_2 : i32 to index
      %swap3A_289 = vector.load %arg4[%swap3A_287, %swap3A_288] : memref<1x5120xf32, #tpu.memory_space<vmem>>, vector<1x128xf32>
      tpu.vector_store %arg4[%swap3A_287, %swap3A_288], %select_n3A {strides = array<i32>} : memref<1x5120xf32, #tpu.memory_space<vmem>>, vector<1x128xf32>,
      %get3A_290 = arith.constant 0 : index
      %get3A_291 = arith.index_cast %mul3A_2 : i32 to index
      %get3A_292 = vector.load %arg4[%get3A_290, %get3A_291] : memref<1x5120xf32, #tpu.memory_space<vmem>>, vector<1x128xf32>
      %slice3A_293 = vector.extract_strided_slice %get3A_292 {offsets = [0, 8], sizes = [1, 8], strides = [1, 1]} : vector<1x128xf32> to vector<1x8xf32>
      %slice3A_294 = vector.extract_strided_slice %get3A_22 {offsets = [0, 5], sizes = [8, 1], strides = [1, 1]} : vector<8x128xf32> to vector<8x1xf32>
      %slice3A_295 = vector.extract_strided_slice %get3A_22 {offsets = [0, 6], sizes = [8, 1], strides = [1, 1]} : vector<8x128xf32> to vector<8x1xf32>
      %slice3A_296 = vector.extract_strided_slice %get3A_22 {offsets = [0, 7], sizes = [8, 1], strides = [1, 1]} : vector<8x128xf32> to vector<8x1xf32>
      %slice3A_297 = vector.extract_strided_slice %get3A_22 {offsets = [0, 8], sizes = [8, 1], strides = [1, 1]} : vector<8x128xf32> to vector<8x1xf32>
      %slice3A_298 = vector.extract_strided_slice %get3A_22 {offsets = [0, 9], sizes = [8, 1], strides = [1, 1]} : vector<8x128xf32> to vector<8x1xf32>
      %slice3A_299 = vector.extract_strided_slice %get3A_25 {offsets = [0, 8], sizes = [1, 8], strides = [1, 1]} : vector<1x128xf32> to vector<1x8xf32>
      %slice3A_300 = vector.extract_strided_slice %get3A_28 {offsets = [0, 8], sizes = [1, 8], strides = [1, 1]} : vector<1x128xf32> to vector<1x8xf32>
      %slice3A_301 = vector.extract_strided_slice %get3A_31 {offsets = [0, 8], sizes = [1, 8], strides = [1, 1]} : vector<1x128xf32> to vector<1x8xf32>
      %slice3A_302 = vector.extract_strided_slice %get3A_34 {offsets = [0, 8], sizes = [1, 8], strides = [1, 1]} : vector<1x128xf32> to vector<1x8xf32>
      %slice3A_303 = vector.extract_strided_slice %get3A_37 {offsets = [0, 8], sizes = [1, 8], strides = [1, 1]} : vector<1x128xf32> to vector<1x8xf32>
      %min3A_304 = vector.broadcast %slice3A_296 : vector<8x1xf32> to vector<8x8xf32>
      %min3A_305 = vector.broadcast %slice3A_301 : vector<1x8xf32> to vector<8x8xf32>
      %min3A_306 = arith.minimumf %min3A_304, %min3A_305 : vector<8x8xf32>
      %max3A_307 = vector.broadcast %slice3A_294 : vector<8x1xf32> to vector<8x8xf32>
      %max3A_308 = vector.broadcast %slice3A_299 : vector<1x8xf32> to vector<8x8xf32>
      %max3A_309 = arith.maximumf %max3A_307, %max3A_308 : vector<8x8xf32>
      %sub3A_310 = arith.subf %min3A_306, %max3A_309 : vector<8x8xf32>
      %max3A_311 = arith.constant 0.000000e+00 : f32
      %max3A_312 = vector.broadcast %max3A_311 : f32 to vector<8x8xf32>
      %max3A_313 = arith.maximumf %sub3A_310, %max3A_312 : vector<8x8xf32>
      %min3A_314 = vector.broadcast %slice3A_297 : vector<8x1xf32> to vector<8x8xf32>
      %min3A_315 = vector.broadcast %slice3A_302 : vector<1x8xf32> to vector<8x8xf32>
      %min3A_316 = arith.minimumf %min3A_314, %min3A_315 : vector<8x8xf32>
      %max3A_317 = vector.broadcast %slice3A_295 : vector<8x1xf32> to vector<8x8xf32>
      %max3A_318 = vector.broadcast %slice3A_300 : vector<1x8xf32> to vector<8x8xf32>
      %max3A_319 = arith.maximumf %max3A_317, %max3A_318 : vector<8x8xf32>
      %sub3A_320 = arith.subf %min3A_316, %max3A_319 : vector<8x8xf32>
      %max3A_321 = arith.constant 0.000000e+00 : f32
      %max3A_322 = vector.broadcast %max3A_321 : f32 to vector<8x8xf32>
      %max3A_323 = arith.maximumf %sub3A_320, %max3A_322 : vector<8x8xf32>
      %mul3A_324 = arith.mulf %max3A_313, %max3A_323 : vector<8x8xf32>
      %add3A_325 = vector.broadcast %slice3A_298 : vector<8x1xf32> to vector<8x8xf32>
      %add3A_326 = vector.broadcast %slice3A_303 : vector<1x8xf32> to vector<8x8xf32>
      %add3A_327 = arith.addf %add3A_325, %add3A_326 : vector<8x8xf32>
      %sub3A_328 = arith.subf %add3A_327, %mul3A_324 : vector<8x8xf32>
      %add3A_329 = arith.constant 1.000000e-07 : f32
      %add3A_330 = vector.broadcast %add3A_329 : f32 to vector<8x8xf32>
      %add3A_331 = arith.addf %sub3A_328, %add3A_330 : vector<8x8xf32>
      %div3A_332 = arith.divf %mul3A_324, %add3A_331 : vector<8x8xf32>
      %gt3A_333 = arith.constant 4.500000e-01 : f32
      %gt3A_334 = vector.broadcast %gt3A_333 : f32 to vector<8x8xf32>
      %gt3A_335 = arith.cmpf ogt, %div3A_332, %gt3A_334 : vector<8x8xf32>
      %convert_element_type3A_336 = arith.extui %gt3A_335 : vector<8x8xi1> to vector<8x8xi32>
      %convert_element_type3A_337 = arith.sitofp %convert_element_type3A_336 : vector<8x8xi32> to vector<8x8xf32>
      %slice3A_338 = vector.extract_strided_slice %slice3A_293 {offsets = [0, 0], sizes = [1, 1], strides = [1, 1]} : vector<1x8xf32> to vector<1x1xf32>
      %slice3A_339 = vector.extract_strided_slice %convert_element_type3A_337 {offsets = [0, 0], sizes = [1, 8], strides = [1, 1]} : vector<8x8xf32> to vector<1x8xf32>
      %mul3A_340 = vector.broadcast %slice3A_338 : vector<1x1xf32> to vector<1x8xf32>
      %mul3A_341 = arith.mulf %slice3A_339, %mul3A_340 : vector<1x8xf32>
      %gt3A_342 = arith.constant 0 : i32
      %gt3A_343 = vector.broadcast %gt3A_342 : i32 to vector<1x8xi32>
      %gt3A_344 = arith.cmpi sgt, %iota3A, %gt3A_343 : vector<1x8xi32>
      %convert_element_type3A_345 = arith.extui %gt3A_344 : vector<1x8xi1> to vector<1x8xi32>
      %convert_element_type3A_346 = arith.sitofp %convert_element_type3A_345 : vector<1x8xi32> to vector<1x8xf32>
      %mul3A_347 = arith.mulf %mul3A_341, %convert_element_type3A_346 : vector<1x8xf32>
      %sub3A_348 = arith.constant 1.000000e+00 : f32
      %sub3A_349 = vector.broadcast %sub3A_348 : f32 to vector<1x8xf32>
      %sub3A_350 = arith.subf %sub3A_349, %mul3A_347 : vector<1x8xf32>
      %mul3A_351 = arith.mulf %slice3A_293, %sub3A_350 : vector<1x8xf32>
      %slice3A_352 = vector.extract_strided_slice %mul3A_351 {offsets = [0, 1], sizes = [1, 1], strides = [1, 1]} : vector<1x8xf32> to vector<1x1xf32>
      %slice3A_353 = vector.extract_strided_slice %convert_element_type3A_337 {offsets = [1, 0], sizes = [1, 8], strides = [1, 1]} : vector<8x8xf32> to vector<1x8xf32>
      %mul3A_354 = vector.broadcast %slice3A_352 : vector<1x1xf32> to vector<1x8xf32>
      %mul3A_355 = arith.mulf %slice3A_353, %mul3A_354 : vector<1x8xf32>
      %gt3A_356 = arith.constant 1 : i32
      %gt3A_357 = vector.broadcast %gt3A_356 : i32 to vector<1x8xi32>
      %gt3A_358 = arith.cmpi sgt, %iota3A, %gt3A_357 : vector<1x8xi32>
      %convert_element_type3A_359 = arith.extui %gt3A_358 : vector<1x8xi1> to vector<1x8xi32>
      %convert_element_type3A_360 = arith.sitofp %convert_element_type3A_359 : vector<1x8xi32> to vector<1x8xf32>
      %mul3A_361 = arith.mulf %mul3A_355, %convert_element_type3A_360 : vector<1x8xf32>
      %sub3A_362 = arith.constant 1.000000e+00 : f32
      %sub3A_363 = vector.broadcast %sub3A_362 : f32 to vector<1x8xf32>
      %sub3A_364 = arith.subf %sub3A_363, %mul3A_361 : vector<1x8xf32>
      %mul3A_365 = arith.mulf %mul3A_351, %sub3A_364 : vector<1x8xf32>
      %slice3A_366 = vector.extract_strided_slice %mul3A_365 {offsets = [0, 2], sizes = [1, 1], strides = [1, 1]} : vector<1x8xf32> to vector<1x1xf32>
      %slice3A_367 = vector.extract_strided_slice %convert_element_type3A_337 {offsets = [2, 0], sizes = [1, 8], strides = [1, 1]} : vector<8x8xf32> to vector<1x8xf32>
      %mul3A_368 = vector.broadcast %slice3A_366 : vector<1x1xf32> to vector<1x8xf32>
      %mul3A_369 = arith.mulf %slice3A_367, %mul3A_368 : vector<1x8xf32>
      %gt3A_370 = arith.constant 2 : i32
      %gt3A_371 = vector.broadcast %gt3A_370 : i32 to vector<1x8xi32>
      %gt3A_372 = arith.cmpi sgt, %iota3A, %gt3A_371 : vector<1x8xi32>
      %convert_element_type3A_373 = arith.extui %gt3A_372 : vector<1x8xi1> to vector<1x8xi32>
      %convert_element_type3A_374 = arith.sitofp %convert_element_type3A_373 : vector<1x8xi32> to vector<1x8xf32>
      %mul3A_375 = arith.mulf %mul3A_369, %convert_element_type3A_374 : vector<1x8xf32>
      %sub3A_376 = arith.constant 1.000000e+00 : f32
      %sub3A_377 = vector.broadcast %sub3A_376 : f32 to vector<1x8xf32>
      %sub3A_378 = arith.subf %sub3A_377, %mul3A_375 : vector<1x8xf32>
      %mul3A_379 = arith.mulf %mul3A_365, %sub3A_378 : vector<1x8xf32>
      %slice3A_380 = vector.extract_strided_slice %mul3A_379 {offsets = [0, 3], sizes = [1, 1], strides = [1, 1]} : vector<1x8xf32> to vector<1x1xf32>
      %slice3A_381 = vector.extract_strided_slice %convert_element_type3A_337 {offsets = [3, 0], sizes = [1, 8], strides = [1, 1]} : vector<8x8xf32> to vector<1x8xf32>
      %mul3A_382 = vector.broadcast %slice3A_380 : vector<1x1xf32> to vector<1x8xf32>
      %mul3A_383 = arith.mulf %slice3A_381, %mul3A_382 : vector<1x8xf32>
      %gt3A_384 = arith.constant 3 : i32
      %gt3A_385 = vector.broadcast %gt3A_384 : i32 to vector<1x8xi32>
      %gt3A_386 = arith.cmpi sgt, %iota3A, %gt3A_385 : vector<1x8xi32>
      %convert_element_type3A_387 = arith.extui %gt3A_386 : vector<1x8xi1> to vector<1x8xi32>
      %convert_element_type3A_388 = arith.sitofp %convert_element_type3A_387 : vector<1x8xi32> to vector<1x8xf32>
      %mul3A_389 = arith.mulf %mul3A_383, %convert_element_type3A_388 : vector<1x8xf32>
      %sub3A_390 = arith.constant 1.000000e+00 : f32
      %sub3A_391 = vector.broadcast %sub3A_390 : f32 to vector<1x8xf32>
      %sub3A_392 = arith.subf %sub3A_391, %mul3A_389 : vector<1x8xf32>
      %mul3A_393 = arith.mulf %mul3A_379, %sub3A_392 : vector<1x8xf32>
      %slice3A_394 = vector.extract_strided_slice %mul3A_393 {offsets = [0, 4], sizes = [1, 1], strides = [1, 1]} : vector<1x8xf32> to vector<1x1xf32>
      %slice3A_395 = vector.extract_strided_slice %convert_element_type3A_337 {offsets = [4, 0], sizes = [1, 8], strides = [1, 1]} : vector<8x8xf32> to vector<1x8xf32>
      %mul3A_396 = vector.broadcast %slice3A_394 : vector<1x1xf32> to vector<1x8xf32>
      %mul3A_397 = arith.mulf %slice3A_395, %mul3A_396 : vector<1x8xf32>
      %gt3A_398 = arith.constant 4 : i32
      %gt3A_399 = vector.broadcast %gt3A_398 : i32 to vector<1x8xi32>
      %gt3A_400 = arith.cmpi sgt, %iota3A, %gt3A_399 : vector<1x8xi32>
      %convert_element_type3A_401 = arith.extui %gt3A_400 : vector<1x8xi1> to vector<1x8xi32>
      %convert_element_type3A_402 = arith.sitofp %convert_element_type3A_401 : vector<1x8xi32> to vector<1x8xf32>
      %mul3A_403 = arith.mulf %mul3A_397, %convert_element_type3A_402 : vector<1x8xf32>
      %sub3A_404 = arith.constant 1.000000e+00 : f32
      %sub3A_405 = vector.broadcast %sub3A_404 : f32 to vector<1x8xf32>
      %sub3A_406 = arith.subf %sub3A_405, %mul3A_403 : vector<1x8xf32>
      %mul3A_407 = arith.mulf %mul3A_393, %sub3A_406 : vector<1x8xf32>
      %slice3A_408 = vector.extract_strided_slice %mul3A_407 {offsets = [0, 5], sizes = [1, 1], strides = [1, 1]} : vector<1x8xf32> to vector<1x1xf32>
      %slice3A_409 = vector.extract_strided_slice %convert_element_type3A_337 {offsets = [5, 0], sizes = [1, 8], strides = [1, 1]} : vector<8x8xf32> to vector<1x8xf32>
      %mul3A_410 = vector.broadcast %slice3A_408 : vector<1x1xf32> to vector<1x8xf32>
      %mul3A_411 = arith.mulf %slice3A_409, %mul3A_410 : vector<1x8xf32>
      %gt3A_412 = arith.constant 5 : i32
      %gt3A_413 = vector.broadcast %gt3A_412 : i32 to vector<1x8xi32>
      %gt3A_414 = arith.cmpi sgt, %iota3A, %gt3A_413 : vector<1x8xi32>
      %convert_element_type3A_415 = arith.extui %gt3A_414 : vector<1x8xi1> to vector<1x8xi32>
      %convert_element_type3A_416 = arith.sitofp %convert_element_type3A_415 : vector<1x8xi32> to vector<1x8xf32>
      %mul3A_417 = arith.mulf %mul3A_411, %convert_element_type3A_416 : vector<1x8xf32>
      %sub3A_418 = arith.constant 1.000000e+00 : f32
      %sub3A_419 = vector.broadcast %sub3A_418 : f32 to vector<1x8xf32>
      %sub3A_420 = arith.subf %sub3A_419, %mul3A_417 : vector<1x8xf32>
      %mul3A_421 = arith.mulf %mul3A_407, %sub3A_420 : vector<1x8xf32>
      %slice3A_422 = vector.extract_strided_slice %mul3A_421 {offsets = [0, 6], sizes = [1, 1], strides = [1, 1]} : vector<1x8xf32> to vector<1x1xf32>
      %slice3A_423 = vector.extract_strided_slice %convert_element_type3A_337 {offsets = [6, 0], sizes = [1, 8], strides = [1, 1]} : vector<8x8xf32> to vector<1x8xf32>
      %mul3A_424 = vector.broadcast %slice3A_422 : vector<1x1xf32> to vector<1x8xf32>
      %mul3A_425 = arith.mulf %slice3A_423, %mul3A_424 : vector<1x8xf32>
      %gt3A_426 = arith.constant 6 : i32
      %gt3A_427 = vector.broadcast %gt3A_426 : i32 to vector<1x8xi32>
      %gt3A_428 = arith.cmpi sgt, %iota3A, %gt3A_427 : vector<1x8xi32>
      %convert_element_type3A_429 = arith.extui %gt3A_428 : vector<1x8xi1> to vector<1x8xi32>
      %convert_element_type3A_430 = arith.sitofp %convert_element_type3A_429 : vector<1x8xi32> to vector<1x8xf32>
      %mul3A_431 = arith.mulf %mul3A_425, %convert_element_type3A_430 : vector<1x8xf32>
      %sub3A_432 = arith.constant 1.000000e+00 : f32
      %sub3A_433 = vector.broadcast %sub3A_432 : f32 to vector<1x8xf32>
      %sub3A_434 = arith.subf %sub3A_433, %mul3A_431 : vector<1x8xf32>
      %mul3A_435 = arith.mulf %mul3A_421, %sub3A_434 : vector<1x8xf32>
      %slice3A_436 = vector.extract_strided_slice %mul3A_435 {offsets = [0, 7], sizes = [1, 1], strides = [1, 1]} : vector<1x8xf32> to vector<1x1xf32>
      %slice3A_437 = vector.extract_strided_slice %convert_element_type3A_337 {offsets = [7, 0], sizes = [1, 8], strides = [1, 1]} : vector<8x8xf32> to vector<1x8xf32>
      %mul3A_438 = vector.broadcast %slice3A_436 : vector<1x1xf32> to vector<1x8xf32>
      %mul3A_439 = arith.mulf %slice3A_437, %mul3A_438 : vector<1x8xf32>
      %gt3A_440 = arith.constant 7 : i32
      %gt3A_441 = vector.broadcast %gt3A_440 : i32 to vector<1x8xi32>
      %gt3A_442 = arith.cmpi sgt, %iota3A, %gt3A_441 : vector<1x8xi32>
      %convert_element_type3A_443 = arith.extui %gt3A_442 : vector<1x8xi1> to vector<1x8xi32>
      %convert_element_type3A_444 = arith.sitofp %convert_element_type3A_443 : vector<1x8xi32> to vector<1x8xf32>
      %mul3A_445 = arith.mulf %mul3A_439, %convert_element_type3A_444 : vector<1x8xf32>
      %sub3A_446 = arith.constant 1.000000e+00 : f32
      %sub3A_447 = vector.broadcast %sub3A_446 : f32 to vector<1x8xf32>
      %sub3A_448 = arith.subf %sub3A_447, %mul3A_445 : vector<1x8xf32>
      %mul3A_449 = arith.mulf %mul3A_435, %sub3A_448 : vector<1x8xf32>
      %broadcast_in_dim3A_450 = vector.shape_cast %mul3A_449 : vector<1x8xf32> to vector<1x8xf32>
      %broadcast_in_dim3A_451 = vector.broadcast %broadcast_in_dim3A_450 : vector<1x8xf32> to vector<8x8xf32>
      %mul3A_452 = arith.mulf %broadcast_in_dim3A_451, %convert_element_type3A_58 : vector<8x8xf32>
      %reduce_sum3A_453 = arith.constant dense<0.000000e+00> : vector<8xf32>
      %reduce_sum3A_454 = vector.multi_reduction <add>, %mul3A_452, %reduce_sum3A_453 [1] : vector<8x8xf32> to vector<8xf32>
      %broadcast_in_dim3A_455 = vector.shape_cast %reduce_sum3A_454 : vector<8xf32> to vector<8x1xf32>
      %sub3A_456 = arith.constant 1.000000e+00 : f32
      %sub3A_457 = vector.broadcast %sub3A_456 : f32 to vector<8x1xf32>
      %sub3A_458 = arith.subf %sub3A_457, %broadcast_in_dim3A_455 : vector<8x1xf32>
      %mul3A_459 = arith.constant 1.000000e+09 : f32
      %mul3A_460 = vector.broadcast %mul3A_459 : f32 to vector<8x1xf32>
      %mul3A_461 = arith.mulf %sub3A_458, %mul3A_460 : vector<8x1xf32>
      %add3A_462 = arith.addf %slice3A_294, %mul3A_461 : vector<8x1xf32>
      %min3A_463 = vector.broadcast %slice3A_296 : vector<8x1xf32> to vector<8x5120xf32>
      %min3A_464 = vector.broadcast %get3A_46 : vector<1x5120xf32> to vector<8x5120xf32>
      %min3A_465 = arith.minimumf %min3A_463, %min3A_464 : vector<8x5120xf32>
      %max3A_466 = vector.broadcast %add3A_462 : vector<8x1xf32> to vector<8x5120xf32>
      %max3A_467 = vector.broadcast %get3A_40 : vector<1x5120xf32> to vector<8x5120xf32>
      %max3A_468 = arith.maximumf %max3A_466, %max3A_467 : vector<8x5120xf32>
      %sub3A_469 = arith.subf %min3A_465, %max3A_468 : vector<8x5120xf32>
      %max3A_470 = arith.constant 0.000000e+00 : f32
      %max3A_471 = vector.broadcast %max3A_470 : f32 to vector<8x5120xf32>
      %max3A_472 = arith.maximumf %sub3A_469, %max3A_471 : vector<8x5120xf32>
      %min3A_473 = vector.broadcast %slice3A_297 : vector<8x1xf32> to vector<8x5120xf32>
      %min3A_474 = vector.broadcast %get3A_49 : vector<1x5120xf32> to vector<8x5120xf32>
      %min3A_475 = arith.minimumf %min3A_473, %min3A_474 : vector<8x5120xf32>
      %max3A_476 = vector.broadcast %slice3A_295 : vector<8x1xf32> to vector<8x5120xf32>
      %max3A_477 = vector.broadcast %get3A_43 : vector<1x5120xf32> to vector<8x5120xf32>
      %max3A_478 = arith.maximumf %max3A_476, %max3A_477 : vector<8x5120xf32>
      %sub3A_479 = arith.subf %min3A_475, %max3A_478 : vector<8x5120xf32>
      %max3A_480 = arith.constant 0.000000e+00 : f32
      %max3A_481 = vector.broadcast %max3A_480 : f32 to vector<8x5120xf32>
      %max3A_482 = arith.maximumf %sub3A_479, %max3A_481 : vector<8x5120xf32>
      %mul3A_483 = arith.mulf %max3A_472, %max3A_482 : vector<8x5120xf32>
      %add3A_484 = vector.broadcast %slice3A_298 : vector<8x1xf32> to vector<8x5120xf32>
      %add3A_485 = vector.broadcast %get3A_52 : vector<1x5120xf32> to vector<8x5120xf32>
      %add3A_486 = arith.addf %add3A_484, %add3A_485 : vector<8x5120xf32>
      %sub3A_487 = arith.subf %add3A_486, %mul3A_483 : vector<8x5120xf32>
      %add3A_488 = arith.constant 1.000000e-07 : f32
      %add3A_489 = vector.broadcast %add3A_488 : f32 to vector<8x5120xf32>
      %add3A_490 = arith.addf %sub3A_487, %add3A_489 : vector<8x5120xf32>
      %div3A_491 = arith.divf %mul3A_483, %add3A_490 : vector<8x5120xf32>
      %reduce_max3A_492 = arith.constant dense<0xFF800000> : vector<5120xf32>
      %reduce_max3A_493 = vector.multi_reduction <maximumf>, %div3A_491, %reduce_max3A_492 [0] : vector<8x5120xf32> to vector<5120xf32>
      %broadcast_in_dim3A_494 = vector.shape_cast %reduce_max3A_493 : vector<5120xf32> to vector<1x5120xf32>
      %gt3A_495 = arith.constant 4.500000e-01 : f32
      %gt3A_496 = vector.broadcast %gt3A_495 : f32 to vector<1x5120xf32>
      %gt3A_497 = arith.cmpf ogt, %broadcast_in_dim3A_494, %gt3A_496 : vector<1x5120xf32>
      %add3A_498 = arith.constant 8 : i32
      %add3A_499 = arith.addi %mul3A_2, %add3A_498 : i32
      %add3A_500 = arith.constant 8 : i32
      %add3A_501 = arith.addi %add3A_499, %add3A_500 : i32
      %ge3A_502 = vector.broadcast %add3A_501 : i32 to vector<1x5120xi32>
      %ge3A_503 = arith.cmpi sge, %iota3A_53, %ge3A_502 : vector<1x5120xi32>
      %get3A_504 = arith.constant 0 : index
      %get3A_505 = arith.constant 0 : index
      %get3A_506 = vector.load %arg4[%get3A_504, %get3A_505] : memref<1x5120xf32, #tpu.memory_space<vmem>>, vector<1x5120xf32>
      %and3A_507 = arith.andi %gt3A_497, %ge3A_503 : vector<1x5120xi1>
      %convert_element_type3A_508 = arith.extui %and3A_507 : vector<1x5120xi1> to vector<1x5120xi32>
      %convert_element_type3A_509 = arith.sitofp %convert_element_type3A_508 : vector<1x5120xi32> to vector<1x5120xf32>
      %sub3A_510 = arith.constant 1.000000e+00 : f32
      %sub3A_511 = vector.broadcast %sub3A_510 : f32 to vector<1x5120xf32>
      %sub3A_512 = arith.subf %sub3A_511, %convert_element_type3A_509 : vector<1x5120xf32>
      %mul3A_513 = arith.mulf %get3A_506, %sub3A_512 : vector<1x5120xf32>
      %swap3A_514 = arith.constant 0 : index
      %swap3A_515 = arith.constant 0 : index
      %swap3A_516 = vector.load %arg4[%swap3A_514, %swap3A_515] : memref<1x5120xf32, #tpu.memory_space<vmem>>, vector<1x5120xf32>
      tpu.vector_store %arg4[%swap3A_514, %swap3A_515], %mul3A_513 {strides = array<i32>} : memref<1x5120xf32, #tpu.memory_space<vmem>>, vector<1x5120xf32>,
      %get3A_517 = arith.constant 0 : index
      %get3A_518 = arith.index_cast %mul3A_2 : i32 to index
      %get3A_519 = vector.load %arg4[%get3A_517, %get3A_518] : memref<1x5120xf32, #tpu.memory_space<vmem>>, vector<1x128xf32>
      %iota3A_520 = tpu.iota {dimensions = array<i32: 1>} : vector<1x128xi32>
      %ge3A_521 = arith.constant 8 : i32
      %ge3A_522 = vector.broadcast %ge3A_521 : i32 to vector<1x128xi32>
      %ge3A_523 = arith.cmpi sge, %iota3A_520, %ge3A_522 : vector<1x128xi32>
      %lt3A_524 = arith.constant 16 : i32
      %lt3A_525 = vector.broadcast %lt3A_524 : i32 to vector<1x128xi32>
      %lt3A_526 = arith.cmpi slt, %iota3A_520, %lt3A_525 : vector<1x128xi32>
      %and3A_527 = arith.andi %ge3A_523, %lt3A_526 : vector<1x128xi1>
      %jit3A_528 = arith.constant 0 : i32
      %convert_element_type3A_529 = arith.sitofp %jit3A_528 : i32 to f32
      %pad3A_530 = vector.broadcast %convert_element_type3A_529 : f32 to vector<1x8xf32>
      %pad3A_531 = tpu.concatenate %pad3A_530, %mul3A_449 in 1 : vector<1x8xf32>, vector<1x8xf32> -> vector<1x16xf32>
      %pad3A_532 = vector.broadcast %convert_element_type3A_529 : f32 to vector<1x112xf32>
      %pad3A_533 = tpu.concatenate %pad3A_531, %pad3A_532 in 1 : vector<1x16xf32>, vector<1x112xf32> -> vector<1x128xf32>
      %select_n3A_534 = arith.select %and3A_527, %pad3A_533, %get3A_519 : vector<1x128xi1>, vector<1x128xf32>
      %swap3A_535 = arith.constant 0 : index
      %swap3A_536 = arith.index_cast %mul3A_2 : i32 to index
      %swap3A_537 = vector.load %arg4[%swap3A_535, %swap3A_536] : memref<1x5120xf32, #tpu.memory_space<vmem>>, vector<1x128xf32>
      tpu.vector_store %arg4[%swap3A_535, %swap3A_536], %select_n3A_534 {strides = array<i32>} : memref<1x5120xf32, #tpu.memory_space<vmem>>, vector<1x128xf32>,
      %get3A_538 = arith.constant 0 : index
      %get3A_539 = arith.index_cast %mul3A_2 : i32 to index
      %get3A_540 = vector.load %arg4[%get3A_538, %get3A_539] : memref<1x5120xf32, #tpu.memory_space<vmem>>, vector<1x128xf32>
      %slice3A_541 = vector.extract_strided_slice %get3A_540 {offsets = [0, 16], sizes = [1, 8], strides = [1, 1]} : vector<1x128xf32> to vector<1x8xf32>
      %slice3A_542 = vector.extract_strided_slice %get3A_22 {offsets = [0, 10], sizes = [8, 1], strides = [1, 1]} : vector<8x128xf32> to vector<8x1xf32>
      %slice3A_543 = vector.extract_strided_slice %get3A_22 {offsets = [0, 11], sizes = [8, 1], strides = [1, 1]} : vector<8x128xf32> to vector<8x1xf32>
      %slice3A_544 = vector.extract_strided_slice %get3A_22 {offsets = [0, 12], sizes = [8, 1], strides = [1, 1]} : vector<8x128xf32> to vector<8x1xf32>
      %slice3A_545 = vector.extract_strided_slice %get3A_22 {offsets = [0, 13], sizes = [8, 1], strides = [1, 1]} : vector<8x128xf32> to vector<8x1xf32>
      %slice3A_546 = vector.extract_strided_slice %get3A_22 {offsets = [0, 14], sizes = [8, 1], strides = [1, 1]} : vector<8x128xf32> to vector<8x1xf32>
      %slice3A_547 = vector.extract_strided_slice %get3A_25 {offsets = [0, 16], sizes = [1, 8], strides = [1, 1]} : vector<1x128xf32> to vector<1x8xf32>
      %slice3A_548 = vector.extract_strided_slice %get3A_28 {offsets = [0, 16], sizes = [1, 8], strides = [1, 1]} : vector<1x128xf32> to vector<1x8xf32>
      %slice3A_549 = vector.extract_strided_slice %get3A_31 {offsets = [0, 16], sizes = [1, 8], strides = [1, 1]} : vector<1x128xf32> to vector<1x8xf32>
      %slice3A_550 = vector.extract_strided_slice %get3A_34 {offsets = [0, 16], sizes = [1, 8], strides = [1, 1]} : vector<1x128xf32> to vector<1x8xf32>
      %slice3A_551 = vector.extract_strided_slice %get3A_37 {offsets = [0, 16], sizes = [1, 8], strides = [1, 1]} : vector<1x128xf32> to vector<1x8xf32>
      %min3A_552 = vector.broadcast %slice3A_544 : vector<8x1xf32> to vector<8x8xf32>
      %min3A_553 = vector.broadcast %slice3A_549 : vector<1x8xf32> to vector<8x8xf32>
      %min3A_554 = arith.minimumf %min3A_552, %min3A_553 : vector<8x8xf32>
      %max3A_555 = vector.broadcast %slice3A_542 : vector<8x1xf32> to vector<8x8xf32>
      %max3A_556 = vector.broadcast %slice3A_547 : vector<1x8xf32> to vector<8x8xf32>
      %max3A_557 = arith.maximumf %max3A_555, %max3A_556 : vector<8x8xf32>
      %sub3A_558 = arith.subf %min3A_554, %max3A_557 : vector<8x8xf32>
      %max3A_559 = arith.constant 0.000000e+00 : f32
      %max3A_560 = vector.broadcast %max3A_559 : f32 to vector<8x8xf32>
      %max3A_561 = arith.maximumf %sub3A_558, %max3A_560 : vector<8x8xf32>
      %min3A_562 = vector.broadcast %slice3A_545 : vector<8x1xf32> to vector<8x8xf32>
      %min3A_563 = vector.broadcast %slice3A_550 : vector<1x8xf32> to vector<8x8xf32>
      %min3A_564 = arith.minimumf %min3A_562, %min3A_563 : vector<8x8xf32>
      %max3A_565 = vector.broadcast %slice3A_543 : vector<8x1xf32> to vector<8x8xf32>
      %max3A_566 = vector.broadcast %slice3A_548 : vector<1x8xf32> to vector<8x8xf32>
      %max3A_567 = arith.maximumf %max3A_565, %max3A_566 : vector<8x8xf32>
      %sub3A_568 = arith.subf %min3A_564, %max3A_567 : vector<8x8xf32>
      %max3A_569 = arith.constant 0.000000e+00 : f32
      %max3A_570 = vector.broadcast %max3A_569 : f32 to vector<8x8xf32>
      %max3A_571 = arith.maximumf %sub3A_568, %max3A_570 : vector<8x8xf32>
      %mul3A_572 = arith.mulf %max3A_561, %max3A_571 : vector<8x8xf32>
      %add3A_573 = vector.broadcast %slice3A_546 : vector<8x1xf32> to vector<8x8xf32>
      %add3A_574 = vector.broadcast %slice3A_551 : vector<1x8xf32> to vector<8x8xf32>
      %add3A_575 = arith.addf %add3A_573, %add3A_574 : vector<8x8xf32>
      %sub3A_576 = arith.subf %add3A_575, %mul3A_572 : vector<8x8xf32>
      %add3A_577 = arith.constant 1.000000e-07 : f32
      %add3A_578 = vector.broadcast %add3A_577 : f32 to vector<8x8xf32>
      %add3A_579 = arith.addf %sub3A_576, %add3A_578 : vector<8x8xf32>
      %div3A_580 = arith.divf %mul3A_572, %add3A_579 : vector<8x8xf32>
      %gt3A_581 = arith.constant 4.500000e-01 : f32
      %gt3A_582 = vector.broadcast %gt3A_581 : f32 to vector<8x8xf32>
      %gt3A_583 = arith.cmpf ogt, %div3A_580, %gt3A_582 : vector<8x8xf32>
      %convert_element_type3A_584 = arith.extui %gt3A_583 : vector<8x8xi1> to vector<8x8xi32>
      %convert_element_type3A_585 = arith.sitofp %convert_element_type3A_584 : vector<8x8xi32> to vector<8x8xf32>
      %slice3A_586 = vector.extract_strided_slice %slice3A_541 {offsets = [0, 0], sizes = [1, 1], strides = [1, 1]} : vector<1x8xf32> to vector<1x1xf32>
      %slice3A_587 = vector.extract_strided_slice %convert_element_type3A_585 {offsets = [0, 0], sizes = [1, 8], strides = [1, 1]} : vector<8x8xf32> to vector<1x8xf32>
      %mul3A_588 = vector.broadcast %slice3A_586 : vector<1x1xf32> to vector<1x8xf32>
      %mul3A_589 = arith.mulf %slice3A_587, %mul3A_588 : vector<1x8xf32>
      %gt3A_590 = arith.constant 0 : i32
      %gt3A_591 = vector.broadcast %gt3A_590 : i32 to vector<1x8xi32>
      %gt3A_592 = arith.cmpi sgt, %iota3A, %gt3A_591 : vector<1x8xi32>
      %convert_element_type3A_593 = arith.extui %gt3A_592 : vector<1x8xi1> to vector<1x8xi32>
      %convert_element_type3A_594 = arith.sitofp %convert_element_type3A_593 : vector<1x8xi32> to vector<1x8xf32>
      %mul3A_595 = arith.mulf %mul3A_589, %convert_element_type3A_594 : vector<1x8xf32>
      %sub3A_596 = arith.constant 1.000000e+00 : f32
      %sub3A_597 = vector.broadcast %sub3A_596 : f32 to vector<1x8xf32>
      %sub3A_598 = arith.subf %sub3A_597, %mul3A_595 : vector<1x8xf32>
      %mul3A_599 = arith.mulf %slice3A_541, %sub3A_598 : vector<1x8xf32>
      %slice3A_600 = vector.extract_strided_slice %mul3A_599 {offsets = [0, 1], sizes = [1, 1], strides = [1, 1]} : vector<1x8xf32> to vector<1x1xf32>
      %slice3A_601 = vector.extract_strided_slice %convert_element_type3A_585 {offsets = [1, 0], sizes = [1, 8], strides = [1, 1]} : vector<8x8xf32> to vector<1x8xf32>
      %mul3A_602 = vector.broadcast %slice3A_600 : vector<1x1xf32> to vector<1x8xf32>
      %mul3A_603 = arith.mulf %slice3A_601, %mul3A_602 : vector<1x8xf32>
      %gt3A_604 = arith.constant 1 : i32
      %gt3A_605 = vector.broadcast %gt3A_604 : i32 to vector<1x8xi32>
      %gt3A_606 = arith.cmpi sgt, %iota3A, %gt3A_605 : vector<1x8xi32>
      %convert_element_type3A_607 = arith.extui %gt3A_606 : vector<1x8xi1> to vector<1x8xi32>
      %convert_element_type3A_608 = arith.sitofp %convert_element_type3A_607 : vector<1x8xi32> to vector<1x8xf32>
      %mul3A_609 = arith.mulf %mul3A_603, %convert_element_type3A_608 : vector<1x8xf32>
      %sub3A_610 = arith.constant 1.000000e+00 : f32
      %sub3A_611 = vector.broadcast %sub3A_610 : f32 to vector<1x8xf32>
      %sub3A_612 = arith.subf %sub3A_611, %mul3A_609 : vector<1x8xf32>
      %mul3A_613 = arith.mulf %mul3A_599, %sub3A_612 : vector<1x8xf32>
      %slice3A_614 = vector.extract_strided_slice %mul3A_613 {offsets = [0, 2], sizes = [1, 1], strides = [1, 1]} : vector<1x8xf32> to vector<1x1xf32>
      %slice3A_615 = vector.extract_strided_slice %convert_element_type3A_585 {offsets = [2, 0], sizes = [1, 8], strides = [1, 1]} : vector<8x8xf32> to vector<1x8xf32>
      %mul3A_616 = vector.broadcast %slice3A_614 : vector<1x1xf32> to vector<1x8xf32>
      %mul3A_617 = arith.mulf %slice3A_615, %mul3A_616 : vector<1x8xf32>
      %gt3A_618 = arith.constant 2 : i32
      %gt3A_619 = vector.broadcast %gt3A_618 : i32 to vector<1x8xi32>
      %gt3A_620 = arith.cmpi sgt, %iota3A, %gt3A_619 : vector<1x8xi32>
      %convert_element_type3A_621 = arith.extui %gt3A_620 : vector<1x8xi1> to vector<1x8xi32>
      %convert_element_type3A_622 = arith.sitofp %convert_element_type3A_621 : vector<1x8xi32> to vector<1x8xf32>
      %mul3A_623 = arith.mulf %mul3A_617, %convert_element_type3A_622 : vector<1x8xf32>
      %sub3A_624 = arith.constant 1.000000e+00 : f32
      %sub3A_625 = vector.broadcast %sub3A_624 : f32 to vector<1x8xf32>
      %sub3A_626 = arith.subf %sub3A_625, %mul3A_623 : vector<1x8xf32>
      %mul3A_627 = arith.mulf %mul3A_613, %sub3A_626 : vector<1x8xf32>
      %slice3A_628 = vector.extract_strided_slice %mul3A_627 {offsets = [0, 3], sizes = [1, 1], strides = [1, 1]} : vector<1x8xf32> to vector<1x1xf32>
      %slice3A_629 = vector.extract_strided_slice %convert_element_type3A_585 {offsets = [3, 0], sizes = [1, 8], strides = [1, 1]} : vector<8x8xf32> to vector<1x8xf32>
      %mul3A_630 = vector.broadcast %slice3A_628 : vector<1x1xf32> to vector<1x8xf32>
      %mul3A_631 = arith.mulf %slice3A_629, %mul3A_630 : vector<1x8xf32>
      %gt3A_632 = arith.constant 3 : i32
      %gt3A_633 = vector.broadcast %gt3A_632 : i32 to vector<1x8xi32>
      %gt3A_634 = arith.cmpi sgt, %iota3A, %gt3A_633 : vector<1x8xi32>
      %convert_element_type3A_635 = arith.extui %gt3A_634 : vector<1x8xi1> to vector<1x8xi32>
      %convert_element_type3A_636 = arith.sitofp %convert_element_type3A_635 : vector<1x8xi32> to vector<1x8xf32>
      %mul3A_637 = arith.mulf %mul3A_631, %convert_element_type3A_636 : vector<1x8xf32>
      %sub3A_638 = arith.constant 1.000000e+00 : f32
      %sub3A_639 = vector.broadcast %sub3A_638 : f32 to vector<1x8xf32>
      %sub3A_640 = arith.subf %sub3A_639, %mul3A_637 : vector<1x8xf32>
      %mul3A_641 = arith.mulf %mul3A_627, %sub3A_640 : vector<1x8xf32>
      %slice3A_642 = vector.extract_strided_slice %mul3A_641 {offsets = [0, 4], sizes = [1, 1], strides = [1, 1]} : vector<1x8xf32> to vector<1x1xf32>
      %slice3A_643 = vector.extract_strided_slice %convert_element_type3A_585 {offsets = [4, 0], sizes = [1, 8], strides = [1, 1]} : vector<8x8xf32> to vector<1x8xf32>
      %mul3A_644 = vector.broadcast %slice3A_642 : vector<1x1xf32> to vector<1x8xf32>
      %mul3A_645 = arith.mulf %slice3A_643, %mul3A_644 : vector<1x8xf32>
      %gt3A_646 = arith.constant 4 : i32
      %gt3A_647 = vector.broadcast %gt3A_646 : i32 to vector<1x8xi32>
      %gt3A_648 = arith.cmpi sgt, %iota3A, %gt3A_647 : vector<1x8xi32>
      %convert_element_type3A_649 = arith.extui %gt3A_648 : vector<1x8xi1> to vector<1x8xi32>
      %convert_element_type3A_650 = arith.sitofp %convert_element_type3A_649 : vector<1x8xi32> to vector<1x8xf32>
      %mul3A_651 = arith.mulf %mul3A_645, %convert_element_type3A_650 : vector<1x8xf32>
      %sub3A_652 = arith.constant 1.000000e+00 : f32
      %sub3A_653 = vector.broadcast %sub3A_652 : f32 to vector<1x8xf32>
      %sub3A_654 = arith.subf %sub3A_653, %mul3A_651 : vector<1x8xf32>
      %mul3A_655 = arith.mulf %mul3A_641, %sub3A_654 : vector<1x8xf32>
      %slice3A_656 = vector.extract_strided_slice %mul3A_655 {offsets = [0, 5], sizes = [1, 1], strides = [1, 1]} : vector<1x8xf32> to vector<1x1xf32>
      %slice3A_657 = vector.extract_strided_slice %convert_element_type3A_585 {offsets = [5, 0], sizes = [1, 8], strides = [1, 1]} : vector<8x8xf32> to vector<1x8xf32>
      %mul3A_658 = vector.broadcast %slice3A_656 : vector<1x1xf32> to vector<1x8xf32>
      %mul3A_659 = arith.mulf %slice3A_657, %mul3A_658 : vector<1x8xf32>
      %gt3A_660 = arith.constant 5 : i32
      %gt3A_661 = vector.broadcast %gt3A_660 : i32 to vector<1x8xi32>
      %gt3A_662 = arith.cmpi sgt, %iota3A, %gt3A_661 : vector<1x8xi32>
      %convert_element_type3A_663 = arith.extui %gt3A_662 : vector<1x8xi1> to vector<1x8xi32>
      %convert_element_type3A_664 = arith.sitofp %convert_element_type3A_663 : vector<1x8xi32> to vector<1x8xf32>
      %mul3A_665 = arith.mulf %mul3A_659, %convert_element_type3A_664 : vector<1x8xf32>
      %sub3A_666 = arith.constant 1.000000e+00 : f32
      %sub3A_667 = vector.broadcast %sub3A_666 : f32 to vector<1x8xf32>
      %sub3A_668 = arith.subf %sub3A_667, %mul3A_665 : vector<1x8xf32>
      %mul3A_669 = arith.mulf %mul3A_655, %sub3A_668 : vector<1x8xf32>
      %slice3A_670 = vector.extract_strided_slice %mul3A_669 {offsets = [0, 6], sizes = [1, 1], strides = [1, 1]} : vector<1x8xf32> to vector<1x1xf32>
      %slice3A_671 = vector.extract_strided_slice %convert_element_type3A_585 {offsets = [6, 0], sizes = [1, 8], strides = [1, 1]} : vector<8x8xf32> to vector<1x8xf32>
      %mul3A_672 = vector.broadcast %slice3A_670 : vector<1x1xf32> to vector<1x8xf32>
      %mul3A_673 = arith.mulf %slice3A_671, %mul3A_672 : vector<1x8xf32>
      %gt3A_674 = arith.constant 6 : i32
      %gt3A_675 = vector.broadcast %gt3A_674 : i32 to vector<1x8xi32>
      %gt3A_676 = arith.cmpi sgt, %iota3A, %gt3A_675 : vector<1x8xi32>
      %convert_element_type3A_677 = arith.extui %gt3A_676 : vector<1x8xi1> to vector<1x8xi32>
      %convert_element_type3A_678 = arith.sitofp %convert_element_type3A_677 : vector<1x8xi32> to vector<1x8xf32>
      %mul3A_679 = arith.mulf %mul3A_673, %convert_element_type3A_678 : vector<1x8xf32>
      %sub3A_680 = arith.constant 1.000000e+00 : f32
      %sub3A_681 = vector.broadcast %sub3A_680 : f32 to vector<1x8xf32>
      %sub3A_682 = arith.subf %sub3A_681, %mul3A_679 : vector<1x8xf32>
      %mul3A_683 = arith.mulf %mul3A_669, %sub3A_682 : vector<1x8xf32>
      %slice3A_684 = vector.extract_strided_slice %mul3A_683 {offsets = [0, 7], sizes = [1, 1], strides = [1, 1]} : vector<1x8xf32> to vector<1x1xf32>
      %slice3A_685 = vector.extract_strided_slice %convert_element_type3A_585 {offsets = [7, 0], sizes = [1, 8], strides = [1, 1]} : vector<8x8xf32> to vector<1x8xf32>
      %mul3A_686 = vector.broadcast %slice3A_684 : vector<1x1xf32> to vector<1x8xf32>
      %mul3A_687 = arith.mulf %slice3A_685, %mul3A_686 : vector<1x8xf32>
      %gt3A_688 = arith.constant 7 : i32
      %gt3A_689 = vector.broadcast %gt3A_688 : i32 to vector<1x8xi32>
      %gt3A_690 = arith.cmpi sgt, %iota3A, %gt3A_689 : vector<1x8xi32>
      %convert_element_type3A_691 = arith.extui %gt3A_690 : vector<1x8xi1> to vector<1x8xi32>
      %convert_element_type3A_692 = arith.sitofp %convert_element_type3A_691 : vector<1x8xi32> to vector<1x8xf32>
      %mul3A_693 = arith.mulf %mul3A_687, %convert_element_type3A_692 : vector<1x8xf32>
      %sub3A_694 = arith.constant 1.000000e+00 : f32
      %sub3A_695 = vector.broadcast %sub3A_694 : f32 to vector<1x8xf32>
      %sub3A_696 = arith.subf %sub3A_695, %mul3A_693 : vector<1x8xf32>
      %mul3A_697 = arith.mulf %mul3A_683, %sub3A_696 : vector<1x8xf32>
      %broadcast_in_dim3A_698 = vector.shape_cast %mul3A_697 : vector<1x8xf32> to vector<1x8xf32>
      %broadcast_in_dim3A_699 = vector.broadcast %broadcast_in_dim3A_698 : vector<1x8xf32> to vector<8x8xf32>
      %mul3A_700 = arith.mulf %broadcast_in_dim3A_699, %convert_element_type3A_58 : vector<8x8xf32>
      %reduce_sum3A_701 = arith.constant dense<0.000000e+00> : vector<8xf32>
      %reduce_sum3A_702 = vector.multi_reduction <add>, %mul3A_700, %reduce_sum3A_701 [1] : vector<8x8xf32> to vector<8xf32>
      %broadcast_in_dim3A_703 = vector.shape_cast %reduce_sum3A_702 : vector<8xf32> to vector<8x1xf32>
      %sub3A_704 = arith.constant 1.000000e+00 : f32
      %sub3A_705 = vector.broadcast %sub3A_704 : f32 to vector<8x1xf32>
      %sub3A_706 = arith.subf %sub3A_705, %broadcast_in_dim3A_703 : vector<8x1xf32>
      %mul3A_707 = arith.constant 1.000000e+09 : f32
      %mul3A_708 = vector.broadcast %mul3A_707 : f32 to vector<8x1xf32>
      %mul3A_709 = arith.mulf %sub3A_706, %mul3A_708 : vector<8x1xf32>
      %add3A_710 = arith.addf %slice3A_542, %mul3A_709 : vector<8x1xf32>
      %min3A_711 = vector.broadcast %slice3A_544 : vector<8x1xf32> to vector<8x5120xf32>
      %min3A_712 = vector.broadcast %get3A_46 : vector<1x5120xf32> to vector<8x5120xf32>
      %min3A_713 = arith.minimumf %min3A_711, %min3A_712 : vector<8x5120xf32>
      %max3A_714 = vector.broadcast %add3A_710 : vector<8x1xf32> to vector<8x5120xf32>
      %max3A_715 = vector.broadcast %get3A_40 : vector<1x5120xf32> to vector<8x5120xf32>
      %max3A_716 = arith.maximumf %max3A_714, %max3A_715 : vector<8x5120xf32>
      %sub3A_717 = arith.subf %min3A_713, %max3A_716 : vector<8x5120xf32>
      %max3A_718 = arith.constant 0.000000e+00 : f32
      %max3A_719 = vector.broadcast %max3A_718 : f32 to vector<8x5120xf32>
      %max3A_720 = arith.maximumf %sub3A_717, %max3A_719 : vector<8x5120xf32>
      %min3A_721 = vector.broadcast %slice3A_545 : vector<8x1xf32> to vector<8x5120xf32>
      %min3A_722 = vector.broadcast %get3A_49 : vector<1x5120xf32> to vector<8x5120xf32>
      %min3A_723 = arith.minimumf %min3A_721, %min3A_722 : vector<8x5120xf32>
      %max3A_724 = vector.broadcast %slice3A_543 : vector<8x1xf32> to vector<8x5120xf32>
      %max3A_725 = vector.broadcast %get3A_43 : vector<1x5120xf32> to vector<8x5120xf32>
      %max3A_726 = arith.maximumf %max3A_724, %max3A_725 : vector<8x5120xf32>
      %sub3A_727 = arith.subf %min3A_723, %max3A_726 : vector<8x5120xf32>
      %max3A_728 = arith.constant 0.000000e+00 : f32
      %max3A_729 = vector.broadcast %max3A_728 : f32 to vector<8x5120xf32>
      %max3A_730 = arith.maximumf %sub3A_727, %max3A_729 : vector<8x5120xf32>
      %mul3A_731 = arith.mulf %max3A_720, %max3A_730 : vector<8x5120xf32>
      %add3A_732 = vector.broadcast %slice3A_546 : vector<8x1xf32> to vector<8x5120xf32>
      %add3A_733 = vector.broadcast %get3A_52 : vector<1x5120xf32> to vector<8x5120xf32>
      %add3A_734 = arith.addf %add3A_732, %add3A_733 : vector<8x5120xf32>
      %sub3A_735 = arith.subf %add3A_734, %mul3A_731 : vector<8x5120xf32>
      %add3A_736 = arith.constant 1.000000e-07 : f32
      %add3A_737 = vector.broadcast %add3A_736 : f32 to vector<8x5120xf32>
      %add3A_738 = arith.addf %sub3A_735, %add3A_737 : vector<8x5120xf32>
      %div3A_739 = arith.divf %mul3A_731, %add3A_738 : vector<8x5120xf32>
      %reduce_max3A_740 = arith.constant dense<0xFF800000> : vector<5120xf32>
      %reduce_max3A_741 = vector.multi_reduction <maximumf>, %div3A_739, %reduce_max3A_740 [0] : vector<8x5120xf32> to vector<5120xf32>
      %broadcast_in_dim3A_742 = vector.shape_cast %reduce_max3A_741 : vector<5120xf32> to vector<1x5120xf32>
      %gt3A_743 = arith.constant 4.500000e-01 : f32
      %gt3A_744 = vector.broadcast %gt3A_743 : f32 to vector<1x5120xf32>
      %gt3A_745 = arith.cmpf ogt, %broadcast_in_dim3A_742, %gt3A_744 : vector<1x5120xf32>
      %add3A_746 = arith.constant 16 : i32
      %add3A_747 = arith.addi %mul3A_2, %add3A_746 : i32
      %add3A_748 = arith.constant 8 : i32
      %add3A_749 = arith.addi %add3A_747, %add3A_748 : i32
      %ge3A_750 = vector.broadcast %add3A_749 : i32 to vector<1x5120xi32>
      %ge3A_751 = arith.cmpi sge, %iota3A_53, %ge3A_750 : vector<1x5120xi32>
      %get3A_752 = arith.constant 0 : index
      %get3A_753 = arith.constant 0 : index
      %get3A_754 = vector.load %arg4[%get3A_752, %get3A_753] : memref<1x5120xf32, #tpu.memory_space<vmem>>, vector<1x5120xf32>
      %and3A_755 = arith.andi %gt3A_745, %ge3A_751 : vector<1x5120xi1>
      %convert_element_type3A_756 = arith.extui %and3A_755 : vector<1x5120xi1> to vector<1x5120xi32>
      %convert_element_type3A_757 = arith.sitofp %convert_element_type3A_756 : vector<1x5120xi32> to vector<1x5120xf32>
      %sub3A_758 = arith.constant 1.000000e+00 : f32
      %sub3A_759 = vector.broadcast %sub3A_758 : f32 to vector<1x5120xf32>
      %sub3A_760 = arith.subf %sub3A_759, %convert_element_type3A_757 : vector<1x5120xf32>
      %mul3A_761 = arith.mulf %get3A_754, %sub3A_760 : vector<1x5120xf32>
      %swap3A_762 = arith.constant 0 : index
      %swap3A_763 = arith.constant 0 : index
      %swap3A_764 = vector.load %arg4[%swap3A_762, %swap3A_763] : memref<1x5120xf32, #tpu.memory_space<vmem>>, vector<1x5120xf32>
      tpu.vector_store %arg4[%swap3A_762, %swap3A_763], %mul3A_761 {strides = array<i32>} : memref<1x5120xf32, #tpu.memory_space<vmem>>, vector<1x5120xf32>,
      %get3A_765 = arith.constant 0 : index
      %get3A_766 = arith.index_cast %mul3A_2 : i32 to index
      %get3A_767 = vector.load %arg4[%get3A_765, %get3A_766] : memref<1x5120xf32, #tpu.memory_space<vmem>>, vector<1x128xf32>
      %iota3A_768 = tpu.iota {dimensions = array<i32: 1>} : vector<1x128xi32>
      %ge3A_769 = arith.constant 16 : i32
      %ge3A_770 = vector.broadcast %ge3A_769 : i32 to vector<1x128xi32>
      %ge3A_771 = arith.cmpi sge, %iota3A_768, %ge3A_770 : vector<1x128xi32>
      %lt3A_772 = arith.constant 24 : i32
      %lt3A_773 = vector.broadcast %lt3A_772 : i32 to vector<1x128xi32>
      %lt3A_774 = arith.cmpi slt, %iota3A_768, %lt3A_773 : vector<1x128xi32>
      %and3A_775 = arith.andi %ge3A_771, %lt3A_774 : vector<1x128xi1>
      %jit3A_776 = arith.constant 0 : i32
      %convert_element_type3A_777 = arith.sitofp %jit3A_776 : i32 to f32
      %pad3A_778 = vector.broadcast %convert_element_type3A_777 : f32 to vector<1x16xf32>
      %pad3A_779 = tpu.concatenate %pad3A_778, %mul3A_697 in 1 : vector<1x16xf32>, vector<1x8xf32> -> vector<1x24xf32>
      %pad3A_780 = vector.broadcast %convert_element_type3A_777 : f32 to vector<1x104xf32>
      %pad3A_781 = tpu.concatenate %pad3A_779, %pad3A_780 in 1 : vector<1x24xf32>, vector<1x104xf32> -> vector<1x128xf32>
      %select_n3A_782 = arith.select %and3A_775, %pad3A_781, %get3A_767 : vector<1x128xi1>, vector<1x128xf32>
      %swap3A_783 = arith.constant 0 : index
      %swap3A_784 = arith.index_cast %mul3A_2 : i32 to index
      %swap3A_785 = vector.load %arg4[%swap3A_783, %swap3A_784] : memref<1x5120xf32, #tpu.memory_space<vmem>>, vector<1x128xf32>
      tpu.vector_store %arg4[%swap3A_783, %swap3A_784], %select_n3A_782 {strides = array<i32>} : memref<1x5120xf32, #tpu.memory_space<vmem>>, vector<1x128xf32>,
      %get3A_786 = arith.constant 0 : index
      %get3A_787 = arith.index_cast %mul3A_2 : i32 to index
      %get3A_788 = vector.load %arg4[%get3A_786, %get3A_787] : memref<1x5120xf32, #tpu.memory_space<vmem>>, vector<1x128xf32>
      %slice3A_789 = vector.extract_strided_slice %get3A_788 {offsets = [0, 24], sizes = [1, 8], strides = [1, 1]} : vector<1x128xf32> to vector<1x8xf32>
      %slice3A_790 = vector.extract_strided_slice %get3A_22 {offsets = [0, 15], sizes = [8, 1], strides = [1, 1]} : vector<8x128xf32> to vector<8x1xf32>
      %slice3A_791 = vector.extract_strided_slice %get3A_22 {offsets = [0, 16], sizes = [8, 1], strides = [1, 1]} : vector<8x128xf32> to vector<8x1xf32>
      %slice3A_792 = vector.extract_strided_slice %get3A_22 {offsets = [0, 17], sizes = [8, 1], strides = [1, 1]} : vector<8x128xf32> to vector<8x1xf32>
      %slice3A_793 = vector.extract_strided_slice %get3A_22 {offsets = [0, 18], sizes = [8, 1], strides = [1, 1]} : vector<8x128xf32> to vector<8x1xf32>
      %slice3A_794 = vector.extract_strided_slice %get3A_22 {offsets = [0, 19], sizes = [8, 1], strides = [1, 1]} : vector<8x128xf32> to vector<8x1xf32>
      %slice3A_795 = vector.extract_strided_slice %get3A_25 {offsets = [0, 24], sizes = [1, 8], strides = [1, 1]} : vector<1x128xf32> to vector<1x8xf32>
      %slice3A_796 = vector.extract_strided_slice %get3A_28 {offsets = [0, 24], sizes = [1, 8], strides = [1, 1]} : vector<1x128xf32> to vector<1x8xf32>
      %slice3A_797 = vector.extract_strided_slice %get3A_31 {offsets = [0, 24], sizes = [1, 8], strides = [1, 1]} : vector<1x128xf32> to vector<1x8xf32>
      %slice3A_798 = vector.extract_strided_slice %get3A_34 {offsets = [0, 24], sizes = [1, 8], strides = [1, 1]} : vector<1x128xf32> to vector<1x8xf32>
      %slice3A_799 = vector.extract_strided_slice %get3A_37 {offsets = [0, 24], sizes = [1, 8], strides = [1, 1]} : vector<1x128xf32> to vector<1x8xf32>
      %min3A_800 = vector.broadcast %slice3A_792 : vector<8x1xf32> to vector<8x8xf32>
      %min3A_801 = vector.broadcast %slice3A_797 : vector<1x8xf32> to vector<8x8xf32>
      %min3A_802 = arith.minimumf %min3A_800, %min3A_801 : vector<8x8xf32>
      %max3A_803 = vector.broadcast %slice3A_790 : vector<8x1xf32> to vector<8x8xf32>
      %max3A_804 = vector.broadcast %slice3A_795 : vector<1x8xf32> to vector<8x8xf32>
      %max3A_805 = arith.maximumf %max3A_803, %max3A_804 : vector<8x8xf32>
      %sub3A_806 = arith.subf %min3A_802, %max3A_805 : vector<8x8xf32>
      %max3A_807 = arith.constant 0.000000e+00 : f32
      %max3A_808 = vector.broadcast %max3A_807 : f32 to vector<8x8xf32>
      %max3A_809 = arith.maximumf %sub3A_806, %max3A_808 : vector<8x8xf32>
      %min3A_810 = vector.broadcast %slice3A_793 : vector<8x1xf32> to vector<8x8xf32>
      %min3A_811 = vector.broadcast %slice3A_798 : vector<1x8xf32> to vector<8x8xf32>
      %min3A_812 = arith.minimumf %min3A_810, %min3A_811 : vector<8x8xf32>
      %max3A_813 = vector.broadcast %slice3A_791 : vector<8x1xf32> to vector<8x8xf32>
      %max3A_814 = vector.broadcast %slice3A_796 : vector<1x8xf32> to vector<8x8xf32>
      %max3A_815 = arith.maximumf %max3A_813, %max3A_814 : vector<8x8xf32>
      %sub3A_816 = arith.subf %min3A_812, %max3A_815 : vector<8x8xf32>
      %max3A_817 = arith.constant 0.000000e+00 : f32
      %max3A_818 = vector.broadcast %max3A_817 : f32 to vector<8x8xf32>
      %max3A_819 = arith.maximumf %sub3A_816, %max3A_818 : vector<8x8xf32>
      %mul3A_820 = arith.mulf %max3A_809, %max3A_819 : vector<8x8xf32>
      %add3A_821 = vector.broadcast %slice3A_794 : vector<8x1xf32> to vector<8x8xf32>
      %add3A_822 = vector.broadcast %slice3A_799 : vector<1x8xf32> to vector<8x8xf32>
      %add3A_823 = arith.addf %add3A_821, %add3A_822 : vector<8x8xf32>
      %sub3A_824 = arith.subf %add3A_823, %mul3A_820 : vector<8x8xf32>
      %add3A_825 = arith.constant 1.000000e-07 : f32
      %add3A_826 = vector.broadcast %add3A_825 : f32 to vector<8x8xf32>
      %add3A_827 = arith.addf %sub3A_824, %add3A_826 : vector<8x8xf32>
      %div3A_828 = arith.divf %mul3A_820, %add3A_827 : vector<8x8xf32>
      %gt3A_829 = arith.constant 4.500000e-01 : f32
      %gt3A_830 = vector.broadcast %gt3A_829 : f32 to vector<8x8xf32>
      %gt3A_831 = arith.cmpf ogt, %div3A_828, %gt3A_830 : vector<8x8xf32>
      %convert_element_type3A_832 = arith.extui %gt3A_831 : vector<8x8xi1> to vector<8x8xi32>
      %convert_element_type3A_833 = arith.sitofp %convert_element_type3A_832 : vector<8x8xi32> to vector<8x8xf32>
      %slice3A_834 = vector.extract_strided_slice %slice3A_789 {offsets = [0, 0], sizes = [1, 1], strides = [1, 1]} : vector<1x8xf32> to vector<1x1xf32>
      %slice3A_835 = vector.extract_strided_slice %convert_element_type3A_833 {offsets = [0, 0], sizes = [1, 8], strides = [1, 1]} : vector<8x8xf32> to vector<1x8xf32>
      %mul3A_836 = vector.broadcast %slice3A_834 : vector<1x1xf32> to vector<1x8xf32>
      %mul3A_837 = arith.mulf %slice3A_835, %mul3A_836 : vector<1x8xf32>
      %gt3A_838 = arith.constant 0 : i32
      %gt3A_839 = vector.broadcast %gt3A_838 : i32 to vector<1x8xi32>
      %gt3A_840 = arith.cmpi sgt, %iota3A, %gt3A_839 : vector<1x8xi32>
      %convert_element_type3A_841 = arith.extui %gt3A_840 : vector<1x8xi1> to vector<1x8xi32>
      %convert_element_type3A_842 = arith.sitofp %convert_element_type3A_841 : vector<1x8xi32> to vector<1x8xf32>
      %mul3A_843 = arith.mulf %mul3A_837, %convert_element_type3A_842 : vector<1x8xf32>
      %sub3A_844 = arith.constant 1.000000e+00 : f32
      %sub3A_845 = vector.broadcast %sub3A_844 : f32 to vector<1x8xf32>
      %sub3A_846 = arith.subf %sub3A_845, %mul3A_843 : vector<1x8xf32>
      %mul3A_847 = arith.mulf %slice3A_789, %sub3A_846 : vector<1x8xf32>
      %slice3A_848 = vector.extract_strided_slice %mul3A_847 {offsets = [0, 1], sizes = [1, 1], strides = [1, 1]} : vector<1x8xf32> to vector<1x1xf32>
      %slice3A_849 = vector.extract_strided_slice %convert_element_type3A_833 {offsets = [1, 0], sizes = [1, 8], strides = [1, 1]} : vector<8x8xf32> to vector<1x8xf32>
      %mul3A_850 = vector.broadcast %slice3A_848 : vector<1x1xf32> to vector<1x8xf32>
      %mul3A_851 = arith.mulf %slice3A_849, %mul3A_850 : vector<1x8xf32>
      %gt3A_852 = arith.constant 1 : i32
      %gt3A_853 = vector.broadcast %gt3A_852 : i32 to vector<1x8xi32>
      %gt3A_854 = arith.cmpi sgt, %iota3A, %gt3A_853 : vector<1x8xi32>
      %convert_element_type3A_855 = arith.extui %gt3A_854 : vector<1x8xi1> to vector<1x8xi32>
      %convert_element_type3A_856 = arith.sitofp %convert_element_type3A_855 : vector<1x8xi32> to vector<1x8xf32>
      %mul3A_857 = arith.mulf %mul3A_851, %convert_element_type3A_856 : vector<1x8xf32>
      %sub3A_858 = arith.constant 1.000000e+00 : f32
      %sub3A_859 = vector.broadcast %sub3A_858 : f32 to vector<1x8xf32>
      %sub3A_860 = arith.subf %sub3A_859, %mul3A_857 : vector<1x8xf32>
      %mul3A_861 = arith.mulf %mul3A_847, %sub3A_860 : vector<1x8xf32>
      %slice3A_862 = vector.extract_strided_slice %mul3A_861 {offsets = [0, 2], sizes = [1, 1], strides = [1, 1]} : vector<1x8xf32> to vector<1x1xf32>
      %slice3A_863 = vector.extract_strided_slice %convert_element_type3A_833 {offsets = [2, 0], sizes = [1, 8], strides = [1, 1]} : vector<8x8xf32> to vector<1x8xf32>
      %mul3A_864 = vector.broadcast %slice3A_862 : vector<1x1xf32> to vector<1x8xf32>
      %mul3A_865 = arith.mulf %slice3A_863, %mul3A_864 : vector<1x8xf32>
      %gt3A_866 = arith.constant 2 : i32
      %gt3A_867 = vector.broadcast %gt3A_866 : i32 to vector<1x8xi32>
      %gt3A_868 = arith.cmpi sgt, %iota3A, %gt3A_867 : vector<1x8xi32>
      %convert_element_type3A_869 = arith.extui %gt3A_868 : vector<1x8xi1> to vector<1x8xi32>
      %convert_element_type3A_870 = arith.sitofp %convert_element_type3A_869 : vector<1x8xi32> to vector<1x8xf32>
      %mul3A_871 = arith.mulf %mul3A_865, %convert_element_type3A_870 : vector<1x8xf32>
      %sub3A_872 = arith.constant 1.000000e+00 : f32
      %sub3A_873 = vector.broadcast %sub3A_872 : f32 to vector<1x8xf32>
      %sub3A_874 = arith.subf %sub3A_873, %mul3A_871 : vector<1x8xf32>
      %mul3A_875 = arith.mulf %mul3A_861, %sub3A_874 : vector<1x8xf32>
      %slice3A_876 = vector.extract_strided_slice %mul3A_875 {offsets = [0, 3], sizes = [1, 1], strides = [1, 1]} : vector<1x8xf32> to vector<1x1xf32>
      %slice3A_877 = vector.extract_strided_slice %convert_element_type3A_833 {offsets = [3, 0], sizes = [1, 8], strides = [1, 1]} : vector<8x8xf32> to vector<1x8xf32>
      %mul3A_878 = vector.broadcast %slice3A_876 : vector<1x1xf32> to vector<1x8xf32>
      %mul3A_879 = arith.mulf %slice3A_877, %mul3A_878 : vector<1x8xf32>
      %gt3A_880 = arith.constant 3 : i32
      %gt3A_881 = vector.broadcast %gt3A_880 : i32 to vector<1x8xi32>
      %gt3A_882 = arith.cmpi sgt, %iota3A, %gt3A_881 : vector<1x8xi32>
      %convert_element_type3A_883 = arith.extui %gt3A_882 : vector<1x8xi1> to vector<1x8xi32>
      %convert_element_type3A_884 = arith.sitofp %convert_element_type3A_883 : vector<1x8xi32> to vector<1x8xf32>
      %mul3A_885 = arith.mulf %mul3A_879, %convert_element_type3A_884 : vector<1x8xf32>
      %sub3A_886 = arith.constant 1.000000e+00 : f32
      %sub3A_887 = vector.broadcast %sub3A_886 : f32 to vector<1x8xf32>
      %sub3A_888 = arith.subf %sub3A_887, %mul3A_885 : vector<1x8xf32>
      %mul3A_889 = arith.mulf %mul3A_875, %sub3A_888 : vector<1x8xf32>
      %slice3A_890 = vector.extract_strided_slice %mul3A_889 {offsets = [0, 4], sizes = [1, 1], strides = [1, 1]} : vector<1x8xf32> to vector<1x1xf32>
      %slice3A_891 = vector.extract_strided_slice %convert_element_type3A_833 {offsets = [4, 0], sizes = [1, 8], strides = [1, 1]} : vector<8x8xf32> to vector<1x8xf32>
      %mul3A_892 = vector.broadcast %slice3A_890 : vector<1x1xf32> to vector<1x8xf32>
      %mul3A_893 = arith.mulf %slice3A_891, %mul3A_892 : vector<1x8xf32>
      %gt3A_894 = arith.constant 4 : i32
      %gt3A_895 = vector.broadcast %gt3A_894 : i32 to vector<1x8xi32>
      %gt3A_896 = arith.cmpi sgt, %iota3A, %gt3A_895 : vector<1x8xi32>
      %convert_element_type3A_897 = arith.extui %gt3A_896 : vector<1x8xi1> to vector<1x8xi32>
      %convert_element_type3A_898 = arith.sitofp %convert_element_type3A_897 : vector<1x8xi32> to vector<1x8xf32>
      %mul3A_899 = arith.mulf %mul3A_893, %convert_element_type3A_898 : vector<1x8xf32>
      %sub3A_900 = arith.constant 1.000000e+00 : f32
      %sub3A_901 = vector.broadcast %sub3A_900 : f32 to vector<1x8xf32>
      %sub3A_902 = arith.subf %sub3A_901, %mul3A_899 : vector<1x8xf32>
      %mul3A_903 = arith.mulf %mul3A_889, %sub3A_902 : vector<1x8xf32>
      %slice3A_904 = vector.extract_strided_slice %mul3A_903 {offsets = [0, 5], sizes = [1, 1], strides = [1, 1]} : vector<1x8xf32> to vector<1x1xf32>
      %slice3A_905 = vector.extract_strided_slice %convert_element_type3A_833 {offsets = [5, 0], sizes = [1, 8], strides = [1, 1]} : vector<8x8xf32> to vector<1x8xf32>
      %mul3A_906 = vector.broadcast %slice3A_904 : vector<1x1xf32> to vector<1x8xf32>
      %mul3A_907 = arith.mulf %slice3A_905, %mul3A_906 : vector<1x8xf32>
      %gt3A_908 = arith.constant 5 : i32
      %gt3A_909 = vector.broadcast %gt3A_908 : i32 to vector<1x8xi32>
      %gt3A_910 = arith.cmpi sgt, %iota3A, %gt3A_909 : vector<1x8xi32>
      %convert_element_type3A_911 = arith.extui %gt3A_910 : vector<1x8xi1> to vector<1x8xi32>
      %convert_element_type3A_912 = arith.sitofp %convert_element_type3A_911 : vector<1x8xi32> to vector<1x8xf32>
      %mul3A_913 = arith.mulf %mul3A_907, %convert_element_type3A_912 : vector<1x8xf32>
      %sub3A_914 = arith.constant 1.000000e+00 : f32
      %sub3A_915 = vector.broadcast %sub3A_914 : f32 to vector<1x8xf32>
      %sub3A_916 = arith.subf %sub3A_915, %mul3A_913 : vector<1x8xf32>
      %mul3A_917 = arith.mulf %mul3A_903, %sub3A_916 : vector<1x8xf32>
      %slice3A_918 = vector.extract_strided_slice %mul3A_917 {offsets = [0, 6], sizes = [1, 1], strides = [1, 1]} : vector<1x8xf32> to vector<1x1xf32>
      %slice3A_919 = vector.extract_strided_slice %convert_element_type3A_833 {offsets = [6, 0], sizes = [1, 8], strides = [1, 1]} : vector<8x8xf32> to vector<1x8xf32>
      %mul3A_920 = vector.broadcast %slice3A_918 : vector<1x1xf32> to vector<1x8xf32>
      %mul3A_921 = arith.mulf %slice3A_919, %mul3A_920 : vector<1x8xf32>
      %gt3A_922 = arith.constant 6 : i32
      %gt3A_923 = vector.broadcast %gt3A_922 : i32 to vector<1x8xi32>
      %gt3A_924 = arith.cmpi sgt, %iota3A, %gt3A_923 : vector<1x8xi32>
      %convert_element_type3A_925 = arith.extui %gt3A_924 : vector<1x8xi1> to vector<1x8xi32>
      %convert_element_type3A_926 = arith.sitofp %convert_element_type3A_925 : vector<1x8xi32> to vector<1x8xf32>
      %mul3A_927 = arith.mulf %mul3A_921, %convert_element_type3A_926 : vector<1x8xf32>
      %sub3A_928 = arith.constant 1.000000e+00 : f32
      %sub3A_929 = vector.broadcast %sub3A_928 : f32 to vector<1x8xf32>
      %sub3A_930 = arith.subf %sub3A_929, %mul3A_927 : vector<1x8xf32>
      %mul3A_931 = arith.mulf %mul3A_917, %sub3A_930 : vector<1x8xf32>
      %slice3A_932 = vector.extract_strided_slice %mul3A_931 {offsets = [0, 7], sizes = [1, 1], strides = [1, 1]} : vector<1x8xf32> to vector<1x1xf32>
      %slice3A_933 = vector.extract_strided_slice %convert_element_type3A_833 {offsets = [7, 0], sizes = [1, 8], strides = [1, 1]} : vector<8x8xf32> to vector<1x8xf32>
      %mul3A_934 = vector.broadcast %slice3A_932 : vector<1x1xf32> to vector<1x8xf32>
      %mul3A_935 = arith.mulf %slice3A_933, %mul3A_934 : vector<1x8xf32>
      %gt3A_936 = arith.constant 7 : i32
      %gt3A_937 = vector.broadcast %gt3A_936 : i32 to vector<1x8xi32>
      %gt3A_938 = arith.cmpi sgt, %iota3A, %gt3A_937 : vector<1x8xi32>
      %convert_element_type3A_939 = arith.extui %gt3A_938 : vector<1x8xi1> to vector<1x8xi32>
      %convert_element_type3A_940 = arith.sitofp %convert_element_type3A_939 : vector<1x8xi32> to vector<1x8xf32>
      %mul3A_941 = arith.mulf %mul3A_935, %convert_element_type3A_940 : vector<1x8xf32>
      %sub3A_942 = arith.constant 1.000000e+00 : f32
      %sub3A_943 = vector.broadcast %sub3A_942 : f32 to vector<1x8xf32>
      %sub3A_944 = arith.subf %sub3A_943, %mul3A_941 : vector<1x8xf32>
      %mul3A_945 = arith.mulf %mul3A_931, %sub3A_944 : vector<1x8xf32>
      %broadcast_in_dim3A_946 = vector.shape_cast %mul3A_945 : vector<1x8xf32> to vector<1x8xf32>
      %broadcast_in_dim3A_947 = vector.broadcast %broadcast_in_dim3A_946 : vector<1x8xf32> to vector<8x8xf32>
      %mul3A_948 = arith.mulf %broadcast_in_dim3A_947, %convert_element_type3A_58 : vector<8x8xf32>
      %reduce_sum3A_949 = arith.constant dense<0.000000e+00> : vector<8xf32>
      %reduce_sum3A_950 = vector.multi_reduction <add>, %mul3A_948, %reduce_sum3A_949 [1] : vector<8x8xf32> to vector<8xf32>
      %broadcast_in_dim3A_951 = vector.shape_cast %reduce_sum3A_950 : vector<8xf32> to vector<8x1xf32>
      %sub3A_952 = arith.constant 1.000000e+00 : f32
      %sub3A_953 = vector.broadcast %sub3A_952 : f32 to vector<8x1xf32>
      %sub3A_954 = arith.subf %sub3A_953, %broadcast_in_dim3A_951 : vector<8x1xf32>
      %mul3A_955 = arith.constant 1.000000e+09 : f32
      %mul3A_956 = vector.broadcast %mul3A_955 : f32 to vector<8x1xf32>
      %mul3A_957 = arith.mulf %sub3A_954, %mul3A_956 : vector<8x1xf32>
      %add3A_958 = arith.addf %slice3A_790, %mul3A_957 : vector<8x1xf32>
      %min3A_959 = vector.broadcast %slice3A_792 : vector<8x1xf32> to vector<8x5120xf32>
      %min3A_960 = vector.broadcast %get3A_46 : vector<1x5120xf32> to vector<8x5120xf32>
      %min3A_961 = arith.minimumf %min3A_959, %min3A_960 : vector<8x5120xf32>
      %max3A_962 = vector.broadcast %add3A_958 : vector<8x1xf32> to vector<8x5120xf32>
      %max3A_963 = vector.broadcast %get3A_40 : vector<1x5120xf32> to vector<8x5120xf32>
      %max3A_964 = arith.maximumf %max3A_962, %max3A_963 : vector<8x5120xf32>
      %sub3A_965 = arith.subf %min3A_961, %max3A_964 : vector<8x5120xf32>
      %max3A_966 = arith.constant 0.000000e+00 : f32
      %max3A_967 = vector.broadcast %max3A_966 : f32 to vector<8x5120xf32>
      %max3A_968 = arith.maximumf %sub3A_965, %max3A_967 : vector<8x5120xf32>
      %min3A_969 = vector.broadcast %slice3A_793 : vector<8x1xf32> to vector<8x5120xf32>
      %min3A_970 = vector.broadcast %get3A_49 : vector<1x5120xf32> to vector<8x5120xf32>
      %min3A_971 = arith.minimumf %min3A_969, %min3A_970 : vector<8x5120xf32>
      %max3A_972 = vector.broadcast %slice3A_791 : vector<8x1xf32> to vector<8x5120xf32>
      %max3A_973 = vector.broadcast %get3A_43 : vector<1x5120xf32> to vector<8x5120xf32>
      %max3A_974 = arith.maximumf %max3A_972, %max3A_973 : vector<8x5120xf32>
      %sub3A_975 = arith.subf %min3A_971, %max3A_974 : vector<8x5120xf32>
      %max3A_976 = arith.constant 0.000000e+00 : f32
      %max3A_977 = vector.broadcast %max3A_976 : f32 to vector<8x5120xf32>
      %max3A_978 = arith.maximumf %sub3A_975, %max3A_977 : vector<8x5120xf32>
      %mul3A_979 = arith.mulf %max3A_968, %max3A_978 : vector<8x5120xf32>
      %add3A_980 = vector.broadcast %slice3A_794 : vector<8x1xf32> to vector<8x5120xf32>
      %add3A_981 = vector.broadcast %get3A_52 : vector<1x5120xf32> to vector<8x5120xf32>
      %add3A_982 = arith.addf %add3A_980, %add3A_981 : vector<8x5120xf32>
      %sub3A_983 = arith.subf %add3A_982, %mul3A_979 : vector<8x5120xf32>
      %add3A_984 = arith.constant 1.000000e-07 : f32
      %add3A_985 = vector.broadcast %add3A_984 : f32 to vector<8x5120xf32>
      %add3A_986 = arith.addf %sub3A_983, %add3A_985 : vector<8x5120xf32>
      %div3A_987 = arith.divf %mul3A_979, %add3A_986 : vector<8x5120xf32>
      %reduce_max3A_988 = arith.constant dense<0xFF800000> : vector<5120xf32>
      %reduce_max3A_989 = vector.multi_reduction <maximumf>, %div3A_987, %reduce_max3A_988 [0] : vector<8x5120xf32> to vector<5120xf32>
      %broadcast_in_dim3A_990 = vector.shape_cast %reduce_max3A_989 : vector<5120xf32> to vector<1x5120xf32>
      %gt3A_991 = arith.constant 4.500000e-01 : f32
      %gt3A_992 = vector.broadcast %gt3A_991 : f32 to vector<1x5120xf32>
      %gt3A_993 = arith.cmpf ogt, %broadcast_in_dim3A_990, %gt3A_992 : vector<1x5120xf32>
      %add3A_994 = arith.constant 24 : i32
      %add3A_995 = arith.addi %mul3A_2, %add3A_994 : i32
      %add3A_996 = arith.constant 8 : i32
      %add3A_997 = arith.addi %add3A_995, %add3A_996 : i32
      %ge3A_998 = vector.broadcast %add3A_997 : i32 to vector<1x5120xi32>
      %ge3A_999 = arith.cmpi sge, %iota3A_53, %ge3A_998 : vector<1x5120xi32>
      %get3A_1000 = arith.constant 0 : index
      %get3A_1001 = arith.constant 0 : index
      %get3A_1002 = vector.load %arg4[%get3A_1000, %get3A_1001] : memref<1x5120xf32, #tpu.memory_space<vmem>>, vector<1x5120xf32>
      %and3A_1003 = arith.andi %gt3A_993, %ge3A_999 : vector<1x5120xi1>
      %convert_element_type3A_1004 = arith.extui %and3A_1003 : vector<1x5120xi1> to vector<1x5120xi32>
      %convert_element_type3A_1005 = arith.sitofp %convert_element_type3A_1004 : vector<1x5120xi32> to vector<1x5120xf32>
      %sub3A_1006 = arith.constant 1.000000e+00 : f32
      %sub3A_1007 = vector.broadcast %sub3A_1006 : f32 to vector<1x5120xf32>
      %sub3A_1008 = arith.subf %sub3A_1007, %convert_element_type3A_1005 : vector<1x5120xf32>
      %mul3A_1009 = arith.mulf %get3A_1002, %sub3A_1008 : vector<1x5120xf32>
      %swap3A_1010 = arith.constant 0 : index
      %swap3A_1011 = arith.constant 0 : index
      %swap3A_1012 = vector.load %arg4[%swap3A_1010, %swap3A_1011] : memref<1x5120xf32, #tpu.memory_space<vmem>>, vector<1x5120xf32>
      tpu.vector_store %arg4[%swap3A_1010, %swap3A_1011], %mul3A_1009 {strides = array<i32>} : memref<1x5120xf32, #tpu.memory_space<vmem>>, vector<1x5120xf32>,
      %get3A_1013 = arith.constant 0 : index
      %get3A_1014 = arith.index_cast %mul3A_2 : i32 to index
      %get3A_1015 = vector.load %arg4[%get3A_1013, %get3A_1014] : memref<1x5120xf32, #tpu.memory_space<vmem>>, vector<1x128xf32>
      %iota3A_1016 = tpu.iota {dimensions = array<i32: 1>} : vector<1x128xi32>
      %ge3A_1017 = arith.constant 24 : i32
      %ge3A_1018 = vector.broadcast %ge3A_1017 : i32 to vector<1x128xi32>
      %ge3A_1019 = arith.cmpi sge, %iota3A_1016, %ge3A_1018 : vector<1x128xi32>
      %lt3A_1020 = arith.constant 32 : i32
      %lt3A_1021 = vector.broadcast %lt3A_1020 : i32 to vector<1x128xi32>
      %lt3A_1022 = arith.cmpi slt, %iota3A_1016, %lt3A_1021 : vector<1x128xi32>
      %and3A_1023 = arith.andi %ge3A_1019, %lt3A_1022 : vector<1x128xi1>
      %jit3A_1024 = arith.constant 0 : i32
      %convert_element_type3A_1025 = arith.sitofp %jit3A_1024 : i32 to f32
      %pad3A_1026 = vector.broadcast %convert_element_type3A_1025 : f32 to vector<1x24xf32>
      %pad3A_1027 = tpu.concatenate %pad3A_1026, %mul3A_945 in 1 : vector<1x24xf32>, vector<1x8xf32> -> vector<1x32xf32>
      %pad3A_1028 = vector.broadcast %convert_element_type3A_1025 : f32 to vector<1x96xf32>
      %pad3A_1029 = tpu.concatenate %pad3A_1027, %pad3A_1028 in 1 : vector<1x32xf32>, vector<1x96xf32> -> vector<1x128xf32>
      %select_n3A_1030 = arith.select %and3A_1023, %pad3A_1029, %get3A_1015 : vector<1x128xi1>, vector<1x128xf32>
      %swap3A_1031 = arith.constant 0 : index
      %swap3A_1032 = arith.index_cast %mul3A_2 : i32 to index
      %swap3A_1033 = vector.load %arg4[%swap3A_1031, %swap3A_1032] : memref<1x5120xf32, #tpu.memory_space<vmem>>, vector<1x128xf32>
      tpu.vector_store %arg4[%swap3A_1031, %swap3A_1032], %select_n3A_1030 {strides = array<i32>} : memref<1x5120xf32, #tpu.memory_space<vmem>>, vector<1x128xf32>,
      %get3A_1034 = arith.constant 0 : index
      %get3A_1035 = arith.index_cast %mul3A_2 : i32 to index
      %get3A_1036 = vector.load %arg4[%get3A_1034, %get3A_1035] : memref<1x5120xf32, #tpu.memory_space<vmem>>, vector<1x128xf32>
      %slice3A_1037 = vector.extract_strided_slice %get3A_1036 {offsets = [0, 32], sizes = [1, 8], strides = [1, 1]} : vector<1x128xf32> to vector<1x8xf32>
      %slice3A_1038 = vector.extract_strided_slice %get3A_22 {offsets = [0, 20], sizes = [8, 1], strides = [1, 1]} : vector<8x128xf32> to vector<8x1xf32>
      %slice3A_1039 = vector.extract_strided_slice %get3A_22 {offsets = [0, 21], sizes = [8, 1], strides = [1, 1]} : vector<8x128xf32> to vector<8x1xf32>
      %slice3A_1040 = vector.extract_strided_slice %get3A_22 {offsets = [0, 22], sizes = [8, 1], strides = [1, 1]} : vector<8x128xf32> to vector<8x1xf32>
      %slice3A_1041 = vector.extract_strided_slice %get3A_22 {offsets = [0, 23], sizes = [8, 1], strides = [1, 1]} : vector<8x128xf32> to vector<8x1xf32>
      %slice3A_1042 = vector.extract_strided_slice %get3A_22 {offsets = [0, 24], sizes = [8, 1], strides = [1, 1]} : vector<8x128xf32> to vector<8x1xf32>
      %slice3A_1043 = vector.extract_strided_slice %get3A_25 {offsets = [0, 32], sizes = [1, 8], strides = [1, 1]} : vector<1x128xf32> to vector<1x8xf32>
      %slice3A_1044 = vector.extract_strided_slice %get3A_28 {offsets = [0, 32], sizes = [1, 8], strides = [1, 1]} : vector<1x128xf32> to vector<1x8xf32>
      %slice3A_1045 = vector.extract_strided_slice %get3A_31 {offsets = [0, 32], sizes = [1, 8], strides = [1, 1]} : vector<1x128xf32> to vector<1x8xf32>
      %slice3A_1046 = vector.extract_strided_slice %get3A_34 {offsets = [0, 32], sizes = [1, 8], strides = [1, 1]} : vector<1x128xf32> to vector<1x8xf32>
      %slice3A_1047 = vector.extract_strided_slice %get3A_37 {offsets = [0, 32], sizes = [1, 8], strides = [1, 1]} : vector<1x128xf32> to vector<1x8xf32>
      %min3A_1048 = vector.broadcast %slice3A_1040 : vector<8x1xf32> to vector<8x8xf32>
      %min3A_1049 = vector.broadcast %slice3A_1045 : vector<1x8xf32> to vector<8x8xf32>
      %min3A_1050 = arith.minimumf %min3A_1048, %min3A_1049 : vector<8x8xf32>
      %max3A_1051 = vector.broadcast %slice3A_1038 : vector<8x1xf32> to vector<8x8xf32>
      %max3A_1052 = vector.broadcast %slice3A_1043 : vector<1x8xf32> to vector<8x8xf32>
      %max3A_1053 = arith.maximumf %max3A_1051, %max3A_1052 : vector<8x8xf32>
      %sub3A_1054 = arith.subf %min3A_1050, %max3A_1053 : vector<8x8xf32>
      %max3A_1055 = arith.constant 0.000000e+00 : f32
      %max3A_1056 = vector.broadcast %max3A_1055 : f32 to vector<8x8xf32>
      %max3A_1057 = arith.maximumf %sub3A_1054, %max3A_1056 : vector<8x8xf32>
      %min3A_1058 = vector.broadcast %slice3A_1041 : vector<8x1xf32> to vector<8x8xf32>
      %min3A_1059 = vector.broadcast %slice3A_1046 : vector<1x8xf32> to vector<8x8xf32>
      %min3A_1060 = arith.minimumf %min3A_1058, %min3A_1059 : vector<8x8xf32>
      %max3A_1061 = vector.broadcast %slice3A_1039 : vector<8x1xf32> to vector<8x8xf32>
      %max3A_1062 = vector.broadcast %slice3A_1044 : vector<1x8xf32> to vector<8x8xf32>
      %max3A_1063 = arith.maximumf %max3A_1061, %max3A_1062 : vector<8x8xf32>
      %sub3A_1064 = arith.subf %min3A_1060, %max3A_1063 : vector<8x8xf32>
      %max3A_1065 = arith.constant 0.000000e+00 : f32
      %max3A_1066 = vector.broadcast %max3A_1065 : f32 to vector<8x8xf32>
      %max3A_1067 = arith.maximumf %sub3A_1064, %max3A_1066 : vector<8x8xf32>
      %mul3A_1068 = arith.mulf %max3A_1057, %max3A_1067 : vector<8x8xf32>
      %add3A_1069 = vector.broadcast %slice3A_1042 : vector<8x1xf32> to vector<8x8xf32>
      %add3A_1070 = vector.broadcast %slice3A_1047 : vector<1x8xf32> to vector<8x8xf32>
      %add3A_1071 = arith.addf %add3A_1069, %add3A_1070 : vector<8x8xf32>
      %sub3A_1072 = arith.subf %add3A_1071, %mul3A_1068 : vector<8x8xf32>
      %add3A_1073 = arith.constant 1.000000e-07 : f32
      %add3A_1074 = vector.broadcast %add3A_1073 : f32 to vector<8x8xf32>
      %add3A_1075 = arith.addf %sub3A_1072, %add3A_1074 : vector<8x8xf32>
      %div3A_1076 = arith.divf %mul3A_1068, %add3A_1075 : vector<8x8xf32>
      %gt3A_1077 = arith.constant 4.500000e-01 : f32
      %gt3A_1078 = vector.broadcast %gt3A_1077 : f32 to vector<8x8xf32>
      %gt3A_1079 = arith.cmpf ogt, %div3A_1076, %gt3A_1078 : vector<8x8xf32>
      %convert_element_type3A_1080 = arith.extui %gt3A_1079 : vector<8x8xi1> to vector<8x8xi32>
      %convert_element_type3A_1081 = arith.sitofp %convert_element_type3A_1080 : vector<8x8xi32> to vector<8x8xf32>
      %slice3A_1082 = vector.extract_strided_slice %slice3A_1037 {offsets = [0, 0], sizes = [1, 1], strides = [1, 1]} : vector<1x8xf32> to vector<1x1xf32>
      %slice3A_1083 = vector.extract_strided_slice %convert_element_type3A_1081 {offsets = [0, 0], sizes = [1, 8], strides = [1, 1]} : vector<8x8xf32> to vector<1x8xf32>
      %mul3A_1084 = vector.broadcast %slice3A_1082 : vector<1x1xf32> to vector<1x8xf32>
      %mul3A_1085 = arith.mulf %slice3A_1083, %mul3A_1084 : vector<1x8xf32>
      %gt3A_1086 = arith.constant 0 : i32
      %gt3A_1087 = vector.broadcast %gt3A_1086 : i32 to vector<1x8xi32>
      %gt3A_1088 = arith.cmpi sgt, %iota3A, %gt3A_1087 : vector<1x8xi32>
      %convert_element_type3A_1089 = arith.extui %gt3A_1088 : vector<1x8xi1> to vector<1x8xi32>
      %convert_element_type3A_1090 = arith.sitofp %convert_element_type3A_1089 : vector<1x8xi32> to vector<1x8xf32>
      %mul3A_1091 = arith.mulf %mul3A_1085, %convert_element_type3A_1090 : vector<1x8xf32>
      %sub3A_1092 = arith.constant 1.000000e+00 : f32
      %sub3A_1093 = vector.broadcast %sub3A_1092 : f32 to vector<1x8xf32>
      %sub3A_1094 = arith.subf %sub3A_1093, %mul3A_1091 : vector<1x8xf32>
      %mul3A_1095 = arith.mulf %slice3A_1037, %sub3A_1094 : vector<1x8xf32>
      %slice3A_1096 = vector.extract_strided_slice %mul3A_1095 {offsets = [0, 1], sizes = [1, 1], strides = [1, 1]} : vector<1x8xf32> to vector<1x1xf32>
      %slice3A_1097 = vector.extract_strided_slice %convert_element_type3A_1081 {offsets = [1, 0], sizes = [1, 8], strides = [1, 1]} : vector<8x8xf32> to vector<1x8xf32>
      %mul3A_1098 = vector.broadcast %slice3A_1096 : vector<1x1xf32> to vector<1x8xf32>
      %mul3A_1099 = arith.mulf %slice3A_1097, %mul3A_1098 : vector<1x8xf32>
      %gt3A_1100 = arith.constant 1 : i32
      %gt3A_1101 = vector.broadcast %gt3A_1100 : i32 to vector<1x8xi32>
      %gt3A_1102 = arith.cmpi sgt, %iota3A, %gt3A_1101 : vector<1x8xi32>
      %convert_element_type3A_1103 = arith.extui %gt3A_1102 : vector<1x8xi1> to vector<1x8xi32>
      %convert_element_type3A_1104 = arith.sitofp %convert_element_type3A_1103 : vector<1x8xi32> to vector<1x8xf32>
      %mul3A_1105 = arith.mulf %mul3A_1099, %convert_element_type3A_1104 : vector<1x8xf32>
      %sub3A_1106 = arith.constant 1.000000e+00 : f32
      %sub3A_1107 = vector.broadcast %sub3A_1106 : f32 to vector<1x8xf32>
      %sub3A_1108 = arith.subf %sub3A_1107, %mul3A_1105 : vector<1x8xf32>
      %mul3A_1109 = arith.mulf %mul3A_1095, %sub3A_1108 : vector<1x8xf32>
      %slice3A_1110 = vector.extract_strided_slice %mul3A_1109 {offsets = [0, 2], sizes = [1, 1], strides = [1, 1]} : vector<1x8xf32> to vector<1x1xf32>
      %slice3A_1111 = vector.extract_strided_slice %convert_element_type3A_1081 {offsets = [2, 0], sizes = [1, 8], strides = [1, 1]} : vector<8x8xf32> to vector<1x8xf32>
      %mul3A_1112 = vector.broadcast %slice3A_1110 : vector<1x1xf32> to vector<1x8xf32>
      %mul3A_1113 = arith.mulf %slice3A_1111, %mul3A_1112 : vector<1x8xf32>
      %gt3A_1114 = arith.constant 2 : i32
      %gt3A_1115 = vector.broadcast %gt3A_1114 : i32 to vector<1x8xi32>
      %gt3A_1116 = arith.cmpi sgt, %iota3A, %gt3A_1115 : vector<1x8xi32>
      %convert_element_type3A_1117 = arith.extui %gt3A_1116 : vector<1x8xi1> to vector<1x8xi32>
      %convert_element_type3A_1118 = arith.sitofp %convert_element_type3A_1117 : vector<1x8xi32> to vector<1x8xf32>
      %mul3A_1119 = arith.mulf %mul3A_1113, %convert_element_type3A_1118 : vector<1x8xf32>
      %sub3A_1120 = arith.constant 1.000000e+00 : f32
      %sub3A_1121 = vector.broadcast %sub3A_1120 : f32 to vector<1x8xf32>
      %sub3A_1122 = arith.subf %sub3A_1121, %mul3A_1119 : vector<1x8xf32>
      %mul3A_1123 = arith.mulf %mul3A_1109, %sub3A_1122 : vector<1x8xf32>
      %slice3A_1124 = vector.extract_strided_slice %mul3A_1123 {offsets = [0, 3], sizes = [1, 1], strides = [1, 1]} : vector<1x8xf32> to vector<1x1xf32>
      %slice3A_1125 = vector.extract_strided_slice %convert_element_type3A_1081 {offsets = [3, 0], sizes = [1, 8], strides = [1, 1]} : vector<8x8xf32> to vector<1x8xf32>
      %mul3A_1126 = vector.broadcast %slice3A_1124 : vector<1x1xf32> to vector<1x8xf32>
      %mul3A_1127 = arith.mulf %slice3A_1125, %mul3A_1126 : vector<1x8xf32>
      %gt3A_1128 = arith.constant 3 : i32
      %gt3A_1129 = vector.broadcast %gt3A_1128 : i32 to vector<1x8xi32>
      %gt3A_1130 = arith.cmpi sgt, %iota3A, %gt3A_1129 : vector<1x8xi32>
      %convert_element_type3A_1131 = arith.extui %gt3A_1130 : vector<1x8xi1> to vector<1x8xi32>
      %convert_element_type3A_1132 = arith.sitofp %convert_element_type3A_1131 : vector<1x8xi32> to vector<1x8xf32>
      %mul3A_1133 = arith.mulf %mul3A_1127, %convert_element_type3A_1132 : vector<1x8xf32>
      %sub3A_1134 = arith.constant 1.000000e+00 : f32
      %sub3A_1135 = vector.broadcast %sub3A_1134 : f32 to vector<1x8xf32>
      %sub3A_1136 = arith.subf %sub3A_1135, %mul3A_1133 : vector<1x8xf32>
      %mul3A_1137 = arith.mulf %mul3A_1123, %sub3A_1136 : vector<1x8xf32>
      %slice3A_1138 = vector.extract_strided_slice %mul3A_1137 {offsets = [0, 4], sizes = [1, 1], strides = [1, 1]} : vector<1x8xf32> to vector<1x1xf32>
      %slice3A_1139 = vector.extract_strided_slice %convert_element_type3A_1081 {offsets = [4, 0], sizes = [1, 8], strides = [1, 1]} : vector<8x8xf32> to vector<1x8xf32>
      %mul3A_1140 = vector.broadcast %slice3A_1138 : vector<1x1xf32> to vector<1x8xf32>
      %mul3A_1141 = arith.mulf %slice3A_1139, %mul3A_1140 : vector<1x8xf32>
      %gt3A_1142 = arith.constant 4 : i32
      %gt3A_1143 = vector.broadcast %gt3A_1142 : i32 to vector<1x8xi32>
      %gt3A_1144 = arith.cmpi sgt, %iota3A, %gt3A_1143 : vector<1x8xi32>
      %convert_element_type3A_1145 = arith.extui %gt3A_1144 : vector<1x8xi1> to vector<1x8xi32>
      %convert_element_type3A_1146 = arith.sitofp %convert_element_type3A_1145 : vector<1x8xi32> to vector<1x8xf32>
      %mul3A_1147 = arith.mulf %mul3A_1141, %convert_element_type3A_1146 : vector<1x8xf32>
      %sub3A_1148 = arith.constant 1.000000e+00 : f32
      %sub3A_1149 = vector.broadcast %sub3A_1148 : f32 to vector<1x8xf32>
      %sub3A_1150 = arith.subf %sub3A_1149, %mul3A_1147 : vector<1x8xf32>
      %mul3A_1151 = arith.mulf %mul3A_1137, %sub3A_1150 : vector<1x8xf32>
      %slice3A_1152 = vector.extract_strided_slice %mul3A_1151 {offsets = [0, 5], sizes = [1, 1], strides = [1, 1]} : vector<1x8xf32> to vector<1x1xf32>
      %slice3A_1153 = vector.extract_strided_slice %convert_element_type3A_1081 {offsets = [5, 0], sizes = [1, 8], strides = [1, 1]} : vector<8x8xf32> to vector<1x8xf32>
      %mul3A_1154 = vector.broadcast %slice3A_1152 : vector<1x1xf32> to vector<1x8xf32>
      %mul3A_1155 = arith.mulf %slice3A_1153, %mul3A_1154 : vector<1x8xf32>
      %gt3A_1156 = arith.constant 5 : i32
      %gt3A_1157 = vector.broadcast %gt3A_1156 : i32 to vector<1x8xi32>
      %gt3A_1158 = arith.cmpi sgt, %iota3A, %gt3A_1157 : vector<1x8xi32>
      %convert_element_type3A_1159 = arith.extui %gt3A_1158 : vector<1x8xi1> to vector<1x8xi32>
      %convert_element_type3A_1160 = arith.sitofp %convert_element_type3A_1159 : vector<1x8xi32> to vector<1x8xf32>
      %mul3A_1161 = arith.mulf %mul3A_1155, %convert_element_type3A_1160 : vector<1x8xf32>
      %sub3A_1162 = arith.constant 1.000000e+00 : f32
      %sub3A_1163 = vector.broadcast %sub3A_1162 : f32 to vector<1x8xf32>
      %sub3A_1164 = arith.subf %sub3A_1163, %mul3A_1161 : vector<1x8xf32>
      %mul3A_1165 = arith.mulf %mul3A_1151, %sub3A_1164 : vector<1x8xf32>
      %slice3A_1166 = vector.extract_strided_slice %mul3A_1165 {offsets = [0, 6], sizes = [1, 1], strides = [1, 1]} : vector<1x8xf32> to vector<1x1xf32>
      %slice3A_1167 = vector.extract_strided_slice %convert_element_type3A_1081 {offsets = [6, 0], sizes = [1, 8], strides = [1, 1]} : vector<8x8xf32> to vector<1x8xf32>
      %mul3A_1168 = vector.broadcast %slice3A_1166 : vector<1x1xf32> to vector<1x8xf32>
      %mul3A_1169 = arith.mulf %slice3A_1167, %mul3A_1168 : vector<1x8xf32>
      %gt3A_1170 = arith.constant 6 : i32
      %gt3A_1171 = vector.broadcast %gt3A_1170 : i32 to vector<1x8xi32>
      %gt3A_1172 = arith.cmpi sgt, %iota3A, %gt3A_1171 : vector<1x8xi32>
      %convert_element_type3A_1173 = arith.extui %gt3A_1172 : vector<1x8xi1> to vector<1x8xi32>
      %convert_element_type3A_1174 = arith.sitofp %convert_element_type3A_1173 : vector<1x8xi32> to vector<1x8xf32>
      %mul3A_1175 = arith.mulf %mul3A_1169, %convert_element_type3A_1174 : vector<1x8xf32>
      %sub3A_1176 = arith.constant 1.000000e+00 : f32
      %sub3A_1177 = vector.broadcast %sub3A_1176 : f32 to vector<1x8xf32>
      %sub3A_1178 = arith.subf %sub3A_1177, %mul3A_1175 : vector<1x8xf32>
      %mul3A_1179 = arith.mulf %mul3A_1165, %sub3A_1178 : vector<1x8xf32>
      %slice3A_1180 = vector.extract_strided_slice %mul3A_1179 {offsets = [0, 7], sizes = [1, 1], strides = [1, 1]} : vector<1x8xf32> to vector<1x1xf32>
      %slice3A_1181 = vector.extract_strided_slice %convert_element_type3A_1081 {offsets = [7, 0], sizes = [1, 8], strides = [1, 1]} : vector<8x8xf32> to vector<1x8xf32>
      %mul3A_1182 = vector.broadcast %slice3A_1180 : vector<1x1xf32> to vector<1x8xf32>
      %mul3A_1183 = arith.mulf %slice3A_1181, %mul3A_1182 : vector<1x8xf32>
      %gt3A_1184 = arith.constant 7 : i32
      %gt3A_1185 = vector.broadcast %gt3A_1184 : i32 to vector<1x8xi32>
      %gt3A_1186 = arith.cmpi sgt, %iota3A, %gt3A_1185 : vector<1x8xi32>
      %convert_element_type3A_1187 = arith.extui %gt3A_1186 : vector<1x8xi1> to vector<1x8xi32>
      %convert_element_type3A_1188 = arith.sitofp %convert_element_type3A_1187 : vector<1x8xi32> to vector<1x8xf32>
      %mul3A_1189 = arith.mulf %mul3A_1183, %convert_element_type3A_1188 : vector<1x8xf32>
      %sub3A_1190 = arith.constant 1.000000e+00 : f32
      %sub3A_1191 = vector.broadcast %sub3A_1190 : f32 to vector<1x8xf32>
      %sub3A_1192 = arith.subf %sub3A_1191, %mul3A_1189 : vector<1x8xf32>
      %mul3A_1193 = arith.mulf %mul3A_1179, %sub3A_1192 : vector<1x8xf32>
      %broadcast_in_dim3A_1194 = vector.shape_cast %mul3A_1193 : vector<1x8xf32> to vector<1x8xf32>
      %broadcast_in_dim3A_1195 = vector.broadcast %broadcast_in_dim3A_1194 : vector<1x8xf32> to vector<8x8xf32>
      %mul3A_1196 = arith.mulf %broadcast_in_dim3A_1195, %convert_element_type3A_58 : vector<8x8xf32>
      %reduce_sum3A_1197 = arith.constant dense<0.000000e+00> : vector<8xf32>
      %reduce_sum3A_1198 = vector.multi_reduction <add>, %mul3A_1196, %reduce_sum3A_1197 [1] : vector<8x8xf32> to vector<8xf32>
      %broadcast_in_dim3A_1199 = vector.shape_cast %reduce_sum3A_1198 : vector<8xf32> to vector<8x1xf32>
      %sub3A_1200 = arith.constant 1.000000e+00 : f32
      %sub3A_1201 = vector.broadcast %sub3A_1200 : f32 to vector<8x1xf32>
      %sub3A_1202 = arith.subf %sub3A_1201, %broadcast_in_dim3A_1199 : vector<8x1xf32>
      %mul3A_1203 = arith.constant 1.000000e+09 : f32
      %mul3A_1204 = vector.broadcast %mul3A_1203 : f32 to vector<8x1xf32>
      %mul3A_1205 = arith.mulf %sub3A_1202, %mul3A_1204 : vector<8x1xf32>
      %add3A_1206 = arith.addf %slice3A_1038, %mul3A_1205 : vector<8x1xf32>
      %min3A_1207 = vector.broadcast %slice3A_1040 : vector<8x1xf32> to vector<8x5120xf32>
      %min3A_1208 = vector.broadcast %get3A_46 : vector<1x5120xf32> to vector<8x5120xf32>
      %min3A_1209 = arith.minimumf %min3A_1207, %min3A_1208 : vector<8x5120xf32>
      %max3A_1210 = vector.broadcast %add3A_1206 : vector<8x1xf32> to vector<8x5120xf32>
      %max3A_1211 = vector.broadcast %get3A_40 : vector<1x5120xf32> to vector<8x5120xf32>
      %max3A_1212 = arith.maximumf %max3A_1210, %max3A_1211 : vector<8x5120xf32>
      %sub3A_1213 = arith.subf %min3A_1209, %max3A_1212 : vector<8x5120xf32>
      %max3A_1214 = arith.constant 0.000000e+00 : f32
      %max3A_1215 = vector.broadcast %max3A_1214 : f32 to vector<8x5120xf32>
      %max3A_1216 = arith.maximumf %sub3A_1213, %max3A_1215 : vector<8x5120xf32>
      %min3A_1217 = vector.broadcast %slice3A_1041 : vector<8x1xf32> to vector<8x5120xf32>
      %min3A_1218 = vector.broadcast %get3A_49 : vector<1x5120xf32> to vector<8x5120xf32>
      %min3A_1219 = arith.minimumf %min3A_1217, %min3A_1218 : vector<8x5120xf32>
      %max3A_1220 = vector.broadcast %slice3A_1039 : vector<8x1xf32> to vector<8x5120xf32>
      %max3A_1221 = vector.broadcast %get3A_43 : vector<1x5120xf32> to vector<8x5120xf32>
      %max3A_1222 = arith.maximumf %max3A_1220, %max3A_1221 : vector<8x5120xf32>
      %sub3A_1223 = arith.subf %min3A_1219, %max3A_1222 : vector<8x5120xf32>
      %max3A_1224 = arith.constant 0.000000e+00 : f32
      %max3A_1225 = vector.broadcast %max3A_1224 : f32 to vector<8x5120xf32>
      %max3A_1226 = arith.maximumf %sub3A_1223, %max3A_1225 : vector<8x5120xf32>
      %mul3A_1227 = arith.mulf %max3A_1216, %max3A_1226 : vector<8x5120xf32>
      %add3A_1228 = vector.broadcast %slice3A_1042 : vector<8x1xf32> to vector<8x5120xf32>
      %add3A_1229 = vector.broadcast %get3A_52 : vector<1x5120xf32> to vector<8x5120xf32>
      %add3A_1230 = arith.addf %add3A_1228, %add3A_1229 : vector<8x5120xf32>
      %sub3A_1231 = arith.subf %add3A_1230, %mul3A_1227 : vector<8x5120xf32>
      %add3A_1232 = arith.constant 1.000000e-07 : f32
      %add3A_1233 = vector.broadcast %add3A_1232 : f32 to vector<8x5120xf32>
      %add3A_1234 = arith.addf %sub3A_1231, %add3A_1233 : vector<8x5120xf32>
      %div3A_1235 = arith.divf %mul3A_1227, %add3A_1234 : vector<8x5120xf32>
      %reduce_max3A_1236 = arith.constant dense<0xFF800000> : vector<5120xf32>
      %reduce_max3A_1237 = vector.multi_reduction <maximumf>, %div3A_1235, %reduce_max3A_1236 [0] : vector<8x5120xf32> to vector<5120xf32>
      %broadcast_in_dim3A_1238 = vector.shape_cast %reduce_max3A_1237 : vector<5120xf32> to vector<1x5120xf32>
      %gt3A_1239 = arith.constant 4.500000e-01 : f32
      %gt3A_1240 = vector.broadcast %gt3A_1239 : f32 to vector<1x5120xf32>
      %gt3A_1241 = arith.cmpf ogt, %broadcast_in_dim3A_1238, %gt3A_1240 : vector<1x5120xf32>
      %add3A_1242 = arith.constant 32 : i32
      %add3A_1243 = arith.addi %mul3A_2, %add3A_1242 : i32
      %add3A_1244 = arith.constant 8 : i32
      %add3A_1245 = arith.addi %add3A_1243, %add3A_1244 : i32
      %ge3A_1246 = vector.broadcast %add3A_1245 : i32 to vector<1x5120xi32>
      %ge3A_1247 = arith.cmpi sge, %iota3A_53, %ge3A_1246 : vector<1x5120xi32>
      %get3A_1248 = arith.constant 0 : index
      %get3A_1249 = arith.constant 0 : index
      %get3A_1250 = vector.load %arg4[%get3A_1248, %get3A_1249] : memref<1x5120xf32, #tpu.memory_space<vmem>>, vector<1x5120xf32>
      %and3A_1251 = arith.andi %gt3A_1241, %ge3A_1247 : vector<1x5120xi1>
      %convert_element_type3A_1252 = arith.extui %and3A_1251 : vector<1x5120xi1> to vector<1x5120xi32>
      %convert_element_type3A_1253 = arith.sitofp %convert_element_type3A_1252 : vector<1x5120xi32> to vector<1x5120xf32>
      %sub3A_1254 = arith.constant 1.000000e+00 : f32
      %sub3A_1255 = vector.broadcast %sub3A_1254 : f32 to vector<1x5120xf32>
      %sub3A_1256 = arith.subf %sub3A_1255, %convert_element_type3A_1253 : vector<1x5120xf32>
      %mul3A_1257 = arith.mulf %get3A_1250, %sub3A_1256 : vector<1x5120xf32>
      %swap3A_1258 = arith.constant 0 : index
      %swap3A_1259 = arith.constant 0 : index
      %swap3A_1260 = vector.load %arg4[%swap3A_1258, %swap3A_1259] : memref<1x5120xf32, #tpu.memory_space<vmem>>, vector<1x5120xf32>
      tpu.vector_store %arg4[%swap3A_1258, %swap3A_1259], %mul3A_1257 {strides = array<i32>} : memref<1x5120xf32, #tpu.memory_space<vmem>>, vector<1x5120xf32>,
      %get3A_1261 = arith.constant 0 : index
      %get3A_1262 = arith.index_cast %mul3A_2 : i32 to index
      %get3A_1263 = vector.load %arg4[%get3A_1261, %get3A_1262] : memref<1x5120xf32, #tpu.memory_space<vmem>>, vector<1x128xf32>
      %iota3A_1264 = tpu.iota {dimensions = array<i32: 1>} : vector<1x128xi32>
      %ge3A_1265 = arith.constant 32 : i32
      %ge3A_1266 = vector.broadcast %ge3A_1265 : i32 to vector<1x128xi32>
      %ge3A_1267 = arith.cmpi sge, %iota3A_1264, %ge3A_1266 : vector<1x128xi32>
      %lt3A_1268 = arith.constant 40 : i32
      %lt3A_1269 = vector.broadcast %lt3A_1268 : i32 to vector<1x128xi32>
      %lt3A_1270 = arith.cmpi slt, %iota3A_1264, %lt3A_1269 : vector<1x128xi32>
      %and3A_1271 = arith.andi %ge3A_1267, %lt3A_1270 : vector<1x128xi1>
      %jit3A_1272 = arith.constant 0 : i32
      %convert_element_type3A_1273 = arith.sitofp %jit3A_1272 : i32 to f32
      %pad3A_1274 = vector.broadcast %convert_element_type3A_1273 : f32 to vector<1x32xf32>
      %pad3A_1275 = tpu.concatenate %pad3A_1274, %mul3A_1193 in 1 : vector<1x32xf32>, vector<1x8xf32> -> vector<1x40xf32>
      %pad3A_1276 = vector.broadcast %convert_element_type3A_1273 : f32 to vector<1x88xf32>
      %pad3A_1277 = tpu.concatenate %pad3A_1275, %pad3A_1276 in 1 : vector<1x40xf32>, vector<1x88xf32> -> vector<1x128xf32>
      %select_n3A_1278 = arith.select %and3A_1271, %pad3A_1277, %get3A_1263 : vector<1x128xi1>, vector<1x128xf32>
      %swap3A_1279 = arith.constant 0 : index
      %swap3A_1280 = arith.index_cast %mul3A_2 : i32 to index
      %swap3A_1281 = vector.load %arg4[%swap3A_1279, %swap3A_1280] : memref<1x5120xf32, #tpu.memory_space<vmem>>, vector<1x128xf32>
      tpu.vector_store %arg4[%swap3A_1279, %swap3A_1280], %select_n3A_1278 {strides = array<i32>} : memref<1x5120xf32, #tpu.memory_space<vmem>>, vector<1x128xf32>,
      %get3A_1282 = arith.constant 0 : index
      %get3A_1283 = arith.index_cast %mul3A_2 : i32 to index
      %get3A_1284 = vector.load %arg4[%get3A_1282, %get3A_1283] : memref<1x5120xf32, #tpu.memory_space<vmem>>, vector<1x128xf32>
      %slice3A_1285 = vector.extract_strided_slice %get3A_1284 {offsets = [0, 40], sizes = [1, 8], strides = [1, 1]} : vector<1x128xf32> to vector<1x8xf32>
      %slice3A_1286 = vector.extract_strided_slice %get3A_22 {offsets = [0, 25], sizes = [8, 1], strides = [1, 1]} : vector<8x128xf32> to vector<8x1xf32>
      %slice3A_1287 = vector.extract_strided_slice %get3A_22 {offsets = [0, 26], sizes = [8, 1], strides = [1, 1]} : vector<8x128xf32> to vector<8x1xf32>
      %slice3A_1288 = vector.extract_strided_slice %get3A_22 {offsets = [0, 27], sizes = [8, 1], strides = [1, 1]} : vector<8x128xf32> to vector<8x1xf32>
      %slice3A_1289 = vector.extract_strided_slice %get3A_22 {offsets = [0, 28], sizes = [8, 1], strides = [1, 1]} : vector<8x128xf32> to vector<8x1xf32>
      %slice3A_1290 = vector.extract_strided_slice %get3A_22 {offsets = [0, 29], sizes = [8, 1], strides = [1, 1]} : vector<8x128xf32> to vector<8x1xf32>
      %slice3A_1291 = vector.extract_strided_slice %get3A_25 {offsets = [0, 40], sizes = [1, 8], strides = [1, 1]} : vector<1x128xf32> to vector<1x8xf32>
      %slice3A_1292 = vector.extract_strided_slice %get3A_28 {offsets = [0, 40], sizes = [1, 8], strides = [1, 1]} : vector<1x128xf32> to vector<1x8xf32>
      %slice3A_1293 = vector.extract_strided_slice %get3A_31 {offsets = [0, 40], sizes = [1, 8], strides = [1, 1]} : vector<1x128xf32> to vector<1x8xf32>
      %slice3A_1294 = vector.extract_strided_slice %get3A_34 {offsets = [0, 40], sizes = [1, 8], strides = [1, 1]} : vector<1x128xf32> to vector<1x8xf32>
      %slice3A_1295 = vector.extract_strided_slice %get3A_37 {offsets = [0, 40], sizes = [1, 8], strides = [1, 1]} : vector<1x128xf32> to vector<1x8xf32>
      %min3A_1296 = vector.broadcast %slice3A_1288 : vector<8x1xf32> to vector<8x8xf32>
      %min3A_1297 = vector.broadcast %slice3A_1293 : vector<1x8xf32> to vector<8x8xf32>
      %min3A_1298 = arith.minimumf %min3A_1296, %min3A_1297 : vector<8x8xf32>
      %max3A_1299 = vector.broadcast %slice3A_1286 : vector<8x1xf32> to vector<8x8xf32>
      %max3A_1300 = vector.broadcast %slice3A_1291 : vector<1x8xf32> to vector<8x8xf32>
      %max3A_1301 = arith.maximumf %max3A_1299, %max3A_1300 : vector<8x8xf32>
      %sub3A_1302 = arith.subf %min3A_1298, %max3A_1301 : vector<8x8xf32>
      %max3A_1303 = arith.constant 0.000000e+00 : f32
      %max3A_1304 = vector.broadcast %max3A_1303 : f32 to vector<8x8xf32>
      %max3A_1305 = arith.maximumf %sub3A_1302, %max3A_1304 : vector<8x8xf32>
      %min3A_1306 = vector.broadcast %slice3A_1289 : vector<8x1xf32> to vector<8x8xf32>
      %min3A_1307 = vector.broadcast %slice3A_1294 : vector<1x8xf32> to vector<8x8xf32>
      %min3A_1308 = arith.minimumf %min3A_1306, %min3A_1307 : vector<8x8xf32>
      %max3A_1309 = vector.broadcast %slice3A_1287 : vector<8x1xf32> to vector<8x8xf32>
      %max3A_1310 = vector.broadcast %slice3A_1292 : vector<1x8xf32> to vector<8x8xf32>
      %max3A_1311 = arith.maximumf %max3A_1309, %max3A_1310 : vector<8x8xf32>
      %sub3A_1312 = arith.subf %min3A_1308, %max3A_1311 : vector<8x8xf32>
      %max3A_1313 = arith.constant 0.000000e+00 : f32
      %max3A_1314 = vector.broadcast %max3A_1313 : f32 to vector<8x8xf32>
      %max3A_1315 = arith.maximumf %sub3A_1312, %max3A_1314 : vector<8x8xf32>
      %mul3A_1316 = arith.mulf %max3A_1305, %max3A_1315 : vector<8x8xf32>
      %add3A_1317 = vector.broadcast %slice3A_1290 : vector<8x1xf32> to vector<8x8xf32>
      %add3A_1318 = vector.broadcast %slice3A_1295 : vector<1x8xf32> to vector<8x8xf32>
      %add3A_1319 = arith.addf %add3A_1317, %add3A_1318 : vector<8x8xf32>
      %sub3A_1320 = arith.subf %add3A_1319, %mul3A_1316 : vector<8x8xf32>
      %add3A_1321 = arith.constant 1.000000e-07 : f32
      %add3A_1322 = vector.broadcast %add3A_1321 : f32 to vector<8x8xf32>
      %add3A_1323 = arith.addf %sub3A_1320, %add3A_1322 : vector<8x8xf32>
      %div3A_1324 = arith.divf %mul3A_1316, %add3A_1323 : vector<8x8xf32>
      %gt3A_1325 = arith.constant 4.500000e-01 : f32
      %gt3A_1326 = vector.broadcast %gt3A_1325 : f32 to vector<8x8xf32>
      %gt3A_1327 = arith.cmpf ogt, %div3A_1324, %gt3A_1326 : vector<8x8xf32>
      %convert_element_type3A_1328 = arith.extui %gt3A_1327 : vector<8x8xi1> to vector<8x8xi32>
      %convert_element_type3A_1329 = arith.sitofp %convert_element_type3A_1328 : vector<8x8xi32> to vector<8x8xf32>
      %slice3A_1330 = vector.extract_strided_slice %slice3A_1285 {offsets = [0, 0], sizes = [1, 1], strides = [1, 1]} : vector<1x8xf32> to vector<1x1xf32>
      %slice3A_1331 = vector.extract_strided_slice %convert_element_type3A_1329 {offsets = [0, 0], sizes = [1, 8], strides = [1, 1]} : vector<8x8xf32> to vector<1x8xf32>
      %mul3A_1332 = vector.broadcast %slice3A_1330 : vector<1x1xf32> to vector<1x8xf32>
      %mul3A_1333 = arith.mulf %slice3A_1331, %mul3A_1332 : vector<1x8xf32>
      %gt3A_1334 = arith.constant 0 : i32
      %gt3A_1335 = vector.broadcast %gt3A_1334 : i32 to vector<1x8xi32>
      %gt3A_1336 = arith.cmpi sgt, %iota3A, %gt3A_1335 : vector<1x8xi32>
      %convert_element_type3A_1337 = arith.extui %gt3A_1336 : vector<1x8xi1> to vector<1x8xi32>
      %convert_element_type3A_1338 = arith.sitofp %convert_element_type3A_1337 : vector<1x8xi32> to vector<1x8xf32>
      %mul3A_1339 = arith.mulf %mul3A_1333, %convert_element_type3A_1338 : vector<1x8xf32>
      %sub3A_1340 = arith.constant 1.000000e+00 : f32
      %sub3A_1341 = vector.broadcast %sub3A_1340 : f32 to vector<1x8xf32>
      %sub3A_1342 = arith.subf %sub3A_1341, %mul3A_1339 : vector<1x8xf32>
      %mul3A_1343 = arith.mulf %slice3A_1285, %sub3A_1342 : vector<1x8xf32>
      %slice3A_1344 = vector.extract_strided_slice %mul3A_1343 {offsets = [0, 1], sizes = [1, 1], strides = [1, 1]} : vector<1x8xf32> to vector<1x1xf32>
      %slice3A_1345 = vector.extract_strided_slice %convert_element_type3A_1329 {offsets = [1, 0], sizes = [1, 8], strides = [1, 1]} : vector<8x8xf32> to vector<1x8xf32>
      %mul3A_1346 = vector.broadcast %slice3A_1344 : vector<1x1xf32> to vector<1x8xf32>
      %mul3A_1347 = arith.mulf %slice3A_1345, %mul3A_1346 : vector<1x8xf32>
      %gt3A_1348 = arith.constant 1 : i32
      %gt3A_1349 = vector.broadcast %gt3A_1348 : i32 to vector<1x8xi32>
      %gt3A_1350 = arith.cmpi sgt, %iota3A, %gt3A_1349 : vector<1x8xi32>
      %convert_element_type3A_1351 = arith.extui %gt3A_1350 : vector<1x8xi1> to vector<1x8xi32>
      %convert_element_type3A_1352 = arith.sitofp %convert_element_type3A_1351 : vector<1x8xi32> to vector<1x8xf32>
      %mul3A_1353 = arith.mulf %mul3A_1347, %convert_element_type3A_1352 : vector<1x8xf32>
      %sub3A_1354 = arith.constant 1.000000e+00 : f32
      %sub3A_1355 = vector.broadcast %sub3A_1354 : f32 to vector<1x8xf32>
      %sub3A_1356 = arith.subf %sub3A_1355, %mul3A_1353 : vector<1x8xf32>
      %mul3A_1357 = arith.mulf %mul3A_1343, %sub3A_1356 : vector<1x8xf32>
      %slice3A_1358 = vector.extract_strided_slice %mul3A_1357 {offsets = [0, 2], sizes = [1, 1], strides = [1, 1]} : vector<1x8xf32> to vector<1x1xf32>
      %slice3A_1359 = vector.extract_strided_slice %convert_element_type3A_1329 {offsets = [2, 0], sizes = [1, 8], strides = [1, 1]} : vector<8x8xf32> to vector<1x8xf32>
      %mul3A_1360 = vector.broadcast %slice3A_1358 : vector<1x1xf32> to vector<1x8xf32>
      %mul3A_1361 = arith.mulf %slice3A_1359, %mul3A_1360 : vector<1x8xf32>
      %gt3A_1362 = arith.constant 2 : i32
      %gt3A_1363 = vector.broadcast %gt3A_1362 : i32 to vector<1x8xi32>
      %gt3A_1364 = arith.cmpi sgt, %iota3A, %gt3A_1363 : vector<1x8xi32>
      %convert_element_type3A_1365 = arith.extui %gt3A_1364 : vector<1x8xi1> to vector<1x8xi32>
      %convert_element_type3A_1366 = arith.sitofp %convert_element_type3A_1365 : vector<1x8xi32> to vector<1x8xf32>
      %mul3A_1367 = arith.mulf %mul3A_1361, %convert_element_type3A_1366 : vector<1x8xf32>
      %sub3A_1368 = arith.constant 1.000000e+00 : f32
      %sub3A_1369 = vector.broadcast %sub3A_1368 : f32 to vector<1x8xf32>
      %sub3A_1370 = arith.subf %sub3A_1369, %mul3A_1367 : vector<1x8xf32>
      %mul3A_1371 = arith.mulf %mul3A_1357, %sub3A_1370 : vector<1x8xf32>
      %slice3A_1372 = vector.extract_strided_slice %mul3A_1371 {offsets = [0, 3], sizes = [1, 1], strides = [1, 1]} : vector<1x8xf32> to vector<1x1xf32>
      %slice3A_1373 = vector.extract_strided_slice %convert_element_type3A_1329 {offsets = [3, 0], sizes = [1, 8], strides = [1, 1]} : vector<8x8xf32> to vector<1x8xf32>
      %mul3A_1374 = vector.broadcast %slice3A_1372 : vector<1x1xf32> to vector<1x8xf32>
      %mul3A_1375 = arith.mulf %slice3A_1373, %mul3A_1374 : vector<1x8xf32>
      %gt3A_1376 = arith.constant 3 : i32
      %gt3A_1377 = vector.broadcast %gt3A_1376 : i32 to vector<1x8xi32>
      %gt3A_1378 = arith.cmpi sgt, %iota3A, %gt3A_1377 : vector<1x8xi32>
      %convert_element_type3A_1379 = arith.extui %gt3A_1378 : vector<1x8xi1> to vector<1x8xi32>
      %convert_element_type3A_1380 = arith.sitofp %convert_element_type3A_1379 : vector<1x8xi32> to vector<1x8xf32>
      %mul3A_1381 = arith.mulf %mul3A_1375, %convert_element_type3A_1380 : vector<1x8xf32>
      %sub3A_1382 = arith.constant 1.000000e+00 : f32
      %sub3A_1383 = vector.broadcast %sub3A_1382 : f32 to vector<1x8xf32>
      %sub3A_1384 = arith.subf %sub3A_1383, %mul3A_1381 : vector<1x8xf32>
      %mul3A_1385 = arith.mulf %mul3A_1371, %sub3A_1384 : vector<1x8xf32>
      %slice3A_1386 = vector.extract_strided_slice %mul3A_1385 {offsets = [0, 4], sizes = [1, 1], strides = [1, 1]} : vector<1x8xf32> to vector<1x1xf32>
      %slice3A_1387 = vector.extract_strided_slice %convert_element_type3A_1329 {offsets = [4, 0], sizes = [1, 8], strides = [1, 1]} : vector<8x8xf32> to vector<1x8xf32>
      %mul3A_1388 = vector.broadcast %slice3A_1386 : vector<1x1xf32> to vector<1x8xf32>
      %mul3A_1389 = arith.mulf %slice3A_1387, %mul3A_1388 : vector<1x8xf32>
      %gt3A_1390 = arith.constant 4 : i32
      %gt3A_1391 = vector.broadcast %gt3A_1390 : i32 to vector<1x8xi32>
      %gt3A_1392 = arith.cmpi sgt, %iota3A, %gt3A_1391 : vector<1x8xi32>
      %convert_element_type3A_1393 = arith.extui %gt3A_1392 : vector<1x8xi1> to vector<1x8xi32>
      %convert_element_type3A_1394 = arith.sitofp %convert_element_type3A_1393 : vector<1x8xi32> to vector<1x8xf32>
      %mul3A_1395 = arith.mulf %mul3A_1389, %convert_element_type3A_1394 : vector<1x8xf32>
      %sub3A_1396 = arith.constant 1.000000e+00 : f32
      %sub3A_1397 = vector.broadcast %sub3A_1396 : f32 to vector<1x8xf32>
      %sub3A_1398 = arith.subf %sub3A_1397, %mul3A_1395 : vector<1x8xf32>
      %mul3A_1399 = arith.mulf %mul3A_1385, %sub3A_1398 : vector<1x8xf32>
      %slice3A_1400 = vector.extract_strided_slice %mul3A_1399 {offsets = [0, 5], sizes = [1, 1], strides = [1, 1]} : vector<1x8xf32> to vector<1x1xf32>
      %slice3A_1401 = vector.extract_strided_slice %convert_element_type3A_1329 {offsets = [5, 0], sizes = [1, 8], strides = [1, 1]} : vector<8x8xf32> to vector<1x8xf32>
      %mul3A_1402 = vector.broadcast %slice3A_1400 : vector<1x1xf32> to vector<1x8xf32>
      %mul3A_1403 = arith.mulf %slice3A_1401, %mul3A_1402 : vector<1x8xf32>
      %gt3A_1404 = arith.constant 5 : i32
      %gt3A_1405 = vector.broadcast %gt3A_1404 : i32 to vector<1x8xi32>
      %gt3A_1406 = arith.cmpi sgt, %iota3A, %gt3A_1405 : vector<1x8xi32>
      %convert_element_type3A_1407 = arith.extui %gt3A_1406 : vector<1x8xi1> to vector<1x8xi32>
      %convert_element_type3A_1408 = arith.sitofp %convert_element_type3A_1407 : vector<1x8xi32> to vector<1x8xf32>
      %mul3A_1409 = arith.mulf %mul3A_1403, %convert_element_type3A_1408 : vector<1x8xf32>
      %sub3A_1410 = arith.constant 1.000000e+00 : f32
      %sub3A_1411 = vector.broadcast %sub3A_1410 : f32 to vector<1x8xf32>
      %sub3A_1412 = arith.subf %sub3A_1411, %mul3A_1409 : vector<1x8xf32>
      %mul3A_1413 = arith.mulf %mul3A_1399, %sub3A_1412 : vector<1x8xf32>
      %slice3A_1414 = vector.extract_strided_slice %mul3A_1413 {offsets = [0, 6], sizes = [1, 1], strides = [1, 1]} : vector<1x8xf32> to vector<1x1xf32>
      %slice3A_1415 = vector.extract_strided_slice %convert_element_type3A_1329 {offsets = [6, 0], sizes = [1, 8], strides = [1, 1]} : vector<8x8xf32> to vector<1x8xf32>
      %mul3A_1416 = vector.broadcast %slice3A_1414 : vector<1x1xf32> to vector<1x8xf32>
      %mul3A_1417 = arith.mulf %slice3A_1415, %mul3A_1416 : vector<1x8xf32>
      %gt3A_1418 = arith.constant 6 : i32
      %gt3A_1419 = vector.broadcast %gt3A_1418 : i32 to vector<1x8xi32>
      %gt3A_1420 = arith.cmpi sgt, %iota3A, %gt3A_1419 : vector<1x8xi32>
      %convert_element_type3A_1421 = arith.extui %gt3A_1420 : vector<1x8xi1> to vector<1x8xi32>
      %convert_element_type3A_1422 = arith.sitofp %convert_element_type3A_1421 : vector<1x8xi32> to vector<1x8xf32>
      %mul3A_1423 = arith.mulf %mul3A_1417, %convert_element_type3A_1422 : vector<1x8xf32>
      %sub3A_1424 = arith.constant 1.000000e+00 : f32
      %sub3A_1425 = vector.broadcast %sub3A_1424 : f32 to vector<1x8xf32>
      %sub3A_1426 = arith.subf %sub3A_1425, %mul3A_1423 : vector<1x8xf32>
      %mul3A_1427 = arith.mulf %mul3A_1413, %sub3A_1426 : vector<1x8xf32>
      %slice3A_1428 = vector.extract_strided_slice %mul3A_1427 {offsets = [0, 7], sizes = [1, 1], strides = [1, 1]} : vector<1x8xf32> to vector<1x1xf32>
      %slice3A_1429 = vector.extract_strided_slice %convert_element_type3A_1329 {offsets = [7, 0], sizes = [1, 8], strides = [1, 1]} : vector<8x8xf32> to vector<1x8xf32>
      %mul3A_1430 = vector.broadcast %slice3A_1428 : vector<1x1xf32> to vector<1x8xf32>
      %mul3A_1431 = arith.mulf %slice3A_1429, %mul3A_1430 : vector<1x8xf32>
      %gt3A_1432 = arith.constant 7 : i32
      %gt3A_1433 = vector.broadcast %gt3A_1432 : i32 to vector<1x8xi32>
      %gt3A_1434 = arith.cmpi sgt, %iota3A, %gt3A_1433 : vector<1x8xi32>
      %convert_element_type3A_1435 = arith.extui %gt3A_1434 : vector<1x8xi1> to vector<1x8xi32>
      %convert_element_type3A_1436 = arith.sitofp %convert_element_type3A_1435 : vector<1x8xi32> to vector<1x8xf32>
      %mul3A_1437 = arith.mulf %mul3A_1431, %convert_element_type3A_1436 : vector<1x8xf32>
      %sub3A_1438 = arith.constant 1.000000e+00 : f32
      %sub3A_1439 = vector.broadcast %sub3A_1438 : f32 to vector<1x8xf32>
      %sub3A_1440 = arith.subf %sub3A_1439, %mul3A_1437 : vector<1x8xf32>
      %mul3A_1441 = arith.mulf %mul3A_1427, %sub3A_1440 : vector<1x8xf32>
      %broadcast_in_dim3A_1442 = vector.shape_cast %mul3A_1441 : vector<1x8xf32> to vector<1x8xf32>
      %broadcast_in_dim3A_1443 = vector.broadcast %broadcast_in_dim3A_1442 : vector<1x8xf32> to vector<8x8xf32>
      %mul3A_1444 = arith.mulf %broadcast_in_dim3A_1443, %convert_element_type3A_58 : vector<8x8xf32>
      %reduce_sum3A_1445 = arith.constant dense<0.000000e+00> : vector<8xf32>
      %reduce_sum3A_1446 = vector.multi_reduction <add>, %mul3A_1444, %reduce_sum3A_1445 [1] : vector<8x8xf32> to vector<8xf32>
      %broadcast_in_dim3A_1447 = vector.shape_cast %reduce_sum3A_1446 : vector<8xf32> to vector<8x1xf32>
      %sub3A_1448 = arith.constant 1.000000e+00 : f32
      %sub3A_1449 = vector.broadcast %sub3A_1448 : f32 to vector<8x1xf32>
      %sub3A_1450 = arith.subf %sub3A_1449, %broadcast_in_dim3A_1447 : vector<8x1xf32>
      %mul3A_1451 = arith.constant 1.000000e+09 : f32
      %mul3A_1452 = vector.broadcast %mul3A_1451 : f32 to vector<8x1xf32>
      %mul3A_1453 = arith.mulf %sub3A_1450, %mul3A_1452 : vector<8x1xf32>
      %add3A_1454 = arith.addf %slice3A_1286, %mul3A_1453 : vector<8x1xf32>
      %min3A_1455 = vector.broadcast %slice3A_1288 : vector<8x1xf32> to vector<8x5120xf32>
      %min3A_1456 = vector.broadcast %get3A_46 : vector<1x5120xf32> to vector<8x5120xf32>
      %min3A_1457 = arith.minimumf %min3A_1455, %min3A_1456 : vector<8x5120xf32>
      %max3A_1458 = vector.broadcast %add3A_1454 : vector<8x1xf32> to vector<8x5120xf32>
      %max3A_1459 = vector.broadcast %get3A_40 : vector<1x5120xf32> to vector<8x5120xf32>
      %max3A_1460 = arith.maximumf %max3A_1458, %max3A_1459 : vector<8x5120xf32>
      %sub3A_1461 = arith.subf %min3A_1457, %max3A_1460 : vector<8x5120xf32>
      %max3A_1462 = arith.constant 0.000000e+00 : f32
      %max3A_1463 = vector.broadcast %max3A_1462 : f32 to vector<8x5120xf32>
      %max3A_1464 = arith.maximumf %sub3A_1461, %max3A_1463 : vector<8x5120xf32>
      %min3A_1465 = vector.broadcast %slice3A_1289 : vector<8x1xf32> to vector<8x5120xf32>
      %min3A_1466 = vector.broadcast %get3A_49 : vector<1x5120xf32> to vector<8x5120xf32>
      %min3A_1467 = arith.minimumf %min3A_1465, %min3A_1466 : vector<8x5120xf32>
      %max3A_1468 = vector.broadcast %slice3A_1287 : vector<8x1xf32> to vector<8x5120xf32>
      %max3A_1469 = vector.broadcast %get3A_43 : vector<1x5120xf32> to vector<8x5120xf32>
      %max3A_1470 = arith.maximumf %max3A_1468, %max3A_1469 : vector<8x5120xf32>
      %sub3A_1471 = arith.subf %min3A_1467, %max3A_1470 : vector<8x5120xf32>
      %max3A_1472 = arith.constant 0.000000e+00 : f32
      %max3A_1473 = vector.broadcast %max3A_1472 : f32 to vector<8x5120xf32>
      %max3A_1474 = arith.maximumf %sub3A_1471, %max3A_1473 : vector<8x5120xf32>
      %mul3A_1475 = arith.mulf %max3A_1464, %max3A_1474 : vector<8x5120xf32>
      %add3A_1476 = vector.broadcast %slice3A_1290 : vector<8x1xf32> to vector<8x5120xf32>
      %add3A_1477 = vector.broadcast %get3A_52 : vector<1x5120xf32> to vector<8x5120xf32>
      %add3A_1478 = arith.addf %add3A_1476, %add3A_1477 : vector<8x5120xf32>
      %sub3A_1479 = arith.subf %add3A_1478, %mul3A_1475 : vector<8x5120xf32>
      %add3A_1480 = arith.constant 1.000000e-07 : f32
      %add3A_1481 = vector.broadcast %add3A_1480 : f32 to vector<8x5120xf32>
      %add3A_1482 = arith.addf %sub3A_1479, %add3A_1481 : vector<8x5120xf32>
      %div3A_1483 = arith.divf %mul3A_1475, %add3A_1482 : vector<8x5120xf32>
      %reduce_max3A_1484 = arith.constant dense<0xFF800000> : vector<5120xf32>
      %reduce_max3A_1485 = vector.multi_reduction <maximumf>, %div3A_1483, %reduce_max3A_1484 [0] : vector<8x5120xf32> to vector<5120xf32>
      %broadcast_in_dim3A_1486 = vector.shape_cast %reduce_max3A_1485 : vector<5120xf32> to vector<1x5120xf32>
      %gt3A_1487 = arith.constant 4.500000e-01 : f32
      %gt3A_1488 = vector.broadcast %gt3A_1487 : f32 to vector<1x5120xf32>
      %gt3A_1489 = arith.cmpf ogt, %broadcast_in_dim3A_1486, %gt3A_1488 : vector<1x5120xf32>
      %add3A_1490 = arith.constant 40 : i32
      %add3A_1491 = arith.addi %mul3A_2, %add3A_1490 : i32
      %add3A_1492 = arith.constant 8 : i32
      %add3A_1493 = arith.addi %add3A_1491, %add3A_1492 : i32
      %ge3A_1494 = vector.broadcast %add3A_1493 : i32 to vector<1x5120xi32>
      %ge3A_1495 = arith.cmpi sge, %iota3A_53, %ge3A_1494 : vector<1x5120xi32>
      %get3A_1496 = arith.constant 0 : index
      %get3A_1497 = arith.constant 0 : index
      %get3A_1498 = vector.load %arg4[%get3A_1496, %get3A_1497] : memref<1x5120xf32, #tpu.memory_space<vmem>>, vector<1x5120xf32>
      %and3A_1499 = arith.andi %gt3A_1489, %ge3A_1495 : vector<1x5120xi1>
      %convert_element_type3A_1500 = arith.extui %and3A_1499 : vector<1x5120xi1> to vector<1x5120xi32>
      %convert_element_type3A_1501 = arith.sitofp %convert_element_type3A_1500 : vector<1x5120xi32> to vector<1x5120xf32>
      %sub3A_1502 = arith.constant 1.000000e+00 : f32
      %sub3A_1503 = vector.broadcast %sub3A_1502 : f32 to vector<1x5120xf32>
      %sub3A_1504 = arith.subf %sub3A_1503, %convert_element_type3A_1501 : vector<1x5120xf32>
      %mul3A_1505 = arith.mulf %get3A_1498, %sub3A_1504 : vector<1x5120xf32>
      %swap3A_1506 = arith.constant 0 : index
      %swap3A_1507 = arith.constant 0 : index
      %swap3A_1508 = vector.load %arg4[%swap3A_1506, %swap3A_1507] : memref<1x5120xf32, #tpu.memory_space<vmem>>, vector<1x5120xf32>
      tpu.vector_store %arg4[%swap3A_1506, %swap3A_1507], %mul3A_1505 {strides = array<i32>} : memref<1x5120xf32, #tpu.memory_space<vmem>>, vector<1x5120xf32>,
      %get3A_1509 = arith.constant 0 : index
      %get3A_1510 = arith.index_cast %mul3A_2 : i32 to index
      %get3A_1511 = vector.load %arg4[%get3A_1509, %get3A_1510] : memref<1x5120xf32, #tpu.memory_space<vmem>>, vector<1x128xf32>
      %iota3A_1512 = tpu.iota {dimensions = array<i32: 1>} : vector<1x128xi32>
      %ge3A_1513 = arith.constant 40 : i32
      %ge3A_1514 = vector.broadcast %ge3A_1513 : i32 to vector<1x128xi32>
      %ge3A_1515 = arith.cmpi sge, %iota3A_1512, %ge3A_1514 : vector<1x128xi32>
      %lt3A_1516 = arith.constant 48 : i32
      %lt3A_1517 = vector.broadcast %lt3A_1516 : i32 to vector<1x128xi32>
      %lt3A_1518 = arith.cmpi slt, %iota3A_1512, %lt3A_1517 : vector<1x128xi32>
      %and3A_1519 = arith.andi %ge3A_1515, %lt3A_1518 : vector<1x128xi1>
      %jit3A_1520 = arith.constant 0 : i32
      %convert_element_type3A_1521 = arith.sitofp %jit3A_1520 : i32 to f32
      %pad3A_1522 = vector.broadcast %convert_element_type3A_1521 : f32 to vector<1x40xf32>
      %pad3A_1523 = tpu.concatenate %pad3A_1522, %mul3A_1441 in 1 : vector<1x40xf32>, vector<1x8xf32> -> vector<1x48xf32>
      %pad3A_1524 = vector.broadcast %convert_element_type3A_1521 : f32 to vector<1x80xf32>
      %pad3A_1525 = tpu.concatenate %pad3A_1523, %pad3A_1524 in 1 : vector<1x48xf32>, vector<1x80xf32> -> vector<1x128xf32>
      %select_n3A_1526 = arith.select %and3A_1519, %pad3A_1525, %get3A_1511 : vector<1x128xi1>, vector<1x128xf32>
      %swap3A_1527 = arith.constant 0 : index
      %swap3A_1528 = arith.index_cast %mul3A_2 : i32 to index
      %swap3A_1529 = vector.load %arg4[%swap3A_1527, %swap3A_1528] : memref<1x5120xf32, #tpu.memory_space<vmem>>, vector<1x128xf32>
      tpu.vector_store %arg4[%swap3A_1527, %swap3A_1528], %select_n3A_1526 {strides = array<i32>} : memref<1x5120xf32, #tpu.memory_space<vmem>>, vector<1x128xf32>,
      %get3A_1530 = arith.constant 0 : index
      %get3A_1531 = arith.index_cast %mul3A_2 : i32 to index
      %get3A_1532 = vector.load %arg4[%get3A_1530, %get3A_1531] : memref<1x5120xf32, #tpu.memory_space<vmem>>, vector<1x128xf32>
      %slice3A_1533 = vector.extract_strided_slice %get3A_1532 {offsets = [0, 48], sizes = [1, 8], strides = [1, 1]} : vector<1x128xf32> to vector<1x8xf32>
      %slice3A_1534 = vector.extract_strided_slice %get3A_22 {offsets = [0, 30], sizes = [8, 1], strides = [1, 1]} : vector<8x128xf32> to vector<8x1xf32>
      %slice3A_1535 = vector.extract_strided_slice %get3A_22 {offsets = [0, 31], sizes = [8, 1], strides = [1, 1]} : vector<8x128xf32> to vector<8x1xf32>
      %slice3A_1536 = vector.extract_strided_slice %get3A_22 {offsets = [0, 32], sizes = [8, 1], strides = [1, 1]} : vector<8x128xf32> to vector<8x1xf32>
      %slice3A_1537 = vector.extract_strided_slice %get3A_22 {offsets = [0, 33], sizes = [8, 1], strides = [1, 1]} : vector<8x128xf32> to vector<8x1xf32>
      %slice3A_1538 = vector.extract_strided_slice %get3A_22 {offsets = [0, 34], sizes = [8, 1], strides = [1, 1]} : vector<8x128xf32> to vector<8x1xf32>
      %slice3A_1539 = vector.extract_strided_slice %get3A_25 {offsets = [0, 48], sizes = [1, 8], strides = [1, 1]} : vector<1x128xf32> to vector<1x8xf32>
      %slice3A_1540 = vector.extract_strided_slice %get3A_28 {offsets = [0, 48], sizes = [1, 8], strides = [1, 1]} : vector<1x128xf32> to vector<1x8xf32>
      %slice3A_1541 = vector.extract_strided_slice %get3A_31 {offsets = [0, 48], sizes = [1, 8], strides = [1, 1]} : vector<1x128xf32> to vector<1x8xf32>
      %slice3A_1542 = vector.extract_strided_slice %get3A_34 {offsets = [0, 48], sizes = [1, 8], strides = [1, 1]} : vector<1x128xf32> to vector<1x8xf32>
      %slice3A_1543 = vector.extract_strided_slice %get3A_37 {offsets = [0, 48], sizes = [1, 8], strides = [1, 1]} : vector<1x128xf32> to vector<1x8xf32>
      %min3A_1544 = vector.broadcast %slice3A_1536 : vector<8x1xf32> to vector<8x8xf32>
      %min3A_1545 = vector.broadcast %slice3A_1541 : vector<1x8xf32> to vector<8x8xf32>
      %min3A_1546 = arith.minimumf %min3A_1544, %min3A_1545 : vector<8x8xf32>
      %max3A_1547 = vector.broadcast %slice3A_1534 : vector<8x1xf32> to vector<8x8xf32>
      %max3A_1548 = vector.broadcast %slice3A_1539 : vector<1x8xf32> to vector<8x8xf32>
      %max3A_1549 = arith.maximumf %max3A_1547, %max3A_1548 : vector<8x8xf32>
      %sub3A_1550 = arith.subf %min3A_1546, %max3A_1549 : vector<8x8xf32>
      %max3A_1551 = arith.constant 0.000000e+00 : f32
      %max3A_1552 = vector.broadcast %max3A_1551 : f32 to vector<8x8xf32>
      %max3A_1553 = arith.maximumf %sub3A_1550, %max3A_1552 : vector<8x8xf32>
      %min3A_1554 = vector.broadcast %slice3A_1537 : vector<8x1xf32> to vector<8x8xf32>
      %min3A_1555 = vector.broadcast %slice3A_1542 : vector<1x8xf32> to vector<8x8xf32>
      %min3A_1556 = arith.minimumf %min3A_1554, %min3A_1555 : vector<8x8xf32>
      %max3A_1557 = vector.broadcast %slice3A_1535 : vector<8x1xf32> to vector<8x8xf32>
      %max3A_1558 = vector.broadcast %slice3A_1540 : vector<1x8xf32> to vector<8x8xf32>
      %max3A_1559 = arith.maximumf %max3A_1557, %max3A_1558 : vector<8x8xf32>
      %sub3A_1560 = arith.subf %min3A_1556, %max3A_1559 : vector<8x8xf32>
      %max3A_1561 = arith.constant 0.000000e+00 : f32
      %max3A_1562 = vector.broadcast %max3A_1561 : f32 to vector<8x8xf32>
      %max3A_1563 = arith.maximumf %sub3A_1560, %max3A_1562 : vector<8x8xf32>
      %mul3A_1564 = arith.mulf %max3A_1553, %max3A_1563 : vector<8x8xf32>
      %add3A_1565 = vector.broadcast %slice3A_1538 : vector<8x1xf32> to vector<8x8xf32>
      %add3A_1566 = vector.broadcast %slice3A_1543 : vector<1x8xf32> to vector<8x8xf32>
      %add3A_1567 = arith.addf %add3A_1565, %add3A_1566 : vector<8x8xf32>
      %sub3A_1568 = arith.subf %add3A_1567, %mul3A_1564 : vector<8x8xf32>
      %add3A_1569 = arith.constant 1.000000e-07 : f32
      %add3A_1570 = vector.broadcast %add3A_1569 : f32 to vector<8x8xf32>
      %add3A_1571 = arith.addf %sub3A_1568, %add3A_1570 : vector<8x8xf32>
      %div3A_1572 = arith.divf %mul3A_1564, %add3A_1571 : vector<8x8xf32>
      %gt3A_1573 = arith.constant 4.500000e-01 : f32
      %gt3A_1574 = vector.broadcast %gt3A_1573 : f32 to vector<8x8xf32>
      %gt3A_1575 = arith.cmpf ogt, %div3A_1572, %gt3A_1574 : vector<8x8xf32>
      %convert_element_type3A_1576 = arith.extui %gt3A_1575 : vector<8x8xi1> to vector<8x8xi32>
      %convert_element_type3A_1577 = arith.sitofp %convert_element_type3A_1576 : vector<8x8xi32> to vector<8x8xf32>
      %slice3A_1578 = vector.extract_strided_slice %slice3A_1533 {offsets = [0, 0], sizes = [1, 1], strides = [1, 1]} : vector<1x8xf32> to vector<1x1xf32>
      %slice3A_1579 = vector.extract_strided_slice %convert_element_type3A_1577 {offsets = [0, 0], sizes = [1, 8], strides = [1, 1]} : vector<8x8xf32> to vector<1x8xf32>
      %mul3A_1580 = vector.broadcast %slice3A_1578 : vector<1x1xf32> to vector<1x8xf32>
      %mul3A_1581 = arith.mulf %slice3A_1579, %mul3A_1580 : vector<1x8xf32>
      %gt3A_1582 = arith.constant 0 : i32
      %gt3A_1583 = vector.broadcast %gt3A_1582 : i32 to vector<1x8xi32>
      %gt3A_1584 = arith.cmpi sgt, %iota3A, %gt3A_1583 : vector<1x8xi32>
      %convert_element_type3A_1585 = arith.extui %gt3A_1584 : vector<1x8xi1> to vector<1x8xi32>
      %convert_element_type3A_1586 = arith.sitofp %convert_element_type3A_1585 : vector<1x8xi32> to vector<1x8xf32>
      %mul3A_1587 = arith.mulf %mul3A_1581, %convert_element_type3A_1586 : vector<1x8xf32>
      %sub3A_1588 = arith.constant 1.000000e+00 : f32
      %sub3A_1589 = vector.broadcast %sub3A_1588 : f32 to vector<1x8xf32>
      %sub3A_1590 = arith.subf %sub3A_1589, %mul3A_1587 : vector<1x8xf32>
      %mul3A_1591 = arith.mulf %slice3A_1533, %sub3A_1590 : vector<1x8xf32>
      %slice3A_1592 = vector.extract_strided_slice %mul3A_1591 {offsets = [0, 1], sizes = [1, 1], strides = [1, 1]} : vector<1x8xf32> to vector<1x1xf32>
      %slice3A_1593 = vector.extract_strided_slice %convert_element_type3A_1577 {offsets = [1, 0], sizes = [1, 8], strides = [1, 1]} : vector<8x8xf32> to vector<1x8xf32>
      %mul3A_1594 = vector.broadcast %slice3A_1592 : vector<1x1xf32> to vector<1x8xf32>
      %mul3A_1595 = arith.mulf %slice3A_1593, %mul3A_1594 : vector<1x8xf32>
      %gt3A_1596 = arith.constant 1 : i32
      %gt3A_1597 = vector.broadcast %gt3A_1596 : i32 to vector<1x8xi32>
      %gt3A_1598 = arith.cmpi sgt, %iota3A, %gt3A_1597 : vector<1x8xi32>
      %convert_element_type3A_1599 = arith.extui %gt3A_1598 : vector<1x8xi1> to vector<1x8xi32>
      %convert_element_type3A_1600 = arith.sitofp %convert_element_type3A_1599 : vector<1x8xi32> to vector<1x8xf32>
      %mul3A_1601 = arith.mulf %mul3A_1595, %convert_element_type3A_1600 : vector<1x8xf32>
      %sub3A_1602 = arith.constant 1.000000e+00 : f32
      %sub3A_1603 = vector.broadcast %sub3A_1602 : f32 to vector<1x8xf32>
      %sub3A_1604 = arith.subf %sub3A_1603, %mul3A_1601 : vector<1x8xf32>
      %mul3A_1605 = arith.mulf %mul3A_1591, %sub3A_1604 : vector<1x8xf32>
      %slice3A_1606 = vector.extract_strided_slice %mul3A_1605 {offsets = [0, 2], sizes = [1, 1], strides = [1, 1]} : vector<1x8xf32> to vector<1x1xf32>
      %slice3A_1607 = vector.extract_strided_slice %convert_element_type3A_1577 {offsets = [2, 0], sizes = [1, 8], strides = [1, 1]} : vector<8x8xf32> to vector<1x8xf32>
      %mul3A_1608 = vector.broadcast %slice3A_1606 : vector<1x1xf32> to vector<1x8xf32>
      %mul3A_1609 = arith.mulf %slice3A_1607, %mul3A_1608 : vector<1x8xf32>
      %gt3A_1610 = arith.constant 2 : i32
      %gt3A_1611 = vector.broadcast %gt3A_1610 : i32 to vector<1x8xi32>
      %gt3A_1612 = arith.cmpi sgt, %iota3A, %gt3A_1611 : vector<1x8xi32>
      %convert_element_type3A_1613 = arith.extui %gt3A_1612 : vector<1x8xi1> to vector<1x8xi32>
      %convert_element_type3A_1614 = arith.sitofp %convert_element_type3A_1613 : vector<1x8xi32> to vector<1x8xf32>
      %mul3A_1615 = arith.mulf %mul3A_1609, %convert_element_type3A_1614 : vector<1x8xf32>
      %sub3A_1616 = arith.constant 1.000000e+00 : f32
      %sub3A_1617 = vector.broadcast %sub3A_1616 : f32 to vector<1x8xf32>
      %sub3A_1618 = arith.subf %sub3A_1617, %mul3A_1615 : vector<1x8xf32>
      %mul3A_1619 = arith.mulf %mul3A_1605, %sub3A_1618 : vector<1x8xf32>
      %slice3A_1620 = vector.extract_strided_slice %mul3A_1619 {offsets = [0, 3], sizes = [1, 1], strides = [1, 1]} : vector<1x8xf32> to vector<1x1xf32>
      %slice3A_1621 = vector.extract_strided_slice %convert_element_type3A_1577 {offsets = [3, 0], sizes = [1, 8], strides = [1, 1]} : vector<8x8xf32> to vector<1x8xf32>
      %mul3A_1622 = vector.broadcast %slice3A_1620 : vector<1x1xf32> to vector<1x8xf32>
      %mul3A_1623 = arith.mulf %slice3A_1621, %mul3A_1622 : vector<1x8xf32>
      %gt3A_1624 = arith.constant 3 : i32
      %gt3A_1625 = vector.broadcast %gt3A_1624 : i32 to vector<1x8xi32>
      %gt3A_1626 = arith.cmpi sgt, %iota3A, %gt3A_1625 : vector<1x8xi32>
      %convert_element_type3A_1627 = arith.extui %gt3A_1626 : vector<1x8xi1> to vector<1x8xi32>
      %convert_element_type3A_1628 = arith.sitofp %convert_element_type3A_1627 : vector<1x8xi32> to vector<1x8xf32>
      %mul3A_1629 = arith.mulf %mul3A_1623, %convert_element_type3A_1628 : vector<1x8xf32>
      %sub3A_1630 = arith.constant 1.000000e+00 : f32
      %sub3A_1631 = vector.broadcast %sub3A_1630 : f32 to vector<1x8xf32>
      %sub3A_1632 = arith.subf %sub3A_1631, %mul3A_1629 : vector<1x8xf32>
      %mul3A_1633 = arith.mulf %mul3A_1619, %sub3A_1632 : vector<1x8xf32>
      %slice3A_1634 = vector.extract_strided_slice %mul3A_1633 {offsets = [0, 4], sizes = [1, 1], strides = [1, 1]} : vector<1x8xf32> to vector<1x1xf32>
      %slice3A_1635 = vector.extract_strided_slice %convert_element_type3A_1577 {offsets = [4, 0], sizes = [1, 8], strides = [1, 1]} : vector<8x8xf32> to vector<1x8xf32>
      %mul3A_1636 = vector.broadcast %slice3A_1634 : vector<1x1xf32> to vector<1x8xf32>
      %mul3A_1637 = arith.mulf %slice3A_1635, %mul3A_1636 : vector<1x8xf32>
      %gt3A_1638 = arith.constant 4 : i32
      %gt3A_1639 = vector.broadcast %gt3A_1638 : i32 to vector<1x8xi32>
      %gt3A_1640 = arith.cmpi sgt, %iota3A, %gt3A_1639 : vector<1x8xi32>
      %convert_element_type3A_1641 = arith.extui %gt3A_1640 : vector<1x8xi1> to vector<1x8xi32>
      %convert_element_type3A_1642 = arith.sitofp %convert_element_type3A_1641 : vector<1x8xi32> to vector<1x8xf32>
      %mul3A_1643 = arith.mulf %mul3A_1637, %convert_element_type3A_1642 : vector<1x8xf32>
      %sub3A_1644 = arith.constant 1.000000e+00 : f32
      %sub3A_1645 = vector.broadcast %sub3A_1644 : f32 to vector<1x8xf32>
      %sub3A_1646 = arith.subf %sub3A_1645, %mul3A_1643 : vector<1x8xf32>
      %mul3A_1647 = arith.mulf %mul3A_1633, %sub3A_1646 : vector<1x8xf32>
      %slice3A_1648 = vector.extract_strided_slice %mul3A_1647 {offsets = [0, 5], sizes = [1, 1], strides = [1, 1]} : vector<1x8xf32> to vector<1x1xf32>
      %slice3A_1649 = vector.extract_strided_slice %convert_element_type3A_1577 {offsets = [5, 0], sizes = [1, 8], strides = [1, 1]} : vector<8x8xf32> to vector<1x8xf32>
      %mul3A_1650 = vector.broadcast %slice3A_1648 : vector<1x1xf32> to vector<1x8xf32>
      %mul3A_1651 = arith.mulf %slice3A_1649, %mul3A_1650 : vector<1x8xf32>
      %gt3A_1652 = arith.constant 5 : i32
      %gt3A_1653 = vector.broadcast %gt3A_1652 : i32 to vector<1x8xi32>
      %gt3A_1654 = arith.cmpi sgt, %iota3A, %gt3A_1653 : vector<1x8xi32>
      %convert_element_type3A_1655 = arith.extui %gt3A_1654 : vector<1x8xi1> to vector<1x8xi32>
      %convert_element_type3A_1656 = arith.sitofp %convert_element_type3A_1655 : vector<1x8xi32> to vector<1x8xf32>
      %mul3A_1657 = arith.mulf %mul3A_1651, %convert_element_type3A_1656 : vector<1x8xf32>
      %sub3A_1658 = arith.constant 1.000000e+00 : f32
      %sub3A_1659 = vector.broadcast %sub3A_1658 : f32 to vector<1x8xf32>
      %sub3A_1660 = arith.subf %sub3A_1659, %mul3A_1657 : vector<1x8xf32>
      %mul3A_1661 = arith.mulf %mul3A_1647, %sub3A_1660 : vector<1x8xf32>
      %slice3A_1662 = vector.extract_strided_slice %mul3A_1661 {offsets = [0, 6], sizes = [1, 1], strides = [1, 1]} : vector<1x8xf32> to vector<1x1xf32>
      %slice3A_1663 = vector.extract_strided_slice %convert_element_type3A_1577 {offsets = [6, 0], sizes = [1, 8], strides = [1, 1]} : vector<8x8xf32> to vector<1x8xf32>
      %mul3A_1664 = vector.broadcast %slice3A_1662 : vector<1x1xf32> to vector<1x8xf32>
      %mul3A_1665 = arith.mulf %slice3A_1663, %mul3A_1664 : vector<1x8xf32>
      %gt3A_1666 = arith.constant 6 : i32
      %gt3A_1667 = vector.broadcast %gt3A_1666 : i32 to vector<1x8xi32>
      %gt3A_1668 = arith.cmpi sgt, %iota3A, %gt3A_1667 : vector<1x8xi32>
      %convert_element_type3A_1669 = arith.extui %gt3A_1668 : vector<1x8xi1> to vector<1x8xi32>
      %convert_element_type3A_1670 = arith.sitofp %convert_element_type3A_1669 : vector<1x8xi32> to vector<1x8xf32>
      %mul3A_1671 = arith.mulf %mul3A_1665, %convert_element_type3A_1670 : vector<1x8xf32>
      %sub3A_1672 = arith.constant 1.000000e+00 : f32
      %sub3A_1673 = vector.broadcast %sub3A_1672 : f32 to vector<1x8xf32>
      %sub3A_1674 = arith.subf %sub3A_1673, %mul3A_1671 : vector<1x8xf32>
      %mul3A_1675 = arith.mulf %mul3A_1661, %sub3A_1674 : vector<1x8xf32>
      %slice3A_1676 = vector.extract_strided_slice %mul3A_1675 {offsets = [0, 7], sizes = [1, 1], strides = [1, 1]} : vector<1x8xf32> to vector<1x1xf32>
      %slice3A_1677 = vector.extract_strided_slice %convert_element_type3A_1577 {offsets = [7, 0], sizes = [1, 8], strides = [1, 1]} : vector<8x8xf32> to vector<1x8xf32>
      %mul3A_1678 = vector.broadcast %slice3A_1676 : vector<1x1xf32> to vector<1x8xf32>
      %mul3A_1679 = arith.mulf %slice3A_1677, %mul3A_1678 : vector<1x8xf32>
      %gt3A_1680 = arith.constant 7 : i32
      %gt3A_1681 = vector.broadcast %gt3A_1680 : i32 to vector<1x8xi32>
      %gt3A_1682 = arith.cmpi sgt, %iota3A, %gt3A_1681 : vector<1x8xi32>
      %convert_element_type3A_1683 = arith.extui %gt3A_1682 : vector<1x8xi1> to vector<1x8xi32>
      %convert_element_type3A_1684 = arith.sitofp %convert_element_type3A_1683 : vector<1x8xi32> to vector<1x8xf32>
      %mul3A_1685 = arith.mulf %mul3A_1679, %convert_element_type3A_1684 : vector<1x8xf32>
      %sub3A_1686 = arith.constant 1.000000e+00 : f32
      %sub3A_1687 = vector.broadcast %sub3A_1686 : f32 to vector<1x8xf32>
      %sub3A_1688 = arith.subf %sub3A_1687, %mul3A_1685 : vector<1x8xf32>
      %mul3A_1689 = arith.mulf %mul3A_1675, %sub3A_1688 : vector<1x8xf32>
      %broadcast_in_dim3A_1690 = vector.shape_cast %mul3A_1689 : vector<1x8xf32> to vector<1x8xf32>
      %broadcast_in_dim3A_1691 = vector.broadcast %broadcast_in_dim3A_1690 : vector<1x8xf32> to vector<8x8xf32>
      %mul3A_1692 = arith.mulf %broadcast_in_dim3A_1691, %convert_element_type3A_58 : vector<8x8xf32>
      %reduce_sum3A_1693 = arith.constant dense<0.000000e+00> : vector<8xf32>
      %reduce_sum3A_1694 = vector.multi_reduction <add>, %mul3A_1692, %reduce_sum3A_1693 [1] : vector<8x8xf32> to vector<8xf32>
      %broadcast_in_dim3A_1695 = vector.shape_cast %reduce_sum3A_1694 : vector<8xf32> to vector<8x1xf32>
      %sub3A_1696 = arith.constant 1.000000e+00 : f32
      %sub3A_1697 = vector.broadcast %sub3A_1696 : f32 to vector<8x1xf32>
      %sub3A_1698 = arith.subf %sub3A_1697, %broadcast_in_dim3A_1695 : vector<8x1xf32>
      %mul3A_1699 = arith.constant 1.000000e+09 : f32
      %mul3A_1700 = vector.broadcast %mul3A_1699 : f32 to vector<8x1xf32>
      %mul3A_1701 = arith.mulf %sub3A_1698, %mul3A_1700 : vector<8x1xf32>
      %add3A_1702 = arith.addf %slice3A_1534, %mul3A_1701 : vector<8x1xf32>
      %min3A_1703 = vector.broadcast %slice3A_1536 : vector<8x1xf32> to vector<8x5120xf32>
      %min3A_1704 = vector.broadcast %get3A_46 : vector<1x5120xf32> to vector<8x5120xf32>
      %min3A_1705 = arith.minimumf %min3A_1703, %min3A_1704 : vector<8x5120xf32>
      %max3A_1706 = vector.broadcast %add3A_1702 : vector<8x1xf32> to vector<8x5120xf32>
      %max3A_1707 = vector.broadcast %get3A_40 : vector<1x5120xf32> to vector<8x5120xf32>
      %max3A_1708 = arith.maximumf %max3A_1706, %max3A_1707 : vector<8x5120xf32>
      %sub3A_1709 = arith.subf %min3A_1705, %max3A_1708 : vector<8x5120xf32>
      %max3A_1710 = arith.constant 0.000000e+00 : f32
      %max3A_1711 = vector.broadcast %max3A_1710 : f32 to vector<8x5120xf32>
      %max3A_1712 = arith.maximumf %sub3A_1709, %max3A_1711 : vector<8x5120xf32>
      %min3A_1713 = vector.broadcast %slice3A_1537 : vector<8x1xf32> to vector<8x5120xf32>
      %min3A_1714 = vector.broadcast %get3A_49 : vector<1x5120xf32> to vector<8x5120xf32>
      %min3A_1715 = arith.minimumf %min3A_1713, %min3A_1714 : vector<8x5120xf32>
      %max3A_1716 = vector.broadcast %slice3A_1535 : vector<8x1xf32> to vector<8x5120xf32>
      %max3A_1717 = vector.broadcast %get3A_43 : vector<1x5120xf32> to vector<8x5120xf32>
      %max3A_1718 = arith.maximumf %max3A_1716, %max3A_1717 : vector<8x5120xf32>
      %sub3A_1719 = arith.subf %min3A_1715, %max3A_1718 : vector<8x5120xf32>
      %max3A_1720 = arith.constant 0.000000e+00 : f32
      %max3A_1721 = vector.broadcast %max3A_1720 : f32 to vector<8x5120xf32>
      %max3A_1722 = arith.maximumf %sub3A_1719, %max3A_1721 : vector<8x5120xf32>
      %mul3A_1723 = arith.mulf %max3A_1712, %max3A_1722 : vector<8x5120xf32>
      %add3A_1724 = vector.broadcast %slice3A_1538 : vector<8x1xf32> to vector<8x5120xf32>
      %add3A_1725 = vector.broadcast %get3A_52 : vector<1x5120xf32> to vector<8x5120xf32>
      %add3A_1726 = arith.addf %add3A_1724, %add3A_1725 : vector<8x5120xf32>
      %sub3A_1727 = arith.subf %add3A_1726, %mul3A_1723 : vector<8x5120xf32>
      %add3A_1728 = arith.constant 1.000000e-07 : f32
      %add3A_1729 = vector.broadcast %add3A_1728 : f32 to vector<8x5120xf32>
      %add3A_1730 = arith.addf %sub3A_1727, %add3A_1729 : vector<8x5120xf32>
      %div3A_1731 = arith.divf %mul3A_1723, %add3A_1730 : vector<8x5120xf32>
      %reduce_max3A_1732 = arith.constant dense<0xFF800000> : vector<5120xf32>
      %reduce_max3A_1733 = vector.multi_reduction <maximumf>, %div3A_1731, %reduce_max3A_1732 [0] : vector<8x5120xf32> to vector<5120xf32>
      %broadcast_in_dim3A_1734 = vector.shape_cast %reduce_max3A_1733 : vector<5120xf32> to vector<1x5120xf32>
      %gt3A_1735 = arith.constant 4.500000e-01 : f32
      %gt3A_1736 = vector.broadcast %gt3A_1735 : f32 to vector<1x5120xf32>
      %gt3A_1737 = arith.cmpf ogt, %broadcast_in_dim3A_1734, %gt3A_1736 : vector<1x5120xf32>
      %add3A_1738 = arith.constant 48 : i32
      %add3A_1739 = arith.addi %mul3A_2, %add3A_1738 : i32
      %add3A_1740 = arith.constant 8 : i32
      %add3A_1741 = arith.addi %add3A_1739, %add3A_1740 : i32
      %ge3A_1742 = vector.broadcast %add3A_1741 : i32 to vector<1x5120xi32>
      %ge3A_1743 = arith.cmpi sge, %iota3A_53, %ge3A_1742 : vector<1x5120xi32>
      %get3A_1744 = arith.constant 0 : index
      %get3A_1745 = arith.constant 0 : index
      %get3A_1746 = vector.load %arg4[%get3A_1744, %get3A_1745] : memref<1x5120xf32, #tpu.memory_space<vmem>>, vector<1x5120xf32>
      %and3A_1747 = arith.andi %gt3A_1737, %ge3A_1743 : vector<1x5120xi1>
      %convert_element_type3A_1748 = arith.extui %and3A_1747 : vector<1x5120xi1> to vector<1x5120xi32>
      %convert_element_type3A_1749 = arith.sitofp %convert_element_type3A_1748 : vector<1x5120xi32> to vector<1x5120xf32>
      %sub3A_1750 = arith.constant 1.000000e+00 : f32
      %sub3A_1751 = vector.broadcast %sub3A_1750 : f32 to vector<1x5120xf32>
      %sub3A_1752 = arith.subf %sub3A_1751, %convert_element_type3A_1749 : vector<1x5120xf32>
      %mul3A_1753 = arith.mulf %get3A_1746, %sub3A_1752 : vector<1x5120xf32>
      %swap3A_1754 = arith.constant 0 : index
      %swap3A_1755 = arith.constant 0 : index
      %swap3A_1756 = vector.load %arg4[%swap3A_1754, %swap3A_1755] : memref<1x5120xf32, #tpu.memory_space<vmem>>, vector<1x5120xf32>
      tpu.vector_store %arg4[%swap3A_1754, %swap3A_1755], %mul3A_1753 {strides = array<i32>} : memref<1x5120xf32, #tpu.memory_space<vmem>>, vector<1x5120xf32>,
      %get3A_1757 = arith.constant 0 : index
      %get3A_1758 = arith.index_cast %mul3A_2 : i32 to index
      %get3A_1759 = vector.load %arg4[%get3A_1757, %get3A_1758] : memref<1x5120xf32, #tpu.memory_space<vmem>>, vector<1x128xf32>
      %iota3A_1760 = tpu.iota {dimensions = array<i32: 1>} : vector<1x128xi32>
      %ge3A_1761 = arith.constant 48 : i32
      %ge3A_1762 = vector.broadcast %ge3A_1761 : i32 to vector<1x128xi32>
      %ge3A_1763 = arith.cmpi sge, %iota3A_1760, %ge3A_1762 : vector<1x128xi32>
      %lt3A_1764 = arith.constant 56 : i32
      %lt3A_1765 = vector.broadcast %lt3A_1764 : i32 to vector<1x128xi32>
      %lt3A_1766 = arith.cmpi slt, %iota3A_1760, %lt3A_1765 : vector<1x128xi32>
      %and3A_1767 = arith.andi %ge3A_1763, %lt3A_1766 : vector<1x128xi1>
      %jit3A_1768 = arith.constant 0 : i32
      %convert_element_type3A_1769 = arith.sitofp %jit3A_1768 : i32 to f32
      %pad3A_1770 = vector.broadcast %convert_element_type3A_1769 : f32 to vector<1x48xf32>
      %pad3A_1771 = tpu.concatenate %pad3A_1770, %mul3A_1689 in 1 : vector<1x48xf32>, vector<1x8xf32> -> vector<1x56xf32>
      %pad3A_1772 = vector.broadcast %convert_element_type3A_1769 : f32 to vector<1x72xf32>
      %pad3A_1773 = tpu.concatenate %pad3A_1771, %pad3A_1772 in 1 : vector<1x56xf32>, vector<1x72xf32> -> vector<1x128xf32>
      %select_n3A_1774 = arith.select %and3A_1767, %pad3A_1773, %get3A_1759 : vector<1x128xi1>, vector<1x128xf32>
      %swap3A_1775 = arith.constant 0 : index
      %swap3A_1776 = arith.index_cast %mul3A_2 : i32 to index
      %swap3A_1777 = vector.load %arg4[%swap3A_1775, %swap3A_1776] : memref<1x5120xf32, #tpu.memory_space<vmem>>, vector<1x128xf32>
      tpu.vector_store %arg4[%swap3A_1775, %swap3A_1776], %select_n3A_1774 {strides = array<i32>} : memref<1x5120xf32, #tpu.memory_space<vmem>>, vector<1x128xf32>,
      %get3A_1778 = arith.constant 0 : index
      %get3A_1779 = arith.index_cast %mul3A_2 : i32 to index
      %get3A_1780 = vector.load %arg4[%get3A_1778, %get3A_1779] : memref<1x5120xf32, #tpu.memory_space<vmem>>, vector<1x128xf32>
      %slice3A_1781 = vector.extract_strided_slice %get3A_1780 {offsets = [0, 56], sizes = [1, 8], strides = [1, 1]} : vector<1x128xf32> to vector<1x8xf32>
      %slice3A_1782 = vector.extract_strided_slice %get3A_22 {offsets = [0, 35], sizes = [8, 1], strides = [1, 1]} : vector<8x128xf32> to vector<8x1xf32>
      %slice3A_1783 = vector.extract_strided_slice %get3A_22 {offsets = [0, 36], sizes = [8, 1], strides = [1, 1]} : vector<8x128xf32> to vector<8x1xf32>
      %slice3A_1784 = vector.extract_strided_slice %get3A_22 {offsets = [0, 37], sizes = [8, 1], strides = [1, 1]} : vector<8x128xf32> to vector<8x1xf32>
      %slice3A_1785 = vector.extract_strided_slice %get3A_22 {offsets = [0, 38], sizes = [8, 1], strides = [1, 1]} : vector<8x128xf32> to vector<8x1xf32>
      %slice3A_1786 = vector.extract_strided_slice %get3A_22 {offsets = [0, 39], sizes = [8, 1], strides = [1, 1]} : vector<8x128xf32> to vector<8x1xf32>
      %slice3A_1787 = vector.extract_strided_slice %get3A_25 {offsets = [0, 56], sizes = [1, 8], strides = [1, 1]} : vector<1x128xf32> to vector<1x8xf32>
      %slice3A_1788 = vector.extract_strided_slice %get3A_28 {offsets = [0, 56], sizes = [1, 8], strides = [1, 1]} : vector<1x128xf32> to vector<1x8xf32>
      %slice3A_1789 = vector.extract_strided_slice %get3A_31 {offsets = [0, 56], sizes = [1, 8], strides = [1, 1]} : vector<1x128xf32> to vector<1x8xf32>
      %slice3A_1790 = vector.extract_strided_slice %get3A_34 {offsets = [0, 56], sizes = [1, 8], strides = [1, 1]} : vector<1x128xf32> to vector<1x8xf32>
      %slice3A_1791 = vector.extract_strided_slice %get3A_37 {offsets = [0, 56], sizes = [1, 8], strides = [1, 1]} : vector<1x128xf32> to vector<1x8xf32>
      %min3A_1792 = vector.broadcast %slice3A_1784 : vector<8x1xf32> to vector<8x8xf32>
      %min3A_1793 = vector.broadcast %slice3A_1789 : vector<1x8xf32> to vector<8x8xf32>
      %min3A_1794 = arith.minimumf %min3A_1792, %min3A_1793 : vector<8x8xf32>
      %max3A_1795 = vector.broadcast %slice3A_1782 : vector<8x1xf32> to vector<8x8xf32>
      %max3A_1796 = vector.broadcast %slice3A_1787 : vector<1x8xf32> to vector<8x8xf32>
      %max3A_1797 = arith.maximumf %max3A_1795, %max3A_1796 : vector<8x8xf32>
      %sub3A_1798 = arith.subf %min3A_1794, %max3A_1797 : vector<8x8xf32>
      %max3A_1799 = arith.constant 0.000000e+00 : f32
      %max3A_1800 = vector.broadcast %max3A_1799 : f32 to vector<8x8xf32>
      %max3A_1801 = arith.maximumf %sub3A_1798, %max3A_1800 : vector<8x8xf32>
      %min3A_1802 = vector.broadcast %slice3A_1785 : vector<8x1xf32> to vector<8x8xf32>
      %min3A_1803 = vector.broadcast %slice3A_1790 : vector<1x8xf32> to vector<8x8xf32>
      %min3A_1804 = arith.minimumf %min3A_1802, %min3A_1803 : vector<8x8xf32>
      %max3A_1805 = vector.broadcast %slice3A_1783 : vector<8x1xf32> to vector<8x8xf32>
      %max3A_1806 = vector.broadcast %slice3A_1788 : vector<1x8xf32> to vector<8x8xf32>
      %max3A_1807 = arith.maximumf %max3A_1805, %max3A_1806 : vector<8x8xf32>
      %sub3A_1808 = arith.subf %min3A_1804, %max3A_1807 : vector<8x8xf32>
      %max3A_1809 = arith.constant 0.000000e+00 : f32
      %max3A_1810 = vector.broadcast %max3A_1809 : f32 to vector<8x8xf32>
      %max3A_1811 = arith.maximumf %sub3A_1808, %max3A_1810 : vector<8x8xf32>
      %mul3A_1812 = arith.mulf %max3A_1801, %max3A_1811 : vector<8x8xf32>
      %add3A_1813 = vector.broadcast %slice3A_1786 : vector<8x1xf32> to vector<8x8xf32>
      %add3A_1814 = vector.broadcast %slice3A_1791 : vector<1x8xf32> to vector<8x8xf32>
      %add3A_1815 = arith.addf %add3A_1813, %add3A_1814 : vector<8x8xf32>
      %sub3A_1816 = arith.subf %add3A_1815, %mul3A_1812 : vector<8x8xf32>
      %add3A_1817 = arith.constant 1.000000e-07 : f32
      %add3A_1818 = vector.broadcast %add3A_1817 : f32 to vector<8x8xf32>
      %add3A_1819 = arith.addf %sub3A_1816, %add3A_1818 : vector<8x8xf32>
      %div3A_1820 = arith.divf %mul3A_1812, %add3A_1819 : vector<8x8xf32>
      %gt3A_1821 = arith.constant 4.500000e-01 : f32
      %gt3A_1822 = vector.broadcast %gt3A_1821 : f32 to vector<8x8xf32>
      %gt3A_1823 = arith.cmpf ogt, %div3A_1820, %gt3A_1822 : vector<8x8xf32>
      %convert_element_type3A_1824 = arith.extui %gt3A_1823 : vector<8x8xi1> to vector<8x8xi32>
      %convert_element_type3A_1825 = arith.sitofp %convert_element_type3A_1824 : vector<8x8xi32> to vector<8x8xf32>
      %slice3A_1826 = vector.extract_strided_slice %slice3A_1781 {offsets = [0, 0], sizes = [1, 1], strides = [1, 1]} : vector<1x8xf32> to vector<1x1xf32>
      %slice3A_1827 = vector.extract_strided_slice %convert_element_type3A_1825 {offsets = [0, 0], sizes = [1, 8], strides = [1, 1]} : vector<8x8xf32> to vector<1x8xf32>
      %mul3A_1828 = vector.broadcast %slice3A_1826 : vector<1x1xf32> to vector<1x8xf32>
      %mul3A_1829 = arith.mulf %slice3A_1827, %mul3A_1828 : vector<1x8xf32>
      %gt3A_1830 = arith.constant 0 : i32
      %gt3A_1831 = vector.broadcast %gt3A_1830 : i32 to vector<1x8xi32>
      %gt3A_1832 = arith.cmpi sgt, %iota3A, %gt3A_1831 : vector<1x8xi32>
      %convert_element_type3A_1833 = arith.extui %gt3A_1832 : vector<1x8xi1> to vector<1x8xi32>
      %convert_element_type3A_1834 = arith.sitofp %convert_element_type3A_1833 : vector<1x8xi32> to vector<1x8xf32>
      %mul3A_1835 = arith.mulf %mul3A_1829, %convert_element_type3A_1834 : vector<1x8xf32>
      %sub3A_1836 = arith.constant 1.000000e+00 : f32
      %sub3A_1837 = vector.broadcast %sub3A_1836 : f32 to vector<1x8xf32>
      %sub3A_1838 = arith.subf %sub3A_1837, %mul3A_1835 : vector<1x8xf32>
      %mul3A_1839 = arith.mulf %slice3A_1781, %sub3A_1838 : vector<1x8xf32>
      %slice3A_1840 = vector.extract_strided_slice %mul3A_1839 {offsets = [0, 1], sizes = [1, 1], strides = [1, 1]} : vector<1x8xf32> to vector<1x1xf32>
      %slice3A_1841 = vector.extract_strided_slice %convert_element_type3A_1825 {offsets = [1, 0], sizes = [1, 8], strides = [1, 1]} : vector<8x8xf32> to vector<1x8xf32>
      %mul3A_1842 = vector.broadcast %slice3A_1840 : vector<1x1xf32> to vector<1x8xf32>
      %mul3A_1843 = arith.mulf %slice3A_1841, %mul3A_1842 : vector<1x8xf32>
      %gt3A_1844 = arith.constant 1 : i32
      %gt3A_1845 = vector.broadcast %gt3A_1844 : i32 to vector<1x8xi32>
      %gt3A_1846 = arith.cmpi sgt, %iota3A, %gt3A_1845 : vector<1x8xi32>
      %convert_element_type3A_1847 = arith.extui %gt3A_1846 : vector<1x8xi1> to vector<1x8xi32>
      %convert_element_type3A_1848 = arith.sitofp %convert_element_type3A_1847 : vector<1x8xi32> to vector<1x8xf32>
      %mul3A_1849 = arith.mulf %mul3A_1843, %convert_element_type3A_1848 : vector<1x8xf32>
      %sub3A_1850 = arith.constant 1.000000e+00 : f32
      %sub3A_1851 = vector.broadcast %sub3A_1850 : f32 to vector<1x8xf32>
      %sub3A_1852 = arith.subf %sub3A_1851, %mul3A_1849 : vector<1x8xf32>
      %mul3A_1853 = arith.mulf %mul3A_1839, %sub3A_1852 : vector<1x8xf32>
      %slice3A_1854 = vector.extract_strided_slice %mul3A_1853 {offsets = [0, 2], sizes = [1, 1], strides = [1, 1]} : vector<1x8xf32> to vector<1x1xf32>
      %slice3A_1855 = vector.extract_strided_slice %convert_element_type3A_1825 {offsets = [2, 0], sizes = [1, 8], strides = [1, 1]} : vector<8x8xf32> to vector<1x8xf32>
      %mul3A_1856 = vector.broadcast %slice3A_1854 : vector<1x1xf32> to vector<1x8xf32>
      %mul3A_1857 = arith.mulf %slice3A_1855, %mul3A_1856 : vector<1x8xf32>
      %gt3A_1858 = arith.constant 2 : i32
      %gt3A_1859 = vector.broadcast %gt3A_1858 : i32 to vector<1x8xi32>
      %gt3A_1860 = arith.cmpi sgt, %iota3A, %gt3A_1859 : vector<1x8xi32>
      %convert_element_type3A_1861 = arith.extui %gt3A_1860 : vector<1x8xi1> to vector<1x8xi32>
      %convert_element_type3A_1862 = arith.sitofp %convert_element_type3A_1861 : vector<1x8xi32> to vector<1x8xf32>
      %mul3A_1863 = arith.mulf %mul3A_1857, %convert_element_type3A_1862 : vector<1x8xf32>
      %sub3A_1864 = arith.constant 1.000000e+00 : f32
      %sub3A_1865 = vector.broadcast %sub3A_1864 : f32 to vector<1x8xf32>
      %sub3A_1866 = arith.subf %sub3A_1865, %mul3A_1863 : vector<1x8xf32>
      %mul3A_1867 = arith.mulf %mul3A_1853, %sub3A_1866 : vector<1x8xf32>
      %slice3A_1868 = vector.extract_strided_slice %mul3A_1867 {offsets = [0, 3], sizes = [1, 1], strides = [1, 1]} : vector<1x8xf32> to vector<1x1xf32>
      %slice3A_1869 = vector.extract_strided_slice %convert_element_type3A_1825 {offsets = [3, 0], sizes = [1, 8], strides = [1, 1]} : vector<8x8xf32> to vector<1x8xf32>
      %mul3A_1870 = vector.broadcast %slice3A_1868 : vector<1x1xf32> to vector<1x8xf32>
      %mul3A_1871 = arith.mulf %slice3A_1869, %mul3A_1870 : vector<1x8xf32>
      %gt3A_1872 = arith.constant 3 : i32
      %gt3A_1873 = vector.broadcast %gt3A_1872 : i32 to vector<1x8xi32>
      %gt3A_1874 = arith.cmpi sgt, %iota3A, %gt3A_1873 : vector<1x8xi32>
      %convert_element_type3A_1875 = arith.extui %gt3A_1874 : vector<1x8xi1> to vector<1x8xi32>
      %convert_element_type3A_1876 = arith.sitofp %convert_element_type3A_1875 : vector<1x8xi32> to vector<1x8xf32>
      %mul3A_1877 = arith.mulf %mul3A_1871, %convert_element_type3A_1876 : vector<1x8xf32>
      %sub3A_1878 = arith.constant 1.000000e+00 : f32
      %sub3A_1879 = vector.broadcast %sub3A_1878 : f32 to vector<1x8xf32>
      %sub3A_1880 = arith.subf %sub3A_1879, %mul3A_1877 : vector<1x8xf32>
      %mul3A_1881 = arith.mulf %mul3A_1867, %sub3A_1880 : vector<1x8xf32>
      %slice3A_1882 = vector.extract_strided_slice %mul3A_1881 {offsets = [0, 4], sizes = [1, 1], strides = [1, 1]} : vector<1x8xf32> to vector<1x1xf32>
      %slice3A_1883 = vector.extract_strided_slice %convert_element_type3A_1825 {offsets = [4, 0], sizes = [1, 8], strides = [1, 1]} : vector<8x8xf32> to vector<1x8xf32>
      %mul3A_1884 = vector.broadcast %slice3A_1882 : vector<1x1xf32> to vector<1x8xf32>
      %mul3A_1885 = arith.mulf %slice3A_1883, %mul3A_1884 : vector<1x8xf32>
      %gt3A_1886 = arith.constant 4 : i32
      %gt3A_1887 = vector.broadcast %gt3A_1886 : i32 to vector<1x8xi32>
      %gt3A_1888 = arith.cmpi sgt, %iota3A, %gt3A_1887 : vector<1x8xi32>
      %convert_element_type3A_1889 = arith.extui %gt3A_1888 : vector<1x8xi1> to vector<1x8xi32>
      %convert_element_type3A_1890 = arith.sitofp %convert_element_type3A_1889 : vector<1x8xi32> to vector<1x8xf32>
      %mul3A_1891 = arith.mulf %mul3A_1885, %convert_element_type3A_1890 : vector<1x8xf32>
      %sub3A_1892 = arith.constant 1.000000e+00 : f32
      %sub3A_1893 = vector.broadcast %sub3A_1892 : f32 to vector<1x8xf32>
      %sub3A_1894 = arith.subf %sub3A_1893, %mul3A_1891 : vector<1x8xf32>
      %mul3A_1895 = arith.mulf %mul3A_1881, %sub3A_1894 : vector<1x8xf32>
      %slice3A_1896 = vector.extract_strided_slice %mul3A_1895 {offsets = [0, 5], sizes = [1, 1], strides = [1, 1]} : vector<1x8xf32> to vector<1x1xf32>
      %slice3A_1897 = vector.extract_strided_slice %convert_element_type3A_1825 {offsets = [5, 0], sizes = [1, 8], strides = [1, 1]} : vector<8x8xf32> to vector<1x8xf32>
      %mul3A_1898 = vector.broadcast %slice3A_1896 : vector<1x1xf32> to vector<1x8xf32>
      %mul3A_1899 = arith.mulf %slice3A_1897, %mul3A_1898 : vector<1x8xf32>
      %gt3A_1900 = arith.constant 5 : i32
      %gt3A_1901 = vector.broadcast %gt3A_1900 : i32 to vector<1x8xi32>
      %gt3A_1902 = arith.cmpi sgt, %iota3A, %gt3A_1901 : vector<1x8xi32>
      %convert_element_type3A_1903 = arith.extui %gt3A_1902 : vector<1x8xi1> to vector<1x8xi32>
      %convert_element_type3A_1904 = arith.sitofp %convert_element_type3A_1903 : vector<1x8xi32> to vector<1x8xf32>
      %mul3A_1905 = arith.mulf %mul3A_1899, %convert_element_type3A_1904 : vector<1x8xf32>
      %sub3A_1906 = arith.constant 1.000000e+00 : f32
      %sub3A_1907 = vector.broadcast %sub3A_1906 : f32 to vector<1x8xf32>
      %sub3A_1908 = arith.subf %sub3A_1907, %mul3A_1905 : vector<1x8xf32>
      %mul3A_1909 = arith.mulf %mul3A_1895, %sub3A_1908 : vector<1x8xf32>
      %slice3A_1910 = vector.extract_strided_slice %mul3A_1909 {offsets = [0, 6], sizes = [1, 1], strides = [1, 1]} : vector<1x8xf32> to vector<1x1xf32>
      %slice3A_1911 = vector.extract_strided_slice %convert_element_type3A_1825 {offsets = [6, 0], sizes = [1, 8], strides = [1, 1]} : vector<8x8xf32> to vector<1x8xf32>
      %mul3A_1912 = vector.broadcast %slice3A_1910 : vector<1x1xf32> to vector<1x8xf32>
      %mul3A_1913 = arith.mulf %slice3A_1911, %mul3A_1912 : vector<1x8xf32>
      %gt3A_1914 = arith.constant 6 : i32
      %gt3A_1915 = vector.broadcast %gt3A_1914 : i32 to vector<1x8xi32>
      %gt3A_1916 = arith.cmpi sgt, %iota3A, %gt3A_1915 : vector<1x8xi32>
      %convert_element_type3A_1917 = arith.extui %gt3A_1916 : vector<1x8xi1> to vector<1x8xi32>
      %convert_element_type3A_1918 = arith.sitofp %convert_element_type3A_1917 : vector<1x8xi32> to vector<1x8xf32>
      %mul3A_1919 = arith.mulf %mul3A_1913, %convert_element_type3A_1918 : vector<1x8xf32>
      %sub3A_1920 = arith.constant 1.000000e+00 : f32
      %sub3A_1921 = vector.broadcast %sub3A_1920 : f32 to vector<1x8xf32>
      %sub3A_1922 = arith.subf %sub3A_1921, %mul3A_1919 : vector<1x8xf32>
      %mul3A_1923 = arith.mulf %mul3A_1909, %sub3A_1922 : vector<1x8xf32>
      %slice3A_1924 = vector.extract_strided_slice %mul3A_1923 {offsets = [0, 7], sizes = [1, 1], strides = [1, 1]} : vector<1x8xf32> to vector<1x1xf32>
      %slice3A_1925 = vector.extract_strided_slice %convert_element_type3A_1825 {offsets = [7, 0], sizes = [1, 8], strides = [1, 1]} : vector<8x8xf32> to vector<1x8xf32>
      %mul3A_1926 = vector.broadcast %slice3A_1924 : vector<1x1xf32> to vector<1x8xf32>
      %mul3A_1927 = arith.mulf %slice3A_1925, %mul3A_1926 : vector<1x8xf32>
      %gt3A_1928 = arith.constant 7 : i32
      %gt3A_1929 = vector.broadcast %gt3A_1928 : i32 to vector<1x8xi32>
      %gt3A_1930 = arith.cmpi sgt, %iota3A, %gt3A_1929 : vector<1x8xi32>
      %convert_element_type3A_1931 = arith.extui %gt3A_1930 : vector<1x8xi1> to vector<1x8xi32>
      %convert_element_type3A_1932 = arith.sitofp %convert_element_type3A_1931 : vector<1x8xi32> to vector<1x8xf32>
      %mul3A_1933 = arith.mulf %mul3A_1927, %convert_element_type3A_1932 : vector<1x8xf32>
      %sub3A_1934 = arith.constant 1.000000e+00 : f32
      %sub3A_1935 = vector.broadcast %sub3A_1934 : f32 to vector<1x8xf32>
      %sub3A_1936 = arith.subf %sub3A_1935, %mul3A_1933 : vector<1x8xf32>
      %mul3A_1937 = arith.mulf %mul3A_1923, %sub3A_1936 : vector<1x8xf32>
      %broadcast_in_dim3A_1938 = vector.shape_cast %mul3A_1937 : vector<1x8xf32> to vector<1x8xf32>
      %broadcast_in_dim3A_1939 = vector.broadcast %broadcast_in_dim3A_1938 : vector<1x8xf32> to vector<8x8xf32>
      %mul3A_1940 = arith.mulf %broadcast_in_dim3A_1939, %convert_element_type3A_58 : vector<8x8xf32>
      %reduce_sum3A_1941 = arith.constant dense<0.000000e+00> : vector<8xf32>
      %reduce_sum3A_1942 = vector.multi_reduction <add>, %mul3A_1940, %reduce_sum3A_1941 [1] : vector<8x8xf32> to vector<8xf32>
      %broadcast_in_dim3A_1943 = vector.shape_cast %reduce_sum3A_1942 : vector<8xf32> to vector<8x1xf32>
      %sub3A_1944 = arith.constant 1.000000e+00 : f32
      %sub3A_1945 = vector.broadcast %sub3A_1944 : f32 to vector<8x1xf32>
      %sub3A_1946 = arith.subf %sub3A_1945, %broadcast_in_dim3A_1943 : vector<8x1xf32>
      %mul3A_1947 = arith.constant 1.000000e+09 : f32
      %mul3A_1948 = vector.broadcast %mul3A_1947 : f32 to vector<8x1xf32>
      %mul3A_1949 = arith.mulf %sub3A_1946, %mul3A_1948 : vector<8x1xf32>
      %add3A_1950 = arith.addf %slice3A_1782, %mul3A_1949 : vector<8x1xf32>
      %min3A_1951 = vector.broadcast %slice3A_1784 : vector<8x1xf32> to vector<8x5120xf32>
      %min3A_1952 = vector.broadcast %get3A_46 : vector<1x5120xf32> to vector<8x5120xf32>
      %min3A_1953 = arith.minimumf %min3A_1951, %min3A_1952 : vector<8x5120xf32>
      %max3A_1954 = vector.broadcast %add3A_1950 : vector<8x1xf32> to vector<8x5120xf32>
      %max3A_1955 = vector.broadcast %get3A_40 : vector<1x5120xf32> to vector<8x5120xf32>
      %max3A_1956 = arith.maximumf %max3A_1954, %max3A_1955 : vector<8x5120xf32>
      %sub3A_1957 = arith.subf %min3A_1953, %max3A_1956 : vector<8x5120xf32>
      %max3A_1958 = arith.constant 0.000000e+00 : f32
      %max3A_1959 = vector.broadcast %max3A_1958 : f32 to vector<8x5120xf32>
      %max3A_1960 = arith.maximumf %sub3A_1957, %max3A_1959 : vector<8x5120xf32>
      %min3A_1961 = vector.broadcast %slice3A_1785 : vector<8x1xf32> to vector<8x5120xf32>
      %min3A_1962 = vector.broadcast %get3A_49 : vector<1x5120xf32> to vector<8x5120xf32>
      %min3A_1963 = arith.minimumf %min3A_1961, %min3A_1962 : vector<8x5120xf32>
      %max3A_1964 = vector.broadcast %slice3A_1783 : vector<8x1xf32> to vector<8x5120xf32>
      %max3A_1965 = vector.broadcast %get3A_43 : vector<1x5120xf32> to vector<8x5120xf32>
      %max3A_1966 = arith.maximumf %max3A_1964, %max3A_1965 : vector<8x5120xf32>
      %sub3A_1967 = arith.subf %min3A_1963, %max3A_1966 : vector<8x5120xf32>
      %max3A_1968 = arith.constant 0.000000e+00 : f32
      %max3A_1969 = vector.broadcast %max3A_1968 : f32 to vector<8x5120xf32>
      %max3A_1970 = arith.maximumf %sub3A_1967, %max3A_1969 : vector<8x5120xf32>
      %mul3A_1971 = arith.mulf %max3A_1960, %max3A_1970 : vector<8x5120xf32>
      %add3A_1972 = vector.broadcast %slice3A_1786 : vector<8x1xf32> to vector<8x5120xf32>
      %add3A_1973 = vector.broadcast %get3A_52 : vector<1x5120xf32> to vector<8x5120xf32>
      %add3A_1974 = arith.addf %add3A_1972, %add3A_1973 : vector<8x5120xf32>
      %sub3A_1975 = arith.subf %add3A_1974, %mul3A_1971 : vector<8x5120xf32>
      %add3A_1976 = arith.constant 1.000000e-07 : f32
      %add3A_1977 = vector.broadcast %add3A_1976 : f32 to vector<8x5120xf32>
      %add3A_1978 = arith.addf %sub3A_1975, %add3A_1977 : vector<8x5120xf32>
      %div3A_1979 = arith.divf %mul3A_1971, %add3A_1978 : vector<8x5120xf32>
      %reduce_max3A_1980 = arith.constant dense<0xFF800000> : vector<5120xf32>
      %reduce_max3A_1981 = vector.multi_reduction <maximumf>, %div3A_1979, %reduce_max3A_1980 [0] : vector<8x5120xf32> to vector<5120xf32>
      %broadcast_in_dim3A_1982 = vector.shape_cast %reduce_max3A_1981 : vector<5120xf32> to vector<1x5120xf32>
      %gt3A_1983 = arith.constant 4.500000e-01 : f32
      %gt3A_1984 = vector.broadcast %gt3A_1983 : f32 to vector<1x5120xf32>
      %gt3A_1985 = arith.cmpf ogt, %broadcast_in_dim3A_1982, %gt3A_1984 : vector<1x5120xf32>
      %add3A_1986 = arith.constant 56 : i32
      %add3A_1987 = arith.addi %mul3A_2, %add3A_1986 : i32
      %add3A_1988 = arith.constant 8 : i32
      %add3A_1989 = arith.addi %add3A_1987, %add3A_1988 : i32
      %ge3A_1990 = vector.broadcast %add3A_1989 : i32 to vector<1x5120xi32>
      %ge3A_1991 = arith.cmpi sge, %iota3A_53, %ge3A_1990 : vector<1x5120xi32>
      %get3A_1992 = arith.constant 0 : index
      %get3A_1993 = arith.constant 0 : index
      %get3A_1994 = vector.load %arg4[%get3A_1992, %get3A_1993] : memref<1x5120xf32, #tpu.memory_space<vmem>>, vector<1x5120xf32>
      %and3A_1995 = arith.andi %gt3A_1985, %ge3A_1991 : vector<1x5120xi1>
      %convert_element_type3A_1996 = arith.extui %and3A_1995 : vector<1x5120xi1> to vector<1x5120xi32>
      %convert_element_type3A_1997 = arith.sitofp %convert_element_type3A_1996 : vector<1x5120xi32> to vector<1x5120xf32>
      %sub3A_1998 = arith.constant 1.000000e+00 : f32
      %sub3A_1999 = vector.broadcast %sub3A_1998 : f32 to vector<1x5120xf32>
      %sub3A_2000 = arith.subf %sub3A_1999, %convert_element_type3A_1997 : vector<1x5120xf32>
      %mul3A_2001 = arith.mulf %get3A_1994, %sub3A_2000 : vector<1x5120xf32>
      %swap3A_2002 = arith.constant 0 : index
      %swap3A_2003 = arith.constant 0 : index
      %swap3A_2004 = vector.load %arg4[%swap3A_2002, %swap3A_2003] : memref<1x5120xf32, #tpu.memory_space<vmem>>, vector<1x5120xf32>
      tpu.vector_store %arg4[%swap3A_2002, %swap3A_2003], %mul3A_2001 {strides = array<i32>} : memref<1x5120xf32, #tpu.memory_space<vmem>>, vector<1x5120xf32>,
      %get3A_2005 = arith.constant 0 : index
      %get3A_2006 = arith.index_cast %mul3A_2 : i32 to index
      %get3A_2007 = vector.load %arg4[%get3A_2005, %get3A_2006] : memref<1x5120xf32, #tpu.memory_space<vmem>>, vector<1x128xf32>
      %iota3A_2008 = tpu.iota {dimensions = array<i32: 1>} : vector<1x128xi32>
      %ge3A_2009 = arith.constant 56 : i32
      %ge3A_2010 = vector.broadcast %ge3A_2009 : i32 to vector<1x128xi32>
      %ge3A_2011 = arith.cmpi sge, %iota3A_2008, %ge3A_2010 : vector<1x128xi32>
      %lt3A_2012 = arith.constant 64 : i32
      %lt3A_2013 = vector.broadcast %lt3A_2012 : i32 to vector<1x128xi32>
      %lt3A_2014 = arith.cmpi slt, %iota3A_2008, %lt3A_2013 : vector<1x128xi32>
      %and3A_2015 = arith.andi %ge3A_2011, %lt3A_2014 : vector<1x128xi1>
      %jit3A_2016 = arith.constant 0 : i32
      %convert_element_type3A_2017 = arith.sitofp %jit3A_2016 : i32 to f32
      %pad3A_2018 = vector.broadcast %convert_element_type3A_2017 : f32 to vector<1x56xf32>
      %pad3A_2019 = tpu.concatenate %pad3A_2018, %mul3A_1937 in 1 : vector<1x56xf32>, vector<1x8xf32> -> vector<1x64xf32>
      %pad3A_2020 = vector.broadcast %convert_element_type3A_2017 : f32 to vector<1x64xf32>
      %pad3A_2021 = tpu.concatenate %pad3A_2019, %pad3A_2020 in 1 : vector<1x64xf32>, vector<1x64xf32> -> vector<1x128xf32>
      %select_n3A_2022 = arith.select %and3A_2015, %pad3A_2021, %get3A_2007 : vector<1x128xi1>, vector<1x128xf32>
      %swap3A_2023 = arith.constant 0 : index
      %swap3A_2024 = arith.index_cast %mul3A_2 : i32 to index
      %swap3A_2025 = vector.load %arg4[%swap3A_2023, %swap3A_2024] : memref<1x5120xf32, #tpu.memory_space<vmem>>, vector<1x128xf32>
      tpu.vector_store %arg4[%swap3A_2023, %swap3A_2024], %select_n3A_2022 {strides = array<i32>} : memref<1x5120xf32, #tpu.memory_space<vmem>>, vector<1x128xf32>,
      %get3A_2026 = arith.constant 0 : index
      %get3A_2027 = arith.index_cast %mul3A_2 : i32 to index
      %get3A_2028 = vector.load %arg4[%get3A_2026, %get3A_2027] : memref<1x5120xf32, #tpu.memory_space<vmem>>, vector<1x128xf32>
      %slice3A_2029 = vector.extract_strided_slice %get3A_2028 {offsets = [0, 64], sizes = [1, 8], strides = [1, 1]} : vector<1x128xf32> to vector<1x8xf32>
      %slice3A_2030 = vector.extract_strided_slice %get3A_22 {offsets = [0, 40], sizes = [8, 1], strides = [1, 1]} : vector<8x128xf32> to vector<8x1xf32>
      %slice3A_2031 = vector.extract_strided_slice %get3A_22 {offsets = [0, 41], sizes = [8, 1], strides = [1, 1]} : vector<8x128xf32> to vector<8x1xf32>
      %slice3A_2032 = vector.extract_strided_slice %get3A_22 {offsets = [0, 42], sizes = [8, 1], strides = [1, 1]} : vector<8x128xf32> to vector<8x1xf32>
      %slice3A_2033 = vector.extract_strided_slice %get3A_22 {offsets = [0, 43], sizes = [8, 1], strides = [1, 1]} : vector<8x128xf32> to vector<8x1xf32>
      %slice3A_2034 = vector.extract_strided_slice %get3A_22 {offsets = [0, 44], sizes = [8, 1], strides = [1, 1]} : vector<8x128xf32> to vector<8x1xf32>
      %slice3A_2035 = vector.extract_strided_slice %get3A_25 {offsets = [0, 64], sizes = [1, 8], strides = [1, 1]} : vector<1x128xf32> to vector<1x8xf32>
      %slice3A_2036 = vector.extract_strided_slice %get3A_28 {offsets = [0, 64], sizes = [1, 8], strides = [1, 1]} : vector<1x128xf32> to vector<1x8xf32>
      %slice3A_2037 = vector.extract_strided_slice %get3A_31 {offsets = [0, 64], sizes = [1, 8], strides = [1, 1]} : vector<1x128xf32> to vector<1x8xf32>
      %slice3A_2038 = vector.extract_strided_slice %get3A_34 {offsets = [0, 64], sizes = [1, 8], strides = [1, 1]} : vector<1x128xf32> to vector<1x8xf32>
      %slice3A_2039 = vector.extract_strided_slice %get3A_37 {offsets = [0, 64], sizes = [1, 8], strides = [1, 1]} : vector<1x128xf32> to vector<1x8xf32>
      %min3A_2040 = vector.broadcast %slice3A_2032 : vector<8x1xf32> to vector<8x8xf32>
      %min3A_2041 = vector.broadcast %slice3A_2037 : vector<1x8xf32> to vector<8x8xf32>
      %min3A_2042 = arith.minimumf %min3A_2040, %min3A_2041 : vector<8x8xf32>
      %max3A_2043 = vector.broadcast %slice3A_2030 : vector<8x1xf32> to vector<8x8xf32>
      %max3A_2044 = vector.broadcast %slice3A_2035 : vector<1x8xf32> to vector<8x8xf32>
      %max3A_2045 = arith.maximumf %max3A_2043, %max3A_2044 : vector<8x8xf32>
      %sub3A_2046 = arith.subf %min3A_2042, %max3A_2045 : vector<8x8xf32>
      %max3A_2047 = arith.constant 0.000000e+00 : f32
      %max3A_2048 = vector.broadcast %max3A_2047 : f32 to vector<8x8xf32>
      %max3A_2049 = arith.maximumf %sub3A_2046, %max3A_2048 : vector<8x8xf32>
      %min3A_2050 = vector.broadcast %slice3A_2033 : vector<8x1xf32> to vector<8x8xf32>
      %min3A_2051 = vector.broadcast %slice3A_2038 : vector<1x8xf32> to vector<8x8xf32>
      %min3A_2052 = arith.minimumf %min3A_2050, %min3A_2051 : vector<8x8xf32>
      %max3A_2053 = vector.broadcast %slice3A_2031 : vector<8x1xf32> to vector<8x8xf32>
      %max3A_2054 = vector.broadcast %slice3A_2036 : vector<1x8xf32> to vector<8x8xf32>
      %max3A_2055 = arith.maximumf %max3A_2053, %max3A_2054 : vector<8x8xf32>
      %sub3A_2056 = arith.subf %min3A_2052, %max3A_2055 : vector<8x8xf32>
      %max3A_2057 = arith.constant 0.000000e+00 : f32
      %max3A_2058 = vector.broadcast %max3A_2057 : f32 to vector<8x8xf32>
      %max3A_2059 = arith.maximumf %sub3A_2056, %max3A_2058 : vector<8x8xf32>
      %mul3A_2060 = arith.mulf %max3A_2049, %max3A_2059 : vector<8x8xf32>
      %add3A_2061 = vector.broadcast %slice3A_2034 : vector<8x1xf32> to vector<8x8xf32>
      %add3A_2062 = vector.broadcast %slice3A_2039 : vector<1x8xf32> to vector<8x8xf32>
      %add3A_2063 = arith.addf %add3A_2061, %add3A_2062 : vector<8x8xf32>
      %sub3A_2064 = arith.subf %add3A_2063, %mul3A_2060 : vector<8x8xf32>
      %add3A_2065 = arith.constant 1.000000e-07 : f32
      %add3A_2066 = vector.broadcast %add3A_2065 : f32 to vector<8x8xf32>
      %add3A_2067 = arith.addf %sub3A_2064, %add3A_2066 : vector<8x8xf32>
      %div3A_2068 = arith.divf %mul3A_2060, %add3A_2067 : vector<8x8xf32>
      %gt3A_2069 = arith.constant 4.500000e-01 : f32
      %gt3A_2070 = vector.broadcast %gt3A_2069 : f32 to vector<8x8xf32>
      %gt3A_2071 = arith.cmpf ogt, %div3A_2068, %gt3A_2070 : vector<8x8xf32>
      %convert_element_type3A_2072 = arith.extui %gt3A_2071 : vector<8x8xi1> to vector<8x8xi32>
      %convert_element_type3A_2073 = arith.sitofp %convert_element_type3A_2072 : vector<8x8xi32> to vector<8x8xf32>
      %slice3A_2074 = vector.extract_strided_slice %slice3A_2029 {offsets = [0, 0], sizes = [1, 1], strides = [1, 1]} : vector<1x8xf32> to vector<1x1xf32>
      %slice3A_2075 = vector.extract_strided_slice %convert_element_type3A_2073 {offsets = [0, 0], sizes = [1, 8], strides = [1, 1]} : vector<8x8xf32> to vector<1x8xf32>
      %mul3A_2076 = vector.broadcast %slice3A_2074 : vector<1x1xf32> to vector<1x8xf32>
      %mul3A_2077 = arith.mulf %slice3A_2075, %mul3A_2076 : vector<1x8xf32>
      %gt3A_2078 = arith.constant 0 : i32
      %gt3A_2079 = vector.broadcast %gt3A_2078 : i32 to vector<1x8xi32>
      %gt3A_2080 = arith.cmpi sgt, %iota3A, %gt3A_2079 : vector<1x8xi32>
      %convert_element_type3A_2081 = arith.extui %gt3A_2080 : vector<1x8xi1> to vector<1x8xi32>
      %convert_element_type3A_2082 = arith.sitofp %convert_element_type3A_2081 : vector<1x8xi32> to vector<1x8xf32>
      %mul3A_2083 = arith.mulf %mul3A_2077, %convert_element_type3A_2082 : vector<1x8xf32>
      %sub3A_2084 = arith.constant 1.000000e+00 : f32
      %sub3A_2085 = vector.broadcast %sub3A_2084 : f32 to vector<1x8xf32>
      %sub3A_2086 = arith.subf %sub3A_2085, %mul3A_2083 : vector<1x8xf32>
      %mul3A_2087 = arith.mulf %slice3A_2029, %sub3A_2086 : vector<1x8xf32>
      %slice3A_2088 = vector.extract_strided_slice %mul3A_2087 {offsets = [0, 1], sizes = [1, 1], strides = [1, 1]} : vector<1x8xf32> to vector<1x1xf32>
      %slice3A_2089 = vector.extract_strided_slice %convert_element_type3A_2073 {offsets = [1, 0], sizes = [1, 8], strides = [1, 1]} : vector<8x8xf32> to vector<1x8xf32>
      %mul3A_2090 = vector.broadcast %slice3A_2088 : vector<1x1xf32> to vector<1x8xf32>
      %mul3A_2091 = arith.mulf %slice3A_2089, %mul3A_2090 : vector<1x8xf32>
      %gt3A_2092 = arith.constant 1 : i32
      %gt3A_2093 = vector.broadcast %gt3A_2092 : i32 to vector<1x8xi32>
      %gt3A_2094 = arith.cmpi sgt, %iota3A, %gt3A_2093 : vector<1x8xi32>
      %convert_element_type3A_2095 = arith.extui %gt3A_2094 : vector<1x8xi1> to vector<1x8xi32>
      %convert_element_type3A_2096 = arith.sitofp %convert_element_type3A_2095 : vector<1x8xi32> to vector<1x8xf32>
      %mul3A_2097 = arith.mulf %mul3A_2091, %convert_element_type3A_2096 : vector<1x8xf32>
      %sub3A_2098 = arith.constant 1.000000e+00 : f32
      %sub3A_2099 = vector.broadcast %sub3A_2098 : f32 to vector<1x8xf32>
      %sub3A_2100 = arith.subf %sub3A_2099, %mul3A_2097 : vector<1x8xf32>
      %mul3A_2101 = arith.mulf %mul3A_2087, %sub3A_2100 : vector<1x8xf32>
      %slice3A_2102 = vector.extract_strided_slice %mul3A_2101 {offsets = [0, 2], sizes = [1, 1], strides = [1, 1]} : vector<1x8xf32> to vector<1x1xf32>
      %slice3A_2103 = vector.extract_strided_slice %convert_element_type3A_2073 {offsets = [2, 0], sizes = [1, 8], strides = [1, 1]} : vector<8x8xf32> to vector<1x8xf32>
      %mul3A_2104 = vector.broadcast %slice3A_2102 : vector<1x1xf32> to vector<1x8xf32>
      %mul3A_2105 = arith.mulf %slice3A_2103, %mul3A_2104 : vector<1x8xf32>
      %gt3A_2106 = arith.constant 2 : i32
      %gt3A_2107 = vector.broadcast %gt3A_2106 : i32 to vector<1x8xi32>
      %gt3A_2108 = arith.cmpi sgt, %iota3A, %gt3A_2107 : vector<1x8xi32>
      %convert_element_type3A_2109 = arith.extui %gt3A_2108 : vector<1x8xi1> to vector<1x8xi32>
      %convert_element_type3A_2110 = arith.sitofp %convert_element_type3A_2109 : vector<1x8xi32> to vector<1x8xf32>
      %mul3A_2111 = arith.mulf %mul3A_2105, %convert_element_type3A_2110 : vector<1x8xf32>
      %sub3A_2112 = arith.constant 1.000000e+00 : f32
      %sub3A_2113 = vector.broadcast %sub3A_2112 : f32 to vector<1x8xf32>
      %sub3A_2114 = arith.subf %sub3A_2113, %mul3A_2111 : vector<1x8xf32>
      %mul3A_2115 = arith.mulf %mul3A_2101, %sub3A_2114 : vector<1x8xf32>
      %slice3A_2116 = vector.extract_strided_slice %mul3A_2115 {offsets = [0, 3], sizes = [1, 1], strides = [1, 1]} : vector<1x8xf32> to vector<1x1xf32>
      %slice3A_2117 = vector.extract_strided_slice %convert_element_type3A_2073 {offsets = [3, 0], sizes = [1, 8], strides = [1, 1]} : vector<8x8xf32> to vector<1x8xf32>
      %mul3A_2118 = vector.broadcast %slice3A_2116 : vector<1x1xf32> to vector<1x8xf32>
      %mul3A_2119 = arith.mulf %slice3A_2117, %mul3A_2118 : vector<1x8xf32>
      %gt3A_2120 = arith.constant 3 : i32
      %gt3A_2121 = vector.broadcast %gt3A_2120 : i32 to vector<1x8xi32>
      %gt3A_2122 = arith.cmpi sgt, %iota3A, %gt3A_2121 : vector<1x8xi32>
      %convert_element_type3A_2123 = arith.extui %gt3A_2122 : vector<1x8xi1> to vector<1x8xi32>
      %convert_element_type3A_2124 = arith.sitofp %convert_element_type3A_2123 : vector<1x8xi32> to vector<1x8xf32>
      %mul3A_2125 = arith.mulf %mul3A_2119, %convert_element_type3A_2124 : vector<1x8xf32>
      %sub3A_2126 = arith.constant 1.000000e+00 : f32
      %sub3A_2127 = vector.broadcast %sub3A_2126 : f32 to vector<1x8xf32>
      %sub3A_2128 = arith.subf %sub3A_2127, %mul3A_2125 : vector<1x8xf32>
      %mul3A_2129 = arith.mulf %mul3A_2115, %sub3A_2128 : vector<1x8xf32>
      %slice3A_2130 = vector.extract_strided_slice %mul3A_2129 {offsets = [0, 4], sizes = [1, 1], strides = [1, 1]} : vector<1x8xf32> to vector<1x1xf32>
      %slice3A_2131 = vector.extract_strided_slice %convert_element_type3A_2073 {offsets = [4, 0], sizes = [1, 8], strides = [1, 1]} : vector<8x8xf32> to vector<1x8xf32>
      %mul3A_2132 = vector.broadcast %slice3A_2130 : vector<1x1xf32> to vector<1x8xf32>
      %mul3A_2133 = arith.mulf %slice3A_2131, %mul3A_2132 : vector<1x8xf32>
      %gt3A_2134 = arith.constant 4 : i32
      %gt3A_2135 = vector.broadcast %gt3A_2134 : i32 to vector<1x8xi32>
      %gt3A_2136 = arith.cmpi sgt, %iota3A, %gt3A_2135 : vector<1x8xi32>
      %convert_element_type3A_2137 = arith.extui %gt3A_2136 : vector<1x8xi1> to vector<1x8xi32>
      %convert_element_type3A_2138 = arith.sitofp %convert_element_type3A_2137 : vector<1x8xi32> to vector<1x8xf32>
      %mul3A_2139 = arith.mulf %mul3A_2133, %convert_element_type3A_2138 : vector<1x8xf32>
      %sub3A_2140 = arith.constant 1.000000e+00 : f32
      %sub3A_2141 = vector.broadcast %sub3A_2140 : f32 to vector<1x8xf32>
      %sub3A_2142 = arith.subf %sub3A_2141, %mul3A_2139 : vector<1x8xf32>
      %mul3A_2143 = arith.mulf %mul3A_2129, %sub3A_2142 : vector<1x8xf32>
      %slice3A_2144 = vector.extract_strided_slice %mul3A_2143 {offsets = [0, 5], sizes = [1, 1], strides = [1, 1]} : vector<1x8xf32> to vector<1x1xf32>
      %slice3A_2145 = vector.extract_strided_slice %convert_element_type3A_2073 {offsets = [5, 0], sizes = [1, 8], strides = [1, 1]} : vector<8x8xf32> to vector<1x8xf32>
      %mul3A_2146 = vector.broadcast %slice3A_2144 : vector<1x1xf32> to vector<1x8xf32>
      %mul3A_2147 = arith.mulf %slice3A_2145, %mul3A_2146 : vector<1x8xf32>
      %gt3A_2148 = arith.constant 5 : i32
      %gt3A_2149 = vector.broadcast %gt3A_2148 : i32 to vector<1x8xi32>
      %gt3A_2150 = arith.cmpi sgt, %iota3A, %gt3A_2149 : vector<1x8xi32>
      %convert_element_type3A_2151 = arith.extui %gt3A_2150 : vector<1x8xi1> to vector<1x8xi32>
      %convert_element_type3A_2152 = arith.sitofp %convert_element_type3A_2151 : vector<1x8xi32> to vector<1x8xf32>
      %mul3A_2153 = arith.mulf %mul3A_2147, %convert_element_type3A_2152 : vector<1x8xf32>
      %sub3A_2154 = arith.constant 1.000000e+00 : f32
      %sub3A_2155 = vector.broadcast %sub3A_2154 : f32 to vector<1x8xf32>
      %sub3A_2156 = arith.subf %sub3A_2155, %mul3A_2153 : vector<1x8xf32>
      %mul3A_2157 = arith.mulf %mul3A_2143, %sub3A_2156 : vector<1x8xf32>
      %slice3A_2158 = vector.extract_strided_slice %mul3A_2157 {offsets = [0, 6], sizes = [1, 1], strides = [1, 1]} : vector<1x8xf32> to vector<1x1xf32>
      %slice3A_2159 = vector.extract_strided_slice %convert_element_type3A_2073 {offsets = [6, 0], sizes = [1, 8], strides = [1, 1]} : vector<8x8xf32> to vector<1x8xf32>
      %mul3A_2160 = vector.broadcast %slice3A_2158 : vector<1x1xf32> to vector<1x8xf32>
      %mul3A_2161 = arith.mulf %slice3A_2159, %mul3A_2160 : vector<1x8xf32>
      %gt3A_2162 = arith.constant 6 : i32
      %gt3A_2163 = vector.broadcast %gt3A_2162 : i32 to vector<1x8xi32>
      %gt3A_2164 = arith.cmpi sgt, %iota3A, %gt3A_2163 : vector<1x8xi32>
      %convert_element_type3A_2165 = arith.extui %gt3A_2164 : vector<1x8xi1> to vector<1x8xi32>
      %convert_element_type3A_2166 = arith.sitofp %convert_element_type3A_2165 : vector<1x8xi32> to vector<1x8xf32>
      %mul3A_2167 = arith.mulf %mul3A_2161, %convert_element_type3A_2166 : vector<1x8xf32>
      %sub3A_2168 = arith.constant 1.000000e+00 : f32
      %sub3A_2169 = vector.broadcast %sub3A_2168 : f32 to vector<1x8xf32>
      %sub3A_2170 = arith.subf %sub3A_2169, %mul3A_2167 : vector<1x8xf32>
      %mul3A_2171 = arith.mulf %mul3A_2157, %sub3A_2170 : vector<1x8xf32>
      %slice3A_2172 = vector.extract_strided_slice %mul3A_2171 {offsets = [0, 7], sizes = [1, 1], strides = [1, 1]} : vector<1x8xf32> to vector<1x1xf32>
      %slice3A_2173 = vector.extract_strided_slice %convert_element_type3A_2073 {offsets = [7, 0], sizes = [1, 8], strides = [1, 1]} : vector<8x8xf32> to vector<1x8xf32>
      %mul3A_2174 = vector.broadcast %slice3A_2172 : vector<1x1xf32> to vector<1x8xf32>
      %mul3A_2175 = arith.mulf %slice3A_2173, %mul3A_2174 : vector<1x8xf32>
      %gt3A_2176 = arith.constant 7 : i32
      %gt3A_2177 = vector.broadcast %gt3A_2176 : i32 to vector<1x8xi32>
      %gt3A_2178 = arith.cmpi sgt, %iota3A, %gt3A_2177 : vector<1x8xi32>
      %convert_element_type3A_2179 = arith.extui %gt3A_2178 : vector<1x8xi1> to vector<1x8xi32>
      %convert_element_type3A_2180 = arith.sitofp %convert_element_type3A_2179 : vector<1x8xi32> to vector<1x8xf32>
      %mul3A_2181 = arith.mulf %mul3A_2175, %convert_element_type3A_2180 : vector<1x8xf32>
      %sub3A_2182 = arith.constant 1.000000e+00 : f32
      %sub3A_2183 = vector.broadcast %sub3A_2182 : f32 to vector<1x8xf32>
      %sub3A_2184 = arith.subf %sub3A_2183, %mul3A_2181 : vector<1x8xf32>
      %mul3A_2185 = arith.mulf %mul3A_2171, %sub3A_2184 : vector<1x8xf32>
      %broadcast_in_dim3A_2186 = vector.shape_cast %mul3A_2185 : vector<1x8xf32> to vector<1x8xf32>
      %broadcast_in_dim3A_2187 = vector.broadcast %broadcast_in_dim3A_2186 : vector<1x8xf32> to vector<8x8xf32>
      %mul3A_2188 = arith.mulf %broadcast_in_dim3A_2187, %convert_element_type3A_58 : vector<8x8xf32>
      %reduce_sum3A_2189 = arith.constant dense<0.000000e+00> : vector<8xf32>
      %reduce_sum3A_2190 = vector.multi_reduction <add>, %mul3A_2188, %reduce_sum3A_2189 [1] : vector<8x8xf32> to vector<8xf32>
      %broadcast_in_dim3A_2191 = vector.shape_cast %reduce_sum3A_2190 : vector<8xf32> to vector<8x1xf32>
      %sub3A_2192 = arith.constant 1.000000e+00 : f32
      %sub3A_2193 = vector.broadcast %sub3A_2192 : f32 to vector<8x1xf32>
      %sub3A_2194 = arith.subf %sub3A_2193, %broadcast_in_dim3A_2191 : vector<8x1xf32>
      %mul3A_2195 = arith.constant 1.000000e+09 : f32
      %mul3A_2196 = vector.broadcast %mul3A_2195 : f32 to vector<8x1xf32>
      %mul3A_2197 = arith.mulf %sub3A_2194, %mul3A_2196 : vector<8x1xf32>
      %add3A_2198 = arith.addf %slice3A_2030, %mul3A_2197 : vector<8x1xf32>
      %min3A_2199 = vector.broadcast %slice3A_2032 : vector<8x1xf32> to vector<8x5120xf32>
      %min3A_2200 = vector.broadcast %get3A_46 : vector<1x5120xf32> to vector<8x5120xf32>
      %min3A_2201 = arith.minimumf %min3A_2199, %min3A_2200 : vector<8x5120xf32>
      %max3A_2202 = vector.broadcast %add3A_2198 : vector<8x1xf32> to vector<8x5120xf32>
      %max3A_2203 = vector.broadcast %get3A_40 : vector<1x5120xf32> to vector<8x5120xf32>
      %max3A_2204 = arith.maximumf %max3A_2202, %max3A_2203 : vector<8x5120xf32>
      %sub3A_2205 = arith.subf %min3A_2201, %max3A_2204 : vector<8x5120xf32>
      %max3A_2206 = arith.constant 0.000000e+00 : f32
      %max3A_2207 = vector.broadcast %max3A_2206 : f32 to vector<8x5120xf32>
      %max3A_2208 = arith.maximumf %sub3A_2205, %max3A_2207 : vector<8x5120xf32>
      %min3A_2209 = vector.broadcast %slice3A_2033 : vector<8x1xf32> to vector<8x5120xf32>
      %min3A_2210 = vector.broadcast %get3A_49 : vector<1x5120xf32> to vector<8x5120xf32>
      %min3A_2211 = arith.minimumf %min3A_2209, %min3A_2210 : vector<8x5120xf32>
      %max3A_2212 = vector.broadcast %slice3A_2031 : vector<8x1xf32> to vector<8x5120xf32>
      %max3A_2213 = vector.broadcast %get3A_43 : vector<1x5120xf32> to vector<8x5120xf32>
      %max3A_2214 = arith.maximumf %max3A_2212, %max3A_2213 : vector<8x5120xf32>
      %sub3A_2215 = arith.subf %min3A_2211, %max3A_2214 : vector<8x5120xf32>
      %max3A_2216 = arith.constant 0.000000e+00 : f32
      %max3A_2217 = vector.broadcast %max3A_2216 : f32 to vector<8x5120xf32>
      %max3A_2218 = arith.maximumf %sub3A_2215, %max3A_2217 : vector<8x5120xf32>
      %mul3A_2219 = arith.mulf %max3A_2208, %max3A_2218 : vector<8x5120xf32>
      %add3A_2220 = vector.broadcast %slice3A_2034 : vector<8x1xf32> to vector<8x5120xf32>
      %add3A_2221 = vector.broadcast %get3A_52 : vector<1x5120xf32> to vector<8x5120xf32>
      %add3A_2222 = arith.addf %add3A_2220, %add3A_2221 : vector<8x5120xf32>
      %sub3A_2223 = arith.subf %add3A_2222, %mul3A_2219 : vector<8x5120xf32>
      %add3A_2224 = arith.constant 1.000000e-07 : f32
      %add3A_2225 = vector.broadcast %add3A_2224 : f32 to vector<8x5120xf32>
      %add3A_2226 = arith.addf %sub3A_2223, %add3A_2225 : vector<8x5120xf32>
      %div3A_2227 = arith.divf %mul3A_2219, %add3A_2226 : vector<8x5120xf32>
      %reduce_max3A_2228 = arith.constant dense<0xFF800000> : vector<5120xf32>
      %reduce_max3A_2229 = vector.multi_reduction <maximumf>, %div3A_2227, %reduce_max3A_2228 [0] : vector<8x5120xf32> to vector<5120xf32>
      %broadcast_in_dim3A_2230 = vector.shape_cast %reduce_max3A_2229 : vector<5120xf32> to vector<1x5120xf32>
      %gt3A_2231 = arith.constant 4.500000e-01 : f32
      %gt3A_2232 = vector.broadcast %gt3A_2231 : f32 to vector<1x5120xf32>
      %gt3A_2233 = arith.cmpf ogt, %broadcast_in_dim3A_2230, %gt3A_2232 : vector<1x5120xf32>
      %add3A_2234 = arith.constant 64 : i32
      %add3A_2235 = arith.addi %mul3A_2, %add3A_2234 : i32
      %add3A_2236 = arith.constant 8 : i32
      %add3A_2237 = arith.addi %add3A_2235, %add3A_2236 : i32
      %ge3A_2238 = vector.broadcast %add3A_2237 : i32 to vector<1x5120xi32>
      %ge3A_2239 = arith.cmpi sge, %iota3A_53, %ge3A_2238 : vector<1x5120xi32>
      %get3A_2240 = arith.constant 0 : index
      %get3A_2241 = arith.constant 0 : index
      %get3A_2242 = vector.load %arg4[%get3A_2240, %get3A_2241] : memref<1x5120xf32, #tpu.memory_space<vmem>>, vector<1x5120xf32>
      %and3A_2243 = arith.andi %gt3A_2233, %ge3A_2239 : vector<1x5120xi1>
      %convert_element_type3A_2244 = arith.extui %and3A_2243 : vector<1x5120xi1> to vector<1x5120xi32>
      %convert_element_type3A_2245 = arith.sitofp %convert_element_type3A_2244 : vector<1x5120xi32> to vector<1x5120xf32>
      %sub3A_2246 = arith.constant 1.000000e+00 : f32
      %sub3A_2247 = vector.broadcast %sub3A_2246 : f32 to vector<1x5120xf32>
      %sub3A_2248 = arith.subf %sub3A_2247, %convert_element_type3A_2245 : vector<1x5120xf32>
      %mul3A_2249 = arith.mulf %get3A_2242, %sub3A_2248 : vector<1x5120xf32>
      %swap3A_2250 = arith.constant 0 : index
      %swap3A_2251 = arith.constant 0 : index
      %swap3A_2252 = vector.load %arg4[%swap3A_2250, %swap3A_2251] : memref<1x5120xf32, #tpu.memory_space<vmem>>, vector<1x5120xf32>
      tpu.vector_store %arg4[%swap3A_2250, %swap3A_2251], %mul3A_2249 {strides = array<i32>} : memref<1x5120xf32, #tpu.memory_space<vmem>>, vector<1x5120xf32>,
      %get3A_2253 = arith.constant 0 : index
      %get3A_2254 = arith.index_cast %mul3A_2 : i32 to index
      %get3A_2255 = vector.load %arg4[%get3A_2253, %get3A_2254] : memref<1x5120xf32, #tpu.memory_space<vmem>>, vector<1x128xf32>
      %iota3A_2256 = tpu.iota {dimensions = array<i32: 1>} : vector<1x128xi32>
      %ge3A_2257 = arith.constant 64 : i32
      %ge3A_2258 = vector.broadcast %ge3A_2257 : i32 to vector<1x128xi32>
      %ge3A_2259 = arith.cmpi sge, %iota3A_2256, %ge3A_2258 : vector<1x128xi32>
      %lt3A_2260 = arith.constant 72 : i32
      %lt3A_2261 = vector.broadcast %lt3A_2260 : i32 to vector<1x128xi32>
      %lt3A_2262 = arith.cmpi slt, %iota3A_2256, %lt3A_2261 : vector<1x128xi32>
      %and3A_2263 = arith.andi %ge3A_2259, %lt3A_2262 : vector<1x128xi1>
      %jit3A_2264 = arith.constant 0 : i32
      %convert_element_type3A_2265 = arith.sitofp %jit3A_2264 : i32 to f32
      %pad3A_2266 = vector.broadcast %convert_element_type3A_2265 : f32 to vector<1x64xf32>
      %pad3A_2267 = tpu.concatenate %pad3A_2266, %mul3A_2185 in 1 : vector<1x64xf32>, vector<1x8xf32> -> vector<1x72xf32>
      %pad3A_2268 = vector.broadcast %convert_element_type3A_2265 : f32 to vector<1x56xf32>
      %pad3A_2269 = tpu.concatenate %pad3A_2267, %pad3A_2268 in 1 : vector<1x72xf32>, vector<1x56xf32> -> vector<1x128xf32>
      %select_n3A_2270 = arith.select %and3A_2263, %pad3A_2269, %get3A_2255 : vector<1x128xi1>, vector<1x128xf32>
      %swap3A_2271 = arith.constant 0 : index
      %swap3A_2272 = arith.index_cast %mul3A_2 : i32 to index
      %swap3A_2273 = vector.load %arg4[%swap3A_2271, %swap3A_2272] : memref<1x5120xf32, #tpu.memory_space<vmem>>, vector<1x128xf32>
      tpu.vector_store %arg4[%swap3A_2271, %swap3A_2272], %select_n3A_2270 {strides = array<i32>} : memref<1x5120xf32, #tpu.memory_space<vmem>>, vector<1x128xf32>,
      %get3A_2274 = arith.constant 0 : index
      %get3A_2275 = arith.index_cast %mul3A_2 : i32 to index
      %get3A_2276 = vector.load %arg4[%get3A_2274, %get3A_2275] : memref<1x5120xf32, #tpu.memory_space<vmem>>, vector<1x128xf32>
      %slice3A_2277 = vector.extract_strided_slice %get3A_2276 {offsets = [0, 72], sizes = [1, 8], strides = [1, 1]} : vector<1x128xf32> to vector<1x8xf32>
      %slice3A_2278 = vector.extract_strided_slice %get3A_22 {offsets = [0, 45], sizes = [8, 1], strides = [1, 1]} : vector<8x128xf32> to vector<8x1xf32>
      %slice3A_2279 = vector.extract_strided_slice %get3A_22 {offsets = [0, 46], sizes = [8, 1], strides = [1, 1]} : vector<8x128xf32> to vector<8x1xf32>
      %slice3A_2280 = vector.extract_strided_slice %get3A_22 {offsets = [0, 47], sizes = [8, 1], strides = [1, 1]} : vector<8x128xf32> to vector<8x1xf32>
      %slice3A_2281 = vector.extract_strided_slice %get3A_22 {offsets = [0, 48], sizes = [8, 1], strides = [1, 1]} : vector<8x128xf32> to vector<8x1xf32>
      %slice3A_2282 = vector.extract_strided_slice %get3A_22 {offsets = [0, 49], sizes = [8, 1], strides = [1, 1]} : vector<8x128xf32> to vector<8x1xf32>
      %slice3A_2283 = vector.extract_strided_slice %get3A_25 {offsets = [0, 72], sizes = [1, 8], strides = [1, 1]} : vector<1x128xf32> to vector<1x8xf32>
      %slice3A_2284 = vector.extract_strided_slice %get3A_28 {offsets = [0, 72], sizes = [1, 8], strides = [1, 1]} : vector<1x128xf32> to vector<1x8xf32>
      %slice3A_2285 = vector.extract_strided_slice %get3A_31 {offsets = [0, 72], sizes = [1, 8], strides = [1, 1]} : vector<1x128xf32> to vector<1x8xf32>
      %slice3A_2286 = vector.extract_strided_slice %get3A_34 {offsets = [0, 72], sizes = [1, 8], strides = [1, 1]} : vector<1x128xf32> to vector<1x8xf32>
      %slice3A_2287 = vector.extract_strided_slice %get3A_37 {offsets = [0, 72], sizes = [1, 8], strides = [1, 1]} : vector<1x128xf32> to vector<1x8xf32>
      %min3A_2288 = vector.broadcast %slice3A_2280 : vector<8x1xf32> to vector<8x8xf32>
      %min3A_2289 = vector.broadcast %slice3A_2285 : vector<1x8xf32> to vector<8x8xf32>
      %min3A_2290 = arith.minimumf %min3A_2288, %min3A_2289 : vector<8x8xf32>
      %max3A_2291 = vector.broadcast %slice3A_2278 : vector<8x1xf32> to vector<8x8xf32>
      %max3A_2292 = vector.broadcast %slice3A_2283 : vector<1x8xf32> to vector<8x8xf32>
      %max3A_2293 = arith.maximumf %max3A_2291, %max3A_2292 : vector<8x8xf32>
      %sub3A_2294 = arith.subf %min3A_2290, %max3A_2293 : vector<8x8xf32>
      %max3A_2295 = arith.constant 0.000000e+00 : f32
      %max3A_2296 = vector.broadcast %max3A_2295 : f32 to vector<8x8xf32>
      %max3A_2297 = arith.maximumf %sub3A_2294, %max3A_2296 : vector<8x8xf32>
      %min3A_2298 = vector.broadcast %slice3A_2281 : vector<8x1xf32> to vector<8x8xf32>
      %min3A_2299 = vector.broadcast %slice3A_2286 : vector<1x8xf32> to vector<8x8xf32>
      %min3A_2300 = arith.minimumf %min3A_2298, %min3A_2299 : vector<8x8xf32>
      %max3A_2301 = vector.broadcast %slice3A_2279 : vector<8x1xf32> to vector<8x8xf32>
      %max3A_2302 = vector.broadcast %slice3A_2284 : vector<1x8xf32> to vector<8x8xf32>
      %max3A_2303 = arith.maximumf %max3A_2301, %max3A_2302 : vector<8x8xf32>
      %sub3A_2304 = arith.subf %min3A_2300, %max3A_2303 : vector<8x8xf32>
      %max3A_2305 = arith.constant 0.000000e+00 : f32
      %max3A_2306 = vector.broadcast %max3A_2305 : f32 to vector<8x8xf32>
      %max3A_2307 = arith.maximumf %sub3A_2304, %max3A_2306 : vector<8x8xf32>
      %mul3A_2308 = arith.mulf %max3A_2297, %max3A_2307 : vector<8x8xf32>
      %add3A_2309 = vector.broadcast %slice3A_2282 : vector<8x1xf32> to vector<8x8xf32>
      %add3A_2310 = vector.broadcast %slice3A_2287 : vector<1x8xf32> to vector<8x8xf32>
      %add3A_2311 = arith.addf %add3A_2309, %add3A_2310 : vector<8x8xf32>
      %sub3A_2312 = arith.subf %add3A_2311, %mul3A_2308 : vector<8x8xf32>
      %add3A_2313 = arith.constant 1.000000e-07 : f32
      %add3A_2314 = vector.broadcast %add3A_2313 : f32 to vector<8x8xf32>
      %add3A_2315 = arith.addf %sub3A_2312, %add3A_2314 : vector<8x8xf32>
      %div3A_2316 = arith.divf %mul3A_2308, %add3A_2315 : vector<8x8xf32>
      %gt3A_2317 = arith.constant 4.500000e-01 : f32
      %gt3A_2318 = vector.broadcast %gt3A_2317 : f32 to vector<8x8xf32>
      %gt3A_2319 = arith.cmpf ogt, %div3A_2316, %gt3A_2318 : vector<8x8xf32>
      %convert_element_type3A_2320 = arith.extui %gt3A_2319 : vector<8x8xi1> to vector<8x8xi32>
      %convert_element_type3A_2321 = arith.sitofp %convert_element_type3A_2320 : vector<8x8xi32> to vector<8x8xf32>
      %slice3A_2322 = vector.extract_strided_slice %slice3A_2277 {offsets = [0, 0], sizes = [1, 1], strides = [1, 1]} : vector<1x8xf32> to vector<1x1xf32>
      %slice3A_2323 = vector.extract_strided_slice %convert_element_type3A_2321 {offsets = [0, 0], sizes = [1, 8], strides = [1, 1]} : vector<8x8xf32> to vector<1x8xf32>
      %mul3A_2324 = vector.broadcast %slice3A_2322 : vector<1x1xf32> to vector<1x8xf32>
      %mul3A_2325 = arith.mulf %slice3A_2323, %mul3A_2324 : vector<1x8xf32>
      %gt3A_2326 = arith.constant 0 : i32
      %gt3A_2327 = vector.broadcast %gt3A_2326 : i32 to vector<1x8xi32>
      %gt3A_2328 = arith.cmpi sgt, %iota3A, %gt3A_2327 : vector<1x8xi32>
      %convert_element_type3A_2329 = arith.extui %gt3A_2328 : vector<1x8xi1> to vector<1x8xi32>
      %convert_element_type3A_2330 = arith.sitofp %convert_element_type3A_2329 : vector<1x8xi32> to vector<1x8xf32>
      %mul3A_2331 = arith.mulf %mul3A_2325, %convert_element_type3A_2330 : vector<1x8xf32>
      %sub3A_2332 = arith.constant 1.000000e+00 : f32
      %sub3A_2333 = vector.broadcast %sub3A_2332 : f32 to vector<1x8xf32>
      %sub3A_2334 = arith.subf %sub3A_2333, %mul3A_2331 : vector<1x8xf32>
      %mul3A_2335 = arith.mulf %slice3A_2277, %sub3A_2334 : vector<1x8xf32>
      %slice3A_2336 = vector.extract_strided_slice %mul3A_2335 {offsets = [0, 1], sizes = [1, 1], strides = [1, 1]} : vector<1x8xf32> to vector<1x1xf32>
      %slice3A_2337 = vector.extract_strided_slice %convert_element_type3A_2321 {offsets = [1, 0], sizes = [1, 8], strides = [1, 1]} : vector<8x8xf32> to vector<1x8xf32>
      %mul3A_2338 = vector.broadcast %slice3A_2336 : vector<1x1xf32> to vector<1x8xf32>
      %mul3A_2339 = arith.mulf %slice3A_2337, %mul3A_2338 : vector<1x8xf32>
      %gt3A_2340 = arith.constant 1 : i32
      %gt3A_2341 = vector.broadcast %gt3A_2340 : i32 to vector<1x8xi32>
      %gt3A_2342 = arith.cmpi sgt, %iota3A, %gt3A_2341 : vector<1x8xi32>
      %convert_element_type3A_2343 = arith.extui %gt3A_2342 : vector<1x8xi1> to vector<1x8xi32>
      %convert_element_type3A_2344 = arith.sitofp %convert_element_type3A_2343 : vector<1x8xi32> to vector<1x8xf32>
      %mul3A_2345 = arith.mulf %mul3A_2339, %convert_element_type3A_2344 : vector<1x8xf32>
      %sub3A_2346 = arith.constant 1.000000e+00 : f32
      %sub3A_2347 = vector.broadcast %sub3A_2346 : f32 to vector<1x8xf32>
      %sub3A_2348 = arith.subf %sub3A_2347, %mul3A_2345 : vector<1x8xf32>
      %mul3A_2349 = arith.mulf %mul3A_2335, %sub3A_2348 : vector<1x8xf32>
      %slice3A_2350 = vector.extract_strided_slice %mul3A_2349 {offsets = [0, 2], sizes = [1, 1], strides = [1, 1]} : vector<1x8xf32> to vector<1x1xf32>
      %slice3A_2351 = vector.extract_strided_slice %convert_element_type3A_2321 {offsets = [2, 0], sizes = [1, 8], strides = [1, 1]} : vector<8x8xf32> to vector<1x8xf32>
      %mul3A_2352 = vector.broadcast %slice3A_2350 : vector<1x1xf32> to vector<1x8xf32>
      %mul3A_2353 = arith.mulf %slice3A_2351, %mul3A_2352 : vector<1x8xf32>
      %gt3A_2354 = arith.constant 2 : i32
      %gt3A_2355 = vector.broadcast %gt3A_2354 : i32 to vector<1x8xi32>
      %gt3A_2356 = arith.cmpi sgt, %iota3A, %gt3A_2355 : vector<1x8xi32>
      %convert_element_type3A_2357 = arith.extui %gt3A_2356 : vector<1x8xi1> to vector<1x8xi32>
      %convert_element_type3A_2358 = arith.sitofp %convert_element_type3A_2357 : vector<1x8xi32> to vector<1x8xf32>
      %mul3A_2359 = arith.mulf %mul3A_2353, %convert_element_type3A_2358 : vector<1x8xf32>
      %sub3A_2360 = arith.constant 1.000000e+00 : f32
      %sub3A_2361 = vector.broadcast %sub3A_2360 : f32 to vector<1x8xf32>
      %sub3A_2362 = arith.subf %sub3A_2361, %mul3A_2359 : vector<1x8xf32>
      %mul3A_2363 = arith.mulf %mul3A_2349, %sub3A_2362 : vector<1x8xf32>
      %slice3A_2364 = vector.extract_strided_slice %mul3A_2363 {offsets = [0, 3], sizes = [1, 1], strides = [1, 1]} : vector<1x8xf32> to vector<1x1xf32>
      %slice3A_2365 = vector.extract_strided_slice %convert_element_type3A_2321 {offsets = [3, 0], sizes = [1, 8], strides = [1, 1]} : vector<8x8xf32> to vector<1x8xf32>
      %mul3A_2366 = vector.broadcast %slice3A_2364 : vector<1x1xf32> to vector<1x8xf32>
      %mul3A_2367 = arith.mulf %slice3A_2365, %mul3A_2366 : vector<1x8xf32>
      %gt3A_2368 = arith.constant 3 : i32
      %gt3A_2369 = vector.broadcast %gt3A_2368 : i32 to vector<1x8xi32>
      %gt3A_2370 = arith.cmpi sgt, %iota3A, %gt3A_2369 : vector<1x8xi32>
      %convert_element_type3A_2371 = arith.extui %gt3A_2370 : vector<1x8xi1> to vector<1x8xi32>
      %convert_element_type3A_2372 = arith.sitofp %convert_element_type3A_2371 : vector<1x8xi32> to vector<1x8xf32>
      %mul3A_2373 = arith.mulf %mul3A_2367, %convert_element_type3A_2372 : vector<1x8xf32>
      %sub3A_2374 = arith.constant 1.000000e+00 : f32
      %sub3A_2375 = vector.broadcast %sub3A_2374 : f32 to vector<1x8xf32>
      %sub3A_2376 = arith.subf %sub3A_2375, %mul3A_2373 : vector<1x8xf32>
      %mul3A_2377 = arith.mulf %mul3A_2363, %sub3A_2376 : vector<1x8xf32>
      %slice3A_2378 = vector.extract_strided_slice %mul3A_2377 {offsets = [0, 4], sizes = [1, 1], strides = [1, 1]} : vector<1x8xf32> to vector<1x1xf32>
      %slice3A_2379 = vector.extract_strided_slice %convert_element_type3A_2321 {offsets = [4, 0], sizes = [1, 8], strides = [1, 1]} : vector<8x8xf32> to vector<1x8xf32>
      %mul3A_2380 = vector.broadcast %slice3A_2378 : vector<1x1xf32> to vector<1x8xf32>
      %mul3A_2381 = arith.mulf %slice3A_2379, %mul3A_2380 : vector<1x8xf32>
      %gt3A_2382 = arith.constant 4 : i32
      %gt3A_2383 = vector.broadcast %gt3A_2382 : i32 to vector<1x8xi32>
      %gt3A_2384 = arith.cmpi sgt, %iota3A, %gt3A_2383 : vector<1x8xi32>
      %convert_element_type3A_2385 = arith.extui %gt3A_2384 : vector<1x8xi1> to vector<1x8xi32>
      %convert_element_type3A_2386 = arith.sitofp %convert_element_type3A_2385 : vector<1x8xi32> to vector<1x8xf32>
      %mul3A_2387 = arith.mulf %mul3A_2381, %convert_element_type3A_2386 : vector<1x8xf32>
      %sub3A_2388 = arith.constant 1.000000e+00 : f32
      %sub3A_2389 = vector.broadcast %sub3A_2388 : f32 to vector<1x8xf32>
      %sub3A_2390 = arith.subf %sub3A_2389, %mul3A_2387 : vector<1x8xf32>
      %mul3A_2391 = arith.mulf %mul3A_2377, %sub3A_2390 : vector<1x8xf32>
      %slice3A_2392 = vector.extract_strided_slice %mul3A_2391 {offsets = [0, 5], sizes = [1, 1], strides = [1, 1]} : vector<1x8xf32> to vector<1x1xf32>
      %slice3A_2393 = vector.extract_strided_slice %convert_element_type3A_2321 {offsets = [5, 0], sizes = [1, 8], strides = [1, 1]} : vector<8x8xf32> to vector<1x8xf32>
      %mul3A_2394 = vector.broadcast %slice3A_2392 : vector<1x1xf32> to vector<1x8xf32>
      %mul3A_2395 = arith.mulf %slice3A_2393, %mul3A_2394 : vector<1x8xf32>
      %gt3A_2396 = arith.constant 5 : i32
      %gt3A_2397 = vector.broadcast %gt3A_2396 : i32 to vector<1x8xi32>
      %gt3A_2398 = arith.cmpi sgt, %iota3A, %gt3A_2397 : vector<1x8xi32>
      %convert_element_type3A_2399 = arith.extui %gt3A_2398 : vector<1x8xi1> to vector<1x8xi32>
      %convert_element_type3A_2400 = arith.sitofp %convert_element_type3A_2399 : vector<1x8xi32> to vector<1x8xf32>
      %mul3A_2401 = arith.mulf %mul3A_2395, %convert_element_type3A_2400 : vector<1x8xf32>
      %sub3A_2402 = arith.constant 1.000000e+00 : f32
      %sub3A_2403 = vector.broadcast %sub3A_2402 : f32 to vector<1x8xf32>
      %sub3A_2404 = arith.subf %sub3A_2403, %mul3A_2401 : vector<1x8xf32>
      %mul3A_2405 = arith.mulf %mul3A_2391, %sub3A_2404 : vector<1x8xf32>
      %slice3A_2406 = vector.extract_strided_slice %mul3A_2405 {offsets = [0, 6], sizes = [1, 1], strides = [1, 1]} : vector<1x8xf32> to vector<1x1xf32>
      %slice3A_2407 = vector.extract_strided_slice %convert_element_type3A_2321 {offsets = [6, 0], sizes = [1, 8], strides = [1, 1]} : vector<8x8xf32> to vector<1x8xf32>
      %mul3A_2408 = vector.broadcast %slice3A_2406 : vector<1x1xf32> to vector<1x8xf32>
      %mul3A_2409 = arith.mulf %slice3A_2407, %mul3A_2408 : vector<1x8xf32>
      %gt3A_2410 = arith.constant 6 : i32
      %gt3A_2411 = vector.broadcast %gt3A_2410 : i32 to vector<1x8xi32>
      %gt3A_2412 = arith.cmpi sgt, %iota3A, %gt3A_2411 : vector<1x8xi32>
      %convert_element_type3A_2413 = arith.extui %gt3A_2412 : vector<1x8xi1> to vector<1x8xi32>
      %convert_element_type3A_2414 = arith.sitofp %convert_element_type3A_2413 : vector<1x8xi32> to vector<1x8xf32>
      %mul3A_2415 = arith.mulf %mul3A_2409, %convert_element_type3A_2414 : vector<1x8xf32>
      %sub3A_2416 = arith.constant 1.000000e+00 : f32
      %sub3A_2417 = vector.broadcast %sub3A_2416 : f32 to vector<1x8xf32>
      %sub3A_2418 = arith.subf %sub3A_2417, %mul3A_2415 : vector<1x8xf32>
      %mul3A_2419 = arith.mulf %mul3A_2405, %sub3A_2418 : vector<1x8xf32>
      %slice3A_2420 = vector.extract_strided_slice %mul3A_2419 {offsets = [0, 7], sizes = [1, 1], strides = [1, 1]} : vector<1x8xf32> to vector<1x1xf32>
      %slice3A_2421 = vector.extract_strided_slice %convert_element_type3A_2321 {offsets = [7, 0], sizes = [1, 8], strides = [1, 1]} : vector<8x8xf32> to vector<1x8xf32>
      %mul3A_2422 = vector.broadcast %slice3A_2420 : vector<1x1xf32> to vector<1x8xf32>
      %mul3A_2423 = arith.mulf %slice3A_2421, %mul3A_2422 : vector<1x8xf32>
      %gt3A_2424 = arith.constant 7 : i32
      %gt3A_2425 = vector.broadcast %gt3A_2424 : i32 to vector<1x8xi32>
      %gt3A_2426 = arith.cmpi sgt, %iota3A, %gt3A_2425 : vector<1x8xi32>
      %convert_element_type3A_2427 = arith.extui %gt3A_2426 : vector<1x8xi1> to vector<1x8xi32>
      %convert_element_type3A_2428 = arith.sitofp %convert_element_type3A_2427 : vector<1x8xi32> to vector<1x8xf32>
      %mul3A_2429 = arith.mulf %mul3A_2423, %convert_element_type3A_2428 : vector<1x8xf32>
      %sub3A_2430 = arith.constant 1.000000e+00 : f32
      %sub3A_2431 = vector.broadcast %sub3A_2430 : f32 to vector<1x8xf32>
      %sub3A_2432 = arith.subf %sub3A_2431, %mul3A_2429 : vector<1x8xf32>
      %mul3A_2433 = arith.mulf %mul3A_2419, %sub3A_2432 : vector<1x8xf32>
      %broadcast_in_dim3A_2434 = vector.shape_cast %mul3A_2433 : vector<1x8xf32> to vector<1x8xf32>
      %broadcast_in_dim3A_2435 = vector.broadcast %broadcast_in_dim3A_2434 : vector<1x8xf32> to vector<8x8xf32>
      %mul3A_2436 = arith.mulf %broadcast_in_dim3A_2435, %convert_element_type3A_58 : vector<8x8xf32>
      %reduce_sum3A_2437 = arith.constant dense<0.000000e+00> : vector<8xf32>
      %reduce_sum3A_2438 = vector.multi_reduction <add>, %mul3A_2436, %reduce_sum3A_2437 [1] : vector<8x8xf32> to vector<8xf32>
      %broadcast_in_dim3A_2439 = vector.shape_cast %reduce_sum3A_2438 : vector<8xf32> to vector<8x1xf32>
      %sub3A_2440 = arith.constant 1.000000e+00 : f32
      %sub3A_2441 = vector.broadcast %sub3A_2440 : f32 to vector<8x1xf32>
      %sub3A_2442 = arith.subf %sub3A_2441, %broadcast_in_dim3A_2439 : vector<8x1xf32>
      %mul3A_2443 = arith.constant 1.000000e+09 : f32
      %mul3A_2444 = vector.broadcast %mul3A_2443 : f32 to vector<8x1xf32>
      %mul3A_2445 = arith.mulf %sub3A_2442, %mul3A_2444 : vector<8x1xf32>
      %add3A_2446 = arith.addf %slice3A_2278, %mul3A_2445 : vector<8x1xf32>
      %min3A_2447 = vector.broadcast %slice3A_2280 : vector<8x1xf32> to vector<8x5120xf32>
      %min3A_2448 = vector.broadcast %get3A_46 : vector<1x5120xf32> to vector<8x5120xf32>
      %min3A_2449 = arith.minimumf %min3A_2447, %min3A_2448 : vector<8x5120xf32>
      %max3A_2450 = vector.broadcast %add3A_2446 : vector<8x1xf32> to vector<8x5120xf32>
      %max3A_2451 = vector.broadcast %get3A_40 : vector<1x5120xf32> to vector<8x5120xf32>
      %max3A_2452 = arith.maximumf %max3A_2450, %max3A_2451 : vector<8x5120xf32>
      %sub3A_2453 = arith.subf %min3A_2449, %max3A_2452 : vector<8x5120xf32>
      %max3A_2454 = arith.constant 0.000000e+00 : f32
      %max3A_2455 = vector.broadcast %max3A_2454 : f32 to vector<8x5120xf32>
      %max3A_2456 = arith.maximumf %sub3A_2453, %max3A_2455 : vector<8x5120xf32>
      %min3A_2457 = vector.broadcast %slice3A_2281 : vector<8x1xf32> to vector<8x5120xf32>
      %min3A_2458 = vector.broadcast %get3A_49 : vector<1x5120xf32> to vector<8x5120xf32>
      %min3A_2459 = arith.minimumf %min3A_2457, %min3A_2458 : vector<8x5120xf32>
      %max3A_2460 = vector.broadcast %slice3A_2279 : vector<8x1xf32> to vector<8x5120xf32>
      %max3A_2461 = vector.broadcast %get3A_43 : vector<1x5120xf32> to vector<8x5120xf32>
      %max3A_2462 = arith.maximumf %max3A_2460, %max3A_2461 : vector<8x5120xf32>
      %sub3A_2463 = arith.subf %min3A_2459, %max3A_2462 : vector<8x5120xf32>
      %max3A_2464 = arith.constant 0.000000e+00 : f32
      %max3A_2465 = vector.broadcast %max3A_2464 : f32 to vector<8x5120xf32>
      %max3A_2466 = arith.maximumf %sub3A_2463, %max3A_2465 : vector<8x5120xf32>
      %mul3A_2467 = arith.mulf %max3A_2456, %max3A_2466 : vector<8x5120xf32>
      %add3A_2468 = vector.broadcast %slice3A_2282 : vector<8x1xf32> to vector<8x5120xf32>
      %add3A_2469 = vector.broadcast %get3A_52 : vector<1x5120xf32> to vector<8x5120xf32>
      %add3A_2470 = arith.addf %add3A_2468, %add3A_2469 : vector<8x5120xf32>
      %sub3A_2471 = arith.subf %add3A_2470, %mul3A_2467 : vector<8x5120xf32>
      %add3A_2472 = arith.constant 1.000000e-07 : f32
      %add3A_2473 = vector.broadcast %add3A_2472 : f32 to vector<8x5120xf32>
      %add3A_2474 = arith.addf %sub3A_2471, %add3A_2473 : vector<8x5120xf32>
      %div3A_2475 = arith.divf %mul3A_2467, %add3A_2474 : vector<8x5120xf32>
      %reduce_max3A_2476 = arith.constant dense<0xFF800000> : vector<5120xf32>
      %reduce_max3A_2477 = vector.multi_reduction <maximumf>, %div3A_2475, %reduce_max3A_2476 [0] : vector<8x5120xf32> to vector<5120xf32>
      %broadcast_in_dim3A_2478 = vector.shape_cast %reduce_max3A_2477 : vector<5120xf32> to vector<1x5120xf32>
      %gt3A_2479 = arith.constant 4.500000e-01 : f32
      %gt3A_2480 = vector.broadcast %gt3A_2479 : f32 to vector<1x5120xf32>
      %gt3A_2481 = arith.cmpf ogt, %broadcast_in_dim3A_2478, %gt3A_2480 : vector<1x5120xf32>
      %add3A_2482 = arith.constant 72 : i32
      %add3A_2483 = arith.addi %mul3A_2, %add3A_2482 : i32
      %add3A_2484 = arith.constant 8 : i32
      %add3A_2485 = arith.addi %add3A_2483, %add3A_2484 : i32
      %ge3A_2486 = vector.broadcast %add3A_2485 : i32 to vector<1x5120xi32>
      %ge3A_2487 = arith.cmpi sge, %iota3A_53, %ge3A_2486 : vector<1x5120xi32>
      %get3A_2488 = arith.constant 0 : index
      %get3A_2489 = arith.constant 0 : index
      %get3A_2490 = vector.load %arg4[%get3A_2488, %get3A_2489] : memref<1x5120xf32, #tpu.memory_space<vmem>>, vector<1x5120xf32>
      %and3A_2491 = arith.andi %gt3A_2481, %ge3A_2487 : vector<1x5120xi1>
      %convert_element_type3A_2492 = arith.extui %and3A_2491 : vector<1x5120xi1> to vector<1x5120xi32>
      %convert_element_type3A_2493 = arith.sitofp %convert_element_type3A_2492 : vector<1x5120xi32> to vector<1x5120xf32>
      %sub3A_2494 = arith.constant 1.000000e+00 : f32
      %sub3A_2495 = vector.broadcast %sub3A_2494 : f32 to vector<1x5120xf32>
      %sub3A_2496 = arith.subf %sub3A_2495, %convert_element_type3A_2493 : vector<1x5120xf32>
      %mul3A_2497 = arith.mulf %get3A_2490, %sub3A_2496 : vector<1x5120xf32>
      %swap3A_2498 = arith.constant 0 : index
      %swap3A_2499 = arith.constant 0 : index
      %swap3A_2500 = vector.load %arg4[%swap3A_2498, %swap3A_2499] : memref<1x5120xf32, #tpu.memory_space<vmem>>, vector<1x5120xf32>
      tpu.vector_store %arg4[%swap3A_2498, %swap3A_2499], %mul3A_2497 {strides = array<i32>} : memref<1x5120xf32, #tpu.memory_space<vmem>>, vector<1x5120xf32>,
      %get3A_2501 = arith.constant 0 : index
      %get3A_2502 = arith.index_cast %mul3A_2 : i32 to index
      %get3A_2503 = vector.load %arg4[%get3A_2501, %get3A_2502] : memref<1x5120xf32, #tpu.memory_space<vmem>>, vector<1x128xf32>
      %iota3A_2504 = tpu.iota {dimensions = array<i32: 1>} : vector<1x128xi32>
      %ge3A_2505 = arith.constant 72 : i32
      %ge3A_2506 = vector.broadcast %ge3A_2505 : i32 to vector<1x128xi32>
      %ge3A_2507 = arith.cmpi sge, %iota3A_2504, %ge3A_2506 : vector<1x128xi32>
      %lt3A_2508 = arith.constant 80 : i32
      %lt3A_2509 = vector.broadcast %lt3A_2508 : i32 to vector<1x128xi32>
      %lt3A_2510 = arith.cmpi slt, %iota3A_2504, %lt3A_2509 : vector<1x128xi32>
      %and3A_2511 = arith.andi %ge3A_2507, %lt3A_2510 : vector<1x128xi1>
      %jit3A_2512 = arith.constant 0 : i32
      %convert_element_type3A_2513 = arith.sitofp %jit3A_2512 : i32 to f32
      %pad3A_2514 = vector.broadcast %convert_element_type3A_2513 : f32 to vector<1x72xf32>
      %pad3A_2515 = tpu.concatenate %pad3A_2514, %mul3A_2433 in 1 : vector<1x72xf32>, vector<1x8xf32> -> vector<1x80xf32>
      %pad3A_2516 = vector.broadcast %convert_element_type3A_2513 : f32 to vector<1x48xf32>
      %pad3A_2517 = tpu.concatenate %pad3A_2515, %pad3A_2516 in 1 : vector<1x80xf32>, vector<1x48xf32> -> vector<1x128xf32>
      %select_n3A_2518 = arith.select %and3A_2511, %pad3A_2517, %get3A_2503 : vector<1x128xi1>, vector<1x128xf32>
      %swap3A_2519 = arith.constant 0 : index
      %swap3A_2520 = arith.index_cast %mul3A_2 : i32 to index
      %swap3A_2521 = vector.load %arg4[%swap3A_2519, %swap3A_2520] : memref<1x5120xf32, #tpu.memory_space<vmem>>, vector<1x128xf32>
      tpu.vector_store %arg4[%swap3A_2519, %swap3A_2520], %select_n3A_2518 {strides = array<i32>} : memref<1x5120xf32, #tpu.memory_space<vmem>>, vector<1x128xf32>,
      %get3A_2522 = arith.constant 0 : index
      %get3A_2523 = arith.index_cast %mul3A_2 : i32 to index
      %get3A_2524 = vector.load %arg4[%get3A_2522, %get3A_2523] : memref<1x5120xf32, #tpu.memory_space<vmem>>, vector<1x128xf32>
      %slice3A_2525 = vector.extract_strided_slice %get3A_2524 {offsets = [0, 80], sizes = [1, 8], strides = [1, 1]} : vector<1x128xf32> to vector<1x8xf32>
      %slice3A_2526 = vector.extract_strided_slice %get3A_22 {offsets = [0, 50], sizes = [8, 1], strides = [1, 1]} : vector<8x128xf32> to vector<8x1xf32>
      %slice3A_2527 = vector.extract_strided_slice %get3A_22 {offsets = [0, 51], sizes = [8, 1], strides = [1, 1]} : vector<8x128xf32> to vector<8x1xf32>
      %slice3A_2528 = vector.extract_strided_slice %get3A_22 {offsets = [0, 52], sizes = [8, 1], strides = [1, 1]} : vector<8x128xf32> to vector<8x1xf32>
      %slice3A_2529 = vector.extract_strided_slice %get3A_22 {offsets = [0, 53], sizes = [8, 1], strides = [1, 1]} : vector<8x128xf32> to vector<8x1xf32>
      %slice3A_2530 = vector.extract_strided_slice %get3A_22 {offsets = [0, 54], sizes = [8, 1], strides = [1, 1]} : vector<8x128xf32> to vector<8x1xf32>
      %slice3A_2531 = vector.extract_strided_slice %get3A_25 {offsets = [0, 80], sizes = [1, 8], strides = [1, 1]} : vector<1x128xf32> to vector<1x8xf32>
      %slice3A_2532 = vector.extract_strided_slice %get3A_28 {offsets = [0, 80], sizes = [1, 8], strides = [1, 1]} : vector<1x128xf32> to vector<1x8xf32>
      %slice3A_2533 = vector.extract_strided_slice %get3A_31 {offsets = [0, 80], sizes = [1, 8], strides = [1, 1]} : vector<1x128xf32> to vector<1x8xf32>
      %slice3A_2534 = vector.extract_strided_slice %get3A_34 {offsets = [0, 80], sizes = [1, 8], strides = [1, 1]} : vector<1x128xf32> to vector<1x8xf32>
      %slice3A_2535 = vector.extract_strided_slice %get3A_37 {offsets = [0, 80], sizes = [1, 8], strides = [1, 1]} : vector<1x128xf32> to vector<1x8xf32>
      %min3A_2536 = vector.broadcast %slice3A_2528 : vector<8x1xf32> to vector<8x8xf32>
      %min3A_2537 = vector.broadcast %slice3A_2533 : vector<1x8xf32> to vector<8x8xf32>
      %min3A_2538 = arith.minimumf %min3A_2536, %min3A_2537 : vector<8x8xf32>
      %max3A_2539 = vector.broadcast %slice3A_2526 : vector<8x1xf32> to vector<8x8xf32>
      %max3A_2540 = vector.broadcast %slice3A_2531 : vector<1x8xf32> to vector<8x8xf32>
      %max3A_2541 = arith.maximumf %max3A_2539, %max3A_2540 : vector<8x8xf32>
      %sub3A_2542 = arith.subf %min3A_2538, %max3A_2541 : vector<8x8xf32>
      %max3A_2543 = arith.constant 0.000000e+00 : f32
      %max3A_2544 = vector.broadcast %max3A_2543 : f32 to vector<8x8xf32>
      %max3A_2545 = arith.maximumf %sub3A_2542, %max3A_2544 : vector<8x8xf32>
      %min3A_2546 = vector.broadcast %slice3A_2529 : vector<8x1xf32> to vector<8x8xf32>
      %min3A_2547 = vector.broadcast %slice3A_2534 : vector<1x8xf32> to vector<8x8xf32>
      %min3A_2548 = arith.minimumf %min3A_2546, %min3A_2547 : vector<8x8xf32>
      %max3A_2549 = vector.broadcast %slice3A_2527 : vector<8x1xf32> to vector<8x8xf32>
      %max3A_2550 = vector.broadcast %slice3A_2532 : vector<1x8xf32> to vector<8x8xf32>
      %max3A_2551 = arith.maximumf %max3A_2549, %max3A_2550 : vector<8x8xf32>
      %sub3A_2552 = arith.subf %min3A_2548, %max3A_2551 : vector<8x8xf32>
      %max3A_2553 = arith.constant 0.000000e+00 : f32
      %max3A_2554 = vector.broadcast %max3A_2553 : f32 to vector<8x8xf32>
      %max3A_2555 = arith.maximumf %sub3A_2552, %max3A_2554 : vector<8x8xf32>
      %mul3A_2556 = arith.mulf %max3A_2545, %max3A_2555 : vector<8x8xf32>
      %add3A_2557 = vector.broadcast %slice3A_2530 : vector<8x1xf32> to vector<8x8xf32>
      %add3A_2558 = vector.broadcast %slice3A_2535 : vector<1x8xf32> to vector<8x8xf32>
      %add3A_2559 = arith.addf %add3A_2557, %add3A_2558 : vector<8x8xf32>
      %sub3A_2560 = arith.subf %add3A_2559, %mul3A_2556 : vector<8x8xf32>
      %add3A_2561 = arith.constant 1.000000e-07 : f32
      %add3A_2562 = vector.broadcast %add3A_2561 : f32 to vector<8x8xf32>
      %add3A_2563 = arith.addf %sub3A_2560, %add3A_2562 : vector<8x8xf32>
      %div3A_2564 = arith.divf %mul3A_2556, %add3A_2563 : vector<8x8xf32>
      %gt3A_2565 = arith.constant 4.500000e-01 : f32
      %gt3A_2566 = vector.broadcast %gt3A_2565 : f32 to vector<8x8xf32>
      %gt3A_2567 = arith.cmpf ogt, %div3A_2564, %gt3A_2566 : vector<8x8xf32>
      %convert_element_type3A_2568 = arith.extui %gt3A_2567 : vector<8x8xi1> to vector<8x8xi32>
      %convert_element_type3A_2569 = arith.sitofp %convert_element_type3A_2568 : vector<8x8xi32> to vector<8x8xf32>
      %slice3A_2570 = vector.extract_strided_slice %slice3A_2525 {offsets = [0, 0], sizes = [1, 1], strides = [1, 1]} : vector<1x8xf32> to vector<1x1xf32>
      %slice3A_2571 = vector.extract_strided_slice %convert_element_type3A_2569 {offsets = [0, 0], sizes = [1, 8], strides = [1, 1]} : vector<8x8xf32> to vector<1x8xf32>
      %mul3A_2572 = vector.broadcast %slice3A_2570 : vector<1x1xf32> to vector<1x8xf32>
      %mul3A_2573 = arith.mulf %slice3A_2571, %mul3A_2572 : vector<1x8xf32>
      %gt3A_2574 = arith.constant 0 : i32
      %gt3A_2575 = vector.broadcast %gt3A_2574 : i32 to vector<1x8xi32>
      %gt3A_2576 = arith.cmpi sgt, %iota3A, %gt3A_2575 : vector<1x8xi32>
      %convert_element_type3A_2577 = arith.extui %gt3A_2576 : vector<1x8xi1> to vector<1x8xi32>
      %convert_element_type3A_2578 = arith.sitofp %convert_element_type3A_2577 : vector<1x8xi32> to vector<1x8xf32>
      %mul3A_2579 = arith.mulf %mul3A_2573, %convert_element_type3A_2578 : vector<1x8xf32>
      %sub3A_2580 = arith.constant 1.000000e+00 : f32
      %sub3A_2581 = vector.broadcast %sub3A_2580 : f32 to vector<1x8xf32>
      %sub3A_2582 = arith.subf %sub3A_2581, %mul3A_2579 : vector<1x8xf32>
      %mul3A_2583 = arith.mulf %slice3A_2525, %sub3A_2582 : vector<1x8xf32>
      %slice3A_2584 = vector.extract_strided_slice %mul3A_2583 {offsets = [0, 1], sizes = [1, 1], strides = [1, 1]} : vector<1x8xf32> to vector<1x1xf32>
      %slice3A_2585 = vector.extract_strided_slice %convert_element_type3A_2569 {offsets = [1, 0], sizes = [1, 8], strides = [1, 1]} : vector<8x8xf32> to vector<1x8xf32>
      %mul3A_2586 = vector.broadcast %slice3A_2584 : vector<1x1xf32> to vector<1x8xf32>
      %mul3A_2587 = arith.mulf %slice3A_2585, %mul3A_2586 : vector<1x8xf32>
      %gt3A_2588 = arith.constant 1 : i32
      %gt3A_2589 = vector.broadcast %gt3A_2588 : i32 to vector<1x8xi32>
      %gt3A_2590 = arith.cmpi sgt, %iota3A, %gt3A_2589 : vector<1x8xi32>
      %convert_element_type3A_2591 = arith.extui %gt3A_2590 : vector<1x8xi1> to vector<1x8xi32>
      %convert_element_type3A_2592 = arith.sitofp %convert_element_type3A_2591 : vector<1x8xi32> to vector<1x8xf32>
      %mul3A_2593 = arith.mulf %mul3A_2587, %convert_element_type3A_2592 : vector<1x8xf32>
      %sub3A_2594 = arith.constant 1.000000e+00 : f32
      %sub3A_2595 = vector.broadcast %sub3A_2594 : f32 to vector<1x8xf32>
      %sub3A_2596 = arith.subf %sub3A_2595, %mul3A_2593 : vector<1x8xf32>
      %mul3A_2597 = arith.mulf %mul3A_2583, %sub3A_2596 : vector<1x8xf32>
      %slice3A_2598 = vector.extract_strided_slice %mul3A_2597 {offsets = [0, 2], sizes = [1, 1], strides = [1, 1]} : vector<1x8xf32> to vector<1x1xf32>
      %slice3A_2599 = vector.extract_strided_slice %convert_element_type3A_2569 {offsets = [2, 0], sizes = [1, 8], strides = [1, 1]} : vector<8x8xf32> to vector<1x8xf32>
      %mul3A_2600 = vector.broadcast %slice3A_2598 : vector<1x1xf32> to vector<1x8xf32>
      %mul3A_2601 = arith.mulf %slice3A_2599, %mul3A_2600 : vector<1x8xf32>
      %gt3A_2602 = arith.constant 2 : i32
      %gt3A_2603 = vector.broadcast %gt3A_2602 : i32 to vector<1x8xi32>
      %gt3A_2604 = arith.cmpi sgt, %iota3A, %gt3A_2603 : vector<1x8xi32>
      %convert_element_type3A_2605 = arith.extui %gt3A_2604 : vector<1x8xi1> to vector<1x8xi32>
      %convert_element_type3A_2606 = arith.sitofp %convert_element_type3A_2605 : vector<1x8xi32> to vector<1x8xf32>
      %mul3A_2607 = arith.mulf %mul3A_2601, %convert_element_type3A_2606 : vector<1x8xf32>
      %sub3A_2608 = arith.constant 1.000000e+00 : f32
      %sub3A_2609 = vector.broadcast %sub3A_2608 : f32 to vector<1x8xf32>
      %sub3A_2610 = arith.subf %sub3A_2609, %mul3A_2607 : vector<1x8xf32>
      %mul3A_2611 = arith.mulf %mul3A_2597, %sub3A_2610 : vector<1x8xf32>
      %slice3A_2612 = vector.extract_strided_slice %mul3A_2611 {offsets = [0, 3], sizes = [1, 1], strides = [1, 1]} : vector<1x8xf32> to vector<1x1xf32>
      %slice3A_2613 = vector.extract_strided_slice %convert_element_type3A_2569 {offsets = [3, 0], sizes = [1, 8], strides = [1, 1]} : vector<8x8xf32> to vector<1x8xf32>
      %mul3A_2614 = vector.broadcast %slice3A_2612 : vector<1x1xf32> to vector<1x8xf32>
      %mul3A_2615 = arith.mulf %slice3A_2613, %mul3A_2614 : vector<1x8xf32>
      %gt3A_2616 = arith.constant 3 : i32
      %gt3A_2617 = vector.broadcast %gt3A_2616 : i32 to vector<1x8xi32>
      %gt3A_2618 = arith.cmpi sgt, %iota3A, %gt3A_2617 : vector<1x8xi32>
      %convert_element_type3A_2619 = arith.extui %gt3A_2618 : vector<1x8xi1> to vector<1x8xi32>
      %convert_element_type3A_2620 = arith.sitofp %convert_element_type3A_2619 : vector<1x8xi32> to vector<1x8xf32>
      %mul3A_2621 = arith.mulf %mul3A_2615, %convert_element_type3A_2620 : vector<1x8xf32>
      %sub3A_2622 = arith.constant 1.000000e+00 : f32
      %sub3A_2623 = vector.broadcast %sub3A_2622 : f32 to vector<1x8xf32>
      %sub3A_2624 = arith.subf %sub3A_2623, %mul3A_2621 : vector<1x8xf32>
      %mul3A_2625 = arith.mulf %mul3A_2611, %sub3A_2624 : vector<1x8xf32>
      %slice3A_2626 = vector.extract_strided_slice %mul3A_2625 {offsets = [0, 4], sizes = [1, 1], strides = [1, 1]} : vector<1x8xf32> to vector<1x1xf32>
      %slice3A_2627 = vector.extract_strided_slice %convert_element_type3A_2569 {offsets = [4, 0], sizes = [1, 8], strides = [1, 1]} : vector<8x8xf32> to vector<1x8xf32>
      %mul3A_2628 = vector.broadcast %slice3A_2626 : vector<1x1xf32> to vector<1x8xf32>
      %mul3A_2629 = arith.mulf %slice3A_2627, %mul3A_2628 : vector<1x8xf32>
      %gt3A_2630 = arith.constant 4 : i32
      %gt3A_2631 = vector.broadcast %gt3A_2630 : i32 to vector<1x8xi32>
      %gt3A_2632 = arith.cmpi sgt, %iota3A, %gt3A_2631 : vector<1x8xi32>
      %convert_element_type3A_2633 = arith.extui %gt3A_2632 : vector<1x8xi1> to vector<1x8xi32>
      %convert_element_type3A_2634 = arith.sitofp %convert_element_type3A_2633 : vector<1x8xi32> to vector<1x8xf32>
      %mul3A_2635 = arith.mulf %mul3A_2629, %convert_element_type3A_2634 : vector<1x8xf32>
      %sub3A_2636 = arith.constant 1.000000e+00 : f32
      %sub3A_2637 = vector.broadcast %sub3A_2636 : f32 to vector<1x8xf32>
      %sub3A_2638 = arith.subf %sub3A_2637, %mul3A_2635 : vector<1x8xf32>
      %mul3A_2639 = arith.mulf %mul3A_2625, %sub3A_2638 : vector<1x8xf32>
      %slice3A_2640 = vector.extract_strided_slice %mul3A_2639 {offsets = [0, 5], sizes = [1, 1], strides = [1, 1]} : vector<1x8xf32> to vector<1x1xf32>
      %slice3A_2641 = vector.extract_strided_slice %convert_element_type3A_2569 {offsets = [5, 0], sizes = [1, 8], strides = [1, 1]} : vector<8x8xf32> to vector<1x8xf32>
      %mul3A_2642 = vector.broadcast %slice3A_2640 : vector<1x1xf32> to vector<1x8xf32>
      %mul3A_2643 = arith.mulf %slice3A_2641, %mul3A_2642 : vector<1x8xf32>
      %gt3A_2644 = arith.constant 5 : i32
      %gt3A_2645 = vector.broadcast %gt3A_2644 : i32 to vector<1x8xi32>
      %gt3A_2646 = arith.cmpi sgt, %iota3A, %gt3A_2645 : vector<1x8xi32>
      %convert_element_type3A_2647 = arith.extui %gt3A_2646 : vector<1x8xi1> to vector<1x8xi32>
      %convert_element_type3A_2648 = arith.sitofp %convert_element_type3A_2647 : vector<1x8xi32> to vector<1x8xf32>
      %mul3A_2649 = arith.mulf %mul3A_2643, %convert_element_type3A_2648 : vector<1x8xf32>
      %sub3A_2650 = arith.constant 1.000000e+00 : f32
      %sub3A_2651 = vector.broadcast %sub3A_2650 : f32 to vector<1x8xf32>
      %sub3A_2652 = arith.subf %sub3A_2651, %mul3A_2649 : vector<1x8xf32>
      %mul3A_2653 = arith.mulf %mul3A_2639, %sub3A_2652 : vector<1x8xf32>
      %slice3A_2654 = vector.extract_strided_slice %mul3A_2653 {offsets = [0, 6], sizes = [1, 1], strides = [1, 1]} : vector<1x8xf32> to vector<1x1xf32>
      %slice3A_2655 = vector.extract_strided_slice %convert_element_type3A_2569 {offsets = [6, 0], sizes = [1, 8], strides = [1, 1]} : vector<8x8xf32> to vector<1x8xf32>
      %mul3A_2656 = vector.broadcast %slice3A_2654 : vector<1x1xf32> to vector<1x8xf32>
      %mul3A_2657 = arith.mulf %slice3A_2655, %mul3A_2656 : vector<1x8xf32>
      %gt3A_2658 = arith.constant 6 : i32
      %gt3A_2659 = vector.broadcast %gt3A_2658 : i32 to vector<1x8xi32>
      %gt3A_2660 = arith.cmpi sgt, %iota3A, %gt3A_2659 : vector<1x8xi32>
      %convert_element_type3A_2661 = arith.extui %gt3A_2660 : vector<1x8xi1> to vector<1x8xi32>
      %convert_element_type3A_2662 = arith.sitofp %convert_element_type3A_2661 : vector<1x8xi32> to vector<1x8xf32>
      %mul3A_2663 = arith.mulf %mul3A_2657, %convert_element_type3A_2662 : vector<1x8xf32>
      %sub3A_2664 = arith.constant 1.000000e+00 : f32
      %sub3A_2665 = vector.broadcast %sub3A_2664 : f32 to vector<1x8xf32>
      %sub3A_2666 = arith.subf %sub3A_2665, %mul3A_2663 : vector<1x8xf32>
      %mul3A_2667 = arith.mulf %mul3A_2653, %sub3A_2666 : vector<1x8xf32>
      %slice3A_2668 = vector.extract_strided_slice %mul3A_2667 {offsets = [0, 7], sizes = [1, 1], strides = [1, 1]} : vector<1x8xf32> to vector<1x1xf32>
      %slice3A_2669 = vector.extract_strided_slice %convert_element_type3A_2569 {offsets = [7, 0], sizes = [1, 8], strides = [1, 1]} : vector<8x8xf32> to vector<1x8xf32>
      %mul3A_2670 = vector.broadcast %slice3A_2668 : vector<1x1xf32> to vector<1x8xf32>
      %mul3A_2671 = arith.mulf %slice3A_2669, %mul3A_2670 : vector<1x8xf32>
      %gt3A_2672 = arith.constant 7 : i32
      %gt3A_2673 = vector.broadcast %gt3A_2672 : i32 to vector<1x8xi32>
      %gt3A_2674 = arith.cmpi sgt, %iota3A, %gt3A_2673 : vector<1x8xi32>
      %convert_element_type3A_2675 = arith.extui %gt3A_2674 : vector<1x8xi1> to vector<1x8xi32>
      %convert_element_type3A_2676 = arith.sitofp %convert_element_type3A_2675 : vector<1x8xi32> to vector<1x8xf32>
      %mul3A_2677 = arith.mulf %mul3A_2671, %convert_element_type3A_2676 : vector<1x8xf32>
      %sub3A_2678 = arith.constant 1.000000e+00 : f32
      %sub3A_2679 = vector.broadcast %sub3A_2678 : f32 to vector<1x8xf32>
      %sub3A_2680 = arith.subf %sub3A_2679, %mul3A_2677 : vector<1x8xf32>
      %mul3A_2681 = arith.mulf %mul3A_2667, %sub3A_2680 : vector<1x8xf32>
      %broadcast_in_dim3A_2682 = vector.shape_cast %mul3A_2681 : vector<1x8xf32> to vector<1x8xf32>
      %broadcast_in_dim3A_2683 = vector.broadcast %broadcast_in_dim3A_2682 : vector<1x8xf32> to vector<8x8xf32>
      %mul3A_2684 = arith.mulf %broadcast_in_dim3A_2683, %convert_element_type3A_58 : vector<8x8xf32>
      %reduce_sum3A_2685 = arith.constant dense<0.000000e+00> : vector<8xf32>
      %reduce_sum3A_2686 = vector.multi_reduction <add>, %mul3A_2684, %reduce_sum3A_2685 [1] : vector<8x8xf32> to vector<8xf32>
      %broadcast_in_dim3A_2687 = vector.shape_cast %reduce_sum3A_2686 : vector<8xf32> to vector<8x1xf32>
      %sub3A_2688 = arith.constant 1.000000e+00 : f32
      %sub3A_2689 = vector.broadcast %sub3A_2688 : f32 to vector<8x1xf32>
      %sub3A_2690 = arith.subf %sub3A_2689, %broadcast_in_dim3A_2687 : vector<8x1xf32>
      %mul3A_2691 = arith.constant 1.000000e+09 : f32
      %mul3A_2692 = vector.broadcast %mul3A_2691 : f32 to vector<8x1xf32>
      %mul3A_2693 = arith.mulf %sub3A_2690, %mul3A_2692 : vector<8x1xf32>
      %add3A_2694 = arith.addf %slice3A_2526, %mul3A_2693 : vector<8x1xf32>
      %min3A_2695 = vector.broadcast %slice3A_2528 : vector<8x1xf32> to vector<8x5120xf32>
      %min3A_2696 = vector.broadcast %get3A_46 : vector<1x5120xf32> to vector<8x5120xf32>
      %min3A_2697 = arith.minimumf %min3A_2695, %min3A_2696 : vector<8x5120xf32>
      %max3A_2698 = vector.broadcast %add3A_2694 : vector<8x1xf32> to vector<8x5120xf32>
      %max3A_2699 = vector.broadcast %get3A_40 : vector<1x5120xf32> to vector<8x5120xf32>
      %max3A_2700 = arith.maximumf %max3A_2698, %max3A_2699 : vector<8x5120xf32>
      %sub3A_2701 = arith.subf %min3A_2697, %max3A_2700 : vector<8x5120xf32>
      %max3A_2702 = arith.constant 0.000000e+00 : f32
      %max3A_2703 = vector.broadcast %max3A_2702 : f32 to vector<8x5120xf32>
      %max3A_2704 = arith.maximumf %sub3A_2701, %max3A_2703 : vector<8x5120xf32>
      %min3A_2705 = vector.broadcast %slice3A_2529 : vector<8x1xf32> to vector<8x5120xf32>
      %min3A_2706 = vector.broadcast %get3A_49 : vector<1x5120xf32> to vector<8x5120xf32>
      %min3A_2707 = arith.minimumf %min3A_2705, %min3A_2706 : vector<8x5120xf32>
      %max3A_2708 = vector.broadcast %slice3A_2527 : vector<8x1xf32> to vector<8x5120xf32>
      %max3A_2709 = vector.broadcast %get3A_43 : vector<1x5120xf32> to vector<8x5120xf32>
      %max3A_2710 = arith.maximumf %max3A_2708, %max3A_2709 : vector<8x5120xf32>
      %sub3A_2711 = arith.subf %min3A_2707, %max3A_2710 : vector<8x5120xf32>
      %max3A_2712 = arith.constant 0.000000e+00 : f32
      %max3A_2713 = vector.broadcast %max3A_2712 : f32 to vector<8x5120xf32>
      %max3A_2714 = arith.maximumf %sub3A_2711, %max3A_2713 : vector<8x5120xf32>
      %mul3A_2715 = arith.mulf %max3A_2704, %max3A_2714 : vector<8x5120xf32>
      %add3A_2716 = vector.broadcast %slice3A_2530 : vector<8x1xf32> to vector<8x5120xf32>
      %add3A_2717 = vector.broadcast %get3A_52 : vector<1x5120xf32> to vector<8x5120xf32>
      %add3A_2718 = arith.addf %add3A_2716, %add3A_2717 : vector<8x5120xf32>
      %sub3A_2719 = arith.subf %add3A_2718, %mul3A_2715 : vector<8x5120xf32>
      %add3A_2720 = arith.constant 1.000000e-07 : f32
      %add3A_2721 = vector.broadcast %add3A_2720 : f32 to vector<8x5120xf32>
      %add3A_2722 = arith.addf %sub3A_2719, %add3A_2721 : vector<8x5120xf32>
      %div3A_2723 = arith.divf %mul3A_2715, %add3A_2722 : vector<8x5120xf32>
      %reduce_max3A_2724 = arith.constant dense<0xFF800000> : vector<5120xf32>
      %reduce_max3A_2725 = vector.multi_reduction <maximumf>, %div3A_2723, %reduce_max3A_2724 [0] : vector<8x5120xf32> to vector<5120xf32>
      %broadcast_in_dim3A_2726 = vector.shape_cast %reduce_max3A_2725 : vector<5120xf32> to vector<1x5120xf32>
      %gt3A_2727 = arith.constant 4.500000e-01 : f32
      %gt3A_2728 = vector.broadcast %gt3A_2727 : f32 to vector<1x5120xf32>
      %gt3A_2729 = arith.cmpf ogt, %broadcast_in_dim3A_2726, %gt3A_2728 : vector<1x5120xf32>
      %add3A_2730 = arith.constant 80 : i32
      %add3A_2731 = arith.addi %mul3A_2, %add3A_2730 : i32
      %add3A_2732 = arith.constant 8 : i32
      %add3A_2733 = arith.addi %add3A_2731, %add3A_2732 : i32
      %ge3A_2734 = vector.broadcast %add3A_2733 : i32 to vector<1x5120xi32>
      %ge3A_2735 = arith.cmpi sge, %iota3A_53, %ge3A_2734 : vector<1x5120xi32>
      %get3A_2736 = arith.constant 0 : index
      %get3A_2737 = arith.constant 0 : index
      %get3A_2738 = vector.load %arg4[%get3A_2736, %get3A_2737] : memref<1x5120xf32, #tpu.memory_space<vmem>>, vector<1x5120xf32>
      %and3A_2739 = arith.andi %gt3A_2729, %ge3A_2735 : vector<1x5120xi1>
      %convert_element_type3A_2740 = arith.extui %and3A_2739 : vector<1x5120xi1> to vector<1x5120xi32>
      %convert_element_type3A_2741 = arith.sitofp %convert_element_type3A_2740 : vector<1x5120xi32> to vector<1x5120xf32>
      %sub3A_2742 = arith.constant 1.000000e+00 : f32
      %sub3A_2743 = vector.broadcast %sub3A_2742 : f32 to vector<1x5120xf32>
      %sub3A_2744 = arith.subf %sub3A_2743, %convert_element_type3A_2741 : vector<1x5120xf32>
      %mul3A_2745 = arith.mulf %get3A_2738, %sub3A_2744 : vector<1x5120xf32>
      %swap3A_2746 = arith.constant 0 : index
      %swap3A_2747 = arith.constant 0 : index
      %swap3A_2748 = vector.load %arg4[%swap3A_2746, %swap3A_2747] : memref<1x5120xf32, #tpu.memory_space<vmem>>, vector<1x5120xf32>
      tpu.vector_store %arg4[%swap3A_2746, %swap3A_2747], %mul3A_2745 {strides = array<i32>} : memref<1x5120xf32, #tpu.memory_space<vmem>>, vector<1x5120xf32>,
      %get3A_2749 = arith.constant 0 : index
      %get3A_2750 = arith.index_cast %mul3A_2 : i32 to index
      %get3A_2751 = vector.load %arg4[%get3A_2749, %get3A_2750] : memref<1x5120xf32, #tpu.memory_space<vmem>>, vector<1x128xf32>
      %iota3A_2752 = tpu.iota {dimensions = array<i32: 1>} : vector<1x128xi32>
      %ge3A_2753 = arith.constant 80 : i32
      %ge3A_2754 = vector.broadcast %ge3A_2753 : i32 to vector<1x128xi32>
      %ge3A_2755 = arith.cmpi sge, %iota3A_2752, %ge3A_2754 : vector<1x128xi32>
      %lt3A_2756 = arith.constant 88 : i32
      %lt3A_2757 = vector.broadcast %lt3A_2756 : i32 to vector<1x128xi32>
      %lt3A_2758 = arith.cmpi slt, %iota3A_2752, %lt3A_2757 : vector<1x128xi32>
      %and3A_2759 = arith.andi %ge3A_2755, %lt3A_2758 : vector<1x128xi1>
      %jit3A_2760 = arith.constant 0 : i32
      %convert_element_type3A_2761 = arith.sitofp %jit3A_2760 : i32 to f32
      %pad3A_2762 = vector.broadcast %convert_element_type3A_2761 : f32 to vector<1x80xf32>
      %pad3A_2763 = tpu.concatenate %pad3A_2762, %mul3A_2681 in 1 : vector<1x80xf32>, vector<1x8xf32> -> vector<1x88xf32>
      %pad3A_2764 = vector.broadcast %convert_element_type3A_2761 : f32 to vector<1x40xf32>
      %pad3A_2765 = tpu.concatenate %pad3A_2763, %pad3A_2764 in 1 : vector<1x88xf32>, vector<1x40xf32> -> vector<1x128xf32>
      %select_n3A_2766 = arith.select %and3A_2759, %pad3A_2765, %get3A_2751 : vector<1x128xi1>, vector<1x128xf32>
      %swap3A_2767 = arith.constant 0 : index
      %swap3A_2768 = arith.index_cast %mul3A_2 : i32 to index
      %swap3A_2769 = vector.load %arg4[%swap3A_2767, %swap3A_2768] : memref<1x5120xf32, #tpu.memory_space<vmem>>, vector<1x128xf32>
      tpu.vector_store %arg4[%swap3A_2767, %swap3A_2768], %select_n3A_2766 {strides = array<i32>} : memref<1x5120xf32, #tpu.memory_space<vmem>>, vector<1x128xf32>,
      %get3A_2770 = arith.constant 0 : index
      %get3A_2771 = arith.index_cast %mul3A_2 : i32 to index
      %get3A_2772 = vector.load %arg4[%get3A_2770, %get3A_2771] : memref<1x5120xf32, #tpu.memory_space<vmem>>, vector<1x128xf32>
      %slice3A_2773 = vector.extract_strided_slice %get3A_2772 {offsets = [0, 88], sizes = [1, 8], strides = [1, 1]} : vector<1x128xf32> to vector<1x8xf32>
      %slice3A_2774 = vector.extract_strided_slice %get3A_22 {offsets = [0, 55], sizes = [8, 1], strides = [1, 1]} : vector<8x128xf32> to vector<8x1xf32>
      %slice3A_2775 = vector.extract_strided_slice %get3A_22 {offsets = [0, 56], sizes = [8, 1], strides = [1, 1]} : vector<8x128xf32> to vector<8x1xf32>
      %slice3A_2776 = vector.extract_strided_slice %get3A_22 {offsets = [0, 57], sizes = [8, 1], strides = [1, 1]} : vector<8x128xf32> to vector<8x1xf32>
      %slice3A_2777 = vector.extract_strided_slice %get3A_22 {offsets = [0, 58], sizes = [8, 1], strides = [1, 1]} : vector<8x128xf32> to vector<8x1xf32>
      %slice3A_2778 = vector.extract_strided_slice %get3A_22 {offsets = [0, 59], sizes = [8, 1], strides = [1, 1]} : vector<8x128xf32> to vector<8x1xf32>
      %slice3A_2779 = vector.extract_strided_slice %get3A_25 {offsets = [0, 88], sizes = [1, 8], strides = [1, 1]} : vector<1x128xf32> to vector<1x8xf32>
      %slice3A_2780 = vector.extract_strided_slice %get3A_28 {offsets = [0, 88], sizes = [1, 8], strides = [1, 1]} : vector<1x128xf32> to vector<1x8xf32>
      %slice3A_2781 = vector.extract_strided_slice %get3A_31 {offsets = [0, 88], sizes = [1, 8], strides = [1, 1]} : vector<1x128xf32> to vector<1x8xf32>
      %slice3A_2782 = vector.extract_strided_slice %get3A_34 {offsets = [0, 88], sizes = [1, 8], strides = [1, 1]} : vector<1x128xf32> to vector<1x8xf32>
      %slice3A_2783 = vector.extract_strided_slice %get3A_37 {offsets = [0, 88], sizes = [1, 8], strides = [1, 1]} : vector<1x128xf32> to vector<1x8xf32>
      %min3A_2784 = vector.broadcast %slice3A_2776 : vector<8x1xf32> to vector<8x8xf32>
      %min3A_2785 = vector.broadcast %slice3A_2781 : vector<1x8xf32> to vector<8x8xf32>
      %min3A_2786 = arith.minimumf %min3A_2784, %min3A_2785 : vector<8x8xf32>
      %max3A_2787 = vector.broadcast %slice3A_2774 : vector<8x1xf32> to vector<8x8xf32>
      %max3A_2788 = vector.broadcast %slice3A_2779 : vector<1x8xf32> to vector<8x8xf32>
      %max3A_2789 = arith.maximumf %max3A_2787, %max3A_2788 : vector<8x8xf32>
      %sub3A_2790 = arith.subf %min3A_2786, %max3A_2789 : vector<8x8xf32>
      %max3A_2791 = arith.constant 0.000000e+00 : f32
      %max3A_2792 = vector.broadcast %max3A_2791 : f32 to vector<8x8xf32>
      %max3A_2793 = arith.maximumf %sub3A_2790, %max3A_2792 : vector<8x8xf32>
      %min3A_2794 = vector.broadcast %slice3A_2777 : vector<8x1xf32> to vector<8x8xf32>
      %min3A_2795 = vector.broadcast %slice3A_2782 : vector<1x8xf32> to vector<8x8xf32>
      %min3A_2796 = arith.minimumf %min3A_2794, %min3A_2795 : vector<8x8xf32>
      %max3A_2797 = vector.broadcast %slice3A_2775 : vector<8x1xf32> to vector<8x8xf32>
      %max3A_2798 = vector.broadcast %slice3A_2780 : vector<1x8xf32> to vector<8x8xf32>
      %max3A_2799 = arith.maximumf %max3A_2797, %max3A_2798 : vector<8x8xf32>
      %sub3A_2800 = arith.subf %min3A_2796, %max3A_2799 : vector<8x8xf32>
      %max3A_2801 = arith.constant 0.000000e+00 : f32
      %max3A_2802 = vector.broadcast %max3A_2801 : f32 to vector<8x8xf32>
      %max3A_2803 = arith.maximumf %sub3A_2800, %max3A_2802 : vector<8x8xf32>
      %mul3A_2804 = arith.mulf %max3A_2793, %max3A_2803 : vector<8x8xf32>
      %add3A_2805 = vector.broadcast %slice3A_2778 : vector<8x1xf32> to vector<8x8xf32>
      %add3A_2806 = vector.broadcast %slice3A_2783 : vector<1x8xf32> to vector<8x8xf32>
      %add3A_2807 = arith.addf %add3A_2805, %add3A_2806 : vector<8x8xf32>
      %sub3A_2808 = arith.subf %add3A_2807, %mul3A_2804 : vector<8x8xf32>
      %add3A_2809 = arith.constant 1.000000e-07 : f32
      %add3A_2810 = vector.broadcast %add3A_2809 : f32 to vector<8x8xf32>
      %add3A_2811 = arith.addf %sub3A_2808, %add3A_2810 : vector<8x8xf32>
      %div3A_2812 = arith.divf %mul3A_2804, %add3A_2811 : vector<8x8xf32>
      %gt3A_2813 = arith.constant 4.500000e-01 : f32
      %gt3A_2814 = vector.broadcast %gt3A_2813 : f32 to vector<8x8xf32>
      %gt3A_2815 = arith.cmpf ogt, %div3A_2812, %gt3A_2814 : vector<8x8xf32>
      %convert_element_type3A_2816 = arith.extui %gt3A_2815 : vector<8x8xi1> to vector<8x8xi32>
      %convert_element_type3A_2817 = arith.sitofp %convert_element_type3A_2816 : vector<8x8xi32> to vector<8x8xf32>
      %slice3A_2818 = vector.extract_strided_slice %slice3A_2773 {offsets = [0, 0], sizes = [1, 1], strides = [1, 1]} : vector<1x8xf32> to vector<1x1xf32>
      %slice3A_2819 = vector.extract_strided_slice %convert_element_type3A_2817 {offsets = [0, 0], sizes = [1, 8], strides = [1, 1]} : vector<8x8xf32> to vector<1x8xf32>
      %mul3A_2820 = vector.broadcast %slice3A_2818 : vector<1x1xf32> to vector<1x8xf32>
      %mul3A_2821 = arith.mulf %slice3A_2819, %mul3A_2820 : vector<1x8xf32>
      %gt3A_2822 = arith.constant 0 : i32
      %gt3A_2823 = vector.broadcast %gt3A_2822 : i32 to vector<1x8xi32>
      %gt3A_2824 = arith.cmpi sgt, %iota3A, %gt3A_2823 : vector<1x8xi32>
      %convert_element_type3A_2825 = arith.extui %gt3A_2824 : vector<1x8xi1> to vector<1x8xi32>
      %convert_element_type3A_2826 = arith.sitofp %convert_element_type3A_2825 : vector<1x8xi32> to vector<1x8xf32>
      %mul3A_2827 = arith.mulf %mul3A_2821, %convert_element_type3A_2826 : vector<1x8xf32>
      %sub3A_2828 = arith.constant 1.000000e+00 : f32
      %sub3A_2829 = vector.broadcast %sub3A_2828 : f32 to vector<1x8xf32>
      %sub3A_2830 = arith.subf %sub3A_2829, %mul3A_2827 : vector<1x8xf32>
      %mul3A_2831 = arith.mulf %slice3A_2773, %sub3A_2830 : vector<1x8xf32>
      %slice3A_2832 = vector.extract_strided_slice %mul3A_2831 {offsets = [0, 1], sizes = [1, 1], strides = [1, 1]} : vector<1x8xf32> to vector<1x1xf32>
      %slice3A_2833 = vector.extract_strided_slice %convert_element_type3A_2817 {offsets = [1, 0], sizes = [1, 8], strides = [1, 1]} : vector<8x8xf32> to vector<1x8xf32>
      %mul3A_2834 = vector.broadcast %slice3A_2832 : vector<1x1xf32> to vector<1x8xf32>
      %mul3A_2835 = arith.mulf %slice3A_2833, %mul3A_2834 : vector<1x8xf32>
      %gt3A_2836 = arith.constant 1 : i32
      %gt3A_2837 = vector.broadcast %gt3A_2836 : i32 to vector<1x8xi32>
      %gt3A_2838 = arith.cmpi sgt, %iota3A, %gt3A_2837 : vector<1x8xi32>
      %convert_element_type3A_2839 = arith.extui %gt3A_2838 : vector<1x8xi1> to vector<1x8xi32>
      %convert_element_type3A_2840 = arith.sitofp %convert_element_type3A_2839 : vector<1x8xi32> to vector<1x8xf32>
      %mul3A_2841 = arith.mulf %mul3A_2835, %convert_element_type3A_2840 : vector<1x8xf32>
      %sub3A_2842 = arith.constant 1.000000e+00 : f32
      %sub3A_2843 = vector.broadcast %sub3A_2842 : f32 to vector<1x8xf32>
      %sub3A_2844 = arith.subf %sub3A_2843, %mul3A_2841 : vector<1x8xf32>
      %mul3A_2845 = arith.mulf %mul3A_2831, %sub3A_2844 : vector<1x8xf32>
      %slice3A_2846 = vector.extract_strided_slice %mul3A_2845 {offsets = [0, 2], sizes = [1, 1], strides = [1, 1]} : vector<1x8xf32> to vector<1x1xf32>
      %slice3A_2847 = vector.extract_strided_slice %convert_element_type3A_2817 {offsets = [2, 0], sizes = [1, 8], strides = [1, 1]} : vector<8x8xf32> to vector<1x8xf32>
      %mul3A_2848 = vector.broadcast %slice3A_2846 : vector<1x1xf32> to vector<1x8xf32>
      %mul3A_2849 = arith.mulf %slice3A_2847, %mul3A_2848 : vector<1x8xf32>
      %gt3A_2850 = arith.constant 2 : i32
      %gt3A_2851 = vector.broadcast %gt3A_2850 : i32 to vector<1x8xi32>
      %gt3A_2852 = arith.cmpi sgt, %iota3A, %gt3A_2851 : vector<1x8xi32>
      %convert_element_type3A_2853 = arith.extui %gt3A_2852 : vector<1x8xi1> to vector<1x8xi32>
      %convert_element_type3A_2854 = arith.sitofp %convert_element_type3A_2853 : vector<1x8xi32> to vector<1x8xf32>
      %mul3A_2855 = arith.mulf %mul3A_2849, %convert_element_type3A_2854 : vector<1x8xf32>
      %sub3A_2856 = arith.constant 1.000000e+00 : f32
      %sub3A_2857 = vector.broadcast %sub3A_2856 : f32 to vector<1x8xf32>
      %sub3A_2858 = arith.subf %sub3A_2857, %mul3A_2855 : vector<1x8xf32>
      %mul3A_2859 = arith.mulf %mul3A_2845, %sub3A_2858 : vector<1x8xf32>
      %slice3A_2860 = vector.extract_strided_slice %mul3A_2859 {offsets = [0, 3], sizes = [1, 1], strides = [1, 1]} : vector<1x8xf32> to vector<1x1xf32>
      %slice3A_2861 = vector.extract_strided_slice %convert_element_type3A_2817 {offsets = [3, 0], sizes = [1, 8], strides = [1, 1]} : vector<8x8xf32> to vector<1x8xf32>
      %mul3A_2862 = vector.broadcast %slice3A_2860 : vector<1x1xf32> to vector<1x8xf32>
      %mul3A_2863 = arith.mulf %slice3A_2861, %mul3A_2862 : vector<1x8xf32>
      %gt3A_2864 = arith.constant 3 : i32
      %gt3A_2865 = vector.broadcast %gt3A_2864 : i32 to vector<1x8xi32>
      %gt3A_2866 = arith.cmpi sgt, %iota3A, %gt3A_2865 : vector<1x8xi32>
      %convert_element_type3A_2867 = arith.extui %gt3A_2866 : vector<1x8xi1> to vector<1x8xi32>
      %convert_element_type3A_2868 = arith.sitofp %convert_element_type3A_2867 : vector<1x8xi32> to vector<1x8xf32>
      %mul3A_2869 = arith.mulf %mul3A_2863, %convert_element_type3A_2868 : vector<1x8xf32>
      %sub3A_2870 = arith.constant 1.000000e+00 : f32
      %sub3A_2871 = vector.broadcast %sub3A_2870 : f32 to vector<1x8xf32>
      %sub3A_2872 = arith.subf %sub3A_2871, %mul3A_2869 : vector<1x8xf32>
      %mul3A_2873 = arith.mulf %mul3A_2859, %sub3A_2872 : vector<1x8xf32>
      %slice3A_2874 = vector.extract_strided_slice %mul3A_2873 {offsets = [0, 4], sizes = [1, 1], strides = [1, 1]} : vector<1x8xf32> to vector<1x1xf32>
      %slice3A_2875 = vector.extract_strided_slice %convert_element_type3A_2817 {offsets = [4, 0], sizes = [1, 8], strides = [1, 1]} : vector<8x8xf32> to vector<1x8xf32>
      %mul3A_2876 = vector.broadcast %slice3A_2874 : vector<1x1xf32> to vector<1x8xf32>
      %mul3A_2877 = arith.mulf %slice3A_2875, %mul3A_2876 : vector<1x8xf32>
      %gt3A_2878 = arith.constant 4 : i32
      %gt3A_2879 = vector.broadcast %gt3A_2878 : i32 to vector<1x8xi32>
      %gt3A_2880 = arith.cmpi sgt, %iota3A, %gt3A_2879 : vector<1x8xi32>
      %convert_element_type3A_2881 = arith.extui %gt3A_2880 : vector<1x8xi1> to vector<1x8xi32>
      %convert_element_type3A_2882 = arith.sitofp %convert_element_type3A_2881 : vector<1x8xi32> to vector<1x8xf32>
      %mul3A_2883 = arith.mulf %mul3A_2877, %convert_element_type3A_2882 : vector<1x8xf32>
      %sub3A_2884 = arith.constant 1.000000e+00 : f32
      %sub3A_2885 = vector.broadcast %sub3A_2884 : f32 to vector<1x8xf32>
      %sub3A_2886 = arith.subf %sub3A_2885, %mul3A_2883 : vector<1x8xf32>
      %mul3A_2887 = arith.mulf %mul3A_2873, %sub3A_2886 : vector<1x8xf32>
      %slice3A_2888 = vector.extract_strided_slice %mul3A_2887 {offsets = [0, 5], sizes = [1, 1], strides = [1, 1]} : vector<1x8xf32> to vector<1x1xf32>
      %slice3A_2889 = vector.extract_strided_slice %convert_element_type3A_2817 {offsets = [5, 0], sizes = [1, 8], strides = [1, 1]} : vector<8x8xf32> to vector<1x8xf32>
      %mul3A_2890 = vector.broadcast %slice3A_2888 : vector<1x1xf32> to vector<1x8xf32>
      %mul3A_2891 = arith.mulf %slice3A_2889, %mul3A_2890 : vector<1x8xf32>
      %gt3A_2892 = arith.constant 5 : i32
      %gt3A_2893 = vector.broadcast %gt3A_2892 : i32 to vector<1x8xi32>
      %gt3A_2894 = arith.cmpi sgt, %iota3A, %gt3A_2893 : vector<1x8xi32>
      %convert_element_type3A_2895 = arith.extui %gt3A_2894 : vector<1x8xi1> to vector<1x8xi32>
      %convert_element_type3A_2896 = arith.sitofp %convert_element_type3A_2895 : vector<1x8xi32> to vector<1x8xf32>
      %mul3A_2897 = arith.mulf %mul3A_2891, %convert_element_type3A_2896 : vector<1x8xf32>
      %sub3A_2898 = arith.constant 1.000000e+00 : f32
      %sub3A_2899 = vector.broadcast %sub3A_2898 : f32 to vector<1x8xf32>
      %sub3A_2900 = arith.subf %sub3A_2899, %mul3A_2897 : vector<1x8xf32>
      %mul3A_2901 = arith.mulf %mul3A_2887, %sub3A_2900 : vector<1x8xf32>
      %slice3A_2902 = vector.extract_strided_slice %mul3A_2901 {offsets = [0, 6], sizes = [1, 1], strides = [1, 1]} : vector<1x8xf32> to vector<1x1xf32>
      %slice3A_2903 = vector.extract_strided_slice %convert_element_type3A_2817 {offsets = [6, 0], sizes = [1, 8], strides = [1, 1]} : vector<8x8xf32> to vector<1x8xf32>
      %mul3A_2904 = vector.broadcast %slice3A_2902 : vector<1x1xf32> to vector<1x8xf32>
      %mul3A_2905 = arith.mulf %slice3A_2903, %mul3A_2904 : vector<1x8xf32>
      %gt3A_2906 = arith.constant 6 : i32
      %gt3A_2907 = vector.broadcast %gt3A_2906 : i32 to vector<1x8xi32>
      %gt3A_2908 = arith.cmpi sgt, %iota3A, %gt3A_2907 : vector<1x8xi32>
      %convert_element_type3A_2909 = arith.extui %gt3A_2908 : vector<1x8xi1> to vector<1x8xi32>
      %convert_element_type3A_2910 = arith.sitofp %convert_element_type3A_2909 : vector<1x8xi32> to vector<1x8xf32>
      %mul3A_2911 = arith.mulf %mul3A_2905, %convert_element_type3A_2910 : vector<1x8xf32>
      %sub3A_2912 = arith.constant 1.000000e+00 : f32
      %sub3A_2913 = vector.broadcast %sub3A_2912 : f32 to vector<1x8xf32>
      %sub3A_2914 = arith.subf %sub3A_2913, %mul3A_2911 : vector<1x8xf32>
      %mul3A_2915 = arith.mulf %mul3A_2901, %sub3A_2914 : vector<1x8xf32>
      %slice3A_2916 = vector.extract_strided_slice %mul3A_2915 {offsets = [0, 7], sizes = [1, 1], strides = [1, 1]} : vector<1x8xf32> to vector<1x1xf32>
      %slice3A_2917 = vector.extract_strided_slice %convert_element_type3A_2817 {offsets = [7, 0], sizes = [1, 8], strides = [1, 1]} : vector<8x8xf32> to vector<1x8xf32>
      %mul3A_2918 = vector.broadcast %slice3A_2916 : vector<1x1xf32> to vector<1x8xf32>
      %mul3A_2919 = arith.mulf %slice3A_2917, %mul3A_2918 : vector<1x8xf32>
      %gt3A_2920 = arith.constant 7 : i32
      %gt3A_2921 = vector.broadcast %gt3A_2920 : i32 to vector<1x8xi32>
      %gt3A_2922 = arith.cmpi sgt, %iota3A, %gt3A_2921 : vector<1x8xi32>
      %convert_element_type3A_2923 = arith.extui %gt3A_2922 : vector<1x8xi1> to vector<1x8xi32>
      %convert_element_type3A_2924 = arith.sitofp %convert_element_type3A_2923 : vector<1x8xi32> to vector<1x8xf32>
      %mul3A_2925 = arith.mulf %mul3A_2919, %convert_element_type3A_2924 : vector<1x8xf32>
      %sub3A_2926 = arith.constant 1.000000e+00 : f32
      %sub3A_2927 = vector.broadcast %sub3A_2926 : f32 to vector<1x8xf32>
      %sub3A_2928 = arith.subf %sub3A_2927, %mul3A_2925 : vector<1x8xf32>
      %mul3A_2929 = arith.mulf %mul3A_2915, %sub3A_2928 : vector<1x8xf32>
      %broadcast_in_dim3A_2930 = vector.shape_cast %mul3A_2929 : vector<1x8xf32> to vector<1x8xf32>
      %broadcast_in_dim3A_2931 = vector.broadcast %broadcast_in_dim3A_2930 : vector<1x8xf32> to vector<8x8xf32>
      %mul3A_2932 = arith.mulf %broadcast_in_dim3A_2931, %convert_element_type3A_58 : vector<8x8xf32>
      %reduce_sum3A_2933 = arith.constant dense<0.000000e+00> : vector<8xf32>
      %reduce_sum3A_2934 = vector.multi_reduction <add>, %mul3A_2932, %reduce_sum3A_2933 [1] : vector<8x8xf32> to vector<8xf32>
      %broadcast_in_dim3A_2935 = vector.shape_cast %reduce_sum3A_2934 : vector<8xf32> to vector<8x1xf32>
      %sub3A_2936 = arith.constant 1.000000e+00 : f32
      %sub3A_2937 = vector.broadcast %sub3A_2936 : f32 to vector<8x1xf32>
      %sub3A_2938 = arith.subf %sub3A_2937, %broadcast_in_dim3A_2935 : vector<8x1xf32>
      %mul3A_2939 = arith.constant 1.000000e+09 : f32
      %mul3A_2940 = vector.broadcast %mul3A_2939 : f32 to vector<8x1xf32>
      %mul3A_2941 = arith.mulf %sub3A_2938, %mul3A_2940 : vector<8x1xf32>
      %add3A_2942 = arith.addf %slice3A_2774, %mul3A_2941 : vector<8x1xf32>
      %min3A_2943 = vector.broadcast %slice3A_2776 : vector<8x1xf32> to vector<8x5120xf32>
      %min3A_2944 = vector.broadcast %get3A_46 : vector<1x5120xf32> to vector<8x5120xf32>
      %min3A_2945 = arith.minimumf %min3A_2943, %min3A_2944 : vector<8x5120xf32>
      %max3A_2946 = vector.broadcast %add3A_2942 : vector<8x1xf32> to vector<8x5120xf32>
      %max3A_2947 = vector.broadcast %get3A_40 : vector<1x5120xf32> to vector<8x5120xf32>
      %max3A_2948 = arith.maximumf %max3A_2946, %max3A_2947 : vector<8x5120xf32>
      %sub3A_2949 = arith.subf %min3A_2945, %max3A_2948 : vector<8x5120xf32>
      %max3A_2950 = arith.constant 0.000000e+00 : f32
      %max3A_2951 = vector.broadcast %max3A_2950 : f32 to vector<8x5120xf32>
      %max3A_2952 = arith.maximumf %sub3A_2949, %max3A_2951 : vector<8x5120xf32>
      %min3A_2953 = vector.broadcast %slice3A_2777 : vector<8x1xf32> to vector<8x5120xf32>
      %min3A_2954 = vector.broadcast %get3A_49 : vector<1x5120xf32> to vector<8x5120xf32>
      %min3A_2955 = arith.minimumf %min3A_2953, %min3A_2954 : vector<8x5120xf32>
      %max3A_2956 = vector.broadcast %slice3A_2775 : vector<8x1xf32> to vector<8x5120xf32>
      %max3A_2957 = vector.broadcast %get3A_43 : vector<1x5120xf32> to vector<8x5120xf32>
      %max3A_2958 = arith.maximumf %max3A_2956, %max3A_2957 : vector<8x5120xf32>
      %sub3A_2959 = arith.subf %min3A_2955, %max3A_2958 : vector<8x5120xf32>
      %max3A_2960 = arith.constant 0.000000e+00 : f32
      %max3A_2961 = vector.broadcast %max3A_2960 : f32 to vector<8x5120xf32>
      %max3A_2962 = arith.maximumf %sub3A_2959, %max3A_2961 : vector<8x5120xf32>
      %mul3A_2963 = arith.mulf %max3A_2952, %max3A_2962 : vector<8x5120xf32>
      %add3A_2964 = vector.broadcast %slice3A_2778 : vector<8x1xf32> to vector<8x5120xf32>
      %add3A_2965 = vector.broadcast %get3A_52 : vector<1x5120xf32> to vector<8x5120xf32>
      %add3A_2966 = arith.addf %add3A_2964, %add3A_2965 : vector<8x5120xf32>
      %sub3A_2967 = arith.subf %add3A_2966, %mul3A_2963 : vector<8x5120xf32>
      %add3A_2968 = arith.constant 1.000000e-07 : f32
      %add3A_2969 = vector.broadcast %add3A_2968 : f32 to vector<8x5120xf32>
      %add3A_2970 = arith.addf %sub3A_2967, %add3A_2969 : vector<8x5120xf32>
      %div3A_2971 = arith.divf %mul3A_2963, %add3A_2970 : vector<8x5120xf32>
      %reduce_max3A_2972 = arith.constant dense<0xFF800000> : vector<5120xf32>
      %reduce_max3A_2973 = vector.multi_reduction <maximumf>, %div3A_2971, %reduce_max3A_2972 [0] : vector<8x5120xf32> to vector<5120xf32>
      %broadcast_in_dim3A_2974 = vector.shape_cast %reduce_max3A_2973 : vector<5120xf32> to vector<1x5120xf32>
      %gt3A_2975 = arith.constant 4.500000e-01 : f32
      %gt3A_2976 = vector.broadcast %gt3A_2975 : f32 to vector<1x5120xf32>
      %gt3A_2977 = arith.cmpf ogt, %broadcast_in_dim3A_2974, %gt3A_2976 : vector<1x5120xf32>
      %add3A_2978 = arith.constant 88 : i32
      %add3A_2979 = arith.addi %mul3A_2, %add3A_2978 : i32
      %add3A_2980 = arith.constant 8 : i32
      %add3A_2981 = arith.addi %add3A_2979, %add3A_2980 : i32
      %ge3A_2982 = vector.broadcast %add3A_2981 : i32 to vector<1x5120xi32>
      %ge3A_2983 = arith.cmpi sge, %iota3A_53, %ge3A_2982 : vector<1x5120xi32>
      %get3A_2984 = arith.constant 0 : index
      %get3A_2985 = arith.constant 0 : index
      %get3A_2986 = vector.load %arg4[%get3A_2984, %get3A_2985] : memref<1x5120xf32, #tpu.memory_space<vmem>>, vector<1x5120xf32>
      %and3A_2987 = arith.andi %gt3A_2977, %ge3A_2983 : vector<1x5120xi1>
      %convert_element_type3A_2988 = arith.extui %and3A_2987 : vector<1x5120xi1> to vector<1x5120xi32>
      %convert_element_type3A_2989 = arith.sitofp %convert_element_type3A_2988 : vector<1x5120xi32> to vector<1x5120xf32>
      %sub3A_2990 = arith.constant 1.000000e+00 : f32
      %sub3A_2991 = vector.broadcast %sub3A_2990 : f32 to vector<1x5120xf32>
      %sub3A_2992 = arith.subf %sub3A_2991, %convert_element_type3A_2989 : vector<1x5120xf32>
      %mul3A_2993 = arith.mulf %get3A_2986, %sub3A_2992 : vector<1x5120xf32>
      %swap3A_2994 = arith.constant 0 : index
      %swap3A_2995 = arith.constant 0 : index
      %swap3A_2996 = vector.load %arg4[%swap3A_2994, %swap3A_2995] : memref<1x5120xf32, #tpu.memory_space<vmem>>, vector<1x5120xf32>
      tpu.vector_store %arg4[%swap3A_2994, %swap3A_2995], %mul3A_2993 {strides = array<i32>} : memref<1x5120xf32, #tpu.memory_space<vmem>>, vector<1x5120xf32>,
      %get3A_2997 = arith.constant 0 : index
      %get3A_2998 = arith.index_cast %mul3A_2 : i32 to index
      %get3A_2999 = vector.load %arg4[%get3A_2997, %get3A_2998] : memref<1x5120xf32, #tpu.memory_space<vmem>>, vector<1x128xf32>
      %iota3A_3000 = tpu.iota {dimensions = array<i32: 1>} : vector<1x128xi32>
      %ge3A_3001 = arith.constant 88 : i32
      %ge3A_3002 = vector.broadcast %ge3A_3001 : i32 to vector<1x128xi32>
      %ge3A_3003 = arith.cmpi sge, %iota3A_3000, %ge3A_3002 : vector<1x128xi32>
      %lt3A_3004 = arith.constant 96 : i32
      %lt3A_3005 = vector.broadcast %lt3A_3004 : i32 to vector<1x128xi32>
      %lt3A_3006 = arith.cmpi slt, %iota3A_3000, %lt3A_3005 : vector<1x128xi32>
      %and3A_3007 = arith.andi %ge3A_3003, %lt3A_3006 : vector<1x128xi1>
      %jit3A_3008 = arith.constant 0 : i32
      %convert_element_type3A_3009 = arith.sitofp %jit3A_3008 : i32 to f32
      %pad3A_3010 = vector.broadcast %convert_element_type3A_3009 : f32 to vector<1x88xf32>
      %pad3A_3011 = tpu.concatenate %pad3A_3010, %mul3A_2929 in 1 : vector<1x88xf32>, vector<1x8xf32> -> vector<1x96xf32>
      %pad3A_3012 = vector.broadcast %convert_element_type3A_3009 : f32 to vector<1x32xf32>
      %pad3A_3013 = tpu.concatenate %pad3A_3011, %pad3A_3012 in 1 : vector<1x96xf32>, vector<1x32xf32> -> vector<1x128xf32>
      %select_n3A_3014 = arith.select %and3A_3007, %pad3A_3013, %get3A_2999 : vector<1x128xi1>, vector<1x128xf32>
      %swap3A_3015 = arith.constant 0 : index
      %swap3A_3016 = arith.index_cast %mul3A_2 : i32 to index
      %swap3A_3017 = vector.load %arg4[%swap3A_3015, %swap3A_3016] : memref<1x5120xf32, #tpu.memory_space<vmem>>, vector<1x128xf32>
      tpu.vector_store %arg4[%swap3A_3015, %swap3A_3016], %select_n3A_3014 {strides = array<i32>} : memref<1x5120xf32, #tpu.memory_space<vmem>>, vector<1x128xf32>,
      %get3A_3018 = arith.constant 0 : index
      %get3A_3019 = arith.index_cast %mul3A_2 : i32 to index
      %get3A_3020 = vector.load %arg4[%get3A_3018, %get3A_3019] : memref<1x5120xf32, #tpu.memory_space<vmem>>, vector<1x128xf32>
      %slice3A_3021 = vector.extract_strided_slice %get3A_3020 {offsets = [0, 96], sizes = [1, 8], strides = [1, 1]} : vector<1x128xf32> to vector<1x8xf32>
      %slice3A_3022 = vector.extract_strided_slice %get3A_22 {offsets = [0, 60], sizes = [8, 1], strides = [1, 1]} : vector<8x128xf32> to vector<8x1xf32>
      %slice3A_3023 = vector.extract_strided_slice %get3A_22 {offsets = [0, 61], sizes = [8, 1], strides = [1, 1]} : vector<8x128xf32> to vector<8x1xf32>
      %slice3A_3024 = vector.extract_strided_slice %get3A_22 {offsets = [0, 62], sizes = [8, 1], strides = [1, 1]} : vector<8x128xf32> to vector<8x1xf32>
      %slice3A_3025 = vector.extract_strided_slice %get3A_22 {offsets = [0, 63], sizes = [8, 1], strides = [1, 1]} : vector<8x128xf32> to vector<8x1xf32>
      %slice3A_3026 = vector.extract_strided_slice %get3A_22 {offsets = [0, 64], sizes = [8, 1], strides = [1, 1]} : vector<8x128xf32> to vector<8x1xf32>
      %slice3A_3027 = vector.extract_strided_slice %get3A_25 {offsets = [0, 96], sizes = [1, 8], strides = [1, 1]} : vector<1x128xf32> to vector<1x8xf32>
      %slice3A_3028 = vector.extract_strided_slice %get3A_28 {offsets = [0, 96], sizes = [1, 8], strides = [1, 1]} : vector<1x128xf32> to vector<1x8xf32>
      %slice3A_3029 = vector.extract_strided_slice %get3A_31 {offsets = [0, 96], sizes = [1, 8], strides = [1, 1]} : vector<1x128xf32> to vector<1x8xf32>
      %slice3A_3030 = vector.extract_strided_slice %get3A_34 {offsets = [0, 96], sizes = [1, 8], strides = [1, 1]} : vector<1x128xf32> to vector<1x8xf32>
      %slice3A_3031 = vector.extract_strided_slice %get3A_37 {offsets = [0, 96], sizes = [1, 8], strides = [1, 1]} : vector<1x128xf32> to vector<1x8xf32>
      %min3A_3032 = vector.broadcast %slice3A_3024 : vector<8x1xf32> to vector<8x8xf32>
      %min3A_3033 = vector.broadcast %slice3A_3029 : vector<1x8xf32> to vector<8x8xf32>
      %min3A_3034 = arith.minimumf %min3A_3032, %min3A_3033 : vector<8x8xf32>
      %max3A_3035 = vector.broadcast %slice3A_3022 : vector<8x1xf32> to vector<8x8xf32>
      %max3A_3036 = vector.broadcast %slice3A_3027 : vector<1x8xf32> to vector<8x8xf32>
      %max3A_3037 = arith.maximumf %max3A_3035, %max3A_3036 : vector<8x8xf32>
      %sub3A_3038 = arith.subf %min3A_3034, %max3A_3037 : vector<8x8xf32>
      %max3A_3039 = arith.constant 0.000000e+00 : f32
      %max3A_3040 = vector.broadcast %max3A_3039 : f32 to vector<8x8xf32>
      %max3A_3041 = arith.maximumf %sub3A_3038, %max3A_3040 : vector<8x8xf32>
      %min3A_3042 = vector.broadcast %slice3A_3025 : vector<8x1xf32> to vector<8x8xf32>
      %min3A_3043 = vector.broadcast %slice3A_3030 : vector<1x8xf32> to vector<8x8xf32>
      %min3A_3044 = arith.minimumf %min3A_3042, %min3A_3043 : vector<8x8xf32>
      %max3A_3045 = vector.broadcast %slice3A_3023 : vector<8x1xf32> to vector<8x8xf32>
      %max3A_3046 = vector.broadcast %slice3A_3028 : vector<1x8xf32> to vector<8x8xf32>
      %max3A_3047 = arith.maximumf %max3A_3045, %max3A_3046 : vector<8x8xf32>
      %sub3A_3048 = arith.subf %min3A_3044, %max3A_3047 : vector<8x8xf32>
      %max3A_3049 = arith.constant 0.000000e+00 : f32
      %max3A_3050 = vector.broadcast %max3A_3049 : f32 to vector<8x8xf32>
      %max3A_3051 = arith.maximumf %sub3A_3048, %max3A_3050 : vector<8x8xf32>
      %mul3A_3052 = arith.mulf %max3A_3041, %max3A_3051 : vector<8x8xf32>
      %add3A_3053 = vector.broadcast %slice3A_3026 : vector<8x1xf32> to vector<8x8xf32>
      %add3A_3054 = vector.broadcast %slice3A_3031 : vector<1x8xf32> to vector<8x8xf32>
      %add3A_3055 = arith.addf %add3A_3053, %add3A_3054 : vector<8x8xf32>
      %sub3A_3056 = arith.subf %add3A_3055, %mul3A_3052 : vector<8x8xf32>
      %add3A_3057 = arith.constant 1.000000e-07 : f32
      %add3A_3058 = vector.broadcast %add3A_3057 : f32 to vector<8x8xf32>
      %add3A_3059 = arith.addf %sub3A_3056, %add3A_3058 : vector<8x8xf32>
      %div3A_3060 = arith.divf %mul3A_3052, %add3A_3059 : vector<8x8xf32>
      %gt3A_3061 = arith.constant 4.500000e-01 : f32
      %gt3A_3062 = vector.broadcast %gt3A_3061 : f32 to vector<8x8xf32>
      %gt3A_3063 = arith.cmpf ogt, %div3A_3060, %gt3A_3062 : vector<8x8xf32>
      %convert_element_type3A_3064 = arith.extui %gt3A_3063 : vector<8x8xi1> to vector<8x8xi32>
      %convert_element_type3A_3065 = arith.sitofp %convert_element_type3A_3064 : vector<8x8xi32> to vector<8x8xf32>
      %slice3A_3066 = vector.extract_strided_slice %slice3A_3021 {offsets = [0, 0], sizes = [1, 1], strides = [1, 1]} : vector<1x8xf32> to vector<1x1xf32>
      %slice3A_3067 = vector.extract_strided_slice %convert_element_type3A_3065 {offsets = [0, 0], sizes = [1, 8], strides = [1, 1]} : vector<8x8xf32> to vector<1x8xf32>
      %mul3A_3068 = vector.broadcast %slice3A_3066 : vector<1x1xf32> to vector<1x8xf32>
      %mul3A_3069 = arith.mulf %slice3A_3067, %mul3A_3068 : vector<1x8xf32>
      %gt3A_3070 = arith.constant 0 : i32
      %gt3A_3071 = vector.broadcast %gt3A_3070 : i32 to vector<1x8xi32>
      %gt3A_3072 = arith.cmpi sgt, %iota3A, %gt3A_3071 : vector<1x8xi32>
      %convert_element_type3A_3073 = arith.extui %gt3A_3072 : vector<1x8xi1> to vector<1x8xi32>
      %convert_element_type3A_3074 = arith.sitofp %convert_element_type3A_3073 : vector<1x8xi32> to vector<1x8xf32>
      %mul3A_3075 = arith.mulf %mul3A_3069, %convert_element_type3A_3074 : vector<1x8xf32>
      %sub3A_3076 = arith.constant 1.000000e+00 : f32
      %sub3A_3077 = vector.broadcast %sub3A_3076 : f32 to vector<1x8xf32>
      %sub3A_3078 = arith.subf %sub3A_3077, %mul3A_3075 : vector<1x8xf32>
      %mul3A_3079 = arith.mulf %slice3A_3021, %sub3A_3078 : vector<1x8xf32>
      %slice3A_3080 = vector.extract_strided_slice %mul3A_3079 {offsets = [0, 1], sizes = [1, 1], strides = [1, 1]} : vector<1x8xf32> to vector<1x1xf32>
      %slice3A_3081 = vector.extract_strided_slice %convert_element_type3A_3065 {offsets = [1, 0], sizes = [1, 8], strides = [1, 1]} : vector<8x8xf32> to vector<1x8xf32>
      %mul3A_3082 = vector.broadcast %slice3A_3080 : vector<1x1xf32> to vector<1x8xf32>
      %mul3A_3083 = arith.mulf %slice3A_3081, %mul3A_3082 : vector<1x8xf32>
      %gt3A_3084 = arith.constant 1 : i32
      %gt3A_3085 = vector.broadcast %gt3A_3084 : i32 to vector<1x8xi32>
      %gt3A_3086 = arith.cmpi sgt, %iota3A, %gt3A_3085 : vector<1x8xi32>
      %convert_element_type3A_3087 = arith.extui %gt3A_3086 : vector<1x8xi1> to vector<1x8xi32>
      %convert_element_type3A_3088 = arith.sitofp %convert_element_type3A_3087 : vector<1x8xi32> to vector<1x8xf32>
      %mul3A_3089 = arith.mulf %mul3A_3083, %convert_element_type3A_3088 : vector<1x8xf32>
      %sub3A_3090 = arith.constant 1.000000e+00 : f32
      %sub3A_3091 = vector.broadcast %sub3A_3090 : f32 to vector<1x8xf32>
      %sub3A_3092 = arith.subf %sub3A_3091, %mul3A_3089 : vector<1x8xf32>
      %mul3A_3093 = arith.mulf %mul3A_3079, %sub3A_3092 : vector<1x8xf32>
      %slice3A_3094 = vector.extract_strided_slice %mul3A_3093 {offsets = [0, 2], sizes = [1, 1], strides = [1, 1]} : vector<1x8xf32> to vector<1x1xf32>
      %slice3A_3095 = vector.extract_strided_slice %convert_element_type3A_3065 {offsets = [2, 0], sizes = [1, 8], strides = [1, 1]} : vector<8x8xf32> to vector<1x8xf32>
      %mul3A_3096 = vector.broadcast %slice3A_3094 : vector<1x1xf32> to vector<1x8xf32>
      %mul3A_3097 = arith.mulf %slice3A_3095, %mul3A_3096 : vector<1x8xf32>
      %gt3A_3098 = arith.constant 2 : i32
      %gt3A_3099 = vector.broadcast %gt3A_3098 : i32 to vector<1x8xi32>
      %gt3A_3100 = arith.cmpi sgt, %iota3A, %gt3A_3099 : vector<1x8xi32>
      %convert_element_type3A_3101 = arith.extui %gt3A_3100 : vector<1x8xi1> to vector<1x8xi32>
      %convert_element_type3A_3102 = arith.sitofp %convert_element_type3A_3101 : vector<1x8xi32> to vector<1x8xf32>
      %mul3A_3103 = arith.mulf %mul3A_3097, %convert_element_type3A_3102 : vector<1x8xf32>
      %sub3A_3104 = arith.constant 1.000000e+00 : f32
      %sub3A_3105 = vector.broadcast %sub3A_3104 : f32 to vector<1x8xf32>
      %sub3A_3106 = arith.subf %sub3A_3105, %mul3A_3103 : vector<1x8xf32>
      %mul3A_3107 = arith.mulf %mul3A_3093, %sub3A_3106 : vector<1x8xf32>
      %slice3A_3108 = vector.extract_strided_slice %mul3A_3107 {offsets = [0, 3], sizes = [1, 1], strides = [1, 1]} : vector<1x8xf32> to vector<1x1xf32>
      %slice3A_3109 = vector.extract_strided_slice %convert_element_type3A_3065 {offsets = [3, 0], sizes = [1, 8], strides = [1, 1]} : vector<8x8xf32> to vector<1x8xf32>
      %mul3A_3110 = vector.broadcast %slice3A_3108 : vector<1x1xf32> to vector<1x8xf32>
      %mul3A_3111 = arith.mulf %slice3A_3109, %mul3A_3110 : vector<1x8xf32>
      %gt3A_3112 = arith.constant 3 : i32
      %gt3A_3113 = vector.broadcast %gt3A_3112 : i32 to vector<1x8xi32>
      %gt3A_3114 = arith.cmpi sgt, %iota3A, %gt3A_3113 : vector<1x8xi32>
      %convert_element_type3A_3115 = arith.extui %gt3A_3114 : vector<1x8xi1> to vector<1x8xi32>
      %convert_element_type3A_3116 = arith.sitofp %convert_element_type3A_3115 : vector<1x8xi32> to vector<1x8xf32>
      %mul3A_3117 = arith.mulf %mul3A_3111, %convert_element_type3A_3116 : vector<1x8xf32>
      %sub3A_3118 = arith.constant 1.000000e+00 : f32
      %sub3A_3119 = vector.broadcast %sub3A_3118 : f32 to vector<1x8xf32>
      %sub3A_3120 = arith.subf %sub3A_3119, %mul3A_3117 : vector<1x8xf32>
      %mul3A_3121 = arith.mulf %mul3A_3107, %sub3A_3120 : vector<1x8xf32>
      %slice3A_3122 = vector.extract_strided_slice %mul3A_3121 {offsets = [0, 4], sizes = [1, 1], strides = [1, 1]} : vector<1x8xf32> to vector<1x1xf32>
      %slice3A_3123 = vector.extract_strided_slice %convert_element_type3A_3065 {offsets = [4, 0], sizes = [1, 8], strides = [1, 1]} : vector<8x8xf32> to vector<1x8xf32>
      %mul3A_3124 = vector.broadcast %slice3A_3122 : vector<1x1xf32> to vector<1x8xf32>
      %mul3A_3125 = arith.mulf %slice3A_3123, %mul3A_3124 : vector<1x8xf32>
      %gt3A_3126 = arith.constant 4 : i32
      %gt3A_3127 = vector.broadcast %gt3A_3126 : i32 to vector<1x8xi32>
      %gt3A_3128 = arith.cmpi sgt, %iota3A, %gt3A_3127 : vector<1x8xi32>
      %convert_element_type3A_3129 = arith.extui %gt3A_3128 : vector<1x8xi1> to vector<1x8xi32>
      %convert_element_type3A_3130 = arith.sitofp %convert_element_type3A_3129 : vector<1x8xi32> to vector<1x8xf32>
      %mul3A_3131 = arith.mulf %mul3A_3125, %convert_element_type3A_3130 : vector<1x8xf32>
      %sub3A_3132 = arith.constant 1.000000e+00 : f32
      %sub3A_3133 = vector.broadcast %sub3A_3132 : f32 to vector<1x8xf32>
      %sub3A_3134 = arith.subf %sub3A_3133, %mul3A_3131 : vector<1x8xf32>
      %mul3A_3135 = arith.mulf %mul3A_3121, %sub3A_3134 : vector<1x8xf32>
      %slice3A_3136 = vector.extract_strided_slice %mul3A_3135 {offsets = [0, 5], sizes = [1, 1], strides = [1, 1]} : vector<1x8xf32> to vector<1x1xf32>
      %slice3A_3137 = vector.extract_strided_slice %convert_element_type3A_3065 {offsets = [5, 0], sizes = [1, 8], strides = [1, 1]} : vector<8x8xf32> to vector<1x8xf32>
      %mul3A_3138 = vector.broadcast %slice3A_3136 : vector<1x1xf32> to vector<1x8xf32>
      %mul3A_3139 = arith.mulf %slice3A_3137, %mul3A_3138 : vector<1x8xf32>
      %gt3A_3140 = arith.constant 5 : i32
      %gt3A_3141 = vector.broadcast %gt3A_3140 : i32 to vector<1x8xi32>
      %gt3A_3142 = arith.cmpi sgt, %iota3A, %gt3A_3141 : vector<1x8xi32>
      %convert_element_type3A_3143 = arith.extui %gt3A_3142 : vector<1x8xi1> to vector<1x8xi32>
      %convert_element_type3A_3144 = arith.sitofp %convert_element_type3A_3143 : vector<1x8xi32> to vector<1x8xf32>
      %mul3A_3145 = arith.mulf %mul3A_3139, %convert_element_type3A_3144 : vector<1x8xf32>
      %sub3A_3146 = arith.constant 1.000000e+00 : f32
      %sub3A_3147 = vector.broadcast %sub3A_3146 : f32 to vector<1x8xf32>
      %sub3A_3148 = arith.subf %sub3A_3147, %mul3A_3145 : vector<1x8xf32>
      %mul3A_3149 = arith.mulf %mul3A_3135, %sub3A_3148 : vector<1x8xf32>
      %slice3A_3150 = vector.extract_strided_slice %mul3A_3149 {offsets = [0, 6], sizes = [1, 1], strides = [1, 1]} : vector<1x8xf32> to vector<1x1xf32>
      %slice3A_3151 = vector.extract_strided_slice %convert_element_type3A_3065 {offsets = [6, 0], sizes = [1, 8], strides = [1, 1]} : vector<8x8xf32> to vector<1x8xf32>
      %mul3A_3152 = vector.broadcast %slice3A_3150 : vector<1x1xf32> to vector<1x8xf32>
      %mul3A_3153 = arith.mulf %slice3A_3151, %mul3A_3152 : vector<1x8xf32>
      %gt3A_3154 = arith.constant 6 : i32
      %gt3A_3155 = vector.broadcast %gt3A_3154 : i32 to vector<1x8xi32>
      %gt3A_3156 = arith.cmpi sgt, %iota3A, %gt3A_3155 : vector<1x8xi32>
      %convert_element_type3A_3157 = arith.extui %gt3A_3156 : vector<1x8xi1> to vector<1x8xi32>
      %convert_element_type3A_3158 = arith.sitofp %convert_element_type3A_3157 : vector<1x8xi32> to vector<1x8xf32>
      %mul3A_3159 = arith.mulf %mul3A_3153, %convert_element_type3A_3158 : vector<1x8xf32>
      %sub3A_3160 = arith.constant 1.000000e+00 : f32
      %sub3A_3161 = vector.broadcast %sub3A_3160 : f32 to vector<1x8xf32>
      %sub3A_3162 = arith.subf %sub3A_3161, %mul3A_3159 : vector<1x8xf32>
      %mul3A_3163 = arith.mulf %mul3A_3149, %sub3A_3162 : vector<1x8xf32>
      %slice3A_3164 = vector.extract_strided_slice %mul3A_3163 {offsets = [0, 7], sizes = [1, 1], strides = [1, 1]} : vector<1x8xf32> to vector<1x1xf32>
      %slice3A_3165 = vector.extract_strided_slice %convert_element_type3A_3065 {offsets = [7, 0], sizes = [1, 8], strides = [1, 1]} : vector<8x8xf32> to vector<1x8xf32>
      %mul3A_3166 = vector.broadcast %slice3A_3164 : vector<1x1xf32> to vector<1x8xf32>
      %mul3A_3167 = arith.mulf %slice3A_3165, %mul3A_3166 : vector<1x8xf32>
      %gt3A_3168 = arith.constant 7 : i32
      %gt3A_3169 = vector.broadcast %gt3A_3168 : i32 to vector<1x8xi32>
      %gt3A_3170 = arith.cmpi sgt, %iota3A, %gt3A_3169 : vector<1x8xi32>
      %convert_element_type3A_3171 = arith.extui %gt3A_3170 : vector<1x8xi1> to vector<1x8xi32>
      %convert_element_type3A_3172 = arith.sitofp %convert_element_type3A_3171 : vector<1x8xi32> to vector<1x8xf32>
      %mul3A_3173 = arith.mulf %mul3A_3167, %convert_element_type3A_3172 : vector<1x8xf32>
      %sub3A_3174 = arith.constant 1.000000e+00 : f32
      %sub3A_3175 = vector.broadcast %sub3A_3174 : f32 to vector<1x8xf32>
      %sub3A_3176 = arith.subf %sub3A_3175, %mul3A_3173 : vector<1x8xf32>
      %mul3A_3177 = arith.mulf %mul3A_3163, %sub3A_3176 : vector<1x8xf32>
      %broadcast_in_dim3A_3178 = vector.shape_cast %mul3A_3177 : vector<1x8xf32> to vector<1x8xf32>
      %broadcast_in_dim3A_3179 = vector.broadcast %broadcast_in_dim3A_3178 : vector<1x8xf32> to vector<8x8xf32>
      %mul3A_3180 = arith.mulf %broadcast_in_dim3A_3179, %convert_element_type3A_58 : vector<8x8xf32>
      %reduce_sum3A_3181 = arith.constant dense<0.000000e+00> : vector<8xf32>
      %reduce_sum3A_3182 = vector.multi_reduction <add>, %mul3A_3180, %reduce_sum3A_3181 [1] : vector<8x8xf32> to vector<8xf32>
      %broadcast_in_dim3A_3183 = vector.shape_cast %reduce_sum3A_3182 : vector<8xf32> to vector<8x1xf32>
      %sub3A_3184 = arith.constant 1.000000e+00 : f32
      %sub3A_3185 = vector.broadcast %sub3A_3184 : f32 to vector<8x1xf32>
      %sub3A_3186 = arith.subf %sub3A_3185, %broadcast_in_dim3A_3183 : vector<8x1xf32>
      %mul3A_3187 = arith.constant 1.000000e+09 : f32
      %mul3A_3188 = vector.broadcast %mul3A_3187 : f32 to vector<8x1xf32>
      %mul3A_3189 = arith.mulf %sub3A_3186, %mul3A_3188 : vector<8x1xf32>
      %add3A_3190 = arith.addf %slice3A_3022, %mul3A_3189 : vector<8x1xf32>
      %min3A_3191 = vector.broadcast %slice3A_3024 : vector<8x1xf32> to vector<8x5120xf32>
      %min3A_3192 = vector.broadcast %get3A_46 : vector<1x5120xf32> to vector<8x5120xf32>
      %min3A_3193 = arith.minimumf %min3A_3191, %min3A_3192 : vector<8x5120xf32>
      %max3A_3194 = vector.broadcast %add3A_3190 : vector<8x1xf32> to vector<8x5120xf32>
      %max3A_3195 = vector.broadcast %get3A_40 : vector<1x5120xf32> to vector<8x5120xf32>
      %max3A_3196 = arith.maximumf %max3A_3194, %max3A_3195 : vector<8x5120xf32>
      %sub3A_3197 = arith.subf %min3A_3193, %max3A_3196 : vector<8x5120xf32>
      %max3A_3198 = arith.constant 0.000000e+00 : f32
      %max3A_3199 = vector.broadcast %max3A_3198 : f32 to vector<8x5120xf32>
      %max3A_3200 = arith.maximumf %sub3A_3197, %max3A_3199 : vector<8x5120xf32>
      %min3A_3201 = vector.broadcast %slice3A_3025 : vector<8x1xf32> to vector<8x5120xf32>
      %min3A_3202 = vector.broadcast %get3A_49 : vector<1x5120xf32> to vector<8x5120xf32>
      %min3A_3203 = arith.minimumf %min3A_3201, %min3A_3202 : vector<8x5120xf32>
      %max3A_3204 = vector.broadcast %slice3A_3023 : vector<8x1xf32> to vector<8x5120xf32>
      %max3A_3205 = vector.broadcast %get3A_43 : vector<1x5120xf32> to vector<8x5120xf32>
      %max3A_3206 = arith.maximumf %max3A_3204, %max3A_3205 : vector<8x5120xf32>
      %sub3A_3207 = arith.subf %min3A_3203, %max3A_3206 : vector<8x5120xf32>
      %max3A_3208 = arith.constant 0.000000e+00 : f32
      %max3A_3209 = vector.broadcast %max3A_3208 : f32 to vector<8x5120xf32>
      %max3A_3210 = arith.maximumf %sub3A_3207, %max3A_3209 : vector<8x5120xf32>
      %mul3A_3211 = arith.mulf %max3A_3200, %max3A_3210 : vector<8x5120xf32>
      %add3A_3212 = vector.broadcast %slice3A_3026 : vector<8x1xf32> to vector<8x5120xf32>
      %add3A_3213 = vector.broadcast %get3A_52 : vector<1x5120xf32> to vector<8x5120xf32>
      %add3A_3214 = arith.addf %add3A_3212, %add3A_3213 : vector<8x5120xf32>
      %sub3A_3215 = arith.subf %add3A_3214, %mul3A_3211 : vector<8x5120xf32>
      %add3A_3216 = arith.constant 1.000000e-07 : f32
      %add3A_3217 = vector.broadcast %add3A_3216 : f32 to vector<8x5120xf32>
      %add3A_3218 = arith.addf %sub3A_3215, %add3A_3217 : vector<8x5120xf32>
      %div3A_3219 = arith.divf %mul3A_3211, %add3A_3218 : vector<8x5120xf32>
      %reduce_max3A_3220 = arith.constant dense<0xFF800000> : vector<5120xf32>
      %reduce_max3A_3221 = vector.multi_reduction <maximumf>, %div3A_3219, %reduce_max3A_3220 [0] : vector<8x5120xf32> to vector<5120xf32>
      %broadcast_in_dim3A_3222 = vector.shape_cast %reduce_max3A_3221 : vector<5120xf32> to vector<1x5120xf32>
      %gt3A_3223 = arith.constant 4.500000e-01 : f32
      %gt3A_3224 = vector.broadcast %gt3A_3223 : f32 to vector<1x5120xf32>
      %gt3A_3225 = arith.cmpf ogt, %broadcast_in_dim3A_3222, %gt3A_3224 : vector<1x5120xf32>
      %add3A_3226 = arith.constant 96 : i32
      %add3A_3227 = arith.addi %mul3A_2, %add3A_3226 : i32
      %add3A_3228 = arith.constant 8 : i32
      %add3A_3229 = arith.addi %add3A_3227, %add3A_3228 : i32
      %ge3A_3230 = vector.broadcast %add3A_3229 : i32 to vector<1x5120xi32>
      %ge3A_3231 = arith.cmpi sge, %iota3A_53, %ge3A_3230 : vector<1x5120xi32>
      %get3A_3232 = arith.constant 0 : index
      %get3A_3233 = arith.constant 0 : index
      %get3A_3234 = vector.load %arg4[%get3A_3232, %get3A_3233] : memref<1x5120xf32, #tpu.memory_space<vmem>>, vector<1x5120xf32>
      %and3A_3235 = arith.andi %gt3A_3225, %ge3A_3231 : vector<1x5120xi1>
      %convert_element_type3A_3236 = arith.extui %and3A_3235 : vector<1x5120xi1> to vector<1x5120xi32>
      %convert_element_type3A_3237 = arith.sitofp %convert_element_type3A_3236 : vector<1x5120xi32> to vector<1x5120xf32>
      %sub3A_3238 = arith.constant 1.000000e+00 : f32
      %sub3A_3239 = vector.broadcast %sub3A_3238 : f32 to vector<1x5120xf32>
      %sub3A_3240 = arith.subf %sub3A_3239, %convert_element_type3A_3237 : vector<1x5120xf32>
      %mul3A_3241 = arith.mulf %get3A_3234, %sub3A_3240 : vector<1x5120xf32>
      %swap3A_3242 = arith.constant 0 : index
      %swap3A_3243 = arith.constant 0 : index
      %swap3A_3244 = vector.load %arg4[%swap3A_3242, %swap3A_3243] : memref<1x5120xf32, #tpu.memory_space<vmem>>, vector<1x5120xf32>
      tpu.vector_store %arg4[%swap3A_3242, %swap3A_3243], %mul3A_3241 {strides = array<i32>} : memref<1x5120xf32, #tpu.memory_space<vmem>>, vector<1x5120xf32>,
      %get3A_3245 = arith.constant 0 : index
      %get3A_3246 = arith.index_cast %mul3A_2 : i32 to index
      %get3A_3247 = vector.load %arg4[%get3A_3245, %get3A_3246] : memref<1x5120xf32, #tpu.memory_space<vmem>>, vector<1x128xf32>
      %iota3A_3248 = tpu.iota {dimensions = array<i32: 1>} : vector<1x128xi32>
      %ge3A_3249 = arith.constant 96 : i32
      %ge3A_3250 = vector.broadcast %ge3A_3249 : i32 to vector<1x128xi32>
      %ge3A_3251 = arith.cmpi sge, %iota3A_3248, %ge3A_3250 : vector<1x128xi32>
      %lt3A_3252 = arith.constant 104 : i32
      %lt3A_3253 = vector.broadcast %lt3A_3252 : i32 to vector<1x128xi32>
      %lt3A_3254 = arith.cmpi slt, %iota3A_3248, %lt3A_3253 : vector<1x128xi32>
      %and3A_3255 = arith.andi %ge3A_3251, %lt3A_3254 : vector<1x128xi1>
      %jit3A_3256 = arith.constant 0 : i32
      %convert_element_type3A_3257 = arith.sitofp %jit3A_3256 : i32 to f32
      %pad3A_3258 = vector.broadcast %convert_element_type3A_3257 : f32 to vector<1x96xf32>
      %pad3A_3259 = tpu.concatenate %pad3A_3258, %mul3A_3177 in 1 : vector<1x96xf32>, vector<1x8xf32> -> vector<1x104xf32>
      %pad3A_3260 = vector.broadcast %convert_element_type3A_3257 : f32 to vector<1x24xf32>
      %pad3A_3261 = tpu.concatenate %pad3A_3259, %pad3A_3260 in 1 : vector<1x104xf32>, vector<1x24xf32> -> vector<1x128xf32>
      %select_n3A_3262 = arith.select %and3A_3255, %pad3A_3261, %get3A_3247 : vector<1x128xi1>, vector<1x128xf32>
      %swap3A_3263 = arith.constant 0 : index
      %swap3A_3264 = arith.index_cast %mul3A_2 : i32 to index
      %swap3A_3265 = vector.load %arg4[%swap3A_3263, %swap3A_3264] : memref<1x5120xf32, #tpu.memory_space<vmem>>, vector<1x128xf32>
      tpu.vector_store %arg4[%swap3A_3263, %swap3A_3264], %select_n3A_3262 {strides = array<i32>} : memref<1x5120xf32, #tpu.memory_space<vmem>>, vector<1x128xf32>,
      %get3A_3266 = arith.constant 0 : index
      %get3A_3267 = arith.index_cast %mul3A_2 : i32 to index
      %get3A_3268 = vector.load %arg4[%get3A_3266, %get3A_3267] : memref<1x5120xf32, #tpu.memory_space<vmem>>, vector<1x128xf32>
      %slice3A_3269 = vector.extract_strided_slice %get3A_3268 {offsets = [0, 104], sizes = [1, 8], strides = [1, 1]} : vector<1x128xf32> to vector<1x8xf32>
      %slice3A_3270 = vector.extract_strided_slice %get3A_22 {offsets = [0, 65], sizes = [8, 1], strides = [1, 1]} : vector<8x128xf32> to vector<8x1xf32>
      %slice3A_3271 = vector.extract_strided_slice %get3A_22 {offsets = [0, 66], sizes = [8, 1], strides = [1, 1]} : vector<8x128xf32> to vector<8x1xf32>
      %slice3A_3272 = vector.extract_strided_slice %get3A_22 {offsets = [0, 67], sizes = [8, 1], strides = [1, 1]} : vector<8x128xf32> to vector<8x1xf32>
      %slice3A_3273 = vector.extract_strided_slice %get3A_22 {offsets = [0, 68], sizes = [8, 1], strides = [1, 1]} : vector<8x128xf32> to vector<8x1xf32>
      %slice3A_3274 = vector.extract_strided_slice %get3A_22 {offsets = [0, 69], sizes = [8, 1], strides = [1, 1]} : vector<8x128xf32> to vector<8x1xf32>
      %slice3A_3275 = vector.extract_strided_slice %get3A_25 {offsets = [0, 104], sizes = [1, 8], strides = [1, 1]} : vector<1x128xf32> to vector<1x8xf32>
      %slice3A_3276 = vector.extract_strided_slice %get3A_28 {offsets = [0, 104], sizes = [1, 8], strides = [1, 1]} : vector<1x128xf32> to vector<1x8xf32>
      %slice3A_3277 = vector.extract_strided_slice %get3A_31 {offsets = [0, 104], sizes = [1, 8], strides = [1, 1]} : vector<1x128xf32> to vector<1x8xf32>
      %slice3A_3278 = vector.extract_strided_slice %get3A_34 {offsets = [0, 104], sizes = [1, 8], strides = [1, 1]} : vector<1x128xf32> to vector<1x8xf32>
      %slice3A_3279 = vector.extract_strided_slice %get3A_37 {offsets = [0, 104], sizes = [1, 8], strides = [1, 1]} : vector<1x128xf32> to vector<1x8xf32>
      %min3A_3280 = vector.broadcast %slice3A_3272 : vector<8x1xf32> to vector<8x8xf32>
      %min3A_3281 = vector.broadcast %slice3A_3277 : vector<1x8xf32> to vector<8x8xf32>
      %min3A_3282 = arith.minimumf %min3A_3280, %min3A_3281 : vector<8x8xf32>
      %max3A_3283 = vector.broadcast %slice3A_3270 : vector<8x1xf32> to vector<8x8xf32>
      %max3A_3284 = vector.broadcast %slice3A_3275 : vector<1x8xf32> to vector<8x8xf32>
      %max3A_3285 = arith.maximumf %max3A_3283, %max3A_3284 : vector<8x8xf32>
      %sub3A_3286 = arith.subf %min3A_3282, %max3A_3285 : vector<8x8xf32>
      %max3A_3287 = arith.constant 0.000000e+00 : f32
      %max3A_3288 = vector.broadcast %max3A_3287 : f32 to vector<8x8xf32>
      %max3A_3289 = arith.maximumf %sub3A_3286, %max3A_3288 : vector<8x8xf32>
      %min3A_3290 = vector.broadcast %slice3A_3273 : vector<8x1xf32> to vector<8x8xf32>
      %min3A_3291 = vector.broadcast %slice3A_3278 : vector<1x8xf32> to vector<8x8xf32>
      %min3A_3292 = arith.minimumf %min3A_3290, %min3A_3291 : vector<8x8xf32>
      %max3A_3293 = vector.broadcast %slice3A_3271 : vector<8x1xf32> to vector<8x8xf32>
      %max3A_3294 = vector.broadcast %slice3A_3276 : vector<1x8xf32> to vector<8x8xf32>
      %max3A_3295 = arith.maximumf %max3A_3293, %max3A_3294 : vector<8x8xf32>
      %sub3A_3296 = arith.subf %min3A_3292, %max3A_3295 : vector<8x8xf32>
      %max3A_3297 = arith.constant 0.000000e+00 : f32
      %max3A_3298 = vector.broadcast %max3A_3297 : f32 to vector<8x8xf32>
      %max3A_3299 = arith.maximumf %sub3A_3296, %max3A_3298 : vector<8x8xf32>
      %mul3A_3300 = arith.mulf %max3A_3289, %max3A_3299 : vector<8x8xf32>
      %add3A_3301 = vector.broadcast %slice3A_3274 : vector<8x1xf32> to vector<8x8xf32>
      %add3A_3302 = vector.broadcast %slice3A_3279 : vector<1x8xf32> to vector<8x8xf32>
      %add3A_3303 = arith.addf %add3A_3301, %add3A_3302 : vector<8x8xf32>
      %sub3A_3304 = arith.subf %add3A_3303, %mul3A_3300 : vector<8x8xf32>
      %add3A_3305 = arith.constant 1.000000e-07 : f32
      %add3A_3306 = vector.broadcast %add3A_3305 : f32 to vector<8x8xf32>
      %add3A_3307 = arith.addf %sub3A_3304, %add3A_3306 : vector<8x8xf32>
      %div3A_3308 = arith.divf %mul3A_3300, %add3A_3307 : vector<8x8xf32>
      %gt3A_3309 = arith.constant 4.500000e-01 : f32
      %gt3A_3310 = vector.broadcast %gt3A_3309 : f32 to vector<8x8xf32>
      %gt3A_3311 = arith.cmpf ogt, %div3A_3308, %gt3A_3310 : vector<8x8xf32>
      %convert_element_type3A_3312 = arith.extui %gt3A_3311 : vector<8x8xi1> to vector<8x8xi32>
      %convert_element_type3A_3313 = arith.sitofp %convert_element_type3A_3312 : vector<8x8xi32> to vector<8x8xf32>
      %slice3A_3314 = vector.extract_strided_slice %slice3A_3269 {offsets = [0, 0], sizes = [1, 1], strides = [1, 1]} : vector<1x8xf32> to vector<1x1xf32>
      %slice3A_3315 = vector.extract_strided_slice %convert_element_type3A_3313 {offsets = [0, 0], sizes = [1, 8], strides = [1, 1]} : vector<8x8xf32> to vector<1x8xf32>
      %mul3A_3316 = vector.broadcast %slice3A_3314 : vector<1x1xf32> to vector<1x8xf32>
      %mul3A_3317 = arith.mulf %slice3A_3315, %mul3A_3316 : vector<1x8xf32>
      %gt3A_3318 = arith.constant 0 : i32
      %gt3A_3319 = vector.broadcast %gt3A_3318 : i32 to vector<1x8xi32>
      %gt3A_3320 = arith.cmpi sgt, %iota3A, %gt3A_3319 : vector<1x8xi32>
      %convert_element_type3A_3321 = arith.extui %gt3A_3320 : vector<1x8xi1> to vector<1x8xi32>
      %convert_element_type3A_3322 = arith.sitofp %convert_element_type3A_3321 : vector<1x8xi32> to vector<1x8xf32>
      %mul3A_3323 = arith.mulf %mul3A_3317, %convert_element_type3A_3322 : vector<1x8xf32>
      %sub3A_3324 = arith.constant 1.000000e+00 : f32
      %sub3A_3325 = vector.broadcast %sub3A_3324 : f32 to vector<1x8xf32>
      %sub3A_3326 = arith.subf %sub3A_3325, %mul3A_3323 : vector<1x8xf32>
      %mul3A_3327 = arith.mulf %slice3A_3269, %sub3A_3326 : vector<1x8xf32>
      %slice3A_3328 = vector.extract_strided_slice %mul3A_3327 {offsets = [0, 1], sizes = [1, 1], strides = [1, 1]} : vector<1x8xf32> to vector<1x1xf32>
      %slice3A_3329 = vector.extract_strided_slice %convert_element_type3A_3313 {offsets = [1, 0], sizes = [1, 8], strides = [1, 1]} : vector<8x8xf32> to vector<1x8xf32>
      %mul3A_3330 = vector.broadcast %slice3A_3328 : vector<1x1xf32> to vector<1x8xf32>
      %mul3A_3331 = arith.mulf %slice3A_3329, %mul3A_3330 : vector<1x8xf32>
      %gt3A_3332 = arith.constant 1 : i32
      %gt3A_3333 = vector.broadcast %gt3A_3332 : i32 to vector<1x8xi32>
      %gt3A_3334 = arith.cmpi sgt, %iota3A, %gt3A_3333 : vector<1x8xi32>
      %convert_element_type3A_3335 = arith.extui %gt3A_3334 : vector<1x8xi1> to vector<1x8xi32>
      %convert_element_type3A_3336 = arith.sitofp %convert_element_type3A_3335 : vector<1x8xi32> to vector<1x8xf32>
      %mul3A_3337 = arith.mulf %mul3A_3331, %convert_element_type3A_3336 : vector<1x8xf32>
      %sub3A_3338 = arith.constant 1.000000e+00 : f32
      %sub3A_3339 = vector.broadcast %sub3A_3338 : f32 to vector<1x8xf32>
      %sub3A_3340 = arith.subf %sub3A_3339, %mul3A_3337 : vector<1x8xf32>
      %mul3A_3341 = arith.mulf %mul3A_3327, %sub3A_3340 : vector<1x8xf32>
      %slice3A_3342 = vector.extract_strided_slice %mul3A_3341 {offsets = [0, 2], sizes = [1, 1], strides = [1, 1]} : vector<1x8xf32> to vector<1x1xf32>
      %slice3A_3343 = vector.extract_strided_slice %convert_element_type3A_3313 {offsets = [2, 0], sizes = [1, 8], strides = [1, 1]} : vector<8x8xf32> to vector<1x8xf32>
      %mul3A_3344 = vector.broadcast %slice3A_3342 : vector<1x1xf32> to vector<1x8xf32>
      %mul3A_3345 = arith.mulf %slice3A_3343, %mul3A_3344 : vector<1x8xf32>
      %gt3A_3346 = arith.constant 2 : i32
      %gt3A_3347 = vector.broadcast %gt3A_3346 : i32 to vector<1x8xi32>
      %gt3A_3348 = arith.cmpi sgt, %iota3A, %gt3A_3347 : vector<1x8xi32>
      %convert_element_type3A_3349 = arith.extui %gt3A_3348 : vector<1x8xi1> to vector<1x8xi32>
      %convert_element_type3A_3350 = arith.sitofp %convert_element_type3A_3349 : vector<1x8xi32> to vector<1x8xf32>
      %mul3A_3351 = arith.mulf %mul3A_3345, %convert_element_type3A_3350 : vector<1x8xf32>
      %sub3A_3352 = arith.constant 1.000000e+00 : f32
      %sub3A_3353 = vector.broadcast %sub3A_3352 : f32 to vector<1x8xf32>
      %sub3A_3354 = arith.subf %sub3A_3353, %mul3A_3351 : vector<1x8xf32>
      %mul3A_3355 = arith.mulf %mul3A_3341, %sub3A_3354 : vector<1x8xf32>
      %slice3A_3356 = vector.extract_strided_slice %mul3A_3355 {offsets = [0, 3], sizes = [1, 1], strides = [1, 1]} : vector<1x8xf32> to vector<1x1xf32>
      %slice3A_3357 = vector.extract_strided_slice %convert_element_type3A_3313 {offsets = [3, 0], sizes = [1, 8], strides = [1, 1]} : vector<8x8xf32> to vector<1x8xf32>
      %mul3A_3358 = vector.broadcast %slice3A_3356 : vector<1x1xf32> to vector<1x8xf32>
      %mul3A_3359 = arith.mulf %slice3A_3357, %mul3A_3358 : vector<1x8xf32>
      %gt3A_3360 = arith.constant 3 : i32
      %gt3A_3361 = vector.broadcast %gt3A_3360 : i32 to vector<1x8xi32>
      %gt3A_3362 = arith.cmpi sgt, %iota3A, %gt3A_3361 : vector<1x8xi32>
      %convert_element_type3A_3363 = arith.extui %gt3A_3362 : vector<1x8xi1> to vector<1x8xi32>
      %convert_element_type3A_3364 = arith.sitofp %convert_element_type3A_3363 : vector<1x8xi32> to vector<1x8xf32>
      %mul3A_3365 = arith.mulf %mul3A_3359, %convert_element_type3A_3364 : vector<1x8xf32>
      %sub3A_3366 = arith.constant 1.000000e+00 : f32
      %sub3A_3367 = vector.broadcast %sub3A_3366 : f32 to vector<1x8xf32>
      %sub3A_3368 = arith.subf %sub3A_3367, %mul3A_3365 : vector<1x8xf32>
      %mul3A_3369 = arith.mulf %mul3A_3355, %sub3A_3368 : vector<1x8xf32>
      %slice3A_3370 = vector.extract_strided_slice %mul3A_3369 {offsets = [0, 4], sizes = [1, 1], strides = [1, 1]} : vector<1x8xf32> to vector<1x1xf32>
      %slice3A_3371 = vector.extract_strided_slice %convert_element_type3A_3313 {offsets = [4, 0], sizes = [1, 8], strides = [1, 1]} : vector<8x8xf32> to vector<1x8xf32>
      %mul3A_3372 = vector.broadcast %slice3A_3370 : vector<1x1xf32> to vector<1x8xf32>
      %mul3A_3373 = arith.mulf %slice3A_3371, %mul3A_3372 : vector<1x8xf32>
      %gt3A_3374 = arith.constant 4 : i32
      %gt3A_3375 = vector.broadcast %gt3A_3374 : i32 to vector<1x8xi32>
      %gt3A_3376 = arith.cmpi sgt, %iota3A, %gt3A_3375 : vector<1x8xi32>
      %convert_element_type3A_3377 = arith.extui %gt3A_3376 : vector<1x8xi1> to vector<1x8xi32>
      %convert_element_type3A_3378 = arith.sitofp %convert_element_type3A_3377 : vector<1x8xi32> to vector<1x8xf32>
      %mul3A_3379 = arith.mulf %mul3A_3373, %convert_element_type3A_3378 : vector<1x8xf32>
      %sub3A_3380 = arith.constant 1.000000e+00 : f32
      %sub3A_3381 = vector.broadcast %sub3A_3380 : f32 to vector<1x8xf32>
      %sub3A_3382 = arith.subf %sub3A_3381, %mul3A_3379 : vector<1x8xf32>
      %mul3A_3383 = arith.mulf %mul3A_3369, %sub3A_3382 : vector<1x8xf32>
      %slice3A_3384 = vector.extract_strided_slice %mul3A_3383 {offsets = [0, 5], sizes = [1, 1], strides = [1, 1]} : vector<1x8xf32> to vector<1x1xf32>
      %slice3A_3385 = vector.extract_strided_slice %convert_element_type3A_3313 {offsets = [5, 0], sizes = [1, 8], strides = [1, 1]} : vector<8x8xf32> to vector<1x8xf32>
      %mul3A_3386 = vector.broadcast %slice3A_3384 : vector<1x1xf32> to vector<1x8xf32>
      %mul3A_3387 = arith.mulf %slice3A_3385, %mul3A_3386 : vector<1x8xf32>
      %gt3A_3388 = arith.constant 5 : i32
      %gt3A_3389 = vector.broadcast %gt3A_3388 : i32 to vector<1x8xi32>
      %gt3A_3390 = arith.cmpi sgt, %iota3A, %gt3A_3389 : vector<1x8xi32>
      %convert_element_type3A_3391 = arith.extui %gt3A_3390 : vector<1x8xi1> to vector<1x8xi32>
      %convert_element_type3A_3392 = arith.sitofp %convert_element_type3A_3391 : vector<1x8xi32> to vector<1x8xf32>
      %mul3A_3393 = arith.mulf %mul3A_3387, %convert_element_type3A_3392 : vector<1x8xf32>
      %sub3A_3394 = arith.constant 1.000000e+00 : f32
      %sub3A_3395 = vector.broadcast %sub3A_3394 : f32 to vector<1x8xf32>
      %sub3A_3396 = arith.subf %sub3A_3395, %mul3A_3393 : vector<1x8xf32>
      %mul3A_3397 = arith.mulf %mul3A_3383, %sub3A_3396 : vector<1x8xf32>
      %slice3A_3398 = vector.extract_strided_slice %mul3A_3397 {offsets = [0, 6], sizes = [1, 1], strides = [1, 1]} : vector<1x8xf32> to vector<1x1xf32>
      %slice3A_3399 = vector.extract_strided_slice %convert_element_type3A_3313 {offsets = [6, 0], sizes = [1, 8], strides = [1, 1]} : vector<8x8xf32> to vector<1x8xf32>
      %mul3A_3400 = vector.broadcast %slice3A_3398 : vector<1x1xf32> to vector<1x8xf32>
      %mul3A_3401 = arith.mulf %slice3A_3399, %mul3A_3400 : vector<1x8xf32>
      %gt3A_3402 = arith.constant 6 : i32
      %gt3A_3403 = vector.broadcast %gt3A_3402 : i32 to vector<1x8xi32>
      %gt3A_3404 = arith.cmpi sgt, %iota3A, %gt3A_3403 : vector<1x8xi32>
      %convert_element_type3A_3405 = arith.extui %gt3A_3404 : vector<1x8xi1> to vector<1x8xi32>
      %convert_element_type3A_3406 = arith.sitofp %convert_element_type3A_3405 : vector<1x8xi32> to vector<1x8xf32>
      %mul3A_3407 = arith.mulf %mul3A_3401, %convert_element_type3A_3406 : vector<1x8xf32>
      %sub3A_3408 = arith.constant 1.000000e+00 : f32
      %sub3A_3409 = vector.broadcast %sub3A_3408 : f32 to vector<1x8xf32>
      %sub3A_3410 = arith.subf %sub3A_3409, %mul3A_3407 : vector<1x8xf32>
      %mul3A_3411 = arith.mulf %mul3A_3397, %sub3A_3410 : vector<1x8xf32>
      %slice3A_3412 = vector.extract_strided_slice %mul3A_3411 {offsets = [0, 7], sizes = [1, 1], strides = [1, 1]} : vector<1x8xf32> to vector<1x1xf32>
      %slice3A_3413 = vector.extract_strided_slice %convert_element_type3A_3313 {offsets = [7, 0], sizes = [1, 8], strides = [1, 1]} : vector<8x8xf32> to vector<1x8xf32>
      %mul3A_3414 = vector.broadcast %slice3A_3412 : vector<1x1xf32> to vector<1x8xf32>
      %mul3A_3415 = arith.mulf %slice3A_3413, %mul3A_3414 : vector<1x8xf32>
      %gt3A_3416 = arith.constant 7 : i32
      %gt3A_3417 = vector.broadcast %gt3A_3416 : i32 to vector<1x8xi32>
      %gt3A_3418 = arith.cmpi sgt, %iota3A, %gt3A_3417 : vector<1x8xi32>
      %convert_element_type3A_3419 = arith.extui %gt3A_3418 : vector<1x8xi1> to vector<1x8xi32>
      %convert_element_type3A_3420 = arith.sitofp %convert_element_type3A_3419 : vector<1x8xi32> to vector<1x8xf32>
      %mul3A_3421 = arith.mulf %mul3A_3415, %convert_element_type3A_3420 : vector<1x8xf32>
      %sub3A_3422 = arith.constant 1.000000e+00 : f32
      %sub3A_3423 = vector.broadcast %sub3A_3422 : f32 to vector<1x8xf32>
      %sub3A_3424 = arith.subf %sub3A_3423, %mul3A_3421 : vector<1x8xf32>
      %mul3A_3425 = arith.mulf %mul3A_3411, %sub3A_3424 : vector<1x8xf32>
      %broadcast_in_dim3A_3426 = vector.shape_cast %mul3A_3425 : vector<1x8xf32> to vector<1x8xf32>
      %broadcast_in_dim3A_3427 = vector.broadcast %broadcast_in_dim3A_3426 : vector<1x8xf32> to vector<8x8xf32>
      %mul3A_3428 = arith.mulf %broadcast_in_dim3A_3427, %convert_element_type3A_58 : vector<8x8xf32>
      %reduce_sum3A_3429 = arith.constant dense<0.000000e+00> : vector<8xf32>
      %reduce_sum3A_3430 = vector.multi_reduction <add>, %mul3A_3428, %reduce_sum3A_3429 [1] : vector<8x8xf32> to vector<8xf32>
      %broadcast_in_dim3A_3431 = vector.shape_cast %reduce_sum3A_3430 : vector<8xf32> to vector<8x1xf32>
      %sub3A_3432 = arith.constant 1.000000e+00 : f32
      %sub3A_3433 = vector.broadcast %sub3A_3432 : f32 to vector<8x1xf32>
      %sub3A_3434 = arith.subf %sub3A_3433, %broadcast_in_dim3A_3431 : vector<8x1xf32>
      %mul3A_3435 = arith.constant 1.000000e+09 : f32
      %mul3A_3436 = vector.broadcast %mul3A_3435 : f32 to vector<8x1xf32>
      %mul3A_3437 = arith.mulf %sub3A_3434, %mul3A_3436 : vector<8x1xf32>
      %add3A_3438 = arith.addf %slice3A_3270, %mul3A_3437 : vector<8x1xf32>
      %min3A_3439 = vector.broadcast %slice3A_3272 : vector<8x1xf32> to vector<8x5120xf32>
      %min3A_3440 = vector.broadcast %get3A_46 : vector<1x5120xf32> to vector<8x5120xf32>
      %min3A_3441 = arith.minimumf %min3A_3439, %min3A_3440 : vector<8x5120xf32>
      %max3A_3442 = vector.broadcast %add3A_3438 : vector<8x1xf32> to vector<8x5120xf32>
      %max3A_3443 = vector.broadcast %get3A_40 : vector<1x5120xf32> to vector<8x5120xf32>
      %max3A_3444 = arith.maximumf %max3A_3442, %max3A_3443 : vector<8x5120xf32>
      %sub3A_3445 = arith.subf %min3A_3441, %max3A_3444 : vector<8x5120xf32>
      %max3A_3446 = arith.constant 0.000000e+00 : f32
      %max3A_3447 = vector.broadcast %max3A_3446 : f32 to vector<8x5120xf32>
      %max3A_3448 = arith.maximumf %sub3A_3445, %max3A_3447 : vector<8x5120xf32>
      %min3A_3449 = vector.broadcast %slice3A_3273 : vector<8x1xf32> to vector<8x5120xf32>
      %min3A_3450 = vector.broadcast %get3A_49 : vector<1x5120xf32> to vector<8x5120xf32>
      %min3A_3451 = arith.minimumf %min3A_3449, %min3A_3450 : vector<8x5120xf32>
      %max3A_3452 = vector.broadcast %slice3A_3271 : vector<8x1xf32> to vector<8x5120xf32>
      %max3A_3453 = vector.broadcast %get3A_43 : vector<1x5120xf32> to vector<8x5120xf32>
      %max3A_3454 = arith.maximumf %max3A_3452, %max3A_3453 : vector<8x5120xf32>
      %sub3A_3455 = arith.subf %min3A_3451, %max3A_3454 : vector<8x5120xf32>
      %max3A_3456 = arith.constant 0.000000e+00 : f32
      %max3A_3457 = vector.broadcast %max3A_3456 : f32 to vector<8x5120xf32>
      %max3A_3458 = arith.maximumf %sub3A_3455, %max3A_3457 : vector<8x5120xf32>
      %mul3A_3459 = arith.mulf %max3A_3448, %max3A_3458 : vector<8x5120xf32>
      %add3A_3460 = vector.broadcast %slice3A_3274 : vector<8x1xf32> to vector<8x5120xf32>
      %add3A_3461 = vector.broadcast %get3A_52 : vector<1x5120xf32> to vector<8x5120xf32>
      %add3A_3462 = arith.addf %add3A_3460, %add3A_3461 : vector<8x5120xf32>
      %sub3A_3463 = arith.subf %add3A_3462, %mul3A_3459 : vector<8x5120xf32>
      %add3A_3464 = arith.constant 1.000000e-07 : f32
      %add3A_3465 = vector.broadcast %add3A_3464 : f32 to vector<8x5120xf32>
      %add3A_3466 = arith.addf %sub3A_3463, %add3A_3465 : vector<8x5120xf32>
      %div3A_3467 = arith.divf %mul3A_3459, %add3A_3466 : vector<8x5120xf32>
      %reduce_max3A_3468 = arith.constant dense<0xFF800000> : vector<5120xf32>
      %reduce_max3A_3469 = vector.multi_reduction <maximumf>, %div3A_3467, %reduce_max3A_3468 [0] : vector<8x5120xf32> to vector<5120xf32>
      %broadcast_in_dim3A_3470 = vector.shape_cast %reduce_max3A_3469 : vector<5120xf32> to vector<1x5120xf32>
      %gt3A_3471 = arith.constant 4.500000e-01 : f32
      %gt3A_3472 = vector.broadcast %gt3A_3471 : f32 to vector<1x5120xf32>
      %gt3A_3473 = arith.cmpf ogt, %broadcast_in_dim3A_3470, %gt3A_3472 : vector<1x5120xf32>
      %add3A_3474 = arith.constant 104 : i32
      %add3A_3475 = arith.addi %mul3A_2, %add3A_3474 : i32
      %add3A_3476 = arith.constant 8 : i32
      %add3A_3477 = arith.addi %add3A_3475, %add3A_3476 : i32
      %ge3A_3478 = vector.broadcast %add3A_3477 : i32 to vector<1x5120xi32>
      %ge3A_3479 = arith.cmpi sge, %iota3A_53, %ge3A_3478 : vector<1x5120xi32>
      %get3A_3480 = arith.constant 0 : index
      %get3A_3481 = arith.constant 0 : index
      %get3A_3482 = vector.load %arg4[%get3A_3480, %get3A_3481] : memref<1x5120xf32, #tpu.memory_space<vmem>>, vector<1x5120xf32>
      %and3A_3483 = arith.andi %gt3A_3473, %ge3A_3479 : vector<1x5120xi1>
      %convert_element_type3A_3484 = arith.extui %and3A_3483 : vector<1x5120xi1> to vector<1x5120xi32>
      %convert_element_type3A_3485 = arith.sitofp %convert_element_type3A_3484 : vector<1x5120xi32> to vector<1x5120xf32>
      %sub3A_3486 = arith.constant 1.000000e+00 : f32
      %sub3A_3487 = vector.broadcast %sub3A_3486 : f32 to vector<1x5120xf32>
      %sub3A_3488 = arith.subf %sub3A_3487, %convert_element_type3A_3485 : vector<1x5120xf32>
      %mul3A_3489 = arith.mulf %get3A_3482, %sub3A_3488 : vector<1x5120xf32>
      %swap3A_3490 = arith.constant 0 : index
      %swap3A_3491 = arith.constant 0 : index
      %swap3A_3492 = vector.load %arg4[%swap3A_3490, %swap3A_3491] : memref<1x5120xf32, #tpu.memory_space<vmem>>, vector<1x5120xf32>
      tpu.vector_store %arg4[%swap3A_3490, %swap3A_3491], %mul3A_3489 {strides = array<i32>} : memref<1x5120xf32, #tpu.memory_space<vmem>>, vector<1x5120xf32>,
      %get3A_3493 = arith.constant 0 : index
      %get3A_3494 = arith.index_cast %mul3A_2 : i32 to index
      %get3A_3495 = vector.load %arg4[%get3A_3493, %get3A_3494] : memref<1x5120xf32, #tpu.memory_space<vmem>>, vector<1x128xf32>
      %iota3A_3496 = tpu.iota {dimensions = array<i32: 1>} : vector<1x128xi32>
      %ge3A_3497 = arith.constant 104 : i32
      %ge3A_3498 = vector.broadcast %ge3A_3497 : i32 to vector<1x128xi32>
      %ge3A_3499 = arith.cmpi sge, %iota3A_3496, %ge3A_3498 : vector<1x128xi32>
      %lt3A_3500 = arith.constant 112 : i32
      %lt3A_3501 = vector.broadcast %lt3A_3500 : i32 to vector<1x128xi32>
      %lt3A_3502 = arith.cmpi slt, %iota3A_3496, %lt3A_3501 : vector<1x128xi32>
      %and3A_3503 = arith.andi %ge3A_3499, %lt3A_3502 : vector<1x128xi1>
      %jit3A_3504 = arith.constant 0 : i32
      %convert_element_type3A_3505 = arith.sitofp %jit3A_3504 : i32 to f32
      %pad3A_3506 = vector.broadcast %convert_element_type3A_3505 : f32 to vector<1x104xf32>
      %pad3A_3507 = tpu.concatenate %pad3A_3506, %mul3A_3425 in 1 : vector<1x104xf32>, vector<1x8xf32> -> vector<1x112xf32>
      %pad3A_3508 = vector.broadcast %convert_element_type3A_3505 : f32 to vector<1x16xf32>
      %pad3A_3509 = tpu.concatenate %pad3A_3507, %pad3A_3508 in 1 : vector<1x112xf32>, vector<1x16xf32> -> vector<1x128xf32>
      %select_n3A_3510 = arith.select %and3A_3503, %pad3A_3509, %get3A_3495 : vector<1x128xi1>, vector<1x128xf32>
      %swap3A_3511 = arith.constant 0 : index
      %swap3A_3512 = arith.index_cast %mul3A_2 : i32 to index
      %swap3A_3513 = vector.load %arg4[%swap3A_3511, %swap3A_3512] : memref<1x5120xf32, #tpu.memory_space<vmem>>, vector<1x128xf32>
      tpu.vector_store %arg4[%swap3A_3511, %swap3A_3512], %select_n3A_3510 {strides = array<i32>} : memref<1x5120xf32, #tpu.memory_space<vmem>>, vector<1x128xf32>,
      %get3A_3514 = arith.constant 0 : index
      %get3A_3515 = arith.index_cast %mul3A_2 : i32 to index
      %get3A_3516 = vector.load %arg4[%get3A_3514, %get3A_3515] : memref<1x5120xf32, #tpu.memory_space<vmem>>, vector<1x128xf32>
      %slice3A_3517 = vector.extract_strided_slice %get3A_3516 {offsets = [0, 112], sizes = [1, 8], strides = [1, 1]} : vector<1x128xf32> to vector<1x8xf32>
      %slice3A_3518 = vector.extract_strided_slice %get3A_22 {offsets = [0, 70], sizes = [8, 1], strides = [1, 1]} : vector<8x128xf32> to vector<8x1xf32>
      %slice3A_3519 = vector.extract_strided_slice %get3A_22 {offsets = [0, 71], sizes = [8, 1], strides = [1, 1]} : vector<8x128xf32> to vector<8x1xf32>
      %slice3A_3520 = vector.extract_strided_slice %get3A_22 {offsets = [0, 72], sizes = [8, 1], strides = [1, 1]} : vector<8x128xf32> to vector<8x1xf32>
      %slice3A_3521 = vector.extract_strided_slice %get3A_22 {offsets = [0, 73], sizes = [8, 1], strides = [1, 1]} : vector<8x128xf32> to vector<8x1xf32>
      %slice3A_3522 = vector.extract_strided_slice %get3A_22 {offsets = [0, 74], sizes = [8, 1], strides = [1, 1]} : vector<8x128xf32> to vector<8x1xf32>
      %slice3A_3523 = vector.extract_strided_slice %get3A_25 {offsets = [0, 112], sizes = [1, 8], strides = [1, 1]} : vector<1x128xf32> to vector<1x8xf32>
      %slice3A_3524 = vector.extract_strided_slice %get3A_28 {offsets = [0, 112], sizes = [1, 8], strides = [1, 1]} : vector<1x128xf32> to vector<1x8xf32>
      %slice3A_3525 = vector.extract_strided_slice %get3A_31 {offsets = [0, 112], sizes = [1, 8], strides = [1, 1]} : vector<1x128xf32> to vector<1x8xf32>
      %slice3A_3526 = vector.extract_strided_slice %get3A_34 {offsets = [0, 112], sizes = [1, 8], strides = [1, 1]} : vector<1x128xf32> to vector<1x8xf32>
      %slice3A_3527 = vector.extract_strided_slice %get3A_37 {offsets = [0, 112], sizes = [1, 8], strides = [1, 1]} : vector<1x128xf32> to vector<1x8xf32>
      %min3A_3528 = vector.broadcast %slice3A_3520 : vector<8x1xf32> to vector<8x8xf32>
      %min3A_3529 = vector.broadcast %slice3A_3525 : vector<1x8xf32> to vector<8x8xf32>
      %min3A_3530 = arith.minimumf %min3A_3528, %min3A_3529 : vector<8x8xf32>
      %max3A_3531 = vector.broadcast %slice3A_3518 : vector<8x1xf32> to vector<8x8xf32>
      %max3A_3532 = vector.broadcast %slice3A_3523 : vector<1x8xf32> to vector<8x8xf32>
      %max3A_3533 = arith.maximumf %max3A_3531, %max3A_3532 : vector<8x8xf32>
      %sub3A_3534 = arith.subf %min3A_3530, %max3A_3533 : vector<8x8xf32>
      %max3A_3535 = arith.constant 0.000000e+00 : f32
      %max3A_3536 = vector.broadcast %max3A_3535 : f32 to vector<8x8xf32>
      %max3A_3537 = arith.maximumf %sub3A_3534, %max3A_3536 : vector<8x8xf32>
      %min3A_3538 = vector.broadcast %slice3A_3521 : vector<8x1xf32> to vector<8x8xf32>
      %min3A_3539 = vector.broadcast %slice3A_3526 : vector<1x8xf32> to vector<8x8xf32>
      %min3A_3540 = arith.minimumf %min3A_3538, %min3A_3539 : vector<8x8xf32>
      %max3A_3541 = vector.broadcast %slice3A_3519 : vector<8x1xf32> to vector<8x8xf32>
      %max3A_3542 = vector.broadcast %slice3A_3524 : vector<1x8xf32> to vector<8x8xf32>
      %max3A_3543 = arith.maximumf %max3A_3541, %max3A_3542 : vector<8x8xf32>
      %sub3A_3544 = arith.subf %min3A_3540, %max3A_3543 : vector<8x8xf32>
      %max3A_3545 = arith.constant 0.000000e+00 : f32
      %max3A_3546 = vector.broadcast %max3A_3545 : f32 to vector<8x8xf32>
      %max3A_3547 = arith.maximumf %sub3A_3544, %max3A_3546 : vector<8x8xf32>
      %mul3A_3548 = arith.mulf %max3A_3537, %max3A_3547 : vector<8x8xf32>
      %add3A_3549 = vector.broadcast %slice3A_3522 : vector<8x1xf32> to vector<8x8xf32>
      %add3A_3550 = vector.broadcast %slice3A_3527 : vector<1x8xf32> to vector<8x8xf32>
      %add3A_3551 = arith.addf %add3A_3549, %add3A_3550 : vector<8x8xf32>
      %sub3A_3552 = arith.subf %add3A_3551, %mul3A_3548 : vector<8x8xf32>
      %add3A_3553 = arith.constant 1.000000e-07 : f32
      %add3A_3554 = vector.broadcast %add3A_3553 : f32 to vector<8x8xf32>
      %add3A_3555 = arith.addf %sub3A_3552, %add3A_3554 : vector<8x8xf32>
      %div3A_3556 = arith.divf %mul3A_3548, %add3A_3555 : vector<8x8xf32>
      %gt3A_3557 = arith.constant 4.500000e-01 : f32
      %gt3A_3558 = vector.broadcast %gt3A_3557 : f32 to vector<8x8xf32>
      %gt3A_3559 = arith.cmpf ogt, %div3A_3556, %gt3A_3558 : vector<8x8xf32>
      %convert_element_type3A_3560 = arith.extui %gt3A_3559 : vector<8x8xi1> to vector<8x8xi32>
      %convert_element_type3A_3561 = arith.sitofp %convert_element_type3A_3560 : vector<8x8xi32> to vector<8x8xf32>
      %slice3A_3562 = vector.extract_strided_slice %slice3A_3517 {offsets = [0, 0], sizes = [1, 1], strides = [1, 1]} : vector<1x8xf32> to vector<1x1xf32>
      %slice3A_3563 = vector.extract_strided_slice %convert_element_type3A_3561 {offsets = [0, 0], sizes = [1, 8], strides = [1, 1]} : vector<8x8xf32> to vector<1x8xf32>
      %mul3A_3564 = vector.broadcast %slice3A_3562 : vector<1x1xf32> to vector<1x8xf32>
      %mul3A_3565 = arith.mulf %slice3A_3563, %mul3A_3564 : vector<1x8xf32>
      %gt3A_3566 = arith.constant 0 : i32
      %gt3A_3567 = vector.broadcast %gt3A_3566 : i32 to vector<1x8xi32>
      %gt3A_3568 = arith.cmpi sgt, %iota3A, %gt3A_3567 : vector<1x8xi32>
      %convert_element_type3A_3569 = arith.extui %gt3A_3568 : vector<1x8xi1> to vector<1x8xi32>
      %convert_element_type3A_3570 = arith.sitofp %convert_element_type3A_3569 : vector<1x8xi32> to vector<1x8xf32>
      %mul3A_3571 = arith.mulf %mul3A_3565, %convert_element_type3A_3570 : vector<1x8xf32>
      %sub3A_3572 = arith.constant 1.000000e+00 : f32
      %sub3A_3573 = vector.broadcast %sub3A_3572 : f32 to vector<1x8xf32>
      %sub3A_3574 = arith.subf %sub3A_3573, %mul3A_3571 : vector<1x8xf32>
      %mul3A_3575 = arith.mulf %slice3A_3517, %sub3A_3574 : vector<1x8xf32>
      %slice3A_3576 = vector.extract_strided_slice %mul3A_3575 {offsets = [0, 1], sizes = [1, 1], strides = [1, 1]} : vector<1x8xf32> to vector<1x1xf32>
      %slice3A_3577 = vector.extract_strided_slice %convert_element_type3A_3561 {offsets = [1, 0], sizes = [1, 8], strides = [1, 1]} : vector<8x8xf32> to vector<1x8xf32>
      %mul3A_3578 = vector.broadcast %slice3A_3576 : vector<1x1xf32> to vector<1x8xf32>
      %mul3A_3579 = arith.mulf %slice3A_3577, %mul3A_3578 : vector<1x8xf32>
      %gt3A_3580 = arith.constant 1 : i32
      %gt3A_3581 = vector.broadcast %gt3A_3580 : i32 to vector<1x8xi32>
      %gt3A_3582 = arith.cmpi sgt, %iota3A, %gt3A_3581 : vector<1x8xi32>
      %convert_element_type3A_3583 = arith.extui %gt3A_3582 : vector<1x8xi1> to vector<1x8xi32>
      %convert_element_type3A_3584 = arith.sitofp %convert_element_type3A_3583 : vector<1x8xi32> to vector<1x8xf32>
      %mul3A_3585 = arith.mulf %mul3A_3579, %convert_element_type3A_3584 : vector<1x8xf32>
      %sub3A_3586 = arith.constant 1.000000e+00 : f32
      %sub3A_3587 = vector.broadcast %sub3A_3586 : f32 to vector<1x8xf32>
      %sub3A_3588 = arith.subf %sub3A_3587, %mul3A_3585 : vector<1x8xf32>
      %mul3A_3589 = arith.mulf %mul3A_3575, %sub3A_3588 : vector<1x8xf32>
      %slice3A_3590 = vector.extract_strided_slice %mul3A_3589 {offsets = [0, 2], sizes = [1, 1], strides = [1, 1]} : vector<1x8xf32> to vector<1x1xf32>
      %slice3A_3591 = vector.extract_strided_slice %convert_element_type3A_3561 {offsets = [2, 0], sizes = [1, 8], strides = [1, 1]} : vector<8x8xf32> to vector<1x8xf32>
      %mul3A_3592 = vector.broadcast %slice3A_3590 : vector<1x1xf32> to vector<1x8xf32>
      %mul3A_3593 = arith.mulf %slice3A_3591, %mul3A_3592 : vector<1x8xf32>
      %gt3A_3594 = arith.constant 2 : i32
      %gt3A_3595 = vector.broadcast %gt3A_3594 : i32 to vector<1x8xi32>
      %gt3A_3596 = arith.cmpi sgt, %iota3A, %gt3A_3595 : vector<1x8xi32>
      %convert_element_type3A_3597 = arith.extui %gt3A_3596 : vector<1x8xi1> to vector<1x8xi32>
      %convert_element_type3A_3598 = arith.sitofp %convert_element_type3A_3597 : vector<1x8xi32> to vector<1x8xf32>
      %mul3A_3599 = arith.mulf %mul3A_3593, %convert_element_type3A_3598 : vector<1x8xf32>
      %sub3A_3600 = arith.constant 1.000000e+00 : f32
      %sub3A_3601 = vector.broadcast %sub3A_3600 : f32 to vector<1x8xf32>
      %sub3A_3602 = arith.subf %sub3A_3601, %mul3A_3599 : vector<1x8xf32>
      %mul3A_3603 = arith.mulf %mul3A_3589, %sub3A_3602 : vector<1x8xf32>
      %slice3A_3604 = vector.extract_strided_slice %mul3A_3603 {offsets = [0, 3], sizes = [1, 1], strides = [1, 1]} : vector<1x8xf32> to vector<1x1xf32>
      %slice3A_3605 = vector.extract_strided_slice %convert_element_type3A_3561 {offsets = [3, 0], sizes = [1, 8], strides = [1, 1]} : vector<8x8xf32> to vector<1x8xf32>
      %mul3A_3606 = vector.broadcast %slice3A_3604 : vector<1x1xf32> to vector<1x8xf32>
      %mul3A_3607 = arith.mulf %slice3A_3605, %mul3A_3606 : vector<1x8xf32>
      %gt3A_3608 = arith.constant 3 : i32
      %gt3A_3609 = vector.broadcast %gt3A_3608 : i32 to vector<1x8xi32>
      %gt3A_3610 = arith.cmpi sgt, %iota3A, %gt3A_3609 : vector<1x8xi32>
      %convert_element_type3A_3611 = arith.extui %gt3A_3610 : vector<1x8xi1> to vector<1x8xi32>
      %convert_element_type3A_3612 = arith.sitofp %convert_element_type3A_3611 : vector<1x8xi32> to vector<1x8xf32>
      %mul3A_3613 = arith.mulf %mul3A_3607, %convert_element_type3A_3612 : vector<1x8xf32>
      %sub3A_3614 = arith.constant 1.000000e+00 : f32
      %sub3A_3615 = vector.broadcast %sub3A_3614 : f32 to vector<1x8xf32>
      %sub3A_3616 = arith.subf %sub3A_3615, %mul3A_3613 : vector<1x8xf32>
      %mul3A_3617 = arith.mulf %mul3A_3603, %sub3A_3616 : vector<1x8xf32>
      %slice3A_3618 = vector.extract_strided_slice %mul3A_3617 {offsets = [0, 4], sizes = [1, 1], strides = [1, 1]} : vector<1x8xf32> to vector<1x1xf32>
      %slice3A_3619 = vector.extract_strided_slice %convert_element_type3A_3561 {offsets = [4, 0], sizes = [1, 8], strides = [1, 1]} : vector<8x8xf32> to vector<1x8xf32>
      %mul3A_3620 = vector.broadcast %slice3A_3618 : vector<1x1xf32> to vector<1x8xf32>
      %mul3A_3621 = arith.mulf %slice3A_3619, %mul3A_3620 : vector<1x8xf32>
      %gt3A_3622 = arith.constant 4 : i32
      %gt3A_3623 = vector.broadcast %gt3A_3622 : i32 to vector<1x8xi32>
      %gt3A_3624 = arith.cmpi sgt, %iota3A, %gt3A_3623 : vector<1x8xi32>
      %convert_element_type3A_3625 = arith.extui %gt3A_3624 : vector<1x8xi1> to vector<1x8xi32>
      %convert_element_type3A_3626 = arith.sitofp %convert_element_type3A_3625 : vector<1x8xi32> to vector<1x8xf32>
      %mul3A_3627 = arith.mulf %mul3A_3621, %convert_element_type3A_3626 : vector<1x8xf32>
      %sub3A_3628 = arith.constant 1.000000e+00 : f32
      %sub3A_3629 = vector.broadcast %sub3A_3628 : f32 to vector<1x8xf32>
      %sub3A_3630 = arith.subf %sub3A_3629, %mul3A_3627 : vector<1x8xf32>
      %mul3A_3631 = arith.mulf %mul3A_3617, %sub3A_3630 : vector<1x8xf32>
      %slice3A_3632 = vector.extract_strided_slice %mul3A_3631 {offsets = [0, 5], sizes = [1, 1], strides = [1, 1]} : vector<1x8xf32> to vector<1x1xf32>
      %slice3A_3633 = vector.extract_strided_slice %convert_element_type3A_3561 {offsets = [5, 0], sizes = [1, 8], strides = [1, 1]} : vector<8x8xf32> to vector<1x8xf32>
      %mul3A_3634 = vector.broadcast %slice3A_3632 : vector<1x1xf32> to vector<1x8xf32>
      %mul3A_3635 = arith.mulf %slice3A_3633, %mul3A_3634 : vector<1x8xf32>
      %gt3A_3636 = arith.constant 5 : i32
      %gt3A_3637 = vector.broadcast %gt3A_3636 : i32 to vector<1x8xi32>
      %gt3A_3638 = arith.cmpi sgt, %iota3A, %gt3A_3637 : vector<1x8xi32>
      %convert_element_type3A_3639 = arith.extui %gt3A_3638 : vector<1x8xi1> to vector<1x8xi32>
      %convert_element_type3A_3640 = arith.sitofp %convert_element_type3A_3639 : vector<1x8xi32> to vector<1x8xf32>
      %mul3A_3641 = arith.mulf %mul3A_3635, %convert_element_type3A_3640 : vector<1x8xf32>
      %sub3A_3642 = arith.constant 1.000000e+00 : f32
      %sub3A_3643 = vector.broadcast %sub3A_3642 : f32 to vector<1x8xf32>
      %sub3A_3644 = arith.subf %sub3A_3643, %mul3A_3641 : vector<1x8xf32>
      %mul3A_3645 = arith.mulf %mul3A_3631, %sub3A_3644 : vector<1x8xf32>
      %slice3A_3646 = vector.extract_strided_slice %mul3A_3645 {offsets = [0, 6], sizes = [1, 1], strides = [1, 1]} : vector<1x8xf32> to vector<1x1xf32>
      %slice3A_3647 = vector.extract_strided_slice %convert_element_type3A_3561 {offsets = [6, 0], sizes = [1, 8], strides = [1, 1]} : vector<8x8xf32> to vector<1x8xf32>
      %mul3A_3648 = vector.broadcast %slice3A_3646 : vector<1x1xf32> to vector<1x8xf32>
      %mul3A_3649 = arith.mulf %slice3A_3647, %mul3A_3648 : vector<1x8xf32>
      %gt3A_3650 = arith.constant 6 : i32
      %gt3A_3651 = vector.broadcast %gt3A_3650 : i32 to vector<1x8xi32>
      %gt3A_3652 = arith.cmpi sgt, %iota3A, %gt3A_3651 : vector<1x8xi32>
      %convert_element_type3A_3653 = arith.extui %gt3A_3652 : vector<1x8xi1> to vector<1x8xi32>
      %convert_element_type3A_3654 = arith.sitofp %convert_element_type3A_3653 : vector<1x8xi32> to vector<1x8xf32>
      %mul3A_3655 = arith.mulf %mul3A_3649, %convert_element_type3A_3654 : vector<1x8xf32>
      %sub3A_3656 = arith.constant 1.000000e+00 : f32
      %sub3A_3657 = vector.broadcast %sub3A_3656 : f32 to vector<1x8xf32>
      %sub3A_3658 = arith.subf %sub3A_3657, %mul3A_3655 : vector<1x8xf32>
      %mul3A_3659 = arith.mulf %mul3A_3645, %sub3A_3658 : vector<1x8xf32>
      %slice3A_3660 = vector.extract_strided_slice %mul3A_3659 {offsets = [0, 7], sizes = [1, 1], strides = [1, 1]} : vector<1x8xf32> to vector<1x1xf32>
      %slice3A_3661 = vector.extract_strided_slice %convert_element_type3A_3561 {offsets = [7, 0], sizes = [1, 8], strides = [1, 1]} : vector<8x8xf32> to vector<1x8xf32>
      %mul3A_3662 = vector.broadcast %slice3A_3660 : vector<1x1xf32> to vector<1x8xf32>
      %mul3A_3663 = arith.mulf %slice3A_3661, %mul3A_3662 : vector<1x8xf32>
      %gt3A_3664 = arith.constant 7 : i32
      %gt3A_3665 = vector.broadcast %gt3A_3664 : i32 to vector<1x8xi32>
      %gt3A_3666 = arith.cmpi sgt, %iota3A, %gt3A_3665 : vector<1x8xi32>
      %convert_element_type3A_3667 = arith.extui %gt3A_3666 : vector<1x8xi1> to vector<1x8xi32>
      %convert_element_type3A_3668 = arith.sitofp %convert_element_type3A_3667 : vector<1x8xi32> to vector<1x8xf32>
      %mul3A_3669 = arith.mulf %mul3A_3663, %convert_element_type3A_3668 : vector<1x8xf32>
      %sub3A_3670 = arith.constant 1.000000e+00 : f32
      %sub3A_3671 = vector.broadcast %sub3A_3670 : f32 to vector<1x8xf32>
      %sub3A_3672 = arith.subf %sub3A_3671, %mul3A_3669 : vector<1x8xf32>
      %mul3A_3673 = arith.mulf %mul3A_3659, %sub3A_3672 : vector<1x8xf32>
      %broadcast_in_dim3A_3674 = vector.shape_cast %mul3A_3673 : vector<1x8xf32> to vector<1x8xf32>
      %broadcast_in_dim3A_3675 = vector.broadcast %broadcast_in_dim3A_3674 : vector<1x8xf32> to vector<8x8xf32>
      %mul3A_3676 = arith.mulf %broadcast_in_dim3A_3675, %convert_element_type3A_58 : vector<8x8xf32>
      %reduce_sum3A_3677 = arith.constant dense<0.000000e+00> : vector<8xf32>
      %reduce_sum3A_3678 = vector.multi_reduction <add>, %mul3A_3676, %reduce_sum3A_3677 [1] : vector<8x8xf32> to vector<8xf32>
      %broadcast_in_dim3A_3679 = vector.shape_cast %reduce_sum3A_3678 : vector<8xf32> to vector<8x1xf32>
      %sub3A_3680 = arith.constant 1.000000e+00 : f32
      %sub3A_3681 = vector.broadcast %sub3A_3680 : f32 to vector<8x1xf32>
      %sub3A_3682 = arith.subf %sub3A_3681, %broadcast_in_dim3A_3679 : vector<8x1xf32>
      %mul3A_3683 = arith.constant 1.000000e+09 : f32
      %mul3A_3684 = vector.broadcast %mul3A_3683 : f32 to vector<8x1xf32>
      %mul3A_3685 = arith.mulf %sub3A_3682, %mul3A_3684 : vector<8x1xf32>
      %add3A_3686 = arith.addf %slice3A_3518, %mul3A_3685 : vector<8x1xf32>
      %min3A_3687 = vector.broadcast %slice3A_3520 : vector<8x1xf32> to vector<8x5120xf32>
      %min3A_3688 = vector.broadcast %get3A_46 : vector<1x5120xf32> to vector<8x5120xf32>
      %min3A_3689 = arith.minimumf %min3A_3687, %min3A_3688 : vector<8x5120xf32>
      %max3A_3690 = vector.broadcast %add3A_3686 : vector<8x1xf32> to vector<8x5120xf32>
      %max3A_3691 = vector.broadcast %get3A_40 : vector<1x5120xf32> to vector<8x5120xf32>
      %max3A_3692 = arith.maximumf %max3A_3690, %max3A_3691 : vector<8x5120xf32>
      %sub3A_3693 = arith.subf %min3A_3689, %max3A_3692 : vector<8x5120xf32>
      %max3A_3694 = arith.constant 0.000000e+00 : f32
      %max3A_3695 = vector.broadcast %max3A_3694 : f32 to vector<8x5120xf32>
      %max3A_3696 = arith.maximumf %sub3A_3693, %max3A_3695 : vector<8x5120xf32>
      %min3A_3697 = vector.broadcast %slice3A_3521 : vector<8x1xf32> to vector<8x5120xf32>
      %min3A_3698 = vector.broadcast %get3A_49 : vector<1x5120xf32> to vector<8x5120xf32>
      %min3A_3699 = arith.minimumf %min3A_3697, %min3A_3698 : vector<8x5120xf32>
      %max3A_3700 = vector.broadcast %slice3A_3519 : vector<8x1xf32> to vector<8x5120xf32>
      %max3A_3701 = vector.broadcast %get3A_43 : vector<1x5120xf32> to vector<8x5120xf32>
      %max3A_3702 = arith.maximumf %max3A_3700, %max3A_3701 : vector<8x5120xf32>
      %sub3A_3703 = arith.subf %min3A_3699, %max3A_3702 : vector<8x5120xf32>
      %max3A_3704 = arith.constant 0.000000e+00 : f32
      %max3A_3705 = vector.broadcast %max3A_3704 : f32 to vector<8x5120xf32>
      %max3A_3706 = arith.maximumf %sub3A_3703, %max3A_3705 : vector<8x5120xf32>
      %mul3A_3707 = arith.mulf %max3A_3696, %max3A_3706 : vector<8x5120xf32>
      %add3A_3708 = vector.broadcast %slice3A_3522 : vector<8x1xf32> to vector<8x5120xf32>
      %add3A_3709 = vector.broadcast %get3A_52 : vector<1x5120xf32> to vector<8x5120xf32>
      %add3A_3710 = arith.addf %add3A_3708, %add3A_3709 : vector<8x5120xf32>
      %sub3A_3711 = arith.subf %add3A_3710, %mul3A_3707 : vector<8x5120xf32>
      %add3A_3712 = arith.constant 1.000000e-07 : f32
      %add3A_3713 = vector.broadcast %add3A_3712 : f32 to vector<8x5120xf32>
      %add3A_3714 = arith.addf %sub3A_3711, %add3A_3713 : vector<8x5120xf32>
      %div3A_3715 = arith.divf %mul3A_3707, %add3A_3714 : vector<8x5120xf32>
      %reduce_max3A_3716 = arith.constant dense<0xFF800000> : vector<5120xf32>
      %reduce_max3A_3717 = vector.multi_reduction <maximumf>, %div3A_3715, %reduce_max3A_3716 [0] : vector<8x5120xf32> to vector<5120xf32>
      %broadcast_in_dim3A_3718 = vector.shape_cast %reduce_max3A_3717 : vector<5120xf32> to vector<1x5120xf32>
      %gt3A_3719 = arith.constant 4.500000e-01 : f32
      %gt3A_3720 = vector.broadcast %gt3A_3719 : f32 to vector<1x5120xf32>
      %gt3A_3721 = arith.cmpf ogt, %broadcast_in_dim3A_3718, %gt3A_3720 : vector<1x5120xf32>
      %add3A_3722 = arith.constant 112 : i32
      %add3A_3723 = arith.addi %mul3A_2, %add3A_3722 : i32
      %add3A_3724 = arith.constant 8 : i32
      %add3A_3725 = arith.addi %add3A_3723, %add3A_3724 : i32
      %ge3A_3726 = vector.broadcast %add3A_3725 : i32 to vector<1x5120xi32>
      %ge3A_3727 = arith.cmpi sge, %iota3A_53, %ge3A_3726 : vector<1x5120xi32>
      %get3A_3728 = arith.constant 0 : index
      %get3A_3729 = arith.constant 0 : index
      %get3A_3730 = vector.load %arg4[%get3A_3728, %get3A_3729] : memref<1x5120xf32, #tpu.memory_space<vmem>>, vector<1x5120xf32>
      %and3A_3731 = arith.andi %gt3A_3721, %ge3A_3727 : vector<1x5120xi1>
      %convert_element_type3A_3732 = arith.extui %and3A_3731 : vector<1x5120xi1> to vector<1x5120xi32>
      %convert_element_type3A_3733 = arith.sitofp %convert_element_type3A_3732 : vector<1x5120xi32> to vector<1x5120xf32>
      %sub3A_3734 = arith.constant 1.000000e+00 : f32
      %sub3A_3735 = vector.broadcast %sub3A_3734 : f32 to vector<1x5120xf32>
      %sub3A_3736 = arith.subf %sub3A_3735, %convert_element_type3A_3733 : vector<1x5120xf32>
      %mul3A_3737 = arith.mulf %get3A_3730, %sub3A_3736 : vector<1x5120xf32>
      %swap3A_3738 = arith.constant 0 : index
      %swap3A_3739 = arith.constant 0 : index
      %swap3A_3740 = vector.load %arg4[%swap3A_3738, %swap3A_3739] : memref<1x5120xf32, #tpu.memory_space<vmem>>, vector<1x5120xf32>
      tpu.vector_store %arg4[%swap3A_3738, %swap3A_3739], %mul3A_3737 {strides = array<i32>} : memref<1x5120xf32, #tpu.memory_space<vmem>>, vector<1x5120xf32>,
      %get3A_3741 = arith.constant 0 : index
      %get3A_3742 = arith.index_cast %mul3A_2 : i32 to index
      %get3A_3743 = vector.load %arg4[%get3A_3741, %get3A_3742] : memref<1x5120xf32, #tpu.memory_space<vmem>>, vector<1x128xf32>
      %iota3A_3744 = tpu.iota {dimensions = array<i32: 1>} : vector<1x128xi32>
      %ge3A_3745 = arith.constant 112 : i32
      %ge3A_3746 = vector.broadcast %ge3A_3745 : i32 to vector<1x128xi32>
      %ge3A_3747 = arith.cmpi sge, %iota3A_3744, %ge3A_3746 : vector<1x128xi32>
      %lt3A_3748 = arith.constant 120 : i32
      %lt3A_3749 = vector.broadcast %lt3A_3748 : i32 to vector<1x128xi32>
      %lt3A_3750 = arith.cmpi slt, %iota3A_3744, %lt3A_3749 : vector<1x128xi32>
      %and3A_3751 = arith.andi %ge3A_3747, %lt3A_3750 : vector<1x128xi1>
      %jit3A_3752 = arith.constant 0 : i32
      %convert_element_type3A_3753 = arith.sitofp %jit3A_3752 : i32 to f32
      %pad3A_3754 = vector.broadcast %convert_element_type3A_3753 : f32 to vector<1x112xf32>
      %pad3A_3755 = tpu.concatenate %pad3A_3754, %mul3A_3673 in 1 : vector<1x112xf32>, vector<1x8xf32> -> vector<1x120xf32>
      %pad3A_3756 = vector.broadcast %convert_element_type3A_3753 : f32 to vector<1x8xf32>
      %pad3A_3757 = tpu.concatenate %pad3A_3755, %pad3A_3756 in 1 : vector<1x120xf32>, vector<1x8xf32> -> vector<1x128xf32>
      %select_n3A_3758 = arith.select %and3A_3751, %pad3A_3757, %get3A_3743 : vector<1x128xi1>, vector<1x128xf32>
      %swap3A_3759 = arith.constant 0 : index
      %swap3A_3760 = arith.index_cast %mul3A_2 : i32 to index
      %swap3A_3761 = vector.load %arg4[%swap3A_3759, %swap3A_3760] : memref<1x5120xf32, #tpu.memory_space<vmem>>, vector<1x128xf32>
      tpu.vector_store %arg4[%swap3A_3759, %swap3A_3760], %select_n3A_3758 {strides = array<i32>} : memref<1x5120xf32, #tpu.memory_space<vmem>>, vector<1x128xf32>,
      %get3A_3762 = arith.constant 0 : index
      %get3A_3763 = arith.index_cast %mul3A_2 : i32 to index
      %get3A_3764 = vector.load %arg4[%get3A_3762, %get3A_3763] : memref<1x5120xf32, #tpu.memory_space<vmem>>, vector<1x128xf32>
      %slice3A_3765 = vector.extract_strided_slice %get3A_3764 {offsets = [0, 120], sizes = [1, 8], strides = [1, 1]} : vector<1x128xf32> to vector<1x8xf32>
      %slice3A_3766 = vector.extract_strided_slice %get3A_22 {offsets = [0, 75], sizes = [8, 1], strides = [1, 1]} : vector<8x128xf32> to vector<8x1xf32>
      %slice3A_3767 = vector.extract_strided_slice %get3A_22 {offsets = [0, 76], sizes = [8, 1], strides = [1, 1]} : vector<8x128xf32> to vector<8x1xf32>
      %slice3A_3768 = vector.extract_strided_slice %get3A_22 {offsets = [0, 77], sizes = [8, 1], strides = [1, 1]} : vector<8x128xf32> to vector<8x1xf32>
      %slice3A_3769 = vector.extract_strided_slice %get3A_22 {offsets = [0, 78], sizes = [8, 1], strides = [1, 1]} : vector<8x128xf32> to vector<8x1xf32>
      %slice3A_3770 = vector.extract_strided_slice %get3A_22 {offsets = [0, 79], sizes = [8, 1], strides = [1, 1]} : vector<8x128xf32> to vector<8x1xf32>
      %slice3A_3771 = vector.extract_strided_slice %get3A_25 {offsets = [0, 120], sizes = [1, 8], strides = [1, 1]} : vector<1x128xf32> to vector<1x8xf32>
      %slice3A_3772 = vector.extract_strided_slice %get3A_28 {offsets = [0, 120], sizes = [1, 8], strides = [1, 1]} : vector<1x128xf32> to vector<1x8xf32>
      %slice3A_3773 = vector.extract_strided_slice %get3A_31 {offsets = [0, 120], sizes = [1, 8], strides = [1, 1]} : vector<1x128xf32> to vector<1x8xf32>
      %slice3A_3774 = vector.extract_strided_slice %get3A_34 {offsets = [0, 120], sizes = [1, 8], strides = [1, 1]} : vector<1x128xf32> to vector<1x8xf32>
      %slice3A_3775 = vector.extract_strided_slice %get3A_37 {offsets = [0, 120], sizes = [1, 8], strides = [1, 1]} : vector<1x128xf32> to vector<1x8xf32>
      %min3A_3776 = vector.broadcast %slice3A_3768 : vector<8x1xf32> to vector<8x8xf32>
      %min3A_3777 = vector.broadcast %slice3A_3773 : vector<1x8xf32> to vector<8x8xf32>
      %min3A_3778 = arith.minimumf %min3A_3776, %min3A_3777 : vector<8x8xf32>
      %max3A_3779 = vector.broadcast %slice3A_3766 : vector<8x1xf32> to vector<8x8xf32>
      %max3A_3780 = vector.broadcast %slice3A_3771 : vector<1x8xf32> to vector<8x8xf32>
      %max3A_3781 = arith.maximumf %max3A_3779, %max3A_3780 : vector<8x8xf32>
      %sub3A_3782 = arith.subf %min3A_3778, %max3A_3781 : vector<8x8xf32>
      %max3A_3783 = arith.constant 0.000000e+00 : f32
      %max3A_3784 = vector.broadcast %max3A_3783 : f32 to vector<8x8xf32>
      %max3A_3785 = arith.maximumf %sub3A_3782, %max3A_3784 : vector<8x8xf32>
      %min3A_3786 = vector.broadcast %slice3A_3769 : vector<8x1xf32> to vector<8x8xf32>
      %min3A_3787 = vector.broadcast %slice3A_3774 : vector<1x8xf32> to vector<8x8xf32>
      %min3A_3788 = arith.minimumf %min3A_3786, %min3A_3787 : vector<8x8xf32>
      %max3A_3789 = vector.broadcast %slice3A_3767 : vector<8x1xf32> to vector<8x8xf32>
      %max3A_3790 = vector.broadcast %slice3A_3772 : vector<1x8xf32> to vector<8x8xf32>
      %max3A_3791 = arith.maximumf %max3A_3789, %max3A_3790 : vector<8x8xf32>
      %sub3A_3792 = arith.subf %min3A_3788, %max3A_3791 : vector<8x8xf32>
      %max3A_3793 = arith.constant 0.000000e+00 : f32
      %max3A_3794 = vector.broadcast %max3A_3793 : f32 to vector<8x8xf32>
      %max3A_3795 = arith.maximumf %sub3A_3792, %max3A_3794 : vector<8x8xf32>
      %mul3A_3796 = arith.mulf %max3A_3785, %max3A_3795 : vector<8x8xf32>
      %add3A_3797 = vector.broadcast %slice3A_3770 : vector<8x1xf32> to vector<8x8xf32>
      %add3A_3798 = vector.broadcast %slice3A_3775 : vector<1x8xf32> to vector<8x8xf32>
      %add3A_3799 = arith.addf %add3A_3797, %add3A_3798 : vector<8x8xf32>
      %sub3A_3800 = arith.subf %add3A_3799, %mul3A_3796 : vector<8x8xf32>
      %add3A_3801 = arith.constant 1.000000e-07 : f32
      %add3A_3802 = vector.broadcast %add3A_3801 : f32 to vector<8x8xf32>
      %add3A_3803 = arith.addf %sub3A_3800, %add3A_3802 : vector<8x8xf32>
      %div3A_3804 = arith.divf %mul3A_3796, %add3A_3803 : vector<8x8xf32>
      %gt3A_3805 = arith.constant 4.500000e-01 : f32
      %gt3A_3806 = vector.broadcast %gt3A_3805 : f32 to vector<8x8xf32>
      %gt3A_3807 = arith.cmpf ogt, %div3A_3804, %gt3A_3806 : vector<8x8xf32>
      %convert_element_type3A_3808 = arith.extui %gt3A_3807 : vector<8x8xi1> to vector<8x8xi32>
      %convert_element_type3A_3809 = arith.sitofp %convert_element_type3A_3808 : vector<8x8xi32> to vector<8x8xf32>
      %slice3A_3810 = vector.extract_strided_slice %slice3A_3765 {offsets = [0, 0], sizes = [1, 1], strides = [1, 1]} : vector<1x8xf32> to vector<1x1xf32>
      %slice3A_3811 = vector.extract_strided_slice %convert_element_type3A_3809 {offsets = [0, 0], sizes = [1, 8], strides = [1, 1]} : vector<8x8xf32> to vector<1x8xf32>
      %mul3A_3812 = vector.broadcast %slice3A_3810 : vector<1x1xf32> to vector<1x8xf32>
      %mul3A_3813 = arith.mulf %slice3A_3811, %mul3A_3812 : vector<1x8xf32>
      %gt3A_3814 = arith.constant 0 : i32
      %gt3A_3815 = vector.broadcast %gt3A_3814 : i32 to vector<1x8xi32>
      %gt3A_3816 = arith.cmpi sgt, %iota3A, %gt3A_3815 : vector<1x8xi32>
      %convert_element_type3A_3817 = arith.extui %gt3A_3816 : vector<1x8xi1> to vector<1x8xi32>
      %convert_element_type3A_3818 = arith.sitofp %convert_element_type3A_3817 : vector<1x8xi32> to vector<1x8xf32>
      %mul3A_3819 = arith.mulf %mul3A_3813, %convert_element_type3A_3818 : vector<1x8xf32>
      %sub3A_3820 = arith.constant 1.000000e+00 : f32
      %sub3A_3821 = vector.broadcast %sub3A_3820 : f32 to vector<1x8xf32>
      %sub3A_3822 = arith.subf %sub3A_3821, %mul3A_3819 : vector<1x8xf32>
      %mul3A_3823 = arith.mulf %slice3A_3765, %sub3A_3822 : vector<1x8xf32>
      %slice3A_3824 = vector.extract_strided_slice %mul3A_3823 {offsets = [0, 1], sizes = [1, 1], strides = [1, 1]} : vector<1x8xf32> to vector<1x1xf32>
      %slice3A_3825 = vector.extract_strided_slice %convert_element_type3A_3809 {offsets = [1, 0], sizes = [1, 8], strides = [1, 1]} : vector<8x8xf32> to vector<1x8xf32>
      %mul3A_3826 = vector.broadcast %slice3A_3824 : vector<1x1xf32> to vector<1x8xf32>
      %mul3A_3827 = arith.mulf %slice3A_3825, %mul3A_3826 : vector<1x8xf32>
      %gt3A_3828 = arith.constant 1 : i32
      %gt3A_3829 = vector.broadcast %gt3A_3828 : i32 to vector<1x8xi32>
      %gt3A_3830 = arith.cmpi sgt, %iota3A, %gt3A_3829 : vector<1x8xi32>
      %convert_element_type3A_3831 = arith.extui %gt3A_3830 : vector<1x8xi1> to vector<1x8xi32>
      %convert_element_type3A_3832 = arith.sitofp %convert_element_type3A_3831 : vector<1x8xi32> to vector<1x8xf32>
      %mul3A_3833 = arith.mulf %mul3A_3827, %convert_element_type3A_3832 : vector<1x8xf32>
      %sub3A_3834 = arith.constant 1.000000e+00 : f32
      %sub3A_3835 = vector.broadcast %sub3A_3834 : f32 to vector<1x8xf32>
      %sub3A_3836 = arith.subf %sub3A_3835, %mul3A_3833 : vector<1x8xf32>
      %mul3A_3837 = arith.mulf %mul3A_3823, %sub3A_3836 : vector<1x8xf32>
      %slice3A_3838 = vector.extract_strided_slice %mul3A_3837 {offsets = [0, 2], sizes = [1, 1], strides = [1, 1]} : vector<1x8xf32> to vector<1x1xf32>
      %slice3A_3839 = vector.extract_strided_slice %convert_element_type3A_3809 {offsets = [2, 0], sizes = [1, 8], strides = [1, 1]} : vector<8x8xf32> to vector<1x8xf32>
      %mul3A_3840 = vector.broadcast %slice3A_3838 : vector<1x1xf32> to vector<1x8xf32>
      %mul3A_3841 = arith.mulf %slice3A_3839, %mul3A_3840 : vector<1x8xf32>
      %gt3A_3842 = arith.constant 2 : i32
      %gt3A_3843 = vector.broadcast %gt3A_3842 : i32 to vector<1x8xi32>
      %gt3A_3844 = arith.cmpi sgt, %iota3A, %gt3A_3843 : vector<1x8xi32>
      %convert_element_type3A_3845 = arith.extui %gt3A_3844 : vector<1x8xi1> to vector<1x8xi32>
      %convert_element_type3A_3846 = arith.sitofp %convert_element_type3A_3845 : vector<1x8xi32> to vector<1x8xf32>
      %mul3A_3847 = arith.mulf %mul3A_3841, %convert_element_type3A_3846 : vector<1x8xf32>
      %sub3A_3848 = arith.constant 1.000000e+00 : f32
      %sub3A_3849 = vector.broadcast %sub3A_3848 : f32 to vector<1x8xf32>
      %sub3A_3850 = arith.subf %sub3A_3849, %mul3A_3847 : vector<1x8xf32>
      %mul3A_3851 = arith.mulf %mul3A_3837, %sub3A_3850 : vector<1x8xf32>
      %slice3A_3852 = vector.extract_strided_slice %mul3A_3851 {offsets = [0, 3], sizes = [1, 1], strides = [1, 1]} : vector<1x8xf32> to vector<1x1xf32>
      %slice3A_3853 = vector.extract_strided_slice %convert_element_type3A_3809 {offsets = [3, 0], sizes = [1, 8], strides = [1, 1]} : vector<8x8xf32> to vector<1x8xf32>
      %mul3A_3854 = vector.broadcast %slice3A_3852 : vector<1x1xf32> to vector<1x8xf32>
      %mul3A_3855 = arith.mulf %slice3A_3853, %mul3A_3854 : vector<1x8xf32>
      %gt3A_3856 = arith.constant 3 : i32
      %gt3A_3857 = vector.broadcast %gt3A_3856 : i32 to vector<1x8xi32>
      %gt3A_3858 = arith.cmpi sgt, %iota3A, %gt3A_3857 : vector<1x8xi32>
      %convert_element_type3A_3859 = arith.extui %gt3A_3858 : vector<1x8xi1> to vector<1x8xi32>
      %convert_element_type3A_3860 = arith.sitofp %convert_element_type3A_3859 : vector<1x8xi32> to vector<1x8xf32>
      %mul3A_3861 = arith.mulf %mul3A_3855, %convert_element_type3A_3860 : vector<1x8xf32>
      %sub3A_3862 = arith.constant 1.000000e+00 : f32
      %sub3A_3863 = vector.broadcast %sub3A_3862 : f32 to vector<1x8xf32>
      %sub3A_3864 = arith.subf %sub3A_3863, %mul3A_3861 : vector<1x8xf32>
      %mul3A_3865 = arith.mulf %mul3A_3851, %sub3A_3864 : vector<1x8xf32>
      %slice3A_3866 = vector.extract_strided_slice %mul3A_3865 {offsets = [0, 4], sizes = [1, 1], strides = [1, 1]} : vector<1x8xf32> to vector<1x1xf32>
      %slice3A_3867 = vector.extract_strided_slice %convert_element_type3A_3809 {offsets = [4, 0], sizes = [1, 8], strides = [1, 1]} : vector<8x8xf32> to vector<1x8xf32>
      %mul3A_3868 = vector.broadcast %slice3A_3866 : vector<1x1xf32> to vector<1x8xf32>
      %mul3A_3869 = arith.mulf %slice3A_3867, %mul3A_3868 : vector<1x8xf32>
      %gt3A_3870 = arith.constant 4 : i32
      %gt3A_3871 = vector.broadcast %gt3A_3870 : i32 to vector<1x8xi32>
      %gt3A_3872 = arith.cmpi sgt, %iota3A, %gt3A_3871 : vector<1x8xi32>
      %convert_element_type3A_3873 = arith.extui %gt3A_3872 : vector<1x8xi1> to vector<1x8xi32>
      %convert_element_type3A_3874 = arith.sitofp %convert_element_type3A_3873 : vector<1x8xi32> to vector<1x8xf32>
      %mul3A_3875 = arith.mulf %mul3A_3869, %convert_element_type3A_3874 : vector<1x8xf32>
      %sub3A_3876 = arith.constant 1.000000e+00 : f32
      %sub3A_3877 = vector.broadcast %sub3A_3876 : f32 to vector<1x8xf32>
      %sub3A_3878 = arith.subf %sub3A_3877, %mul3A_3875 : vector<1x8xf32>
      %mul3A_3879 = arith.mulf %mul3A_3865, %sub3A_3878 : vector<1x8xf32>
      %slice3A_3880 = vector.extract_strided_slice %mul3A_3879 {offsets = [0, 5], sizes = [1, 1], strides = [1, 1]} : vector<1x8xf32> to vector<1x1xf32>
      %slice3A_3881 = vector.extract_strided_slice %convert_element_type3A_3809 {offsets = [5, 0], sizes = [1, 8], strides = [1, 1]} : vector<8x8xf32> to vector<1x8xf32>
      %mul3A_3882 = vector.broadcast %slice3A_3880 : vector<1x1xf32> to vector<1x8xf32>
      %mul3A_3883 = arith.mulf %slice3A_3881, %mul3A_3882 : vector<1x8xf32>
      %gt3A_3884 = arith.constant 5 : i32
      %gt3A_3885 = vector.broadcast %gt3A_3884 : i32 to vector<1x8xi32>
      %gt3A_3886 = arith.cmpi sgt, %iota3A, %gt3A_3885 : vector<1x8xi32>
      %convert_element_type3A_3887 = arith.extui %gt3A_3886 : vector<1x8xi1> to vector<1x8xi32>
      %convert_element_type3A_3888 = arith.sitofp %convert_element_type3A_3887 : vector<1x8xi32> to vector<1x8xf32>
      %mul3A_3889 = arith.mulf %mul3A_3883, %convert_element_type3A_3888 : vector<1x8xf32>
      %sub3A_3890 = arith.constant 1.000000e+00 : f32
      %sub3A_3891 = vector.broadcast %sub3A_3890 : f32 to vector<1x8xf32>
      %sub3A_3892 = arith.subf %sub3A_3891, %mul3A_3889 : vector<1x8xf32>
      %mul3A_3893 = arith.mulf %mul3A_3879, %sub3A_3892 : vector<1x8xf32>
      %slice3A_3894 = vector.extract_strided_slice %mul3A_3893 {offsets = [0, 6], sizes = [1, 1], strides = [1, 1]} : vector<1x8xf32> to vector<1x1xf32>
      %slice3A_3895 = vector.extract_strided_slice %convert_element_type3A_3809 {offsets = [6, 0], sizes = [1, 8], strides = [1, 1]} : vector<8x8xf32> to vector<1x8xf32>
      %mul3A_3896 = vector.broadcast %slice3A_3894 : vector<1x1xf32> to vector<1x8xf32>
      %mul3A_3897 = arith.mulf %slice3A_3895, %mul3A_3896 : vector<1x8xf32>
      %gt3A_3898 = arith.constant 6 : i32
      %gt3A_3899 = vector.broadcast %gt3A_3898 : i32 to vector<1x8xi32>
      %gt3A_3900 = arith.cmpi sgt, %iota3A, %gt3A_3899 : vector<1x8xi32>
      %convert_element_type3A_3901 = arith.extui %gt3A_3900 : vector<1x8xi1> to vector<1x8xi32>
      %convert_element_type3A_3902 = arith.sitofp %convert_element_type3A_3901 : vector<1x8xi32> to vector<1x8xf32>
      %mul3A_3903 = arith.mulf %mul3A_3897, %convert_element_type3A_3902 : vector<1x8xf32>
      %sub3A_3904 = arith.constant 1.000000e+00 : f32
      %sub3A_3905 = vector.broadcast %sub3A_3904 : f32 to vector<1x8xf32>
      %sub3A_3906 = arith.subf %sub3A_3905, %mul3A_3903 : vector<1x8xf32>
      %mul3A_3907 = arith.mulf %mul3A_3893, %sub3A_3906 : vector<1x8xf32>
      %slice3A_3908 = vector.extract_strided_slice %mul3A_3907 {offsets = [0, 7], sizes = [1, 1], strides = [1, 1]} : vector<1x8xf32> to vector<1x1xf32>
      %slice3A_3909 = vector.extract_strided_slice %convert_element_type3A_3809 {offsets = [7, 0], sizes = [1, 8], strides = [1, 1]} : vector<8x8xf32> to vector<1x8xf32>
      %mul3A_3910 = vector.broadcast %slice3A_3908 : vector<1x1xf32> to vector<1x8xf32>
      %mul3A_3911 = arith.mulf %slice3A_3909, %mul3A_3910 : vector<1x8xf32>
      %gt3A_3912 = arith.constant 7 : i32
      %gt3A_3913 = vector.broadcast %gt3A_3912 : i32 to vector<1x8xi32>
      %gt3A_3914 = arith.cmpi sgt, %iota3A, %gt3A_3913 : vector<1x8xi32>
      %convert_element_type3A_3915 = arith.extui %gt3A_3914 : vector<1x8xi1> to vector<1x8xi32>
      %convert_element_type3A_3916 = arith.sitofp %convert_element_type3A_3915 : vector<1x8xi32> to vector<1x8xf32>
      %mul3A_3917 = arith.mulf %mul3A_3911, %convert_element_type3A_3916 : vector<1x8xf32>
      %sub3A_3918 = arith.constant 1.000000e+00 : f32
      %sub3A_3919 = vector.broadcast %sub3A_3918 : f32 to vector<1x8xf32>
      %sub3A_3920 = arith.subf %sub3A_3919, %mul3A_3917 : vector<1x8xf32>
      %mul3A_3921 = arith.mulf %mul3A_3907, %sub3A_3920 : vector<1x8xf32>
      %broadcast_in_dim3A_3922 = vector.shape_cast %mul3A_3921 : vector<1x8xf32> to vector<1x8xf32>
      %broadcast_in_dim3A_3923 = vector.broadcast %broadcast_in_dim3A_3922 : vector<1x8xf32> to vector<8x8xf32>
      %mul3A_3924 = arith.mulf %broadcast_in_dim3A_3923, %convert_element_type3A_58 : vector<8x8xf32>
      %reduce_sum3A_3925 = arith.constant dense<0.000000e+00> : vector<8xf32>
      %reduce_sum3A_3926 = vector.multi_reduction <add>, %mul3A_3924, %reduce_sum3A_3925 [1] : vector<8x8xf32> to vector<8xf32>
      %broadcast_in_dim3A_3927 = vector.shape_cast %reduce_sum3A_3926 : vector<8xf32> to vector<8x1xf32>
      %sub3A_3928 = arith.constant 1.000000e+00 : f32
      %sub3A_3929 = vector.broadcast %sub3A_3928 : f32 to vector<8x1xf32>
      %sub3A_3930 = arith.subf %sub3A_3929, %broadcast_in_dim3A_3927 : vector<8x1xf32>
      %mul3A_3931 = arith.constant 1.000000e+09 : f32
      %mul3A_3932 = vector.broadcast %mul3A_3931 : f32 to vector<8x1xf32>
      %mul3A_3933 = arith.mulf %sub3A_3930, %mul3A_3932 : vector<8x1xf32>
      %add3A_3934 = arith.addf %slice3A_3766, %mul3A_3933 : vector<8x1xf32>
      %min3A_3935 = vector.broadcast %slice3A_3768 : vector<8x1xf32> to vector<8x5120xf32>
      %min3A_3936 = vector.broadcast %get3A_46 : vector<1x5120xf32> to vector<8x5120xf32>
      %min3A_3937 = arith.minimumf %min3A_3935, %min3A_3936 : vector<8x5120xf32>
      %max3A_3938 = vector.broadcast %add3A_3934 : vector<8x1xf32> to vector<8x5120xf32>
      %max3A_3939 = vector.broadcast %get3A_40 : vector<1x5120xf32> to vector<8x5120xf32>
      %max3A_3940 = arith.maximumf %max3A_3938, %max3A_3939 : vector<8x5120xf32>
      %sub3A_3941 = arith.subf %min3A_3937, %max3A_3940 : vector<8x5120xf32>
      %max3A_3942 = arith.constant 0.000000e+00 : f32
      %max3A_3943 = vector.broadcast %max3A_3942 : f32 to vector<8x5120xf32>
      %max3A_3944 = arith.maximumf %sub3A_3941, %max3A_3943 : vector<8x5120xf32>
      %min3A_3945 = vector.broadcast %slice3A_3769 : vector<8x1xf32> to vector<8x5120xf32>
      %min3A_3946 = vector.broadcast %get3A_49 : vector<1x5120xf32> to vector<8x5120xf32>
      %min3A_3947 = arith.minimumf %min3A_3945, %min3A_3946 : vector<8x5120xf32>
      %max3A_3948 = vector.broadcast %slice3A_3767 : vector<8x1xf32> to vector<8x5120xf32>
      %max3A_3949 = vector.broadcast %get3A_43 : vector<1x5120xf32> to vector<8x5120xf32>
      %max3A_3950 = arith.maximumf %max3A_3948, %max3A_3949 : vector<8x5120xf32>
      %sub3A_3951 = arith.subf %min3A_3947, %max3A_3950 : vector<8x5120xf32>
      %max3A_3952 = arith.constant 0.000000e+00 : f32
      %max3A_3953 = vector.broadcast %max3A_3952 : f32 to vector<8x5120xf32>
      %max3A_3954 = arith.maximumf %sub3A_3951, %max3A_3953 : vector<8x5120xf32>
      %mul3A_3955 = arith.mulf %max3A_3944, %max3A_3954 : vector<8x5120xf32>
      %add3A_3956 = vector.broadcast %slice3A_3770 : vector<8x1xf32> to vector<8x5120xf32>
      %add3A_3957 = vector.broadcast %get3A_52 : vector<1x5120xf32> to vector<8x5120xf32>
      %add3A_3958 = arith.addf %add3A_3956, %add3A_3957 : vector<8x5120xf32>
      %sub3A_3959 = arith.subf %add3A_3958, %mul3A_3955 : vector<8x5120xf32>
      %add3A_3960 = arith.constant 1.000000e-07 : f32
      %add3A_3961 = vector.broadcast %add3A_3960 : f32 to vector<8x5120xf32>
      %add3A_3962 = arith.addf %sub3A_3959, %add3A_3961 : vector<8x5120xf32>
      %div3A_3963 = arith.divf %mul3A_3955, %add3A_3962 : vector<8x5120xf32>
      %reduce_max3A_3964 = arith.constant dense<0xFF800000> : vector<5120xf32>
      %reduce_max3A_3965 = vector.multi_reduction <maximumf>, %div3A_3963, %reduce_max3A_3964 [0] : vector<8x5120xf32> to vector<5120xf32>
      %broadcast_in_dim3A_3966 = vector.shape_cast %reduce_max3A_3965 : vector<5120xf32> to vector<1x5120xf32>
      %gt3A_3967 = arith.constant 4.500000e-01 : f32
      %gt3A_3968 = vector.broadcast %gt3A_3967 : f32 to vector<1x5120xf32>
      %gt3A_3969 = arith.cmpf ogt, %broadcast_in_dim3A_3966, %gt3A_3968 : vector<1x5120xf32>
      %add3A_3970 = arith.constant 120 : i32
      %add3A_3971 = arith.addi %mul3A_2, %add3A_3970 : i32
      %add3A_3972 = arith.constant 8 : i32
      %add3A_3973 = arith.addi %add3A_3971, %add3A_3972 : i32
      %ge3A_3974 = vector.broadcast %add3A_3973 : i32 to vector<1x5120xi32>
      %ge3A_3975 = arith.cmpi sge, %iota3A_53, %ge3A_3974 : vector<1x5120xi32>
      %get3A_3976 = arith.constant 0 : index
      %get3A_3977 = arith.constant 0 : index
      %get3A_3978 = vector.load %arg4[%get3A_3976, %get3A_3977] : memref<1x5120xf32, #tpu.memory_space<vmem>>, vector<1x5120xf32>
      %and3A_3979 = arith.andi %gt3A_3969, %ge3A_3975 : vector<1x5120xi1>
      %convert_element_type3A_3980 = arith.extui %and3A_3979 : vector<1x5120xi1> to vector<1x5120xi32>
      %convert_element_type3A_3981 = arith.sitofp %convert_element_type3A_3980 : vector<1x5120xi32> to vector<1x5120xf32>
      %sub3A_3982 = arith.constant 1.000000e+00 : f32
      %sub3A_3983 = vector.broadcast %sub3A_3982 : f32 to vector<1x5120xf32>
      %sub3A_3984 = arith.subf %sub3A_3983, %convert_element_type3A_3981 : vector<1x5120xf32>
      %mul3A_3985 = arith.mulf %get3A_3978, %sub3A_3984 : vector<1x5120xf32>
      %swap3A_3986 = arith.constant 0 : index
      %swap3A_3987 = arith.constant 0 : index
      %swap3A_3988 = vector.load %arg4[%swap3A_3986, %swap3A_3987] : memref<1x5120xf32, #tpu.memory_space<vmem>>, vector<1x5120xf32>
      tpu.vector_store %arg4[%swap3A_3986, %swap3A_3987], %mul3A_3985 {strides = array<i32>} : memref<1x5120xf32, #tpu.memory_space<vmem>>, vector<1x5120xf32>,
      %get3A_3989 = arith.constant 0 : index
      %get3A_3990 = arith.index_cast %mul3A_2 : i32 to index
      %get3A_3991 = vector.load %arg4[%get3A_3989, %get3A_3990] : memref<1x5120xf32, #tpu.memory_space<vmem>>, vector<1x128xf32>
      %iota3A_3992 = tpu.iota {dimensions = array<i32: 1>} : vector<1x128xi32>
      %ge3A_3993 = arith.constant 120 : i32
      %ge3A_3994 = vector.broadcast %ge3A_3993 : i32 to vector<1x128xi32>
      %ge3A_3995 = arith.cmpi sge, %iota3A_3992, %ge3A_3994 : vector<1x128xi32>
      %lt3A_3996 = arith.constant 128 : i32
      %lt3A_3997 = vector.broadcast %lt3A_3996 : i32 to vector<1x128xi32>
      %lt3A_3998 = arith.cmpi slt, %iota3A_3992, %lt3A_3997 : vector<1x128xi32>
      %and3A_3999 = arith.andi %ge3A_3995, %lt3A_3998 : vector<1x128xi1>
      %jit3A_4000 = arith.constant 0 : i32
      %convert_element_type3A_4001 = arith.sitofp %jit3A_4000 : i32 to f32
      %pad3A_4002 = vector.broadcast %convert_element_type3A_4001 : f32 to vector<1x120xf32>
      %pad3A_4003 = tpu.concatenate %pad3A_4002, %mul3A_3921 in 1 : vector<1x120xf32>, vector<1x8xf32> -> vector<1x128xf32>
      %select_n3A_4004 = arith.select %and3A_3999, %pad3A_4003, %get3A_3991 : vector<1x128xi1>, vector<1x128xf32>
      %swap3A_4005 = arith.constant 0 : index
      %swap3A_4006 = arith.index_cast %mul3A_2 : i32 to index
      %swap3A_4007 = vector.load %arg4[%swap3A_4005, %swap3A_4006] : memref<1x5120xf32, #tpu.memory_space<vmem>>, vector<1x128xf32>
      tpu.vector_store %arg4[%swap3A_4005, %swap3A_4006], %select_n3A_4004 {strides = array<i32>} : memref<1x5120xf32, #tpu.memory_space<vmem>>, vector<1x128xf32>,
    } else {
    }
    %eq3A_13 = arith.constant 39 : i32
    %eq3A_14 = arith.cmpi eq, %arg0, %eq3A_13 : i32
    %convert_element_type3A_15 = arith.extui %eq3A_14 : i1 to i32
    %cond3A_16 = arith.constant 0 : i32
    %cond3A_17 = arith.cmpi ne, %convert_element_type3A_15, %cond3A_16 : i32
    scf.if %cond3A_17 {
      %get3A_18 = arith.constant 0 : index
      %get3A_19 = arith.constant 0 : index
      %get3A_20 = vector.load %arg4[%get3A_18, %get3A_19] : memref<1x5120xf32, #tpu.memory_space<vmem>>, vector<1x5120xf32>
      %swap3A = arith.constant 0 : index
      %swap3A_21 = arith.constant 0 : index
      %swap3A_22 = vector.load %arg3[%swap3A, %swap3A_21] : memref<1x5120xf32, #tpu.memory_space<vmem>>, vector<1x5120xf32>
      tpu.vector_store %arg3[%swap3A, %swap3A_21], %get3A_20 {strides = array<i32>} : memref<1x5120xf32, #tpu.memory_space<vmem>>, vector<1x5120xf32>,
    } else {
    }
    return
  }
  func.func @transform_0(%arg0: i32) -> (i32, i32) {
    %c0_i32 = arith.constant 0 : i32
    %c0_i32_0 = arith.constant 0 : i32
    %c0_i32_1 = arith.constant 0 : i32
    return %c0_i32, %c0_i32_0 : i32, i32
  }
  func.func @transform_1(%arg0: i32) -> (i32, i32, i32) {
    %c0_i32 = arith.constant 0 : i32
    %c0_i32_0 = arith.constant 0 : i32
    %c0_i32_1 = arith.constant 0 : i32
    return %arg0, %c0_i32, %c0_i32_0 : i32, i32, i32
  }
  func.func @transform_2(%arg0: i32) -> (i32, i32) {
    %c0_i32 = arith.constant 0 : i32
    %c0_i32_0 = arith.constant 0 : i32
    %c0_i32_1 = arith.constant 0 : i32
    return %c0_i32, %c0_i32_0 : i32, i32
  }
}

module attributes {stable_mosaic.version = 14 : i64} {
  func.func @_mask_kernel(%arg0: i32, %arg1: memref<8x8xf32, #tpu.memory_space<vmem>>, %arg2: memref<8x32xf32, #tpu.memory_space<vmem>>, %arg3: memref<32x25600xf32, #tpu.memory_space<vmem>>, %arg4: memref<8x25600xi8, #tpu.memory_space<vmem>>, %arg5: memref<8x8xf32, #tpu.memory_space<vmem>>) attributes {dimension_semantics = [#tpu.dimension_semantics<arbitrary>], iteration_bounds = array<i64: 38>, scalar_prefetch = 0 : i64, scratch_operands = 0 : i64, tpu.core_type = #tpu.core_type<tc>, window_params = [{transform_indices = @transform_0, window_bounds = array<i64: 8, 8>}, {transform_indices = @transform_1, window_bounds = array<i64: 8, 32>}, {pipeline_mode = #tpu.pipeline_mode<synchronous>, transform_indices = @transform_2, window_bounds = array<i64: 32, 25600>}, {transform_indices = @transform_3, window_bounds = array<i64: 8, 25600>}, {transform_indices = @transform_4, window_bounds = array<i64: 8, 8>}]} {
    %get3A = arith.constant 0 : index
    %get3A_0 = arith.constant 0 : index
    %get3A_1 = vector.load %arg1[%get3A, %get3A_0] : memref<8x8xf32, #tpu.memory_space<vmem>>, vector<8x8xf32>
    %slice3A = vector.extract_strided_slice %get3A_1 {offsets = [0, 0], sizes = [8, 1], strides = [1, 1]} : vector<8x8xf32> to vector<8x1xf32>
    %jit3A = arith.constant 0.000000e+00 : f32
    %jit3A_2 = arith.constant 6.400000e+02 : f32
    %max3A = vector.broadcast %jit3A : f32 to vector<8x1xf32>
    %max3A_3 = arith.maximumf %max3A, %slice3A : vector<8x1xf32>
    %min3A = vector.broadcast %jit3A_2 : f32 to vector<8x1xf32>
    %min3A_4 = arith.minimumf %min3A, %max3A_3 : vector<8x1xf32>
    %slice3A_5 = vector.extract_strided_slice %get3A_1 {offsets = [0, 1], sizes = [8, 1], strides = [1, 1]} : vector<8x8xf32> to vector<8x1xf32>
    %jit3A_6 = arith.constant 0.000000e+00 : f32
    %jit3A_7 = arith.constant 6.400000e+02 : f32
    %max3A_8 = vector.broadcast %jit3A_6 : f32 to vector<8x1xf32>
    %max3A_9 = arith.maximumf %max3A_8, %slice3A_5 : vector<8x1xf32>
    %min3A_10 = vector.broadcast %jit3A_7 : f32 to vector<8x1xf32>
    %min3A_11 = arith.minimumf %min3A_10, %max3A_9 : vector<8x1xf32>
    %slice3A_12 = vector.extract_strided_slice %get3A_1 {offsets = [0, 2], sizes = [8, 1], strides = [1, 1]} : vector<8x8xf32> to vector<8x1xf32>
    %jit3A_13 = arith.constant 0.000000e+00 : f32
    %jit3A_14 = arith.constant 6.400000e+02 : f32
    %max3A_15 = vector.broadcast %jit3A_13 : f32 to vector<8x1xf32>
    %max3A_16 = arith.maximumf %max3A_15, %slice3A_12 : vector<8x1xf32>
    %min3A_17 = vector.broadcast %jit3A_14 : f32 to vector<8x1xf32>
    %min3A_18 = arith.minimumf %min3A_17, %max3A_16 : vector<8x1xf32>
    %slice3A_19 = vector.extract_strided_slice %get3A_1 {offsets = [0, 3], sizes = [8, 1], strides = [1, 1]} : vector<8x8xf32> to vector<8x1xf32>
    %jit3A_20 = arith.constant 0.000000e+00 : f32
    %jit3A_21 = arith.constant 6.400000e+02 : f32
    %max3A_22 = vector.broadcast %jit3A_20 : f32 to vector<8x1xf32>
    %max3A_23 = arith.maximumf %max3A_22, %slice3A_19 : vector<8x1xf32>
    %min3A_24 = vector.broadcast %jit3A_21 : f32 to vector<8x1xf32>
    %min3A_25 = arith.minimumf %min3A_24, %max3A_23 : vector<8x1xf32>
    %slice3A_26 = vector.extract_strided_slice %get3A_1 {offsets = [0, 6], sizes = [8, 1], strides = [1, 1]} : vector<8x8xf32> to vector<8x1xf32>
    %gt3A = arith.constant 0.000000e+00 : f32
    %gt3A_27 = vector.broadcast %gt3A : f32 to vector<8x1xf32>
    %gt3A_28 = arith.cmpf ogt, %slice3A_26, %gt3A_27 : vector<8x1xf32>
    %broadcast_in_dim3A = arith.constant 0.000000e+00 : f32
    %broadcast_in_dim3A_29 = vector.broadcast %broadcast_in_dim3A : f32 to vector<8x1xf32>
    %jit3A_30 = arith.constant 0.000000e+00 : f32
    %broadcast_in_dim3A_31 = vector.broadcast %jit3A_30 : f32 to vector<8x1xf32>
    %select_n3A = arith.select %gt3A_28, %min3A_4, %broadcast_in_dim3A_31 : vector<8x1xi1>, vector<8x1xf32>
    %swap3A = arith.constant 0 : index
    %swap3A_32 = arith.constant 0 : index
    %swap3A_33 = vector.load %arg5[%swap3A, %swap3A_32] : memref<8x8xf32, #tpu.memory_space<vmem>>, vector<8x1xf32>
    tpu.vector_store %arg5[%swap3A, %swap3A_32], %select_n3A {strides = array<i32>} : memref<8x8xf32, #tpu.memory_space<vmem>>, vector<8x1xf32>,
    %jit3A_34 = arith.constant 0.000000e+00 : f32
    %broadcast_in_dim3A_35 = vector.broadcast %jit3A_34 : f32 to vector<8x1xf32>
    %select_n3A_36 = arith.select %gt3A_28, %min3A_11, %broadcast_in_dim3A_35 : vector<8x1xi1>, vector<8x1xf32>
    %swap3A_37 = arith.constant 0 : index
    %swap3A_38 = arith.constant 1 : index
    %swap3A_39 = vector.load %arg5[%swap3A_37, %swap3A_38] : memref<8x8xf32, #tpu.memory_space<vmem>>, vector<8x1xf32>
    tpu.vector_store %arg5[%swap3A_37, %swap3A_38], %select_n3A_36 {strides = array<i32>} : memref<8x8xf32, #tpu.memory_space<vmem>>, vector<8x1xf32>,
    %jit3A_40 = arith.constant 0.000000e+00 : f32
    %broadcast_in_dim3A_41 = vector.broadcast %jit3A_40 : f32 to vector<8x1xf32>
    %select_n3A_42 = arith.select %gt3A_28, %min3A_18, %broadcast_in_dim3A_41 : vector<8x1xi1>, vector<8x1xf32>
    %swap3A_43 = arith.constant 0 : index
    %swap3A_44 = arith.constant 2 : index
    %swap3A_45 = vector.load %arg5[%swap3A_43, %swap3A_44] : memref<8x8xf32, #tpu.memory_space<vmem>>, vector<8x1xf32>
    tpu.vector_store %arg5[%swap3A_43, %swap3A_44], %select_n3A_42 {strides = array<i32>} : memref<8x8xf32, #tpu.memory_space<vmem>>, vector<8x1xf32>,
    %jit3A_46 = arith.constant 0.000000e+00 : f32
    %broadcast_in_dim3A_47 = vector.broadcast %jit3A_46 : f32 to vector<8x1xf32>
    %select_n3A_48 = arith.select %gt3A_28, %min3A_25, %broadcast_in_dim3A_47 : vector<8x1xi1>, vector<8x1xf32>
    %swap3A_49 = arith.constant 0 : index
    %swap3A_50 = arith.constant 3 : index
    %swap3A_51 = vector.load %arg5[%swap3A_49, %swap3A_50] : memref<8x8xf32, #tpu.memory_space<vmem>>, vector<8x1xf32>
    tpu.vector_store %arg5[%swap3A_49, %swap3A_50], %select_n3A_48 {strides = array<i32>} : memref<8x8xf32, #tpu.memory_space<vmem>>, vector<8x1xf32>,
    %slice3A_52 = vector.extract_strided_slice %get3A_1 {offsets = [0, 4], sizes = [8, 1], strides = [1, 1]} : vector<8x8xf32> to vector<8x1xf32>
    %jit3A_53 = arith.constant 0.000000e+00 : f32
    %broadcast_in_dim3A_54 = vector.broadcast %jit3A_53 : f32 to vector<8x1xf32>
    %select_n3A_55 = arith.select %gt3A_28, %slice3A_52, %broadcast_in_dim3A_54 : vector<8x1xi1>, vector<8x1xf32>
    %swap3A_56 = arith.constant 0 : index
    %swap3A_57 = arith.constant 4 : index
    %swap3A_58 = vector.load %arg5[%swap3A_56, %swap3A_57] : memref<8x8xf32, #tpu.memory_space<vmem>>, vector<8x1xf32>
    tpu.vector_store %arg5[%swap3A_56, %swap3A_57], %select_n3A_55 {strides = array<i32>} : memref<8x8xf32, #tpu.memory_space<vmem>>, vector<8x1xf32>,
    %slice3A_59 = vector.extract_strided_slice %get3A_1 {offsets = [0, 5], sizes = [8, 1], strides = [1, 1]} : vector<8x8xf32> to vector<8x1xf32>
    %jit3A_60 = arith.constant 0.000000e+00 : f32
    %broadcast_in_dim3A_61 = vector.broadcast %jit3A_60 : f32 to vector<8x1xf32>
    %select_n3A_62 = arith.select %gt3A_28, %slice3A_59, %broadcast_in_dim3A_61 : vector<8x1xi1>, vector<8x1xf32>
    %swap3A_63 = arith.constant 0 : index
    %swap3A_64 = arith.constant 5 : index
    %swap3A_65 = vector.load %arg5[%swap3A_63, %swap3A_64] : memref<8x8xf32, #tpu.memory_space<vmem>>, vector<8x1xf32>
    tpu.vector_store %arg5[%swap3A_63, %swap3A_64], %select_n3A_62 {strides = array<i32>} : memref<8x8xf32, #tpu.memory_space<vmem>>, vector<8x1xf32>,
    %swap3A_66 = arith.constant 0 : index
    %swap3A_67 = arith.constant 6 : index
    %swap3A_68 = vector.load %arg5[%swap3A_66, %swap3A_67] : memref<8x8xf32, #tpu.memory_space<vmem>>, vector<8x1xf32>
    tpu.vector_store %arg5[%swap3A_66, %swap3A_67], %broadcast_in_dim3A_29 {strides = array<i32>} : memref<8x8xf32, #tpu.memory_space<vmem>>, vector<8x1xf32>,
    %swap3A_69 = arith.constant 0 : index
    %swap3A_70 = arith.constant 7 : index
    %swap3A_71 = vector.load %arg5[%swap3A_69, %swap3A_70] : memref<8x8xf32, #tpu.memory_space<vmem>>, vector<8x1xf32>
    tpu.vector_store %arg5[%swap3A_69, %swap3A_70], %broadcast_in_dim3A_29 {strides = array<i32>} : memref<8x8xf32, #tpu.memory_space<vmem>>, vector<8x1xf32>,
    %get3A_72 = arith.constant 0 : index
    %get3A_73 = arith.constant 0 : index
    %get3A_74 = vector.load %arg2[%get3A_72, %get3A_73] : memref<8x32xf32, #tpu.memory_space<vmem>>, vector<8x32xf32>
    %get3A_75 = arith.constant 0 : index
    %get3A_76 = arith.constant 0 : index
    %get3A_77 = vector.load %arg3[%get3A_75, %get3A_76] : memref<32x25600xf32, #tpu.memory_space<vmem>>, vector<32x25600xf32>
    %dot_general3A = arith.constant dense<0.000000e+00> : vector<8x25600xf32>
    %dot_general3A_78 = tpu.matmul %get3A_74, %get3A_77, %dot_general3A {dimension_numbers = #tpu.dot_dimension_numbers<[1], [0], [0], [1], [0, 0, 1, 1], [], []>, precision = #tpu.contract_precision<fp32>, transpose_lhs_hint = false} : vector<8x32xf32>, vector<32x25600xf32>, vector<8x25600xf32> -> vector<8x25600xf32>
    %iota3A = tpu.iota {dimensions = array<i32: 1>} : vector<8x25600xi32>
    %jit3A_79 = arith.constant 160 : i32
    %eq3A = arith.constant 0 : i32
    %eq3A_80 = arith.cmpi eq, %jit3A_79, %eq3A : i32
    %jit3A_81 = arith.constant 1 : i32
    %select_n3A_82 = arith.select %eq3A_80, %jit3A_81, %jit3A_79 : i32
    %rem3A = vector.broadcast %select_n3A_82 : i32 to vector<8x25600xi32>
    %rem3A_83 = arith.remsi %iota3A, %rem3A : vector<8x25600xi32>
    %ne3A = arith.constant 0 : i32
    %ne3A_84 = vector.broadcast %ne3A : i32 to vector<8x25600xi32>
    %ne3A_85 = arith.cmpi ne, %rem3A_83, %ne3A_84 : vector<8x25600xi32>
    %lt3A = arith.constant 0 : i32
    %lt3A_86 = vector.broadcast %lt3A : i32 to vector<8x25600xi32>
    %lt3A_87 = arith.cmpi slt, %rem3A_83, %lt3A_86 : vector<8x25600xi32>
    %lt3A_88 = arith.constant 0 : i32
    %lt3A_89 = arith.cmpi slt, %select_n3A_82, %lt3A_88 : i32
    %ne3A_90 = vector.broadcast %lt3A_89 : i1 to vector<8x25600xi1>
    %ne3A_91 = vector.broadcast %ne3A_90 : vector<8x25600xi1> to vector<8x25600xi1>
    %ne3A_92 = arith.xori %lt3A_87, %ne3A_91 : vector<8x25600xi1>
    %and3A = arith.andi %ne3A_92, %ne3A_85 : vector<8x25600xi1>
    %add3A = vector.broadcast %select_n3A_82 : i32 to vector<8x25600xi32>
    %add3A_93 = arith.addi %rem3A_83, %add3A : vector<8x25600xi32>
    %select_n3A_94 = arith.select %and3A, %add3A_93, %rem3A_83 : vector<8x25600xi1>, vector<8x25600xi32>
    %convert_element_type3A = arith.sitofp %select_n3A_94 : vector<8x25600xi32> to vector<8x25600xf32>
    %jit3A_95 = arith.constant 160 : i32
    %div3A = vector.broadcast %jit3A_95 : i32 to vector<8x25600xi32>
    %div3A_96 = arith.divsi %iota3A, %div3A : vector<8x25600xi32>
    %sign3A = arith.constant 0 : i32
    %sign3A_97 = vector.broadcast %sign3A : i32 to vector<8x25600xi32>
    %sign3A_98 = arith.cmpi sgt, %iota3A, %sign3A_97 : vector<8x25600xi32>
    %sign3A_99 = arith.extui %sign3A_98 : vector<8x25600xi1> to vector<8x25600xi32>
    %sign3A_100 = arith.constant 0 : i32
    %sign3A_101 = vector.broadcast %sign3A_100 : i32 to vector<8x25600xi32>
    %sign3A_102 = arith.cmpi slt, %iota3A, %sign3A_101 : vector<8x25600xi32>
    %sign3A_103 = arith.extui %sign3A_102 : vector<8x25600xi1> to vector<8x25600xi32>
    %sign3A_104 = arith.subi %sign3A_99, %sign3A_103 : vector<8x25600xi32>
    %sign3A_105 = arith.constant 0 : i32
    %sign3A_106 = arith.cmpi sgt, %jit3A_95, %sign3A_105 : i32
    %sign3A_107 = arith.extui %sign3A_106 : i1 to i32
    %sign3A_108 = arith.constant 0 : i32
    %sign3A_109 = arith.cmpi slt, %jit3A_95, %sign3A_108 : i32
    %sign3A_110 = arith.extui %sign3A_109 : i1 to i32
    %sign3A_111 = arith.subi %sign3A_107, %sign3A_110 : i32
    %ne3A_112 = vector.broadcast %sign3A_111 : i32 to vector<8x25600xi32>
    %ne3A_113 = arith.cmpi ne, %sign3A_104, %ne3A_112 : vector<8x25600xi32>
    %rem3A_114 = vector.broadcast %jit3A_95 : i32 to vector<8x25600xi32>
    %rem3A_115 = arith.remsi %iota3A, %rem3A_114 : vector<8x25600xi32>
    %ne3A_116 = arith.constant 0 : i32
    %ne3A_117 = vector.broadcast %ne3A_116 : i32 to vector<8x25600xi32>
    %ne3A_118 = arith.cmpi ne, %rem3A_115, %ne3A_117 : vector<8x25600xi32>
    %and3A_119 = arith.andi %ne3A_113, %ne3A_118 : vector<8x25600xi1>
    %sub3A = arith.constant 1 : i32
    %sub3A_120 = vector.broadcast %sub3A : i32 to vector<8x25600xi32>
    %sub3A_121 = arith.subi %div3A_96, %sub3A_120 : vector<8x25600xi32>
    %select_n3A_122 = arith.select %and3A_119, %sub3A_121, %div3A_96 : vector<8x25600xi1>, vector<8x25600xi32>
    %convert_element_type3A_123 = arith.sitofp %select_n3A_122 : vector<8x25600xi32> to vector<8x25600xf32>
    %mul3A = arith.constant 2.500000e-01 : f32
    %mul3A_124 = vector.broadcast %mul3A : f32 to vector<8x1xf32>
    %mul3A_125 = arith.mulf %min3A_4, %mul3A_124 : vector<8x1xf32>
    %ge3A = vector.broadcast %mul3A_125 : vector<8x1xf32> to vector<8x25600xf32>
    %ge3A_126 = arith.cmpf oge, %convert_element_type3A, %ge3A : vector<8x25600xf32>
    %mul3A_127 = arith.constant 2.500000e-01 : f32
    %mul3A_128 = vector.broadcast %mul3A_127 : f32 to vector<8x1xf32>
    %mul3A_129 = arith.mulf %min3A_18, %mul3A_128 : vector<8x1xf32>
    %lt3A_130 = vector.broadcast %mul3A_129 : vector<8x1xf32> to vector<8x25600xf32>
    %lt3A_131 = arith.cmpf olt, %convert_element_type3A, %lt3A_130 : vector<8x25600xf32>
    %and3A_132 = arith.andi %ge3A_126, %lt3A_131 : vector<8x25600xi1>
    %mul3A_133 = arith.constant 2.500000e-01 : f32
    %mul3A_134 = vector.broadcast %mul3A_133 : f32 to vector<8x1xf32>
    %mul3A_135 = arith.mulf %min3A_11, %mul3A_134 : vector<8x1xf32>
    %ge3A_136 = vector.broadcast %mul3A_135 : vector<8x1xf32> to vector<8x25600xf32>
    %ge3A_137 = arith.cmpf oge, %convert_element_type3A_123, %ge3A_136 : vector<8x25600xf32>
    %and3A_138 = arith.andi %and3A_132, %ge3A_137 : vector<8x25600xi1>
    %mul3A_139 = arith.constant 2.500000e-01 : f32
    %mul3A_140 = vector.broadcast %mul3A_139 : f32 to vector<8x1xf32>
    %mul3A_141 = arith.mulf %min3A_25, %mul3A_140 : vector<8x1xf32>
    %lt3A_142 = vector.broadcast %mul3A_141 : vector<8x1xf32> to vector<8x25600xf32>
    %lt3A_143 = arith.cmpf olt, %convert_element_type3A_123, %lt3A_142 : vector<8x25600xf32>
    %and3A_144 = arith.andi %and3A_138, %lt3A_143 : vector<8x25600xi1>
    %gt3A_145 = arith.constant 0.000000e+00 : f32
    %gt3A_146 = vector.broadcast %gt3A_145 : f32 to vector<8x25600xf32>
    %gt3A_147 = arith.cmpf ogt, %dot_general3A_78, %gt3A_146 : vector<8x25600xf32>
    %and3A_148 = arith.andi %gt3A_147, %and3A_144 : vector<8x25600xi1>
    %and3A_149 = vector.broadcast %gt3A_28 : vector<8x1xi1> to vector<8x25600xi1>
    %and3A_150 = arith.andi %and3A_148, %and3A_149 : vector<8x25600xi1>
    %convert_element_type3A_151 = arith.extui %and3A_150 : vector<8x25600xi1> to vector<8x25600xi8>
    %swap3A_152 = arith.constant 0 : index
    %swap3A_153 = arith.constant 0 : index
    %swap3A_154 = vector.load %arg4[%swap3A_152, %swap3A_153] : memref<8x25600xi8, #tpu.memory_space<vmem>>, vector<8x25600xi8>
    tpu.vector_store %arg4[%swap3A_152, %swap3A_153], %convert_element_type3A_151 {strides = array<i32>} : memref<8x25600xi8, #tpu.memory_space<vmem>>, vector<8x25600xi8>,
    return
  }
  func.func @transform_0(%arg0: i32) -> (i32, i32) {
    %c0_i32 = arith.constant 0 : i32
    %c0_i32_0 = arith.constant 0 : i32
    return %arg0, %c0_i32 : i32, i32
  }
  func.func @transform_1(%arg0: i32) -> (i32, i32) {
    %c0_i32 = arith.constant 0 : i32
    %c0_i32_0 = arith.constant 0 : i32
    return %arg0, %c0_i32 : i32, i32
  }
  func.func @transform_2(%arg0: i32) -> (i32, i32) {
    %c0_i32 = arith.constant 0 : i32
    %c0_i32_0 = arith.constant 0 : i32
    %c0_i32_1 = arith.constant 0 : i32
    return %c0_i32, %c0_i32_0 : i32, i32
  }
  func.func @transform_3(%arg0: i32) -> (i32, i32) {
    %c0_i32 = arith.constant 0 : i32
    %c0_i32_0 = arith.constant 0 : i32
    return %arg0, %c0_i32 : i32, i32
  }
  func.func @transform_4(%arg0: i32) -> (i32, i32) {
    %c0_i32 = arith.constant 0 : i32
    %c0_i32_0 = arith.constant 0 : i32
    return %arg0, %c0_i32 : i32, i32
  }
}

</mosaic_0001>

<sc_bundles>
// kernel: gather_offload_async_start.1
scs
__scs_entry_jumppad:
0x0: {  	(pc) =	sbr.rel $0x88, $3  }
0x1: {  	(tag) =	ssettag $0x0;
	lr =	simm.s32 $0x1  }
0x2: {  	[smem:$0x3F9F] =	sst lr;
	_ =	strace $0xD0000000  }
0x3: {  	_ = 	snop  }
0x4: {  	_ = 	snop  }
0x5: {  	_ = 	snop  }
0x6: {  	_ = 	snop  }
0x7: {  	_ = 	snop  }
__scs_overlays_trampoline_lowered:
0x8: {  	[smem:$0x3FAE] =	sst s0  }
0x9: {  	[smem:$0x3FAF] =	sst s1  }
0xa: {  	[smem:$0x3FB0] =	sst s2  }
0xb: {  	[smem:$0x3FB1] =	sst s3  }
0xc: {  	[smem:$0x3FB2] =	sst s4  }
0xd: {  	[smem:$0x3FB3] =	sst s5  }
0xe: {  	[smem:$0x3FB4] =	sst s6  }
0xf: {  	[smem:$0x3FB5] =	sst s7  }
0x10: {  	[smem:$0x3FB6] =	sst s8  }
0x11: {  	[smem:$0x3FB7] =	sst s9;
	s0 =	simm.s32 @!p0 $0x0  }
0x12: {  	s1 =	sld [smem:$0x3F9D];
	s0 =	simm.s32 @p0 $0x1  }
0x13: {  	[smem:$0x3FB8] =	sst s0;
	s0 =	simm.s32 @!p1 $0x0  }
0x14: {  	s2 =	sld [smem:$0x3F9C];
	s0 =	simm.s32 @p1 $0x1  }
0x15: {  	[smem:$0x3FB9] =	sst s0;
	s0 =	simm.s32 @!p2 $0x0  }
0x16: {  	s3 =	sld [smem:$0x3FDB];
	s0 =	simm.s32 @p2 $0x1  }
0x17: {  	s4 =	simm.s32 $0x1BF5;
	[smem:$0x3FBB] =	sst s0  }
0x18: {  	s0 =	sld [smem:$0x3F9E];
	_ =	swait.ge [sflag:s4], $0x0  }
0x19: {  	s7 =	sld [smem:$0x3F9F]  }
0x1a: {  	s8 =	sadd.s32 $0xFFFFE003, lr  }
0x1b: {  	s9 =	sadd.s32 $0xFFFFFEF7, lr;
	s5 =	simm.s32 $0xFFFFFFFF;
	p2 =	slt.u32 s8, $0xFFFFF086  }
0x1c: {  	p1 =	slt.u32 s9, $0xF7A;
	s5 =	simm.s32 @!p2 $0x0  }
0x1d: {  	s5 =	simm.s32 @p1 $0x1;
	p0 =	seq.s32 s7, s2  }
0x1e: {  	s7 =	smul.u32 @!p0 $0xF7A, s2;
	p2 =	seq.s32 @!p0 s5, $0x0  }
0x1f: {  	s9 =	smul.u32 $0xF7A, s1;
	s8 =	simm.s32 @!p0 $0x1BF5;
	p2 =	por !p2, p0  }
0x20: {  	[sflag:s8] =	ssyncset.s32 @!p0 $0xFFFFF086;
	s6 =	sadd.s32 @!p0 s3, s7;
	s7 =	simm.s32 @!p0 $0x108  }
0x21: {  	s3 =	sadd.s32 s3, s9;
	s6 =	sadd.s32 @!p0 $0x88, s6;
	s7 =	simm.s32 @p2 $0x1082  }
0x22: {  	[simem:s7], [sflag:s8] =	dma.local @!p0 [hbm:s6], $0xF7A  }
0x23: {  	s9 =	sor.u32 $0xD0000000, s2;
	s6 =	simm.s32 $0x108;
	_ =	swait.ge @!p0 [sflag:s8], $0x0  }
0x24: {  	s3 =	sadd.s32 $0x88, s3;
	s6 =	simm.s32 @!p1 $0x1082;
	[sflag:s4] =	ssyncset.s32 $0xFFFFF086  }
0x25: {  	[simem:s6], [sflag:s4] =	dma.local [hbm:s3], $0xF7A  }
0x26: {  	[smem:$0x3F9F] =	sst s1;
	(tag) =	ssettag s2;
	_ =	strace s9  }
0x27: {  	s1 =	sld [smem:$0x3FAF]  }
0x28: {  	s2 =	sld [smem:$0x3FB0]  }
0x29: {  	s4 =	sld [smem:$0x3FB2]  }
0x2a: {  	p0 =	seq.s32 s5, $0x0;
	s5 =	sld [smem:$0x3FB3]  }
0x2b: {  	s6 =	sld [smem:$0x3FB4]  }
0x2c: {  	s7 =	sld [smem:$0x3FB5]  }
0x2d: {  	s3 =	simm.s32 $0x108;
	s8 =	sld [smem:$0x3FB6]  }
0x2e: {  	s3 =	simm.s32 @!p0 $0x1082;
	s9 =	sld [smem:$0x3FB7]  }
0x2f: {  	lr =	sadd.s32 s0, s3;
	s0 =	sld [smem:$0x3FAE]  }
0x30: {  	s3 =	sld [smem:$0x3FB1]  }
0x31: {  	[smem:$0x3FBA] =	sst s10  }
0x32: {  	s10 =	sld [smem:$0x3FB8];
	_ =	sdelay $0x3  }
0x33: {  	p0 =	seq.s32 s10, $0x1;
	s10 =	sld [smem:$0x3FBA];
	_ =	sdelay $0x3  }
0x34: {  	[smem:$0x3FBA] =	sst s10  }
0x35: {  	s10 =	sld [smem:$0x3FB9];
	_ =	sdelay $0x3  }
0x36: {  	p1 =	seq.s32 s10, $0x1;
	s10 =	sld [smem:$0x3FBA];
	_ =	sdelay $0x3  }
0x37: {  	[smem:$0x3FBA] =	sst s10  }
0x38: {  	s10 =	sld [smem:$0x3FBB]  }
0x39: {  	_ = 	snop;
	(pc) =	sbr.ind lr, $3  }
0x3a: {  	_ = 	snop  }
0x3b: {  	_ = 	snop  }
0x3c: {  	p2 =	seq.s32 s10, $0x1;
	s10 =	sld [smem:$0x3FBA]  }
0x3d: {  	_ =	shalt  }
0x3e: {  	_ =	shalt  }
0x3f: {  	_ =	shalt  }
0x40: {  	_ =	shalt  }
0x41: {  	_ =	shalt  }
0x42: {  	_ =	shalt  }
0x43: {  	_ =	shalt  }
0x44: {  	_ =	shalt  }
0x45: {  	_ =	shalt  }
0x46: {  	_ =	shalt  }
0x47: {  	_ =	shalt  }
0x48: {  	_ =	shalt  }
0x49: {  	_ =	shalt  }
0x4a: {  	_ =	shalt  }
0x4b: {  	_ =	shalt  }
0x4c: {  	_ =	shalt  }
0x4d: {  	_ =	shalt  }
0x4e: {  	_ =	shalt  }
0x4f: {  	_ =	shalt  }
0x50: {  	_ =	shalt  }
0x51: {  	_ =	shalt  }
0x52: {  	_ =	shalt  }
0x53: {  	_ =	shalt  }
0x54: {  	_ =	shalt  }
0x55: {  	_ =	shalt  }
0x56: {  	_ =	shalt  }
0x57: {  	_ =	shalt  }
0x58: {  	_ =	shalt  }
0x59: {  	_ =	shalt  }
0x5a: {  	_ =	shalt  }
0x5b: {  	_ =	shalt  }
0x5c: {  	_ =	shalt  }
0x5d: {  	_ =	shalt  }
0x5e: {  	_ =	shalt  }
0x5f: {  	_ =	shalt  }
0x60: {  	_ =	shalt  }
0x61: {  	_ =	shalt  }
0x62: {  	_ =	shalt  }
0x63: {  	_ =	shalt  }
0x64: {  	_ =	shalt  }
0x65: {  	_ =	shalt  }
0x66: {  	_ =	shalt  }
0x67: {  	_ =	shalt  }
0x68: {  	_ =	shalt  }
0x69: {  	_ =	shalt  }
0x6a: {  	_ =	shalt  }
0x6b: {  	_ =	shalt  }
0x6c: {  	_ =	shalt  }
0x6d: {  	_ =	shalt  }
0x6e: {  	_ =	shalt  }
0x6f: {  	_ =	shalt  }
0x70: {  	_ =	shalt  }
0x71: {  	_ =	shalt  }
0x72: {  	_ =	shalt  }
0x73: {  	_ =	shalt  }
0x74: {  	_ =	shalt  }
0x75: {  	_ =	shalt  }
0x76: {  	_ =	shalt  }
0x77: {  	_ =	shalt  }
0x78: {  	_ =	shalt  }
0x79: {  	_ =	shalt  }
0x7a: {  	_ =	shalt  }
0x7b: {  	_ =	shalt  }
0x7c: {  	_ =	shalt  }
0x7d: {  	_ =	shalt  }
0x7e: {  	_ =	shalt  }
0x7f: {  	_ =	shalt  }
0x80: {  	_ =	shalt  }
0x81: {  	_ =	shalt  }
0x82: {  	_ =	shalt  }
0x83: {  	_ =	shalt  }
0x84: {  	_ =	shalt  }
0x85: {  	_ =	shalt  }
0x86: {  	_ =	shalt  }
0x87: {  	_ =	shalt  }
.Lfunc_end0:
.L_simem_size_0:
called_computation.1_lowered:
.L_overlay_start_0:
0x88: {  	s0 =	sld [smem:$0x3FD9]  }
0x89: {  	s1 =	sld [smem:$0x3FFE];
	_ =	sdelay $0x3  }
0x8a: {  	s0 =	sadd.s32 s1, s0  }
0x8b: {  	[smem:$0x3FC6] =	sst s0  }
0x8c: {  	_ = 	snop  }
0x8d: {  	(tm) =	ssettm $0x1  }
0x8e: {  	s15 =	sld [smem:$0x3FFB];
	_ =	sdelay $0x3  }
0x8f: {  	_ =	strace s15  }
0x90: {  	s0 =	sld [smem:$0x3FFC];
	_ =	sdelay $0x3  }
0x91: {  	_ =	strace s0  }
0x92: {  	s0 =	sld [smem:$0x3FFD];
	_ =	sdelay $0x3  }
0x93: {  	_ =	strace s0  }
0x94: {  	_ =	strace $0x8FFFFFFF  }
0x95: {  	s16 =	sld [smem:$0x3FDB];
	_ =	sdelay $0x1  }
0x96: {  	s17 =	simm.s32 $_scs_section_size  }
0x97: {  	s2 =	simm.s32 $_size__tile_overlayer_lowered;
	s3 =	simm.s32 $_tile_overlayer_lowered  }
0x98: {  	s20 =	simm.s32 $0x1BFF;
	s19 =	sshll.u32 s3, $0x1;
	s0 =	sadd.s32 s17, s16  }
0x99: {  	s4 =	simm.s32 $0x0;
	s18 =	sshll.u32 s2, $0x1;
	s2 =	sadd.s32 s19, s0  }
0x9a: {  	[timem:s4], [sflag:s20] =	dma.local [hbm:s2], s18  }
0x9b: {  	_ =	swait.ge [sflag:s20], s18  }
0x9c: {  	s1 =	ssub.s32 $0x0, s18;
	[sflag:s20] =	ssyncset.done $0x0  }
0x9d: {  	[sflag:s20] =	ssyncadd.s32 s1;
	_ =	sdelay $0x1  }
0x9e: {  	s21 =	simm.s32 $0x1B8B  }
0x9f: {  	_ =	swait.ge [sflag:s21], $0x1  }
0xa0: {  	[sflag:s21] =	ssyncset.done $0x0  }
0xa1: {  	s23 =	simm.s32 $0x1B8E;
	s22 =	sld [smem:$0x3FFE];
	[sflag:s21] =	ssyncadd.s32 $0xFFFFFFFF  }
0xa2: {  	s24 =	simm.s32 $execute0_lowered;
	[smem:$0x3FD2] =	sst s23  }
0xa3: {  	s2 =	sshll.u32 s24, $0x1;
	_ =	strace $0x80000046;
	[dreg:$0x1] =	wrdreg $0xFFFFFFFF  }
0xa4: {  	s25 =	simm.s32 $_size_execute0_lowered;
	s0 =	sadd.s32 s0, s2;
	[dreg:$0x0] =	wrdreg $0x0  }
0xa5: {  	s2 =	sshll.u32 s25, $0x1;
	[dreg:$0x2] =	wrdreg s0  }
0xa6: {  	[dreg:$0x3] =	wrdreg s2  }
0xa7: {  	[dreg:$0x4] =	wrdreg $0xC0  }
0xa8: {  	_ =	task [dreg:s4], $0x5FFFF  }
0xa9: {  	[dreg:$0x1] =	wrdreg $0xFFFFFFFF  }
0xaa: {  	[dreg:$0x0] =	wrdreg $0x60  }
0xab: {  	[dreg:$0x2] =	wrdreg s22  }
0xac: {  	[dreg:$0x3] =	wrdreg $0xA  }
0xad: {  	_ =	task.clear_ibuf [dreg:s4], $0x4FFFF;
	_ =	strace $0x90000046  }
0xae: {  	s26 =	simm.s32 $0xA;
	_ =	strace $0x80000048  }
0xaf: {  	_ =	swait.ge [sflag:s26], $0x1  }
0xb0: {  	[sflag:s26] =	ssyncadd.s32 $0xFFFFFFFF  }
0xb1: {  	_ =	strace $0x90000048  }
0xb2: {  	_ =	sfence  }
0xb3: {  	s28 =	sld [smem:$0x0];
	_ =	sdelay $0x1  }
0xb4: {  	s29 =	srdreg.scid  }
0xb5: {  	s30 =	sshll.u32 s29, $0xD;
	s31 =	sshrl.u32 s29, $0x2  }
0xb6: {  	s1 =	sand.u32 $0x1, s29;
	s2 =	sand.u32 $0x4000, s30;
	s0 =	sadd.s32 s31, s28  }
0xb7: {  	s1 =	sor.u32 s2, s1;
	s0 =	sshll.u32 s0, $0x11  }
0xb8: {  	s0 =	sor.u32 s0, s1  }
0xb9: {  	s0 =	sadd.s32 $0x8F2B, s0  }
0xba: {  	[sflag:s0] =	ssyncadd.remote.s32 $0x1  }
0xbb: {  	_ =	sfence.sel $0xFFFF  }
0xbc: {  	[dreg:$0x0] =	wrdreg $0xFFFFFFFF;
	(pc) =	sbr.abs _section_cstart, $3  }
0xbd: {  	[dreg:$0x1] =	wrdreg $0xFFFFFFFF  }
0xbe: {  	_ =	task.clear_ibuf [dreg:s4], $0x2FFFF;
	_ =	strace $0x9FFFFFFF  }
0xbf: {  	(tm) =	ssettm $0x7FFFFFFF  }
tec
execute0_lowered:
.L_overlay_start_1:
0x0: {  	(tag) =	ssettag $0x1  }
0x1: {  	s2 =	rddreg [dreg:$0x0]  }
0x2: {  	s0 =	rddreg [dreg:$0x1];
	s1 =	stileid.u32;
	_ =	strace $0x80000047  }
0x3: {  	s6 =	simm.s32 $0x1;
	s8 =	simm.s32 $0x2;
	s30 =	simm.s32 $0x3  }
0x4: {  	s12 =	simm.s32 $0x0;
	s9 =	simm.s32 $0x0;
	s4 =	sshll.u32 s1, $0x4  }
0x5: {  	s10 =	simm.s32 $0x0;
	s3 =	sadd.s32 $0x1400, s2;
	s7 =	ssub.s32 $0x1380, s4  }
0x6: {  	s5 =	sadd.s32 $0x1800, s2;
	[sflag:s6] =	ssyncpa.u1 $0x0;
	s6 =	sshrl.u32 s7, $0x8  }
0x7: {  	[sflag:s8] =	ssyncpa.u1 $0x0;
	s11 =	smov.u32 s4;
	s31 =	sshll.u32 s6, $0x4  }
0x8: {  	[sflag:s30] =	ssyncpa.u1 $0x0;
	s7 =	sadd.s32 $0x2, s6;
	s8 =	sadd.s32 $0x30, s31  }
.LBB2_1:
0x9: {  	p0 =	sgt.u32 s10, s6  }
0xa: {  	s13 =	sxor.u32 @!p0 $0xFFFFFFFF, s9;
	s14 =	sshrl.u32 @!p0 s11, $0x3  }
0xb: {  	s15 =	sand.u32 @!p0 $0x7, s11;
	s13 =	sand.u32 @!p0 $0x10, s13;
	s14 =	sadd.s32 @!p0 s3, s14  }
0xc: {  	[tilespmem:s13], [sflag:$0x2] =	stream.linear.gather @!p0 [hbm4b:s14+s15], $0x10, $0x38;
	[tilespmem:$0x40] =	vst v63  }
0xd: {  	p0 =	seq.s32 s9, $0x0  }
0xe: {  	p1 =	sge.u32 @!p0 s10, s7  }
0xf: {  	p0 =	por p1, p0  }
0x10: {  	s13 =	simm.s32 @!p0 $0x2  }
0x11: {  	_ =	swait.ge @!p0 [sflag:s13], $0x10  }
0x12: {  	[sflag:s13] =	ssyncset.done @!p0 $0x0  }
0x13: {  	[sflag:s13] =	ssyncadd.s32 @!p0 $0xFFFFFFF0;
	s13 =	sand.u32 @!p0 $0x10, s9  }
0x14: {  	(ifvalue) =	ssetifvalue @!p0 $0x7FFFFFFF;
	v0 =	vld.msk @!p0 [tilespmem:s13+$0x0 ss:$0x1], $0xffff;
	_ =	sdelay $0x4  }
0x15: {  	vm0 =	vgt.s32 @!p0 v0, $0x0  }
0x16: {  	v0 =	vnsel @!p0 vm0, $0x0, v0  }
0x17: {  	v0 =	vmin.u32 @!p0 v0, $0x20FF;
	_ =	sdelay $0x3  }
0x18: {  	s14 =	simm.s32 @!p0 $0x0;
	s13 =	sor.u32 @!p0 $0x20, s13;
	(ifvalue) =	ssetifvalue @!p0 $0x7FFFFFFF;
	vm0 =	vmmov @!p0 $0xffff  }
0x19: {  	[tilespmem:s13], [sflag:$0x1] =	stream.indirect_vreg.gather @!p0 [hbm4b:s2+s14], $0x1, v0, vm0, $0x4038;
	[tilespmem:$0x40] =	vst v63  }
0x1a: {  	s14 =	simm.s32 @!p0 $0x1  }
0x1b: {  	_ =	swait.ge @!p0 [sflag:s14], $0x10  }
0x1c: {  	s15 =	sshrl.u32 @!p0 s12, $0x3;
	[sflag:s14] =	ssyncset.done @!p0 $0x0  }
0x1d: {  	s12 =	sand.u32 @!p0 $0x7, s12;
	[sflag:s14] =	ssyncadd.s32 @!p0 $0xFFFFFFF0;
	s14 =	sadd.s32 @!p0 s5, s15  }
0x1e: {  	[hbm4b:s14+s12] =	stream.linear.scatter @!p0 [tilespmem:s13], [sflag:$0x3], $0x10, $0x38;
	[tilespmem:$0x40] =	vst v63  }
0x1f: {  	s14 =	sadd.s32 $0x100, s11  }
0x20: {  	s9 =	sadd.s32 $0x10, s9;
	p1 =	sgt.s32 s14, $0x1387  }
0x21: {  	s14 =	smov.u32 @p1 s4;
	p1 =	sne.s32 s8, s9  }
.Ltmp0:
0x22: {  	p0 =	slt.u32 s10, $0x2;
	(pc) =	sbr.rel @p1 .LBB2_1-.Ltmp0, $4  }
0x23: {  	s13 =	simm.s32 @!p0 $0x3  }
0x24: {  	_ =	swait.ge @!p0 [sflag:s13], $0x10  }
0x25: {  	s12 =	smov.u32 s11;
	[sflag:s13] =	ssyncset.done @!p0 $0x0  }
0x26: {  	s10 =	sadd.s32 $0x1, s10;
	s11 =	smov.u32 s14;
	[sflag:s13] =	ssyncadd.s32 @!p0 $0xFFFFFFF0  }
0x27: {  	_ =	sfence.sel $0x180000  }
0x28: {  	s2 =	simm.s32 $0x2;
	[bflag:$0x0] =	sbarrier.arrive $0xFFFF  }
0x29: {  	s30 =	simm.s32 $0x3;
	[sflag:s2] =	ssyncpa.u1 $0x1  }
0x2a: {  	s31 =	simm.s32 $0x1;
	[sflag:s30] =	ssyncpa.u1 $0x1  }
0x2b: {  	[sflag:s31] =	ssyncpa.u1 $0x1  }
0x2c: {  	p0 =	sne.s32 s1, $0x0;
	_ =	strace $0x90000047  }
0x2d: {  	s0 =	sadd.s32 @!p0 $0x100000, s0;
	[bflag:$0x2] =	sbarrier.arrive $0xFFFF  }
0x2e: {  	[sflag:s0] =	ssyncadd.tile.s32 @!p0 $0x1;
	_ =	shalt  }
.Lfunc_end2:
_tile_overlayer_lowered:
.L_overlay_start_2:
0x2f: {  	(tag) =	ssettag $0x2  }
0x30: {  	s0 =	rddreg [dreg:$0x0];
	s2 =	stileid.u32  }
0x31: {  	s1 =	rddreg [dreg:$0x1];
	p0 =	sne.s32 s2, $0x0  }
0x32: {  	s3 =	rddreg [dreg:$0x2];
	[bflag:$0x3] =	sbarrier.arrive $0xFFFF;
	s2 =	simm.s32 @!p0 $0x1C01  }
0x33: {  	[timem:s3], [sflag:s2] =	dma.local @!p0 [hbm:s0], s1  }
0x34: {  	s0 =	simm.s32 @!p0 $0x1  }
0x35: {  	_ =	swait.ge @!p0 [sflag:s0], s1  }
0x36: {  	s1 =	ssub.s32 @!p0 $0x0, s1;
	[sflag:s0] =	ssyncset.done @!p0 $0x0  }
0x37: {  	[sflag:s0] =	ssyncadd.s32 @!p0 s1  }
0x38: {  	[bflag:$0x3] =	sbarrier.arrive $0xFFFF  }
0x39: {  	_ =	shalt  }

// kernel: gather_offload_async_start
scs
__scs_entry_jumppad:
0x0: {  	(pc) =	sbr.rel $0x88, $3  }
0x1: {  	(tag) =	ssettag $0x0;
	lr =	simm.s32 $0x1  }
0x2: {  	[smem:$0x3F9F] =	sst lr;
	_ =	strace $0xD0000000  }
0x3: {  	_ = 	snop  }
0x4: {  	_ = 	snop  }
0x5: {  	_ = 	snop  }
0x6: {  	_ = 	snop  }
0x7: {  	_ = 	snop  }
__scs_overlays_trampoline_lowered:
0x8: {  	[smem:$0x3FAE] =	sst s0  }
0x9: {  	[smem:$0x3FAF] =	sst s1  }
0xa: {  	[smem:$0x3FB0] =	sst s2  }
0xb: {  	[smem:$0x3FB1] =	sst s3  }
0xc: {  	[smem:$0x3FB2] =	sst s4  }
0xd: {  	[smem:$0x3FB3] =	sst s5  }
0xe: {  	[smem:$0x3FB4] =	sst s6  }
0xf: {  	[smem:$0x3FB5] =	sst s7  }
0x10: {  	[smem:$0x3FB6] =	sst s8  }
0x11: {  	[smem:$0x3FB7] =	sst s9;
	s0 =	simm.s32 @!p0 $0x0  }
0x12: {  	s1 =	sld [smem:$0x3F9D];
	s0 =	simm.s32 @p0 $0x1  }
0x13: {  	[smem:$0x3FB8] =	sst s0;
	s0 =	simm.s32 @!p1 $0x0  }
0x14: {  	s2 =	sld [smem:$0x3F9C];
	s0 =	simm.s32 @p1 $0x1  }
0x15: {  	[smem:$0x3FB9] =	sst s0;
	s0 =	simm.s32 @!p2 $0x0  }
0x16: {  	s3 =	sld [smem:$0x3FDB];
	s0 =	simm.s32 @p2 $0x1  }
0x17: {  	s4 =	simm.s32 $0x1BF5;
	[smem:$0x3FBB] =	sst s0  }
0x18: {  	s0 =	sld [smem:$0x3F9E];
	_ =	swait.ge [sflag:s4], $0x0  }
0x19: {  	s7 =	sld [smem:$0x3F9F]  }
0x1a: {  	s8 =	sadd.s32 $0xFFFFE003, lr  }
0x1b: {  	s9 =	sadd.s32 $0xFFFFFEF7, lr;
	s5 =	simm.s32 $0xFFFFFFFF;
	p2 =	slt.u32 s8, $0xFFFFF086  }
0x1c: {  	p1 =	slt.u32 s9, $0xF7A;
	s5 =	simm.s32 @!p2 $0x0  }
0x1d: {  	s5 =	simm.s32 @p1 $0x1;
	p0 =	seq.s32 s7, s2  }
0x1e: {  	s7 =	smul.u32 @!p0 $0xF7A, s2;
	p2 =	seq.s32 @!p0 s5, $0x0  }
0x1f: {  	s9 =	smul.u32 $0xF7A, s1;
	s8 =	simm.s32 @!p0 $0x1BF5;
	p2 =	por !p2, p0  }
0x20: {  	[sflag:s8] =	ssyncset.s32 @!p0 $0xFFFFF086;
	s6 =	sadd.s32 @!p0 s3, s7;
	s7 =	simm.s32 @!p0 $0x108  }
0x21: {  	s3 =	sadd.s32 s3, s9;
	s6 =	sadd.s32 @!p0 $0x88, s6;
	s7 =	simm.s32 @p2 $0x1082  }
0x22: {  	[simem:s7], [sflag:s8] =	dma.local @!p0 [hbm:s6], $0xF7A  }
0x23: {  	s9 =	sor.u32 $0xD0000000, s2;
	s6 =	simm.s32 $0x108;
	_ =	swait.ge @!p0 [sflag:s8], $0x0  }
0x24: {  	s3 =	sadd.s32 $0x88, s3;
	s6 =	simm.s32 @!p1 $0x1082;
	[sflag:s4] =	ssyncset.s32 $0xFFFFF086  }
0x25: {  	[simem:s6], [sflag:s4] =	dma.local [hbm:s3], $0xF7A  }
0x26: {  	[smem:$0x3F9F] =	sst s1;
	(tag) =	ssettag s2;
	_ =	strace s9  }
0x27: {  	s1 =	sld [smem:$0x3FAF]  }
0x28: {  	s2 =	sld [smem:$0x3FB0]  }
0x29: {  	s4 =	sld [smem:$0x3FB2]  }
0x2a: {  	p0 =	seq.s32 s5, $0x0;
	s5 =	sld [smem:$0x3FB3]  }
0x2b: {  	s6 =	sld [smem:$0x3FB4]  }
0x2c: {  	s7 =	sld [smem:$0x3FB5]  }
0x2d: {  	s3 =	simm.s32 $0x108;
	s8 =	sld [smem:$0x3FB6]  }
0x2e: {  	s3 =	simm.s32 @!p0 $0x1082;
	s9 =	sld [smem:$0x3FB7]  }
0x2f: {  	lr =	sadd.s32 s0, s3;
	s0 =	sld [smem:$0x3FAE]  }
0x30: {  	s3 =	sld [smem:$0x3FB1]  }
0x31: {  	[smem:$0x3FBA] =	sst s10  }
0x32: {  	s10 =	sld [smem:$0x3FB8];
	_ =	sdelay $0x3  }
0x33: {  	p0 =	seq.s32 s10, $0x1;
	s10 =	sld [smem:$0x3FBA];
	_ =	sdelay $0x3  }
0x34: {  	[smem:$0x3FBA] =	sst s10  }
0x35: {  	s10 =	sld [smem:$0x3FB9];
	_ =	sdelay $0x3  }
0x36: {  	p1 =	seq.s32 s10, $0x1;
	s10 =	sld [smem:$0x3FBA];
	_ =	sdelay $0x3  }
0x37: {  	[smem:$0x3FBA] =	sst s10  }
0x38: {  	s10 =	sld [smem:$0x3FBB]  }
0x39: {  	_ = 	snop;
	(pc) =	sbr.ind lr, $3  }
0x3a: {  	_ = 	snop  }
0x3b: {  	_ = 	snop  }
0x3c: {  	p2 =	seq.s32 s10, $0x1;
	s10 =	sld [smem:$0x3FBA]  }
0x3d: {  	_ =	shalt  }
0x3e: {  	_ =	shalt  }
0x3f: {  	_ =	shalt  }
0x40: {  	_ =	shalt  }
0x41: {  	_ =	shalt  }
0x42: {  	_ =	shalt  }
0x43: {  	_ =	shalt  }
0x44: {  	_ =	shalt  }
0x45: {  	_ =	shalt  }
0x46: {  	_ =	shalt  }
0x47: {  	_ =	shalt  }
0x48: {  	_ =	shalt  }
0x49: {  	_ =	shalt  }
0x4a: {  	_ =	shalt  }
0x4b: {  	_ =	shalt  }
0x4c: {  	_ =	shalt  }
0x4d: {  	_ =	shalt  }
0x4e: {  	_ =	shalt  }
0x4f: {  	_ =	shalt  }
0x50: {  	_ =	shalt  }
0x51: {  	_ =	shalt  }
0x52: {  	_ =	shalt  }
0x53: {  	_ =	shalt  }
0x54: {  	_ =	shalt  }
0x55: {  	_ =	shalt  }
0x56: {  	_ =	shalt  }
0x57: {  	_ =	shalt  }
0x58: {  	_ =	shalt  }
0x59: {  	_ =	shalt  }
0x5a: {  	_ =	shalt  }
0x5b: {  	_ =	shalt  }
0x5c: {  	_ =	shalt  }
0x5d: {  	_ =	shalt  }
0x5e: {  	_ =	shalt  }
0x5f: {  	_ =	shalt  }
0x60: {  	_ =	shalt  }
0x61: {  	_ =	shalt  }
0x62: {  	_ =	shalt  }
0x63: {  	_ =	shalt  }
0x64: {  	_ =	shalt  }
0x65: {  	_ =	shalt  }
0x66: {  	_ =	shalt  }
0x67: {  	_ =	shalt  }
0x68: {  	_ =	shalt  }
0x69: {  	_ =	shalt  }
0x6a: {  	_ =	shalt  }
0x6b: {  	_ =	shalt  }
0x6c: {  	_ =	shalt  }
0x6d: {  	_ =	shalt  }
0x6e: {  	_ =	shalt  }
0x6f: {  	_ =	shalt  }
0x70: {  	_ =	shalt  }
0x71: {  	_ =	shalt  }
0x72: {  	_ =	shalt  }
0x73: {  	_ =	shalt  }
0x74: {  	_ =	shalt  }
0x75: {  	_ =	shalt  }
0x76: {  	_ =	shalt  }
0x77: {  	_ =	shalt  }
0x78: {  	_ =	shalt  }
0x79: {  	_ =	shalt  }
0x7a: {  	_ =	shalt  }
0x7b: {  	_ =	shalt  }
0x7c: {  	_ =	shalt  }
0x7d: {  	_ =	shalt  }
0x7e: {  	_ =	shalt  }
0x7f: {  	_ =	shalt  }
0x80: {  	_ =	shalt  }
0x81: {  	_ =	shalt  }
0x82: {  	_ =	shalt  }
0x83: {  	_ =	shalt  }
0x84: {  	_ =	shalt  }
0x85: {  	_ =	shalt  }
0x86: {  	_ =	shalt  }
0x87: {  	_ =	shalt  }
.Lfunc_end0:
.L_simem_size_0:
called_computation_lowered:
.L_overlay_start_0:
0x88: {  	s0 =	sld [smem:$0x3FD9]  }
0x89: {  	s1 =	sld [smem:$0x3FFE];
	_ =	sdelay $0x3  }
0x8a: {  	s0 =	sadd.s32 s1, s0  }
0x8b: {  	[smem:$0x3FC6] =	sst s0  }
0x8c: {  	_ = 	snop  }
0x8d: {  	s0 =	sld [smem:$0x3FD0];
	_ =	sdelay $0x2  }
0x8e: {  	s13 =	simm.s32 $0xB;
	s2 =	simm.s32 $0x10  }
0x8f: {  	[smem:s2], [sflag:s13] =	dma.local [hbm:s0], $0x1  }
0x90: {  	_ =	swait.eq [sflag:s13], $0x1  }
0x91: {  	[sflag:s13] =	ssyncset.done $0x0  }
0x92: {  	[sflag:s13] =	ssyncadd.s32 $0xFFFFFFFF  }
0x93: {  	s14 =	sld [smem:$0x13];
	(tm) =	ssettm $0x1  }
0x94: {  	s15 =	sld [smem:$0x3FFB];
	_ =	sdelay $0x3  }
0x95: {  	_ =	strace s15  }
0x96: {  	s1 =	sld [smem:$0x3FFC];
	_ =	sdelay $0x3  }
0x97: {  	_ =	strace s1  }
0x98: {  	s1 =	sld [smem:$0x3FFD];
	_ =	sdelay $0x3  }
0x99: {  	_ =	strace s1  }
0x9a: {  	_ =	strace $0x8FFFFFFF  }
0x9b: {  	s16 =	sld [smem:$0x3FDB];
	_ =	sdelay $0x1  }
0x9c: {  	s17 =	simm.s32 $_scs_section_size  }
0x9d: {  	s3 =	simm.s32 $_size__tile_overlayer_lowered;
	s4 =	simm.s32 $_tile_overlayer_lowered  }
0x9e: {  	s20 =	simm.s32 $0x1BFF;
	s19 =	sshll.u32 s4, $0x1;
	s1 =	sadd.s32 s17, s16  }
0x9f: {  	s5 =	simm.s32 $0x0;
	s18 =	sshll.u32 s3, $0x1;
	s3 =	sadd.s32 s19, s1  }
0xa0: {  	[timem:s5], [sflag:s20] =	dma.local [hbm:s3], s18  }
0xa1: {  	_ =	swait.ge [sflag:s20], s18  }
0xa2: {  	s2 =	ssub.s32 $0x0, s18;
	[sflag:s20] =	ssyncset.done $0x0  }
0xa3: {  	[sflag:s20] =	ssyncadd.s32 s2;
	_ =	sdelay $0x1  }
0xa4: {  	s21 =	simm.s32 $0x1B8B  }
0xa5: {  	_ =	swait.ge [sflag:s21], $0x1  }
0xa6: {  	[sflag:s21] =	ssyncset.done $0x0  }
0xa7: {  	s23 =	simm.s32 $0x1B8E;
	s22 =	sld [smem:$0x3FFE];
	[sflag:s21] =	ssyncadd.s32 $0xFFFFFFFF  }
0xa8: {  	s24 =	simm.s32 $execute0_lowered;
	[smem:$0x3FD2] =	sst s23  }
0xa9: {  	s3 =	sshll.u32 s24, $0x1;
	_ =	strace $0x80000049;
	[dreg:$0x1] =	wrdreg $0xFFFFFFFF  }
0xaa: {  	s25 =	simm.s32 $_size_execute0_lowered;
	s1 =	sadd.s32 s1, s3;
	[dreg:$0x0] =	wrdreg $0x0  }
0xab: {  	s3 =	sshll.u32 s25, $0x1;
	[dreg:$0x2] =	wrdreg s1  }
0xac: {  	[dreg:$0x3] =	wrdreg s3  }
0xad: {  	[dreg:$0x4] =	wrdreg $0xC0  }
0xae: {  	_ =	task [dreg:s5], $0x5FFFF  }
0xaf: {  	[dreg:$0x1] =	wrdreg $0xFFFFFFFF  }
0xb0: {  	[dreg:$0x0] =	wrdreg $0x60  }
0xb1: {  	[dreg:$0x2] =	wrdreg s14  }
0xb2: {  	[dreg:$0x3] =	wrdreg s22  }
0xb3: {  	[dreg:$0x4] =	wrdreg $0x9  }
0xb4: {  	_ =	task.clear_ibuf [dreg:s5], $0x5FFFF;
	_ =	strace $0x90000049  }
0xb5: {  	s26 =	simm.s32 $0x9;
	_ =	strace $0x8000004B  }
0xb6: {  	_ =	swait.ge [sflag:s26], $0x1  }
0xb7: {  	[sflag:s26] =	ssyncadd.s32 $0xFFFFFFFF  }
0xb8: {  	_ =	strace $0x9000004B  }
0xb9: {  	_ =	sfence  }
0xba: {  	s28 =	sld [smem:$0x0];
	_ =	sdelay $0x1  }
0xbb: {  	s29 =	srdreg.scid  }
0xbc: {  	s30 =	sshll.u32 s29, $0xD;
	s31 =	sshrl.u32 s29, $0x2  }
0xbd: {  	s2 =	sand.u32 $0x4000, s30;
	s1 =	sand.u32 $0x1, s29;
	s0 =	sadd.s32 s31, s28  }
0xbe: {  	s1 =	sor.u32 s2, s1;
	s0 =	sshll.u32 s0, $0x11  }
0xbf: {  	s0 =	sor.u32 s0, s1  }
0xc0: {  	s0 =	sadd.s32 $0x8F2B, s0  }
0xc1: {  	[sflag:s0] =	ssyncadd.remote.s32 $0x1  }
0xc2: {  	_ =	sfence.sel $0xFFFF  }
0xc3: {  	[dreg:$0x0] =	wrdreg $0xFFFFFFFF;
	(pc) =	sbr.abs _section_cstart, $3  }
0xc4: {  	[dreg:$0x1] =	wrdreg $0xFFFFFFFF  }
0xc5: {  	_ =	task.clear_ibuf [dreg:s5], $0x2FFFF;
	_ =	strace $0x9FFFFFFF  }
0xc6: {  	(tm) =	ssettm $0x7FFFFFFF  }
0xc7: {  	_ =	shalt  }
tec
execute0_lowered:
.L_overlay_start_1:
0x0: {  	(tag) =	ssettag $0x1  }
0x1: {  	s0 =	stileid.u32  }
0x2: {  	s1 =	smin.u32 s0, $0x9  }
0x3: {  	s1 =	sadd.s32 s0, s1  }
0x4: {  	s2 =	simm.s32 $0x190;
	p0 =	slt.u32 s0, $0x9;
	s1 =	smul.u32 $0xC8, s1  }
0x5: {  	s2 =	simm.s32 @!p0 $0xC8  }
0x6: {  	s2 =	sadd.s32 s2, s1  }
0x7: {  	s3 =	smin.u32 s2, $0x1388  }
0x8: {  	s7 =	ssub.s32 s3, s1  }
0x9: {  	p0 =	sgt.s32 s7, $0x0  }
0xa: {  	s7 =	simm.s32 @!p0 $0x0  }
0xb: {  	s31 =	sand.u32 $0xFFF8, s7  }
0xc: {  	s2 =	sshrl.u32 s31, $0x3  }
0xd: {  	s4 =	rddreg [dreg:$0x0];
	s2 =	smul.u32 $0x147B, s2  }
0xe: {  	s9 =	rddreg [dreg:$0x1];
	s6 =	simm.s32 $0x1  }
0xf: {  	s11 =	simm.s32 $0x3;
	s13 =	simm.s32 $0x0;
	s8 =	sshrl.u32 s2, $0x11  }
0x10: {  	s12 =	simm.s32 $0x0;
	s5 =	sadd.s32 $0x1400, s9;
	s10 =	smul.u32 $0xC8, s8  }
.Ltmp0:
0x11: {  	s9 =	sadd.s32 $0x1C00, s9;
	s2 =	rddreg [dreg:$0x2];
	(pc) =	sbr.rel .LBB2_1-.Ltmp0, $4  }
0x12: {  	_ =	strace $0x8000004A;
	p0 =	sne.s32 s7, s10;
	s10 =	simm.s32 $0x1  }
0x13: {  	[sflag:s6] =	ssyncpa.u1 $0x0;
	s7 =	simm.s32 $0x2;
	s10 =	simm.s32 @!p0 $0x0  }
0x14: {  	[sflag:s7] =	ssyncpa.u1 $0x0;
	p0 =	por $0x0, $0x0;
	s8 =	sadd.s32 s8, s10  }
0x15: {  	vm0 =	vmmov $0xff;
	vm1 =	vcmask $0x3F20;
	[sflag:s11] =	ssyncpa.u1 $0x0;
	s11 =	smov.u32 s1;
	s10 =	sadd.s32 $0x1, s8  }
.LBB2_6:
0x16: {  	[hbm:s17] =	stream.linear.scatter [tilespmem:s14], [sflag:$0x3], $0x400, $0x38;
	[tilespmem:$0xC990] =	vst v63  }
.LBB2_7:
0x17: {  	s13 =	sadd.s32 $0xC8, s11  }
0x18: {  	s15 =	smov.u32 s1;
	p2 =	slt.s32 s13, s3  }
0x19: {  	s15 =	smov.u32 @p2 s13;
	p2 =	sne.s32 s12, s10  }
.Ltmp1:
0x1a: {  	p1 =	slt.u32 s12, $0x2;
	(pc) =	sbr.rel @!p2 .LBB2_8-.Ltmp1, $4  }
0x1b: {  	s14 =	simm.s32 @!p1 $0x3  }
0x1c: {  	s16 =	sadd.s32 $0x1, s12;
	_ =	swait.ge @!p1 [sflag:s14], $0x6400  }
0x1d: {  	p0 =	por !p0, !p0;
	s13 =	smov.u32 s11;
	[sflag:s14] =	ssyncset.done @!p1 $0x0  }
0x1e: {  	s12 =	smov.u32 s16;
	s11 =	smov.u32 s15;
	[sflag:s14] =	ssyncadd.s32 @!p1 $0xFFFF9C00  }
.LBB2_1:
0x1f: {  	p1 =	sge.u32 s12, s8  }
0x20: {  	s14 =	sxor.u32 @!p1 $0xFFFFFFFF, s12  }
0x21: {  	s14 =	sand.u32 @!p1 $0x1, s14  }
0x22: {  	s14 =	smul.u32 @!p1 $0x320, s14  }
0x23: {  	s31 =	sadd.s32 $0xFFFFFFFF, s12;
	s15 =	sshrl.u32 @!p1 s11, $0x3  }
0x24: {  	s16 =	sand.u32 @!p1 $0x7, s11;
	s15 =	sadd.s32 @!p1 s5, s15;
	s14 =	sshrl.u32 @!p1 s14, $0x2  }
0x25: {  	[tilespmem:s14], [sflag:$0x2] =	stream.linear.gather @!p1 [hbm4b:s15+s16], $0xC8, $0x38;
	[tilespmem:$0xC990] =	vst v63  }
0x26: {  	p1 =	sge.u32 s31, s8  }
.Ltmp2:
0x27: {  	_ = 	snop;
	(pc) =	sbr.rel @p1 .LBB2_7-.Ltmp2, $1  }
0x28: {  	_ =	sdelay $0x3  }
0x29: {  	s14 =	simm.s32 $0x1  }
0x2a: {  	s14 =	simm.s32 @!p0 $0x0  }
0x2b: {  	s15 =	smul.u32 $0x320, s14  }
0x2c: {  	_ =	swait.ge [sflag:s7], $0xC8  }
0x2d: {  	[sflag:s7] =	ssyncset.done $0x0;
	s16 =	sshrl.u32 s15, $0x2  }
0x2e: {  	[sflag:s7] =	ssyncadd.s32 $0xFFFFFF38;
	s15 =	sadd.s32 $0x0, s16  }
0x2f: {  	v0 =	vld.msk [tilespmem:s15+$0x0 ss:$0x1], $0xffff;
	_ =	sdelay $0x4  }
0x30: {  	vm2 =	vgt.s32 v0, $0x0  }
0x31: {  	v0 =	vnsel vm2, $0x0, v0  }
0x32: {  	v0 =	vmin.u32 v0, $0x20FF  }
0x33: {  	v0 =	vshll.u32 v0, $0x4  }
0x34: {  	s14 =	smul.u32 $0x19000, s14  }
0x35: {  	s31 =	sand.u32 $0x1, s12  }
0x36: {  	s17 =	smul.u32 $0x320, s31;
	s14 =	sshrl.u32 s14, $0x2  }
0x37: {  	s19 =	smul.u32 $0x19000, s31;
	s14 =	sor.u32 $0x190, s14  }
0x38: {  	[tilespmem:s14], [sflag:$0x1] =	stream.indirect_vreg.gather [hbm:s4], $0x80, v0, vm0, $0x38;
	[tilespmem:$0xC990] =	vst v63  }
0x39: {  	s18 =	sshrl.u32 s17, $0x2;
	s20 =	sadd.s32 $0x10, s16;
	s15 =	sadd.s32 $0x400, s14  }
0x3a: {  	[tilespmem:s15], [sflag:$0x1] =	stream.indirect_vreg.gather [hbm:s4], $0x80, v0, vm1, $0x38;
	[tilespmem:$0xC990] =	vst v63  }
0x3b: {  	s17 =	sshrl.u32 s19, $0x2;
	s19 =	smov.u32 s14;
	v0 =	vld.msk [tilespmem:s20+$0x0 ss:$0x1], $0xffff;
	s20 =	simm.s32 $0x80  }
.LBB2_3:
0x3c: {  	p1 =	sne.s32 s20, $0x2C0;
	_ =	sdelay $0x4  }
0x3d: {  	vm2 =	vgt.s32 v0, $0x0  }
0x3e: {  	v0 =	vnsel vm2, $0x0, v0  }
0x3f: {  	v0 =	vmin.u32 v0, $0x20FF  }
0x40: {  	v0 =	vshll.u32 v0, $0x4;
	_ =	sdelay $0x3  }
.Ltmp3:
0x41: {  	s21 =	sshra.s32 s20, $0x2;
	s19 =	sadd.s32 $0x800, s19;
	(pc) =	sbr.rel @p1 .LBB2_3-.Ltmp3, $4  }
0x42: {  	[tilespmem:s19], [sflag:$0x1] =	stream.indirect_vreg.gather [hbm:s4], $0x80, v0, vm0, $0x38;
	[tilespmem:$0xC990] =	vst v63  }
0x43: {  	s21 =	sadd.s32 s21, s16;
	s22 =	sadd.s32 $0x400, s19  }
0x44: {  	[tilespmem:s22], [sflag:$0x1] =	stream.indirect_vreg.gather [hbm:s4], $0x80, v0, vm1, $0x38;
	[tilespmem:$0xC990] =	vst v63  }
0x45: {  	s20 =	sadd.s32 $0x40, s20;
	v0 =	vld.msk [tilespmem:s21+$0x0 ss:$0x1], $0xffff  }
0x46: {  	_ =	sdelay $0x3  }
0x47: {  	vm2 =	vgt.s32 v0, $0x0  }
0x48: {  	v0 =	vnsel vm2, $0x0, v0  }
0x49: {  	v0 =	vmin.u32 v0, $0x20FF  }
0x4a: {  	v0 =	vshll.u32 v0, $0x4;
	_ =	sdelay $0x3  }
0x4b: {  	s16 =	sadd.s32 $0x800, s19  }
0x4c: {  	[tilespmem:s16], [sflag:$0x1] =	stream.indirect_vreg.gather [hbm:s4], $0x80, v0, vm0, $0x38;
	[tilespmem:$0xC990] =	vst v63  }
0x4d: {  	s16 =	sadd.s32 $0x400, s16  }
0x4e: {  	[tilespmem:s16], [sflag:$0x1] =	stream.indirect_vreg.gather [hbm:s4], $0x80, v0, vm1, $0x38;
	[tilespmem:$0xC990] =	vst v63  }
0x4f: {  	v0 =	vld.msk [tilespmem:s18+$0xC0 ss:$0x1], $0xff;
	_ =	sdelay $0x4  }
0x50: {  	vm2 =	vgt.s32 v0, $0x0  }
0x51: {  	v0 =	vnsel vm2, $0x0, v0  }
0x52: {  	v0 =	vmin.u32 v0, $0x20FF  }
0x53: {  	v0 =	vshll.u32 v0, $0x4;
	_ =	sdelay $0x3  }
0x54: {  	s31 =	sadd.s32 $0x6190, s17  }
0x55: {  	[tilespmem:s31], [sflag:$0x1] =	stream.indirect_vreg.gather [hbm:s4], $0x80, v0, vm0, $0x38;
	[tilespmem:$0xC990] =	vst v63  }
0x56: {  	s13 =	sshll.u32 s13, $0x4;
	_ =	swait.ge [sflag:s6], $0x6400  }
0x57: {  	s13 =	sadd.s32 s13, s9;
	[sflag:s6] =	ssyncset.done $0x0  }
0x58: {  	s17 =	sadd.s32 $0x0, s13;
	s16 =	simm.s32 $0x80;
	[sflag:s6] =	ssyncadd.s32 $0xFFFF9C00  }
.LBB2_5:
0x59: {  	[hbm:s17] =	stream.linear.scatter [tilespmem:s14], [sflag:$0x3], $0x400, $0x38;
	[tilespmem:$0xC990] =	vst v63  }
0x5a: {  	s17 =	smov.u32 s16;
	s14 =	smov.u32 s15;
	p1 =	sne.s32 s16, $0xC00  }
.Ltmp4:
0x5b: {  	s16 =	sadd.s32 $0x80, s16;
	(pc) =	sbr.rel @p1 .LBB2_5-.Ltmp4, $2  }
0x5c: {  	_ =	sdelay $0x2  }
0x5d: {  	s15 =	sadd.s32 $0x400, s15;
	s17 =	sadd.s32 s17, s13  }
.Ltmp5:
0x5e: {  	_ = 	snop;
	(pc) =	sbr.rel .LBB2_6-.Ltmp5, $1  }
0x5f: {  	_ =	sdelay $0x3  }
.LBB2_8:
0x60: {  	_ =	sfence.sel $0x180000  }
0x61: {  	s1 =	simm.s32 $0x2;
	[bflag:$0x0] =	sbarrier.arrive $0xFFFF  }
0x62: {  	s30 =	simm.s32 $0x3;
	[sflag:s1] =	ssyncpa.u1 $0x1  }
0x63: {  	s31 =	simm.s32 $0x1;
	[sflag:s30] =	ssyncpa.u1 $0x1  }
0x64: {  	[sflag:s31] =	ssyncpa.u1 $0x1  }
0x65: {  	p0 =	sne.s32 s0, $0x0;
	_ =	strace $0x9000004A  }
0x66: {  	s0 =	sadd.s32 @!p0 $0x100000, s2;
	[bflag:$0x2] =	sbarrier.arrive $0xFFFF  }
0x67: {  	[sflag:s0] =	ssyncadd.tile.s32 @!p0 $0x1;
	_ =	shalt  }
.Lfunc_end2:
_tile_overlayer_lowered:
.L_overlay_start_2:
0x68: {  	(tag) =	ssettag $0x2  }
0x69: {  	s0 =	rddreg [dreg:$0x0];
	s2 =	stileid.u32  }
0x6a: {  	s1 =	rddreg [dreg:$0x1];
	p0 =	sne.s32 s2, $0x0  }
0x6b: {  	s3 =	rddreg [dreg:$0x2];
	[bflag:$0x3] =	sbarrier.arrive $0xFFFF;
	s2 =	simm.s32 @!p0 $0x1C01  }
0x6c: {  	[timem:s3], [sflag:s2] =	dma.local @!p0 [hbm:s0], s1  }
0x6d: {  	s0 =	simm.s32 @!p0 $0x1  }
0x6e: {  	_ =	swait.ge @!p0 [sflag:s0], s1  }
0x6f: {  	s1 =	ssub.s32 @!p0 $0x0, s1;
	[sflag:s0] =	ssyncset.done @!p0 $0x0  }
0x70: {  	[sflag:s0] =	ssyncadd.s32 @!p0 s1  }
0x71: {  	[bflag:$0x3] =	sbarrier.arrive $0xFFFF  }
0x72: {  	_ =	shalt  }

</sc_bundles>
